<compile_context>
chip_gen: v7x
topology: tpu7x:2x2x1
jax: 0.10.2.dev20260603
libtpu: 0.0.44.dev20260713+nightly
codegen_flags: <defaults>
</compile_context>

<pallas_src>
import functools

import jax
import jax.numpy as jnp
from jax import lax
from jax.experimental import pallas as pl
from jax.experimental.pallas import tpu as pltpu
from jax.experimental.pallas import tpu_sc as plsc

G = 64
NCORE = 2
NSUB = 16
NW = NCORE * NSUB
WIN = 125


def _sc_mesh():
    return plsc.VectorSubcoreMesh(core_axis_name="c", subcore_axis_name="s",
                                  num_cores=NCORE, num_subcores=NSUB)


RPT = 640


def _tile_start(sid, N):
    return jnp.minimum(sid * RPT, N - RPT)


def _make_deg_kernel(N, E, DW):
    ew = E // NW
    nwin = ew // WIN

    @functools.partial(
        pl.kernel,
        mesh=_sc_mesh(),
        out_type=jax.ShapeDtypeStruct((NCORE * N, DW), jnp.float32),
        scratch_types=[
            pltpu.VMEM((nwin, WIN), jnp.int32),
            pltpu.VMEM((WIN, DW), jnp.float32),
            pltpu.VMEM((WIN, DW), jnp.float32),
            pltpu.VMEM_SHARED((N, DW), jnp.float32),
        ],
    )
    def deg_kernel(dst_hbm, out_hbm, idx_v, ones_v, zeros_v, deg_s):
        cid = lax.axis_index("c")
        sid = lax.axis_index("s")
        wid = cid * NSUB + sid
        nv = DW // 16
        start = _tile_start(sid, N)

        def fill(i, _):
            ones_v[i // nv, pl.ds((i % nv) * 16, 16)] = jnp.ones(
                (16,), jnp.float32)
            zeros_v[i // nv, pl.ds((i % nv) * 16, 16)] = jnp.zeros(
                (16,), jnp.float32)
            return 0

        lax.fori_loop(0, WIN * nv, fill, 0)

        def zero(k, _):
            pltpu.sync_copy(zeros_v, deg_s.at[pl.ds(start + k * WIN, WIN)])
            return 0

        lax.fori_loop(0, RPT // WIN, zero, 0)
        if RPT % WIN:
            r = RPT % WIN
            pltpu.sync_copy(zeros_v.at[pl.ds(0, r)],
                            deg_s.at[pl.ds(start + (RPT // WIN) * WIN, r)])
        plsc.subcore_barrier()

        pltpu.sync_copy(dst_hbm.at[wid], idx_v)

        def body(w, _):
            pltpu.sync_copy(ones_v, deg_s.at[idx_v.at[w]], add=True)
            return 0

        lax.fori_loop(0, nwin, body, 0)
        plsc.subcore_barrier()
        pltpu.sync_copy(deg_s.at[pl.ds(start, RPT)],
                        out_hbm.at[pl.ds(cid * N + start, RPT)])

    return deg_kernel


AWIN = 50
ACH = 40
NB = 4


def _make_agg_kernel(N, H, E):
    ew = E // NW
    nwin = ew // AWIN
    nch = nwin // ACH

    @functools.partial(
        pl.kernel,
        mesh=_sc_mesh(),
        out_type=jax.ShapeDtypeStruct((NCORE * N, H), jnp.float32),
        scratch_types=[
            pltpu.VMEM((ACH, AWIN), jnp.int32),
            pltpu.VMEM((ACH, AWIN), jnp.int32),
            pltpu.VMEM((ACH, AWIN), jnp.int32),
            pltpu.VMEM((ACH, AWIN), jnp.int32),
            [pltpu.VMEM((AWIN, H), jnp.float32)] * NB,
            pltpu.VMEM_SHARED((N, H), jnp.float32),
            pltpu.SemaphoreType.DMA,
            pltpu.SemaphoreType.DMA,
            [pltpu.SemaphoreType.DMA] * NB,
        ],
    )
    def agg_kernel(y_hbm, src_hbm, dst_hbm, out_hbm, sbuf0, dbuf0, sbuf1,
                   dbuf1, rows, agg_s, isem0, isem1, gsems):
        cid = lax.axis_index("c")
        sid = lax.axis_index("s")
        wid = cid * NSUB + sid
        ibufs = ((sbuf0, dbuf0, isem0), (sbuf1, dbuf1, isem1))
        start = _tile_start(sid, N)

        def zf(i, _):
            rows[0][i // (H // 16), pl.ds((i % (H // 16)) * 16, 16)] = (
                jnp.zeros((16,), jnp.float32))
            return 0

        lax.fori_loop(0, AWIN * (H // 16), zf, 0)

        nz = RPT // AWIN

        @pl.when(cid == 0)
        def _():
            pltpu.sync_copy(y_hbm.at[pl.ds(start, RPT)],
                            agg_s.at[pl.ds(start, RPT)])

        @pl.when(cid != 0)
        def _():
            def zero(k, _):
                pltpu.sync_copy(rows[0],
                                agg_s.at[pl.ds(start + k * AWIN, AWIN)])
                return 0

            lax.fori_loop(0, nz, zero, 0)
            if RPT % AWIN:
                r = RPT % AWIN
                pltpu.sync_copy(rows[0].at[pl.ds(0, r)],
                                agg_s.at[pl.ds(start + nz * AWIN, r)])
        plsc.subcore_barrier()

        pltpu.async_copy(src_hbm.at[wid * nch], sbuf0, isem0)
        pltpu.async_copy(dst_hbm.at[wid * nch], dbuf0, isem0)

        for c in range(nch):
            sb, db, isem = ibufs[c % 2]
            pltpu.make_async_copy(src_hbm.at[wid * nch + c], sb, isem).wait()
            pltpu.make_async_copy(dst_hbm.at[wid * nch + c], db, isem).wait()
            if c + 1 < nch:
                nsb, ndb, nisem = ibufs[(c + 1) % 2]
                pltpu.async_copy(src_hbm.at[wid * nch + c + 1], nsb, nisem)
                pltpu.async_copy(dst_hbm.at[wid * nch + c + 1], ndb, nisem)

            for b in range(NB - 1):
                pltpu.async_copy(y_hbm.at[sb.at[b]], rows[b], gsems[b])

            def body(wg, _, sb=sb, db=db):
                for b in range(NB):
                    w = wg * NB + b
                    rb, gs = rows[b], gsems[b]
                    pltpu.make_async_copy(y_hbm.at[sb.at[w]], rb, gs).wait()

                    nb_ = (b + NB - 1) % NB

                    @pl.when(w + NB - 1 < ACH)
                    def _():
                        pltpu.async_copy(y_hbm.at[sb.at[w + NB - 1]],
                                         rows[nb_], gsems[nb_])

                    pltpu.sync_copy(rb, agg_s.at[db.at[w]], add=True)
                return 0

            lax.fori_loop(0, ACH // NB, body, 0)
        plsc.subcore_barrier()
        pltpu.sync_copy(agg_s.at[pl.ds(start, RPT)],
                        out_hbm.at[pl.ds(cid * N + start, RPT)])

    return agg_kernel


DW = 128


def _dinv_from(dp0, dp1):
    deg = (jnp.sum(dp0, axis=1) + jnp.sum(dp1, axis=1)) * (1.0 / DW) + 1.0
    return lax.rsqrt(deg)[:, None]


def _k1a_body(x_ref, w1_ref, xw_ref):
    xw_ref[...] = jnp.dot(x_ref[...], w1_ref[...],
                          preferred_element_type=jnp.float32)


def _k1b_body(xw_ref, dp0_ref, dp1_ref, y1_ref, dv_ref):
    dv = _dinv_from(dp0_ref[...], dp1_ref[...])
    dv_ref[0, 0] = dv[:, 0]
    y1_ref[...] = xw_ref[...] * dv


def _k2_body(a0_ref, a1_ref, dv_ref, w2_ref, b1_ref, y2_ref):
    dinv = dv_ref[0, 0][:, None]
    h1 = jax.nn.relu(dinv * (a0_ref[...] + a1_ref[...]) + b1_ref[...])
    y2_ref[...] = jnp.dot(h1, w2_ref[...],
                          preferred_element_type=jnp.float32) * dinv


def _k3_body(a0_ref, a1_ref, dv_ref, b2_ref, batch_ref,
             wfc_ref, bfc_ref, out_ref, sacc, cacc, *, nsteps, bs):
    i = pl.program_id(0)
    dinv = dv_ref[0, 0][:, None]
    h2 = dinv * (a0_ref[...] + a1_ref[...]) + b2_ref[...]
    seg = (lax.broadcasted_iota(jnp.int32, (G, bs), 0)
           == batch_ref[0, 0][None, :]).astype(jnp.float32)
    part = jnp.dot(seg, h2, preferred_element_type=jnp.float32)
    cnt = jnp.sum(seg, axis=1, keepdims=True) * jnp.ones((1, h2.shape[1]),
                                                         jnp.float32)

    @pl.when(i == 0)
    def _():
        sacc[...] = part
        cacc[...] = cnt

    @pl.when(i > 0)
    def _():
        sacc[...] += part
        cacc[...] += cnt

    @pl.when(i == nsteps - 1)
    def _():
        pooled = sacc[...] / jnp.maximum(cacc[...], 1.0)
        logits = jnp.dot(pooled, wfc_ref[...],
                         preferred_element_type=jnp.float32) + bfc_ref[...]
        m = jnp.max(logits, axis=1, keepdims=True)
        ls = logits - m
        out_ref[...] = ls - jnp.log(jnp.sum(jnp.exp(ls), axis=1,
                                            keepdims=True))


def kernel(x, edge_index, batch, W1, b1, W2, b2, Wfc, bfc):
    N, D = x.shape
    H = W1.shape[1]
    C = Wfc.shape[1]
    E = edge_index.shape[1]

    nwin = E // NW // AWIN
    src = edge_index[0].reshape(NW * nwin // ACH, ACH, AWIN)
    dst = edge_index[1].reshape(NW * nwin // ACH, ACH, AWIN)
    dst_deg = edge_index[1].reshape(NW, E // NW // WIN, WIN)

    deg_kernel = _make_deg_kernel(N, E, DW)
    agg_kernel = _make_agg_kernel(N, H, E)

    degp = deg_kernel(dst_deg)

    BS = 1000
    nsteps = N // BS
    full = lambda *shape: pl.BlockSpec(shape, lambda i: (0,) * len(shape))
    rows = lambda *rest: pl.BlockSpec((BS,) + rest,
                                      lambda i: (i,) + (0,) * len(rest))
    dp_spec0 = pl.BlockSpec((BS, DW), lambda i: (i, 0))
    dp_spec1 = pl.BlockSpec((BS, DW), lambda i: (i + nsteps, 0))

    dv_spec = pl.BlockSpec((1, 1, BS), lambda i: (i, 0, 0))
    xw = pl.pallas_call(
        _k1a_body,
        grid=(nsteps,),
        in_specs=[rows(D), full(D, H)],
        out_specs=rows(H),
        out_shape=jax.ShapeDtypeStruct((N, H), jnp.float32),
    )(x, W1)

    y1, dv = pl.pallas_call(
        _k1b_body,
        grid=(nsteps,),
        in_specs=[rows(H), dp_spec0, dp_spec1],
        out_specs=[rows(H), dv_spec],
        out_shape=[jax.ShapeDtypeStruct((N, H), jnp.float32),
                   jax.ShapeDtypeStruct((nsteps, 1, BS), jnp.float32)],
    )(xw, degp, degp)

    agg1 = agg_kernel(y1, src, dst)

    a_spec0 = pl.BlockSpec((BS, H), lambda i: (i, 0))
    a_spec1 = pl.BlockSpec((BS, H), lambda i: (i + nsteps, 0))

    y2 = pl.pallas_call(
        _k2_body,
        grid=(nsteps,),
        in_specs=[a_spec0, a_spec1, dv_spec, full(H, H), full(1, H)],
        out_specs=rows(H),
        out_shape=jax.ShapeDtypeStruct((N, H), jnp.float32),
    )(agg1, agg1, dv, W2, b1.reshape(1, H))

    agg2 = agg_kernel(y2, src, dst)

    _k3 = functools.partial(_k3_body, nsteps=nsteps, bs=BS)

    out = pl.pallas_call(
        _k3,
        grid=(nsteps,),
        in_specs=[a_spec0, a_spec1, dv_spec, full(1, H),
                  pl.BlockSpec((1, 1, BS), lambda i: (i, 0, 0)),
                  full(H, C), full(1, C)],
        out_specs=full(G, C),
        out_shape=jax.ShapeDtypeStruct((G, C), jnp.float32),
        scratch_shapes=[pltpu.VMEM((G, H), jnp.float32),
                        pltpu.VMEM((G, H), jnp.float32)],
    )(agg2, agg2, dv, b2.reshape(1, H),
      batch.reshape(nsteps, 1, BS), Wfc, bfc.reshape(1, C))

    return out

# --- scband reference (transcript-rebuilt; emitter-appended) ---
"""Pipeline reference for scband-gnn-8134668059260 (READ-ONLY COPY).

The authoritative reference and input builder live on the scoring server;
editing this copy changes nothing except your own understanding.
"""

import jax, jax.numpy as jnp
import numpy as np

N = 10000
E = 320000
D = 128
H = 128
C = 16
G = 64


def setup_inputs(seed: int = 0) -> dict:
    key = jax.random.key(seed)
    ks = jax.random.split(key, 10)
    x = jax.random.normal(ks[0], (N, D), dtype=jnp.float32)
    edge_index = jax.random.randint(ks[1], (2, E), 0, N, dtype=jnp.int32)
    batch = jnp.sort(jax.random.randint(ks[2], (N,), 0, G, dtype=jnp.int32))
    W1 = jax.random.normal(ks[3], (D, H), dtype=jnp.float32) * 0.05
    b1 = jnp.zeros((H,), dtype=jnp.float32)
    W2 = jax.random.normal(ks[4], (H, H), dtype=jnp.float32) * 0.05
    b2 = jnp.zeros((H,), dtype=jnp.float32)
    Wfc = jax.random.normal(ks[5], (H, C), dtype=jnp.float32) * 0.05
    bfc = jnp.zeros((C,), dtype=jnp.float32)
    return {"x": x, "edge_index": edge_index, "batch": batch,
            "W1": W1, "b1": b1, "W2": W2, "b2": b2, "Wfc": Wfc, "bfc": bfc}


def _gcn_conv(x, edge_index, W, b):
    # GCNConv: out = D^{-1/2} (A + I) D^{-1/2} X W + b
    src = edge_index[0]
    dst = edge_index[1]
    n = x.shape[0]
    loop = jnp.arange(n, dtype=src.dtype)
    src = jnp.concatenate([src, loop])
    dst = jnp.concatenate([dst, loop])
    deg = jnp.zeros((n,), dtype=x.dtype).at[dst].add(1.0)
    deg_inv_sqrt = jnp.where(deg > 0, 1.0 / jnp.sqrt(deg), 0.0)
    norm = deg_inv_sqrt[src] * deg_inv_sqrt[dst]
    xw = x @ W
    msgs = xw[src] * norm[:, None]
    out = jnp.zeros((n, W.shape[1]), dtype=x.dtype).at[dst].add(msgs)
    return out + b


def reference(x, edge_index, batch, W1, b1, W2, b2, Wfc, bfc):
    h = jax.nn.relu(_gcn_conv(x, edge_index, W1, b1))
    h = _gcn_conv(h, edge_index, W2, b2)
    # global mean pool over graphs in batch
    sums = jax.ops.segment_sum(h, batch, num_segments=G)
    cnts = jax.ops.segment_sum(jnp.ones((h.shape[0], 1), dtype=h.dtype), batch, num_segments=G)
    pooled = sums / jnp.maximum(cnts, 1.0)
    logits = pooled @ Wfc + bfc
    return jax.nn.log_softmax(logits, axis=1)

if __name__ == "__main__":
    import jax
    _d = setup_inputs()
    print(jax.jit(kernel)(*tuple(_d.values())))

</pallas_src>

<mosaic_0001>
#map = affine_map<(d0, d1) -> (0, 0)>
#map1 = affine_map<(d0, d1) -> (0, 0, 0)>
module attributes {stable_mosaic.version = 14 : i64} {
  func.func @agg_kernel(%arg0: i32, %arg1: i32, %arg2: memref<10000x128xf32, #tpu.memory_space<hbm>>, %arg3: memref<160x40x50xi32, #tpu.memory_space<hbm>>, %arg4: memref<160x40x50xi32, #tpu.memory_space<hbm>>, %arg5: memref<20000x128xf32, #tpu.memory_space<hbm>>, %arg6: memref<40x50xi32, #tpu.memory_space<vmem>>, %arg7: memref<40x50xi32, #tpu.memory_space<vmem>>, %arg8: memref<40x50xi32, #tpu.memory_space<vmem>>, %arg9: memref<40x50xi32, #tpu.memory_space<vmem>>, %arg10: memref<50x128xf32, #tpu.memory_space<vmem>>, %arg11: memref<50x128xf32, #tpu.memory_space<vmem>>, %arg12: memref<50x128xf32, #tpu.memory_space<vmem>>, %arg13: memref<50x128xf32, #tpu.memory_space<vmem>>, %arg14: memref<10000x128xf32, #tpu.memory_space<vmem_shared>>, %arg15: memref<!tpu.dma_semaphore, #tpu.memory_space<semaphore_mem>>, %arg16: memref<!tpu.dma_semaphore, #tpu.memory_space<semaphore_mem>>, %arg17: memref<!tpu.dma_semaphore, #tpu.memory_space<semaphore_mem>>, %arg18: memref<!tpu.dma_semaphore, #tpu.memory_space<semaphore_mem>>, %arg19: memref<!tpu.dma_semaphore, #tpu.memory_space<semaphore_mem>>, %arg20: memref<!tpu.dma_semaphore, #tpu.memory_space<semaphore_mem>>) attributes {dimension_semantics = [#tpu.dimension_semantics<core_parallel>, #tpu.dimension_semantics<subcore_parallel>], iteration_bounds = array<i64: 2, 16>, scalar_prefetch = 0 : i64, scratch_operands = 15 : i64, tpu.core_type = #tpu.core_type<sc_vector_subcore>, window_params = [{transform_indices = #map}, {transform_indices = #map1}, {transform_indices = #map1}, {transform_indices = #map}]} {
    %mul3A = arith.constant 16 : i32
    %mul3A_0 = arith.muli %arg0, %mul3A : i32
    %add3A = arith.addi %mul3A_0, %arg1 : i32
    %mul3A_1 = arith.constant 640 : i32
    %mul3A_2 = arith.muli %arg1, %mul3A_1 : i32
    %min3A = arith.constant 9360 : i32
    %min3A_3 = arith.minsi %mul3A_2, %min3A : i32
    %scan3A = arith.constant 0 : i32
    %scan3A_4 = arith.constant 0 : i32
    %scan3A_5 = arith.constant 400 : i32
    %scan3A_6 = arith.addi %scan3A_4, %scan3A_5 : i32
    %scan3A_7 = arith.constant 1 : i32
    %scan3A_8 = scf.for %scan3A_410 = %scan3A_4 to %scan3A_6 step %scan3A_7 iter_args(%scan3A_411 = %scan3A) -> (i32)  : i32 {
      %broadcast_in_dim3A = arith.constant 0.000000e+00 : f32
      %broadcast_in_dim3A_412 = vector.broadcast %broadcast_in_dim3A : f32 to vector<16xf32>
      %jit3A = arith.constant 8 : i32
      %div3A = arith.divsi %scan3A_410, %jit3A : i32
      %sign3A = arith.constant 0 : i32
      %sign3A_413 = arith.cmpi sgt, %scan3A_410, %sign3A : i32
      %sign3A_414 = arith.extui %sign3A_413 : i1 to i32
      %sign3A_415 = arith.constant 0 : i32
      %sign3A_416 = arith.cmpi slt, %scan3A_410, %sign3A_415 : i32
      %sign3A_417 = arith.extui %sign3A_416 : i1 to i32
      %sign3A_418 = arith.subi %sign3A_414, %sign3A_417 : i32
      %sign3A_419 = arith.constant 0 : i32
      %sign3A_420 = arith.cmpi sgt, %jit3A, %sign3A_419 : i32
      %sign3A_421 = arith.extui %sign3A_420 : i1 to i32
      %sign3A_422 = arith.constant 0 : i32
      %sign3A_423 = arith.cmpi slt, %jit3A, %sign3A_422 : i32
      %sign3A_424 = arith.extui %sign3A_423 : i1 to i32
      %sign3A_425 = arith.subi %sign3A_421, %sign3A_424 : i32
      %ne3A_426 = arith.cmpi ne, %sign3A_418, %sign3A_425 : i32
      %rem3A = arith.remsi %scan3A_410, %jit3A : i32
      %ne3A_427 = arith.constant 0 : i32
      %ne3A_428 = arith.cmpi ne, %rem3A, %ne3A_427 : i32
      %and3A = arith.andi %ne3A_426, %ne3A_428 : i1
      %sub3A = arith.constant 1 : i32
      %sub3A_429 = arith.subi %div3A, %sub3A : i32
      %select_n3A = arith.select %and3A, %sub3A_429, %div3A : i32
      %jit3A_430 = arith.constant 8 : i32
      %eq3A_431 = arith.constant 0 : i32
      %eq3A_432 = arith.cmpi eq, %jit3A_430, %eq3A_431 : i32
      %jit3A_433 = arith.constant 1 : i32
      %select_n3A_434 = arith.select %eq3A_432, %jit3A_433, %jit3A_430 : i32
      %rem3A_435 = arith.remsi %scan3A_410, %select_n3A_434 : i32
      %ne3A_436 = arith.constant 0 : i32
      %ne3A_437 = arith.cmpi ne, %rem3A_435, %ne3A_436 : i32
      %lt3A = arith.constant 0 : i32
      %lt3A_438 = arith.cmpi slt, %rem3A_435, %lt3A : i32
      %lt3A_439 = arith.constant 0 : i32
      %lt3A_440 = arith.cmpi slt, %select_n3A_434, %lt3A_439 : i32
      %ne3A_441 = arith.xori %lt3A_438, %lt3A_440 : i1
      %and3A_442 = arith.andi %ne3A_441, %ne3A_437 : i1
      %add3A_443 = arith.addi %rem3A_435, %select_n3A_434 : i32
      %select_n3A_444 = arith.select %and3A_442, %add3A_443, %rem3A_435 : i32
      %mul3A_445 = arith.constant 16 : i32
      %mul3A_446 = arith.muli %select_n3A_444, %mul3A_445 : i32
      %swap3A = arith.index_cast %select_n3A : i32 to index
      %swap3A_447 = arith.index_cast %mul3A_446 : i32 to index
      %swap3A_448 = tpu.vector_load %arg10[%swap3A, %swap3A_447] {strides = array<i32>} : memref<50x128xf32, #tpu.memory_space<vmem>>, vector<1x16xf32>,
      %swap3A_449 = vector.shape_cast %swap3A_448 : vector<1x16xf32> to vector<16xf32>
      %swap3A_450 = vector.shape_cast %broadcast_in_dim3A_412 : vector<16xf32> to vector<1x16xf32>
      tpu.vector_store %arg10[%swap3A, %swap3A_447], %swap3A_450 {strides = array<i32>} : memref<50x128xf32, #tpu.memory_space<vmem>>, vector<1x16xf32>,
      %scan3A_451 = arith.constant 0 : i32
      scf.yield %scan3A_451 : i32
    }
    %scan3A_9 = arith.constant 400 : i32
    %eq3A = arith.constant 0 : i32
    %eq3A_10 = arith.cmpi eq, %arg0, %eq3A : i32
    %convert_element_type3A = arith.extui %eq3A_10 : i1 to i32
    %cond3A = arith.constant 0 : i32
    %cond3A_11 = arith.cmpi ne, %convert_element_type3A, %cond3A : i32
    scf.if %cond3A_11 {
      "tpu.region"() ({
        %run_scoped3A = tpu.sem_alloc : memref<!tpu.dma_semaphore, #tpu.memory_space<semaphore_mem>>
        %dma_start3A_410 = arith.constant 0 : i32
        %dma_start3A_411 = tpu.memref_slice %arg14[%min3A_3, %dma_start3A_410] : memref<10000x128xf32, #tpu.memory_space<vmem_shared>> -> memref<640x128xf32, #tpu.memory_space<vmem_shared>>
        %dma_start3A_412 = arith.constant 0 : i32
        %dma_start3A_413 = tpu.memref_slice %arg2[%min3A_3, %dma_start3A_412] : memref<10000x128xf32, #tpu.memory_space<hbm>> -> memref<640x128xf32, #tpu.memory_space<hbm>>
        tpu.enqueue_dma source(%dma_start3A_413 : memref<640x128xf32, #tpu.memory_space<hbm>>) target(%dma_start3A_411 : memref<640x128xf32, #tpu.memory_space<vmem_shared>>) target_semaphore(%run_scoped3A : memref<!tpu.dma_semaphore, #tpu.memory_space<semaphore_mem>>)
        %dma_wait3A_414 = arith.constant 0 : i32
        %dma_wait3A_415 = tpu.memref_slice %arg14[%min3A_3, %dma_wait3A_414] : memref<10000x128xf32, #tpu.memory_space<vmem_shared>> -> memref<640x128xf32, #tpu.memory_space<vmem_shared>>
        %dma_wait3A_416 = arith.constant 0 : i32
        %dma_wait3A_417 = tpu.memref_slice %arg2[%min3A_3, %dma_wait3A_416] : memref<10000x128xf32, #tpu.memory_space<hbm>> -> memref<640x128xf32, #tpu.memory_space<hbm>>
        tpu.wait_dma2 semaphore(%run_scoped3A : memref<!tpu.dma_semaphore, #tpu.memory_space<semaphore_mem>>) src(%dma_wait3A_417 : memref<640x128xf32, #tpu.memory_space<hbm>>) dst(%dma_wait3A_415 : memref<640x128xf32, #tpu.memory_space<vmem_shared>>)
        tpu.yield
      }) : () -> ()
    } else {
    }
    %ne3A = arith.constant 0 : i32
    %ne3A_12 = arith.cmpi ne, %arg0, %ne3A : i32
    %convert_element_type3A_13 = arith.extui %ne3A_12 : i1 to i32
    %cond3A_14 = arith.constant 0 : i32
    %cond3A_15 = arith.cmpi ne, %convert_element_type3A_13, %cond3A_14 : i32
    scf.if %cond3A_15 {
      %scan3A_410 = arith.constant 0 : i32
      %scan3A_411 = arith.constant 0 : i32
      %scan3A_412 = arith.constant 12 : i32
      %scan3A_413 = arith.addi %scan3A_411, %scan3A_412 : i32
      %scan3A_414 = arith.constant 1 : i32
      %scan3A_415 = scf.for %scan3A_419 = %scan3A_411 to %scan3A_413 step %scan3A_414 iter_args(%scan3A_420 = %scan3A_410) -> (i32)  : i32 {
        %mul3A_421 = arith.constant 50 : i32
        %mul3A_422 = arith.muli %scan3A_419, %mul3A_421 : i32
        %add3A_423 = arith.addi %min3A_3, %mul3A_422 : i32
        "tpu.region"() ({
          %run_scoped3A = tpu.sem_alloc : memref<!tpu.dma_semaphore, #tpu.memory_space<semaphore_mem>>
          %dma_start3A_425 = arith.constant 0 : i32
          %dma_start3A_426 = tpu.memref_slice %arg14[%add3A_423, %dma_start3A_425] : memref<10000x128xf32, #tpu.memory_space<vmem_shared>> -> memref<50x128xf32, #tpu.memory_space<vmem_shared>>
          %dma_start3A_427 = arith.constant 0 : i32
          %dma_start3A_428 = tpu.memref_slice %arg14[%add3A_423, %dma_start3A_427] : memref<10000x128xf32, #tpu.memory_space<vmem_shared>> -> memref<50x128xf32, #tpu.memory_space<vmem_shared>>
          tpu.enqueue_dma source(%arg10 : memref<50x128xf32, #tpu.memory_space<vmem>>) target(%dma_start3A_428 : memref<50x128xf32, #tpu.memory_space<vmem_shared>>) target_semaphore(%run_scoped3A : memref<!tpu.dma_semaphore, #tpu.memory_space<semaphore_mem>>)
          %dma_wait3A_429 = arith.constant 0 : i32
          %dma_wait3A_430 = tpu.memref_slice %arg14[%add3A_423, %dma_wait3A_429] : memref<10000x128xf32, #tpu.memory_space<vmem_shared>> -> memref<50x128xf32, #tpu.memory_space<vmem_shared>>
          %dma_wait3A_431 = arith.constant 0 : i32
          %dma_wait3A_432 = tpu.memref_slice %arg14[%add3A_423, %dma_wait3A_431] : memref<10000x128xf32, #tpu.memory_space<vmem_shared>> -> memref<50x128xf32, #tpu.memory_space<vmem_shared>>
          tpu.wait_dma2 semaphore(%run_scoped3A : memref<!tpu.dma_semaphore, #tpu.memory_space<semaphore_mem>>) src(%arg10 : memref<50x128xf32, #tpu.memory_space<vmem>>) dst(%dma_wait3A_432 : memref<50x128xf32, #tpu.memory_space<vmem_shared>>)
          tpu.yield
        }) : () -> ()
        %scan3A_424 = arith.constant 0 : i32
        scf.yield %scan3A_424 : i32
      }
      %scan3A_416 = arith.constant 12 : i32
      %add3A_417 = arith.constant 600 : i32
      %add3A_418 = arith.addi %min3A_3, %add3A_417 : i32
      "tpu.region"() ({
        %run_scoped3A = tpu.sem_alloc : memref<!tpu.dma_semaphore, #tpu.memory_space<semaphore_mem>>
        %dma_start3A_419 = arith.constant 0 : i32
        %dma_start3A_420 = arith.constant 0 : i32
        %dma_start3A_421 = tpu.memref_slice %arg10[%dma_start3A_419, %dma_start3A_420] : memref<50x128xf32, #tpu.memory_space<vmem>> -> memref<40x128xf32, #tpu.memory_space<vmem>>
        %dma_start3A_422 = arith.constant 0 : i32
        %dma_start3A_423 = tpu.memref_slice %arg14[%add3A_418, %dma_start3A_422] : memref<10000x128xf32, #tpu.memory_space<vmem_shared>> -> memref<40x128xf32, #tpu.memory_space<vmem_shared>>
        %dma_start3A_424 = arith.constant 0 : i32
        %dma_start3A_425 = tpu.memref_slice %arg14[%add3A_418, %dma_start3A_424] : memref<10000x128xf32, #tpu.memory_space<vmem_shared>> -> memref<40x128xf32, #tpu.memory_space<vmem_shared>>
        %dma_start3A_426 = arith.constant 0 : i32
        %dma_start3A_427 = arith.constant 0 : i32
        %dma_start3A_428 = tpu.memref_slice %arg10[%dma_start3A_426, %dma_start3A_427] : memref<50x128xf32, #tpu.memory_space<vmem>> -> memref<40x128xf32, #tpu.memory_space<vmem>>
        tpu.enqueue_dma source(%dma_start3A_428 : memref<40x128xf32, #tpu.memory_space<vmem>>) target(%dma_start3A_425 : memref<40x128xf32, #tpu.memory_space<vmem_shared>>) target_semaphore(%run_scoped3A : memref<!tpu.dma_semaphore, #tpu.memory_space<semaphore_mem>>)
        %dma_wait3A_429 = arith.constant 0 : i32
        %dma_wait3A_430 = arith.constant 0 : i32
        %dma_wait3A_431 = tpu.memref_slice %arg10[%dma_wait3A_429, %dma_wait3A_430] : memref<50x128xf32, #tpu.memory_space<vmem>> -> memref<40x128xf32, #tpu.memory_space<vmem>>
        %dma_wait3A_432 = arith.constant 0 : i32
        %dma_wait3A_433 = tpu.memref_slice %arg14[%add3A_418, %dma_wait3A_432] : memref<10000x128xf32, #tpu.memory_space<vmem_shared>> -> memref<40x128xf32, #tpu.memory_space<vmem_shared>>
        %dma_wait3A_434 = arith.constant 0 : i32
        %dma_wait3A_435 = tpu.memref_slice %arg14[%add3A_418, %dma_wait3A_434] : memref<10000x128xf32, #tpu.memory_space<vmem_shared>> -> memref<40x128xf32, #tpu.memory_space<vmem_shared>>
        %dma_wait3A_436 = arith.constant 0 : i32
        %dma_wait3A_437 = arith.constant 0 : i32
        %dma_wait3A_438 = tpu.memref_slice %arg10[%dma_wait3A_436, %dma_wait3A_437] : memref<50x128xf32, #tpu.memory_space<vmem>> -> memref<40x128xf32, #tpu.memory_space<vmem>>
        tpu.wait_dma2 semaphore(%run_scoped3A : memref<!tpu.dma_semaphore, #tpu.memory_space<semaphore_mem>>) src(%dma_wait3A_438 : memref<40x128xf32, #tpu.memory_space<vmem>>) dst(%dma_wait3A_435 : memref<40x128xf32, #tpu.memory_space<vmem_shared>>)
        tpu.yield
      }) : () -> ()
    } else {
    }
    %barrier3A = arith.constant 0 : index
    tpu.barrier barrier_id(%barrier3A)
    %mul3A_16 = arith.constant 5 : i32
    %mul3A_17 = arith.muli %add3A, %mul3A_16 : i32
    %dma_start3A = arith.constant 0 : i32
    %dma_start3A_18 = arith.constant 0 : i32
    %dma_start3A_19 = tpu.memref_slice %arg3[%mul3A_17, %dma_start3A, %dma_start3A_18] : memref<160x40x50xi32, #tpu.memory_space<hbm>> -> memref<1x40x50xi32, #tpu.memory_space<hbm>>
    %dma_start3A_20 = tpu.memref_squeeze %dma_start3A_19 : memref<1x40x50xi32, #tpu.memory_space<hbm>> -> memref<40x50xi32, #tpu.memory_space<hbm>>
    %dma_start3A_21 = arith.constant 0 : i32
    %dma_start3A_22 = arith.constant 0 : i32
    %dma_start3A_23 = tpu.memref_slice %arg3[%mul3A_17, %dma_start3A_21, %dma_start3A_22] : memref<160x40x50xi32, #tpu.memory_space<hbm>> -> memref<1x40x50xi32, #tpu.memory_space<hbm>>
    %dma_start3A_24 = tpu.memref_squeeze %dma_start3A_23 : memref<1x40x50xi32, #tpu.memory_space<hbm>> -> memref<40x50xi32, #tpu.memory_space<hbm>>
    tpu.enqueue_dma source(%dma_start3A_24 : memref<40x50xi32, #tpu.memory_space<hbm>>) target(%arg6 : memref<40x50xi32, #tpu.memory_space<vmem>>) target_semaphore(%arg15 : memref<!tpu.dma_semaphore, #tpu.memory_space<semaphore_mem>>)
    %mul3A_25 = arith.constant 5 : i32
    %mul3A_26 = arith.muli %add3A, %mul3A_25 : i32
    %dma_start3A_27 = arith.constant 0 : i32
    %dma_start3A_28 = arith.constant 0 : i32
    %dma_start3A_29 = tpu.memref_slice %arg4[%mul3A_26, %dma_start3A_27, %dma_start3A_28] : memref<160x40x50xi32, #tpu.memory_space<hbm>> -> memref<1x40x50xi32, #tpu.memory_space<hbm>>
    %dma_start3A_30 = tpu.memref_squeeze %dma_start3A_29 : memref<1x40x50xi32, #tpu.memory_space<hbm>> -> memref<40x50xi32, #tpu.memory_space<hbm>>
    %dma_start3A_31 = arith.constant 0 : i32
    %dma_start3A_32 = arith.constant 0 : i32
    %dma_start3A_33 = tpu.memref_slice %arg4[%mul3A_26, %dma_start3A_31, %dma_start3A_32] : memref<160x40x50xi32, #tpu.memory_space<hbm>> -> memref<1x40x50xi32, #tpu.memory_space<hbm>>
    %dma_start3A_34 = tpu.memref_squeeze %dma_start3A_33 : memref<1x40x50xi32, #tpu.memory_space<hbm>> -> memref<40x50xi32, #tpu.memory_space<hbm>>
    tpu.enqueue_dma source(%dma_start3A_34 : memref<40x50xi32, #tpu.memory_space<hbm>>) target(%arg7 : memref<40x50xi32, #tpu.memory_space<vmem>>) target_semaphore(%arg15 : memref<!tpu.dma_semaphore, #tpu.memory_space<semaphore_mem>>)
    %mul3A_35 = arith.constant 5 : i32
    %mul3A_36 = arith.muli %add3A, %mul3A_35 : i32
    %add3A_37 = arith.constant 0 : i32
    %add3A_38 = arith.addi %mul3A_36, %add3A_37 : i32
    %dma_wait3A = arith.constant 0 : i32
    %dma_wait3A_39 = arith.constant 0 : i32
    %dma_wait3A_40 = tpu.memref_slice %arg3[%add3A_38, %dma_wait3A, %dma_wait3A_39] : memref<160x40x50xi32, #tpu.memory_space<hbm>> -> memref<1x40x50xi32, #tpu.memory_space<hbm>>
    %dma_wait3A_41 = tpu.memref_squeeze %dma_wait3A_40 : memref<1x40x50xi32, #tpu.memory_space<hbm>> -> memref<40x50xi32, #tpu.memory_space<hbm>>
    %dma_wait3A_42 = arith.constant 0 : i32
    %dma_wait3A_43 = arith.constant 0 : i32
    %dma_wait3A_44 = tpu.memref_slice %arg3[%add3A_38, %dma_wait3A_42, %dma_wait3A_43] : memref<160x40x50xi32, #tpu.memory_space<hbm>> -> memref<1x40x50xi32, #tpu.memory_space<hbm>>
    %dma_wait3A_45 = tpu.memref_squeeze %dma_wait3A_44 : memref<1x40x50xi32, #tpu.memory_space<hbm>> -> memref<40x50xi32, #tpu.memory_space<hbm>>
    tpu.wait_dma2 semaphore(%arg15 : memref<!tpu.dma_semaphore, #tpu.memory_space<semaphore_mem>>) src(%dma_wait3A_45 : memref<40x50xi32, #tpu.memory_space<hbm>>) dst(%arg6 : memref<40x50xi32, #tpu.memory_space<vmem>>)
    %mul3A_46 = arith.constant 5 : i32
    %mul3A_47 = arith.muli %add3A, %mul3A_46 : i32
    %add3A_48 = arith.constant 0 : i32
    %add3A_49 = arith.addi %mul3A_47, %add3A_48 : i32
    %dma_wait3A_50 = arith.constant 0 : i32
    %dma_wait3A_51 = arith.constant 0 : i32
    %dma_wait3A_52 = tpu.memref_slice %arg4[%add3A_49, %dma_wait3A_50, %dma_wait3A_51] : memref<160x40x50xi32, #tpu.memory_space<hbm>> -> memref<1x40x50xi32, #tpu.memory_space<hbm>>
    %dma_wait3A_53 = tpu.memref_squeeze %dma_wait3A_52 : memref<1x40x50xi32, #tpu.memory_space<hbm>> -> memref<40x50xi32, #tpu.memory_space<hbm>>
    %dma_wait3A_54 = arith.constant 0 : i32
    %dma_wait3A_55 = arith.constant 0 : i32
    %dma_wait3A_56 = tpu.memref_slice %arg4[%add3A_49, %dma_wait3A_54, %dma_wait3A_55] : memref<160x40x50xi32, #tpu.memory_space<hbm>> -> memref<1x40x50xi32, #tpu.memory_space<hbm>>
    %dma_wait3A_57 = tpu.memref_squeeze %dma_wait3A_56 : memref<1x40x50xi32, #tpu.memory_space<hbm>> -> memref<40x50xi32, #tpu.memory_space<hbm>>
    tpu.wait_dma2 semaphore(%arg15 : memref<!tpu.dma_semaphore, #tpu.memory_space<semaphore_mem>>) src(%dma_wait3A_57 : memref<40x50xi32, #tpu.memory_space<hbm>>) dst(%arg7 : memref<40x50xi32, #tpu.memory_space<vmem>>)
    %mul3A_58 = arith.constant 5 : i32
    %mul3A_59 = arith.muli %add3A, %mul3A_58 : i32
    %add3A_60 = arith.constant 0 : i32
    %add3A_61 = arith.addi %mul3A_59, %add3A_60 : i32
    %add3A_62 = arith.constant 1 : i32
    %add3A_63 = arith.addi %add3A_61, %add3A_62 : i32
    %dma_start3A_64 = arith.constant 0 : i32
    %dma_start3A_65 = arith.constant 0 : i32
    %dma_start3A_66 = tpu.memref_slice %arg3[%add3A_63, %dma_start3A_64, %dma_start3A_65] : memref<160x40x50xi32, #tpu.memory_space<hbm>> -> memref<1x40x50xi32, #tpu.memory_space<hbm>>
    %dma_start3A_67 = tpu.memref_squeeze %dma_start3A_66 : memref<1x40x50xi32, #tpu.memory_space<hbm>> -> memref<40x50xi32, #tpu.memory_space<hbm>>
    %dma_start3A_68 = arith.constant 0 : i32
    %dma_start3A_69 = arith.constant 0 : i32
    %dma_start3A_70 = tpu.memref_slice %arg3[%add3A_63, %dma_start3A_68, %dma_start3A_69] : memref<160x40x50xi32, #tpu.memory_space<hbm>> -> memref<1x40x50xi32, #tpu.memory_space<hbm>>
    %dma_start3A_71 = tpu.memref_squeeze %dma_start3A_70 : memref<1x40x50xi32, #tpu.memory_space<hbm>> -> memref<40x50xi32, #tpu.memory_space<hbm>>
    tpu.enqueue_dma source(%dma_start3A_71 : memref<40x50xi32, #tpu.memory_space<hbm>>) target(%arg8 : memref<40x50xi32, #tpu.memory_space<vmem>>) target_semaphore(%arg16 : memref<!tpu.dma_semaphore, #tpu.memory_space<semaphore_mem>>)
    %mul3A_72 = arith.constant 5 : i32
    %mul3A_73 = arith.muli %add3A, %mul3A_72 : i32
    %add3A_74 = arith.constant 0 : i32
    %add3A_75 = arith.addi %mul3A_73, %add3A_74 : i32
    %add3A_76 = arith.constant 1 : i32
    %add3A_77 = arith.addi %add3A_75, %add3A_76 : i32
    %dma_start3A_78 = arith.constant 0 : i32
    %dma_start3A_79 = arith.constant 0 : i32
    %dma_start3A_80 = tpu.memref_slice %arg4[%add3A_77, %dma_start3A_78, %dma_start3A_79] : memref<160x40x50xi32, #tpu.memory_space<hbm>> -> memref<1x40x50xi32, #tpu.memory_space<hbm>>
    %dma_start3A_81 = tpu.memref_squeeze %dma_start3A_80 : memref<1x40x50xi32, #tpu.memory_space<hbm>> -> memref<40x50xi32, #tpu.memory_space<hbm>>
    %dma_start3A_82 = arith.constant 0 : i32
    %dma_start3A_83 = arith.constant 0 : i32
    %dma_start3A_84 = tpu.memref_slice %arg4[%add3A_77, %dma_start3A_82, %dma_start3A_83] : memref<160x40x50xi32, #tpu.memory_space<hbm>> -> memref<1x40x50xi32, #tpu.memory_space<hbm>>
    %dma_start3A_85 = tpu.memref_squeeze %dma_start3A_84 : memref<1x40x50xi32, #tpu.memory_space<hbm>> -> memref<40x50xi32, #tpu.memory_space<hbm>>
    tpu.enqueue_dma source(%dma_start3A_85 : memref<40x50xi32, #tpu.memory_space<hbm>>) target(%arg9 : memref<40x50xi32, #tpu.memory_space<vmem>>) target_semaphore(%arg16 : memref<!tpu.dma_semaphore, #tpu.memory_space<semaphore_mem>>)
    %dma_start3A_86 = arith.constant 0 : i32
    %dma_start3A_87 = arith.constant 0 : i32
    %dma_start3A_88 = tpu.memref_slice %arg6[%dma_start3A_86, %dma_start3A_87] : memref<40x50xi32, #tpu.memory_space<vmem>> -> memref<1x50xi32, #tpu.memory_space<vmem>>
    %dma_start3A_89 = tpu.memref_squeeze %dma_start3A_88 : memref<1x50xi32, #tpu.memory_space<vmem>> -> memref<50xi32, #tpu.memory_space<vmem>>
    %dma_start3A_90 = arith.constant 0 : i32
    %dma_start3A_91 = arith.constant 0 : i32
    %dma_start3A_92 = tpu.memref_slice %arg2[%dma_start3A_90, %dma_start3A_91] : memref<10000x128xf32, #tpu.memory_space<hbm>> -> memref<10000x128xf32, #tpu.memory_space<hbm>>
    tpu.enqueue_indirect_dma source(%dma_start3A_92 : memref<10000x128xf32, #tpu.memory_space<hbm>>) target(%arg10 : memref<50x128xf32, #tpu.memory_space<vmem>>) offsets(%dma_start3A_89 : memref<50xi32, #tpu.memory_space<vmem>>) semaphore(%arg17 : memref<!tpu.dma_semaphore, #tpu.memory_space<semaphore_mem>>)
    %dma_start3A_93 = arith.constant 1 : i32
    %dma_start3A_94 = arith.constant 0 : i32
    %dma_start3A_95 = tpu.memref_slice %arg6[%dma_start3A_93, %dma_start3A_94] : memref<40x50xi32, #tpu.memory_space<vmem>> -> memref<1x50xi32, #tpu.memory_space<vmem>>
    %dma_start3A_96 = tpu.memref_squeeze %dma_start3A_95 : memref<1x50xi32, #tpu.memory_space<vmem>> -> memref<50xi32, #tpu.memory_space<vmem>>
    %dma_start3A_97 = arith.constant 0 : i32
    %dma_start3A_98 = arith.constant 0 : i32
    %dma_start3A_99 = tpu.memref_slice %arg2[%dma_start3A_97, %dma_start3A_98] : memref<10000x128xf32, #tpu.memory_space<hbm>> -> memref<10000x128xf32, #tpu.memory_space<hbm>>
    tpu.enqueue_indirect_dma source(%dma_start3A_99 : memref<10000x128xf32, #tpu.memory_space<hbm>>) target(%arg11 : memref<50x128xf32, #tpu.memory_space<vmem>>) offsets(%dma_start3A_96 : memref<50xi32, #tpu.memory_space<vmem>>) semaphore(%arg18 : memref<!tpu.dma_semaphore, #tpu.memory_space<semaphore_mem>>)
    %dma_start3A_100 = arith.constant 2 : i32
    %dma_start3A_101 = arith.constant 0 : i32
    %dma_start3A_102 = tpu.memref_slice %arg6[%dma_start3A_100, %dma_start3A_101] : memref<40x50xi32, #tpu.memory_space<vmem>> -> memref<1x50xi32, #tpu.memory_space<vmem>>
    %dma_start3A_103 = tpu.memref_squeeze %dma_start3A_102 : memref<1x50xi32, #tpu.memory_space<vmem>> -> memref<50xi32, #tpu.memory_space<vmem>>
    %dma_start3A_104 = arith.constant 0 : i32
    %dma_start3A_105 = arith.constant 0 : i32
    %dma_start3A_106 = tpu.memref_slice %arg2[%dma_start3A_104, %dma_start3A_105] : memref<10000x128xf32, #tpu.memory_space<hbm>> -> memref<10000x128xf32, #tpu.memory_space<hbm>>
    tpu.enqueue_indirect_dma source(%dma_start3A_106 : memref<10000x128xf32, #tpu.memory_space<hbm>>) target(%arg12 : memref<50x128xf32, #tpu.memory_space<vmem>>) offsets(%dma_start3A_103 : memref<50xi32, #tpu.memory_space<vmem>>) semaphore(%arg19 : memref<!tpu.dma_semaphore, #tpu.memory_space<semaphore_mem>>)
    %scan3A_107 = arith.constant 0 : i32
    %scan3A_108 = arith.constant 0 : i32
    %scan3A_109 = arith.constant 10 : i32
    %scan3A_110 = arith.addi %scan3A_108, %scan3A_109 : i32
    %scan3A_111 = arith.constant 1 : i32
    %scan3A_112 = scf.for %scan3A_410 = %scan3A_108 to %scan3A_110 step %scan3A_111 iter_args(%scan3A_411 = %scan3A_107) -> (i32)  : i32 {
      %mul3A_412 = arith.constant 4 : i32
      %mul3A_413 = arith.muli %scan3A_410, %mul3A_412 : i32
      %add3A_414 = arith.constant 0 : i32
      %add3A_415 = arith.addi %mul3A_413, %add3A_414 : i32
      %dma_wait3A_416 = arith.constant 0 : i32
      %dma_wait3A_417 = tpu.memref_slice %arg6[%add3A_415, %dma_wait3A_416] : memref<40x50xi32, #tpu.memory_space<vmem>> -> memref<1x50xi32, #tpu.memory_space<vmem>>
      %dma_wait3A_418 = tpu.memref_squeeze %dma_wait3A_417 : memref<1x50xi32, #tpu.memory_space<vmem>> -> memref<50xi32, #tpu.memory_space<vmem>>
      %dma_wait3A_419 = arith.constant 0 : i32
      %dma_wait3A_420 = arith.constant 0 : i32
      %dma_wait3A_421 = tpu.memref_slice %arg2[%dma_wait3A_419, %dma_wait3A_420] : memref<10000x128xf32, #tpu.memory_space<hbm>> -> memref<10000x128xf32, #tpu.memory_space<hbm>>
      tpu.wait_indirect_dma semaphore(%arg17 : memref<!tpu.dma_semaphore, #tpu.memory_space<semaphore_mem>>) src(%dma_wait3A_421 : memref<10000x128xf32, #tpu.memory_space<hbm>>) dst(%arg10 : memref<50x128xf32, #tpu.memory_space<vmem>>)
      %add3A_422 = arith.constant 4 : i32
      %add3A_423 = arith.addi %add3A_415, %add3A_422 : i32
      %sub3A = arith.constant 1 : i32
      %sub3A_424 = arith.subi %add3A_423, %sub3A : i32
      %lt3A = arith.constant 40 : i32
      %lt3A_425 = arith.cmpi slt, %sub3A_424, %lt3A : i32
      %convert_element_type3A_426 = arith.extui %lt3A_425 : i1 to i32
      %cond3A_427 = arith.constant 0 : i32
      %cond3A_428 = arith.cmpi ne, %convert_element_type3A_426, %cond3A_427 : i32
      scf.if %cond3A_428 {
        %add3A_487 = arith.constant 4 : i32
        %add3A_488 = arith.addi %add3A_415, %add3A_487 : i32
        %sub3A_489 = arith.constant 1 : i32
        %sub3A_490 = arith.subi %add3A_488, %sub3A_489 : i32
        %dma_start3A_491 = arith.constant 0 : i32
        %dma_start3A_492 = tpu.memref_slice %arg6[%sub3A_490, %dma_start3A_491] : memref<40x50xi32, #tpu.memory_space<vmem>> -> memref<1x50xi32, #tpu.memory_space<vmem>>
        %dma_start3A_493 = tpu.memref_squeeze %dma_start3A_492 : memref<1x50xi32, #tpu.memory_space<vmem>> -> memref<50xi32, #tpu.memory_space<vmem>>
        %dma_start3A_494 = arith.constant 0 : i32
        %dma_start3A_495 = arith.constant 0 : i32
        %dma_start3A_496 = tpu.memref_slice %arg2[%dma_start3A_494, %dma_start3A_495] : memref<10000x128xf32, #tpu.memory_space<hbm>> -> memref<10000x128xf32, #tpu.memory_space<hbm>>
        tpu.enqueue_indirect_dma source(%dma_start3A_496 : memref<10000x128xf32, #tpu.memory_space<hbm>>) target(%arg13 : memref<50x128xf32, #tpu.memory_space<vmem>>) offsets(%dma_start3A_493 : memref<50xi32, #tpu.memory_space<vmem>>) semaphore(%arg20 : memref<!tpu.dma_semaphore, #tpu.memory_space<semaphore_mem>>)
      } else {
      }
      "tpu.region"() ({
        %run_scoped3A = tpu.sem_alloc : memref<!tpu.dma_semaphore, #tpu.memory_space<semaphore_mem>>
        %dma_start3A_487 = arith.constant 0 : i32
        %dma_start3A_488 = tpu.memref_slice %arg7[%add3A_415, %dma_start3A_487] : memref<40x50xi32, #tpu.memory_space<vmem>> -> memref<1x50xi32, #tpu.memory_space<vmem>>
        %dma_start3A_489 = tpu.memref_squeeze %dma_start3A_488 : memref<1x50xi32, #tpu.memory_space<vmem>> -> memref<50xi32, #tpu.memory_space<vmem>>
        %dma_start3A_490 = arith.constant 0 : i32
        %dma_start3A_491 = arith.constant 0 : i32
        %dma_start3A_492 = tpu.memref_slice %arg14[%dma_start3A_490, %dma_start3A_491] : memref<10000x128xf32, #tpu.memory_space<vmem_shared>> -> memref<10000x128xf32, #tpu.memory_space<vmem_shared>>
        tpu.enqueue_indirect_dma source(%arg10 : memref<50x128xf32, #tpu.memory_space<vmem>>) target(%dma_start3A_492 : memref<10000x128xf32, #tpu.memory_space<vmem_shared>>) offsets(%dma_start3A_489 : memref<50xi32, #tpu.memory_space<vmem>>) semaphore(%run_scoped3A : memref<!tpu.dma_semaphore, #tpu.memory_space<semaphore_mem>>) {add = true}
        %dma_wait3A_493 = arith.constant 0 : i32
        %dma_wait3A_494 = tpu.memref_slice %arg7[%add3A_415, %dma_wait3A_493] : memref<40x50xi32, #tpu.memory_space<vmem>> -> memref<1x50xi32, #tpu.memory_space<vmem>>
        %dma_wait3A_495 = tpu.memref_squeeze %dma_wait3A_494 : memref<1x50xi32, #tpu.memory_space<vmem>> -> memref<50xi32, #tpu.memory_space<vmem>>
        %dma_wait3A_496 = arith.constant 0 : i32
        %dma_wait3A_497 = arith.constant 0 : i32
        %dma_wait3A_498 = tpu.memref_slice %arg14[%dma_wait3A_496, %dma_wait3A_497] : memref<10000x128xf32, #tpu.memory_space<vmem_shared>> -> memref<10000x128xf32, #tpu.memory_space<vmem_shared>>
        tpu.wait_indirect_dma semaphore(%run_scoped3A : memref<!tpu.dma_semaphore, #tpu.memory_space<semaphore_mem>>) src(%arg10 : memref<50x128xf32, #tpu.memory_space<vmem>>) dst(%dma_wait3A_498 : memref<10000x128xf32, #tpu.memory_space<vmem_shared>>)
        tpu.yield
      }) : () -> ()
      %mul3A_429 = arith.constant 4 : i32
      %mul3A_430 = arith.muli %scan3A_410, %mul3A_429 : i32
      %add3A_431 = arith.constant 1 : i32
      %add3A_432 = arith.addi %mul3A_430, %add3A_431 : i32
      %dma_wait3A_433 = arith.constant 0 : i32
      %dma_wait3A_434 = tpu.memref_slice %arg6[%add3A_432, %dma_wait3A_433] : memref<40x50xi32, #tpu.memory_space<vmem>> -> memref<1x50xi32, #tpu.memory_space<vmem>>
      %dma_wait3A_435 = tpu.memref_squeeze %dma_wait3A_434 : memref<1x50xi32, #tpu.memory_space<vmem>> -> memref<50xi32, #tpu.memory_space<vmem>>
      %dma_wait3A_436 = arith.constant 0 : i32
      %dma_wait3A_437 = arith.constant 0 : i32
      %dma_wait3A_438 = tpu.memref_slice %arg2[%dma_wait3A_436, %dma_wait3A_437] : memref<10000x128xf32, #tpu.memory_space<hbm>> -> memref<10000x128xf32, #tpu.memory_space<hbm>>
      tpu.wait_indirect_dma semaphore(%arg18 : memref<!tpu.dma_semaphore, #tpu.memory_space<semaphore_mem>>) src(%dma_wait3A_438 : memref<10000x128xf32, #tpu.memory_space<hbm>>) dst(%arg11 : memref<50x128xf32, #tpu.memory_space<vmem>>)
      %add3A_439 = arith.constant 4 : i32
      %add3A_440 = arith.addi %add3A_432, %add3A_439 : i32
      %sub3A_441 = arith.constant 1 : i32
      %sub3A_442 = arith.subi %add3A_440, %sub3A_441 : i32
      %lt3A_443 = arith.constant 40 : i32
      %lt3A_444 = arith.cmpi slt, %sub3A_442, %lt3A_443 : i32
      %convert_element_type3A_445 = arith.extui %lt3A_444 : i1 to i32
      %cond3A_446 = arith.constant 0 : i32
      %cond3A_447 = arith.cmpi ne, %convert_element_type3A_445, %cond3A_446 : i32
      scf.if %cond3A_447 {
        %add3A_487 = arith.constant 4 : i32
        %add3A_488 = arith.addi %add3A_432, %add3A_487 : i32
        %sub3A_489 = arith.constant 1 : i32
        %sub3A_490 = arith.subi %add3A_488, %sub3A_489 : i32
        %dma_start3A_491 = arith.constant 0 : i32
        %dma_start3A_492 = tpu.memref_slice %arg6[%sub3A_490, %dma_start3A_491] : memref<40x50xi32, #tpu.memory_space<vmem>> -> memref<1x50xi32, #tpu.memory_space<vmem>>
        %dma_start3A_493 = tpu.memref_squeeze %dma_start3A_492 : memref<1x50xi32, #tpu.memory_space<vmem>> -> memref<50xi32, #tpu.memory_space<vmem>>
        %dma_start3A_494 = arith.constant 0 : i32
        %dma_start3A_495 = arith.constant 0 : i32
        %dma_start3A_496 = tpu.memref_slice %arg2[%dma_start3A_494, %dma_start3A_495] : memref<10000x128xf32, #tpu.memory_space<hbm>> -> memref<10000x128xf32, #tpu.memory_space<hbm>>
        tpu.enqueue_indirect_dma source(%dma_start3A_496 : memref<10000x128xf32, #tpu.memory_space<hbm>>) target(%arg10 : memref<50x128xf32, #tpu.memory_space<vmem>>) offsets(%dma_start3A_493 : memref<50xi32, #tpu.memory_space<vmem>>) semaphore(%arg17 : memref<!tpu.dma_semaphore, #tpu.memory_space<semaphore_mem>>)
      } else {
      }
      "tpu.region"() ({
        %run_scoped3A = tpu.sem_alloc : memref<!tpu.dma_semaphore, #tpu.memory_space<semaphore_mem>>
        %dma_start3A_487 = arith.constant 0 : i32
        %dma_start3A_488 = tpu.memref_slice %arg7[%add3A_432, %dma_start3A_487] : memref<40x50xi32, #tpu.memory_space<vmem>> -> memref<1x50xi32, #tpu.memory_space<vmem>>
        %dma_start3A_489 = tpu.memref_squeeze %dma_start3A_488 : memref<1x50xi32, #tpu.memory_space<vmem>> -> memref<50xi32, #tpu.memory_space<vmem>>
        %dma_start3A_490 = arith.constant 0 : i32
        %dma_start3A_491 = arith.constant 0 : i32
        %dma_start3A_492 = tpu.memref_slice %arg14[%dma_start3A_490, %dma_start3A_491] : memref<10000x128xf32, #tpu.memory_space<vmem_shared>> -> memref<10000x128xf32, #tpu.memory_space<vmem_shared>>
        tpu.enqueue_indirect_dma source(%arg11 : memref<50x128xf32, #tpu.memory_space<vmem>>) target(%dma_start3A_492 : memref<10000x128xf32, #tpu.memory_space<vmem_shared>>) offsets(%dma_start3A_489 : memref<50xi32, #tpu.memory_space<vmem>>) semaphore(%run_scoped3A : memref<!tpu.dma_semaphore, #tpu.memory_space<semaphore_mem>>) {add = true}
        %dma_wait3A_493 = arith.constant 0 : i32
        %dma_wait3A_494 = tpu.memref_slice %arg7[%add3A_432, %dma_wait3A_493] : memref<40x50xi32, #tpu.memory_space<vmem>> -> memref<1x50xi32, #tpu.memory_space<vmem>>
        %dma_wait3A_495 = tpu.memref_squeeze %dma_wait3A_494 : memref<1x50xi32, #tpu.memory_space<vmem>> -> memref<50xi32, #tpu.memory_space<vmem>>
        %dma_wait3A_496 = arith.constant 0 : i32
        %dma_wait3A_497 = arith.constant 0 : i32
        %dma_wait3A_498 = tpu.memref_slice %arg14[%dma_wait3A_496, %dma_wait3A_497] : memref<10000x128xf32, #tpu.memory_space<vmem_shared>> -> memref<10000x128xf32, #tpu.memory_space<vmem_shared>>
        tpu.wait_indirect_dma semaphore(%run_scoped3A : memref<!tpu.dma_semaphore, #tpu.memory_space<semaphore_mem>>) src(%arg11 : memref<50x128xf32, #tpu.memory_space<vmem>>) dst(%dma_wait3A_498 : memref<10000x128xf32, #tpu.memory_space<vmem_shared>>)
        tpu.yield
      }) : () -> ()
      %mul3A_448 = arith.constant 4 : i32
      %mul3A_449 = arith.muli %scan3A_410, %mul3A_448 : i32
      %add3A_450 = arith.constant 2 : i32
      %add3A_451 = arith.addi %mul3A_449, %add3A_450 : i32
      %dma_wait3A_452 = arith.constant 0 : i32
      %dma_wait3A_453 = tpu.memref_slice %arg6[%add3A_451, %dma_wait3A_452] : memref<40x50xi32, #tpu.memory_space<vmem>> -> memref<1x50xi32, #tpu.memory_space<vmem>>
      %dma_wait3A_454 = tpu.memref_squeeze %dma_wait3A_453 : memref<1x50xi32, #tpu.memory_space<vmem>> -> memref<50xi32, #tpu.memory_space<vmem>>
      %dma_wait3A_455 = arith.constant 0 : i32
      %dma_wait3A_456 = arith.constant 0 : i32
      %dma_wait3A_457 = tpu.memref_slice %arg2[%dma_wait3A_455, %dma_wait3A_456] : memref<10000x128xf32, #tpu.memory_space<hbm>> -> memref<10000x128xf32, #tpu.memory_space<hbm>>
      tpu.wait_indirect_dma semaphore(%arg19 : memref<!tpu.dma_semaphore, #tpu.memory_space<semaphore_mem>>) src(%dma_wait3A_457 : memref<10000x128xf32, #tpu.memory_space<hbm>>) dst(%arg12 : memref<50x128xf32, #tpu.memory_space<vmem>>)
      %add3A_458 = arith.constant 4 : i32
      %add3A_459 = arith.addi %add3A_451, %add3A_458 : i32
      %sub3A_460 = arith.constant 1 : i32
      %sub3A_461 = arith.subi %add3A_459, %sub3A_460 : i32
      %lt3A_462 = arith.constant 40 : i32
      %lt3A_463 = arith.cmpi slt, %sub3A_461, %lt3A_462 : i32
      %convert_element_type3A_464 = arith.extui %lt3A_463 : i1 to i32
      %cond3A_465 = arith.constant 0 : i32
      %cond3A_466 = arith.cmpi ne, %convert_element_type3A_464, %cond3A_465 : i32
      scf.if %cond3A_466 {
        %add3A_487 = arith.constant 4 : i32
        %add3A_488 = arith.addi %add3A_451, %add3A_487 : i32
        %sub3A_489 = arith.constant 1 : i32
        %sub3A_490 = arith.subi %add3A_488, %sub3A_489 : i32
        %dma_start3A_491 = arith.constant 0 : i32
        %dma_start3A_492 = tpu.memref_slice %arg6[%sub3A_490, %dma_start3A_491] : memref<40x50xi32, #tpu.memory_space<vmem>> -> memref<1x50xi32, #tpu.memory_space<vmem>>
        %dma_start3A_493 = tpu.memref_squeeze %dma_start3A_492 : memref<1x50xi32, #tpu.memory_space<vmem>> -> memref<50xi32, #tpu.memory_space<vmem>>
        %dma_start3A_494 = arith.constant 0 : i32
        %dma_start3A_495 = arith.constant 0 : i32
        %dma_start3A_496 = tpu.memref_slice %arg2[%dma_start3A_494, %dma_start3A_495] : memref<10000x128xf32, #tpu.memory_space<hbm>> -> memref<10000x128xf32, #tpu.memory_space<hbm>>
        tpu.enqueue_indirect_dma source(%dma_start3A_496 : memref<10000x128xf32, #tpu.memory_space<hbm>>) target(%arg11 : memref<50x128xf32, #tpu.memory_space<vmem>>) offsets(%dma_start3A_493 : memref<50xi32, #tpu.memory_space<vmem>>) semaphore(%arg18 : memref<!tpu.dma_semaphore, #tpu.memory_space<semaphore_mem>>)
      } else {
      }
      "tpu.region"() ({
        %run_scoped3A = tpu.sem_alloc : memref<!tpu.dma_semaphore, #tpu.memory_space<semaphore_mem>>
        %dma_start3A_487 = arith.constant 0 : i32
        %dma_start3A_488 = tpu.memref_slice %arg7[%add3A_451, %dma_start3A_487] : memref<40x50xi32, #tpu.memory_space<vmem>> -> memref<1x50xi32, #tpu.memory_space<vmem>>
        %dma_start3A_489 = tpu.memref_squeeze %dma_start3A_488 : memref<1x50xi32, #tpu.memory_space<vmem>> -> memref<50xi32, #tpu.memory_space<vmem>>
        %dma_start3A_490 = arith.constant 0 : i32
        %dma_start3A_491 = arith.constant 0 : i32
        %dma_start3A_492 = tpu.memref_slice %arg14[%dma_start3A_490, %dma_start3A_491] : memref<10000x128xf32, #tpu.memory_space<vmem_shared>> -> memref<10000x128xf32, #tpu.memory_space<vmem_shared>>
        tpu.enqueue_indirect_dma source(%arg12 : memref<50x128xf32, #tpu.memory_space<vmem>>) target(%dma_start3A_492 : memref<10000x128xf32, #tpu.memory_space<vmem_shared>>) offsets(%dma_start3A_489 : memref<50xi32, #tpu.memory_space<vmem>>) semaphore(%run_scoped3A : memref<!tpu.dma_semaphore, #tpu.memory_space<semaphore_mem>>) {add = true}
        %dma_wait3A_493 = arith.constant 0 : i32
        %dma_wait3A_494 = tpu.memref_slice %arg7[%add3A_451, %dma_wait3A_493] : memref<40x50xi32, #tpu.memory_space<vmem>> -> memref<1x50xi32, #tpu.memory_space<vmem>>
        %dma_wait3A_495 = tpu.memref_squeeze %dma_wait3A_494 : memref<1x50xi32, #tpu.memory_space<vmem>> -> memref<50xi32, #tpu.memory_space<vmem>>
        %dma_wait3A_496 = arith.constant 0 : i32
        %dma_wait3A_497 = arith.constant 0 : i32
        %dma_wait3A_498 = tpu.memref_slice %arg14[%dma_wait3A_496, %dma_wait3A_497] : memref<10000x128xf32, #tpu.memory_space<vmem_shared>> -> memref<10000x128xf32, #tpu.memory_space<vmem_shared>>
        tpu.wait_indirect_dma semaphore(%run_scoped3A : memref<!tpu.dma_semaphore, #tpu.memory_space<semaphore_mem>>) src(%arg12 : memref<50x128xf32, #tpu.memory_space<vmem>>) dst(%dma_wait3A_498 : memref<10000x128xf32, #tpu.memory_space<vmem_shared>>)
        tpu.yield
      }) : () -> ()
      %mul3A_467 = arith.constant 4 : i32
      %mul3A_468 = arith.muli %scan3A_410, %mul3A_467 : i32
      %add3A_469 = arith.constant 3 : i32
      %add3A_470 = arith.addi %mul3A_468, %add3A_469 : i32
      %dma_wait3A_471 = arith.constant 0 : i32
      %dma_wait3A_472 = tpu.memref_slice %arg6[%add3A_470, %dma_wait3A_471] : memref<40x50xi32, #tpu.memory_space<vmem>> -> memref<1x50xi32, #tpu.memory_space<vmem>>
      %dma_wait3A_473 = tpu.memref_squeeze %dma_wait3A_472 : memref<1x50xi32, #tpu.memory_space<vmem>> -> memref<50xi32, #tpu.memory_space<vmem>>
      %dma_wait3A_474 = arith.constant 0 : i32
      %dma_wait3A_475 = arith.constant 0 : i32
      %dma_wait3A_476 = tpu.memref_slice %arg2[%dma_wait3A_474, %dma_wait3A_475] : memref<10000x128xf32, #tpu.memory_space<hbm>> -> memref<10000x128xf32, #tpu.memory_space<hbm>>
      tpu.wait_indirect_dma semaphore(%arg20 : memref<!tpu.dma_semaphore, #tpu.memory_space<semaphore_mem>>) src(%dma_wait3A_476 : memref<10000x128xf32, #tpu.memory_space<hbm>>) dst(%arg13 : memref<50x128xf32, #tpu.memory_space<vmem>>)
      %add3A_477 = arith.constant 4 : i32
      %add3A_478 = arith.addi %add3A_470, %add3A_477 : i32
      %sub3A_479 = arith.constant 1 : i32
      %sub3A_480 = arith.subi %add3A_478, %sub3A_479 : i32
      %lt3A_481 = arith.constant 40 : i32
      %lt3A_482 = arith.cmpi slt, %sub3A_480, %lt3A_481 : i32
      %convert_element_type3A_483 = arith.extui %lt3A_482 : i1 to i32
      %cond3A_484 = arith.constant 0 : i32
      %cond3A_485 = arith.cmpi ne, %convert_element_type3A_483, %cond3A_484 : i32
      scf.if %cond3A_485 {
        %add3A_487 = arith.constant 4 : i32
        %add3A_488 = arith.addi %add3A_470, %add3A_487 : i32
        %sub3A_489 = arith.constant 1 : i32
        %sub3A_490 = arith.subi %add3A_488, %sub3A_489 : i32
        %dma_start3A_491 = arith.constant 0 : i32
        %dma_start3A_492 = tpu.memref_slice %arg6[%sub3A_490, %dma_start3A_491] : memref<40x50xi32, #tpu.memory_space<vmem>> -> memref<1x50xi32, #tpu.memory_space<vmem>>
        %dma_start3A_493 = tpu.memref_squeeze %dma_start3A_492 : memref<1x50xi32, #tpu.memory_space<vmem>> -> memref<50xi32, #tpu.memory_space<vmem>>
        %dma_start3A_494 = arith.constant 0 : i32
        %dma_start3A_495 = arith.constant 0 : i32
        %dma_start3A_496 = tpu.memref_slice %arg2[%dma_start3A_494, %dma_start3A_495] : memref<10000x128xf32, #tpu.memory_space<hbm>> -> memref<10000x128xf32, #tpu.memory_space<hbm>>
        tpu.enqueue_indirect_dma source(%dma_start3A_496 : memref<10000x128xf32, #tpu.memory_space<hbm>>) target(%arg12 : memref<50x128xf32, #tpu.memory_space<vmem>>) offsets(%dma_start3A_493 : memref<50xi32, #tpu.memory_space<vmem>>) semaphore(%arg19 : memref<!tpu.dma_semaphore, #tpu.memory_space<semaphore_mem>>)
      } else {
      }
      "tpu.region"() ({
        %run_scoped3A = tpu.sem_alloc : memref<!tpu.dma_semaphore, #tpu.memory_space<semaphore_mem>>
        %dma_start3A_487 = arith.constant 0 : i32
        %dma_start3A_488 = tpu.memref_slice %arg7[%add3A_470, %dma_start3A_487] : memref<40x50xi32, #tpu.memory_space<vmem>> -> memref<1x50xi32, #tpu.memory_space<vmem>>
        %dma_start3A_489 = tpu.memref_squeeze %dma_start3A_488 : memref<1x50xi32, #tpu.memory_space<vmem>> -> memref<50xi32, #tpu.memory_space<vmem>>
        %dma_start3A_490 = arith.constant 0 : i32
        %dma_start3A_491 = arith.constant 0 : i32
        %dma_start3A_492 = tpu.memref_slice %arg14[%dma_start3A_490, %dma_start3A_491] : memref<10000x128xf32, #tpu.memory_space<vmem_shared>> -> memref<10000x128xf32, #tpu.memory_space<vmem_shared>>
        tpu.enqueue_indirect_dma source(%arg13 : memref<50x128xf32, #tpu.memory_space<vmem>>) target(%dma_start3A_492 : memref<10000x128xf32, #tpu.memory_space<vmem_shared>>) offsets(%dma_start3A_489 : memref<50xi32, #tpu.memory_space<vmem>>) semaphore(%run_scoped3A : memref<!tpu.dma_semaphore, #tpu.memory_space<semaphore_mem>>) {add = true}
        %dma_wait3A_493 = arith.constant 0 : i32
        %dma_wait3A_494 = tpu.memref_slice %arg7[%add3A_470, %dma_wait3A_493] : memref<40x50xi32, #tpu.memory_space<vmem>> -> memref<1x50xi32, #tpu.memory_space<vmem>>
        %dma_wait3A_495 = tpu.memref_squeeze %dma_wait3A_494 : memref<1x50xi32, #tpu.memory_space<vmem>> -> memref<50xi32, #tpu.memory_space<vmem>>
        %dma_wait3A_496 = arith.constant 0 : i32
        %dma_wait3A_497 = arith.constant 0 : i32
        %dma_wait3A_498 = tpu.memref_slice %arg14[%dma_wait3A_496, %dma_wait3A_497] : memref<10000x128xf32, #tpu.memory_space<vmem_shared>> -> memref<10000x128xf32, #tpu.memory_space<vmem_shared>>
        tpu.wait_indirect_dma semaphore(%run_scoped3A : memref<!tpu.dma_semaphore, #tpu.memory_space<semaphore_mem>>) src(%arg13 : memref<50x128xf32, #tpu.memory_space<vmem>>) dst(%dma_wait3A_498 : memref<10000x128xf32, #tpu.memory_space<vmem_shared>>)
        tpu.yield
      }) : () -> ()
      %scan3A_486 = arith.constant 0 : i32
      scf.yield %scan3A_486 : i32
    }
    %scan3A_113 = arith.constant 10 : i32
    %mul3A_114 = arith.constant 5 : i32
    %mul3A_115 = arith.muli %add3A, %mul3A_114 : i32
    %add3A_116 = arith.constant 1 : i32
    %add3A_117 = arith.addi %mul3A_115, %add3A_116 : i32
    %dma_wait3A_118 = arith.constant 0 : i32
    %dma_wait3A_119 = arith.constant 0 : i32
    %dma_wait3A_120 = tpu.memref_slice %arg3[%add3A_117, %dma_wait3A_118, %dma_wait3A_119] : memref<160x40x50xi32, #tpu.memory_space<hbm>> -> memref<1x40x50xi32, #tpu.memory_space<hbm>>
    %dma_wait3A_121 = tpu.memref_squeeze %dma_wait3A_120 : memref<1x40x50xi32, #tpu.memory_space<hbm>> -> memref<40x50xi32, #tpu.memory_space<hbm>>
    %dma_wait3A_122 = arith.constant 0 : i32
    %dma_wait3A_123 = arith.constant 0 : i32
    %dma_wait3A_124 = tpu.memref_slice %arg3[%add3A_117, %dma_wait3A_122, %dma_wait3A_123] : memref<160x40x50xi32, #tpu.memory_space<hbm>> -> memref<1x40x50xi32, #tpu.memory_space<hbm>>
    %dma_wait3A_125 = tpu.memref_squeeze %dma_wait3A_124 : memref<1x40x50xi32, #tpu.memory_space<hbm>> -> memref<40x50xi32, #tpu.memory_space<hbm>>
    tpu.wait_dma2 semaphore(%arg16 : memref<!tpu.dma_semaphore, #tpu.memory_space<semaphore_mem>>) src(%dma_wait3A_125 : memref<40x50xi32, #tpu.memory_space<hbm>>) dst(%arg8 : memref<40x50xi32, #tpu.memory_space<vmem>>)
    %mul3A_126 = arith.constant 5 : i32
    %mul3A_127 = arith.muli %add3A, %mul3A_126 : i32
    %add3A_128 = arith.constant 1 : i32
    %add3A_129 = arith.addi %mul3A_127, %add3A_128 : i32
    %dma_wait3A_130 = arith.constant 0 : i32
    %dma_wait3A_131 = arith.constant 0 : i32
    %dma_wait3A_132 = tpu.memref_slice %arg4[%add3A_129, %dma_wait3A_130, %dma_wait3A_131] : memref<160x40x50xi32, #tpu.memory_space<hbm>> -> memref<1x40x50xi32, #tpu.memory_space<hbm>>
    %dma_wait3A_133 = tpu.memref_squeeze %dma_wait3A_132 : memref<1x40x50xi32, #tpu.memory_space<hbm>> -> memref<40x50xi32, #tpu.memory_space<hbm>>
    %dma_wait3A_134 = arith.constant 0 : i32
    %dma_wait3A_135 = arith.constant 0 : i32
    %dma_wait3A_136 = tpu.memref_slice %arg4[%add3A_129, %dma_wait3A_134, %dma_wait3A_135] : memref<160x40x50xi32, #tpu.memory_space<hbm>> -> memref<1x40x50xi32, #tpu.memory_space<hbm>>
    %dma_wait3A_137 = tpu.memref_squeeze %dma_wait3A_136 : memref<1x40x50xi32, #tpu.memory_space<hbm>> -> memref<40x50xi32, #tpu.memory_space<hbm>>
    tpu.wait_dma2 semaphore(%arg16 : memref<!tpu.dma_semaphore, #tpu.memory_space<semaphore_mem>>) src(%dma_wait3A_137 : memref<40x50xi32, #tpu.memory_space<hbm>>) dst(%arg9 : memref<40x50xi32, #tpu.memory_space<vmem>>)
    %mul3A_138 = arith.constant 5 : i32
    %mul3A_139 = arith.muli %add3A, %mul3A_138 : i32
    %add3A_140 = arith.constant 1 : i32
    %add3A_141 = arith.addi %mul3A_139, %add3A_140 : i32
    %add3A_142 = arith.constant 1 : i32
    %add3A_143 = arith.addi %add3A_141, %add3A_142 : i32
    %dma_start3A_144 = arith.constant 0 : i32
    %dma_start3A_145 = arith.constant 0 : i32
    %dma_start3A_146 = tpu.memref_slice %arg3[%add3A_143, %dma_start3A_144, %dma_start3A_145] : memref<160x40x50xi32, #tpu.memory_space<hbm>> -> memref<1x40x50xi32, #tpu.memory_space<hbm>>
    %dma_start3A_147 = tpu.memref_squeeze %dma_start3A_146 : memref<1x40x50xi32, #tpu.memory_space<hbm>> -> memref<40x50xi32, #tpu.memory_space<hbm>>
    %dma_start3A_148 = arith.constant 0 : i32
    %dma_start3A_149 = arith.constant 0 : i32
    %dma_start3A_150 = tpu.memref_slice %arg3[%add3A_143, %dma_start3A_148, %dma_start3A_149] : memref<160x40x50xi32, #tpu.memory_space<hbm>> -> memref<1x40x50xi32, #tpu.memory_space<hbm>>
    %dma_start3A_151 = tpu.memref_squeeze %dma_start3A_150 : memref<1x40x50xi32, #tpu.memory_space<hbm>> -> memref<40x50xi32, #tpu.memory_space<hbm>>
    tpu.enqueue_dma source(%dma_start3A_151 : memref<40x50xi32, #tpu.memory_space<hbm>>) target(%arg6 : memref<40x50xi32, #tpu.memory_space<vmem>>) target_semaphore(%arg15 : memref<!tpu.dma_semaphore, #tpu.memory_space<semaphore_mem>>)
    %mul3A_152 = arith.constant 5 : i32
    %mul3A_153 = arith.muli %add3A, %mul3A_152 : i32
    %add3A_154 = arith.constant 1 : i32
    %add3A_155 = arith.addi %mul3A_153, %add3A_154 : i32
    %add3A_156 = arith.constant 1 : i32
    %add3A_157 = arith.addi %add3A_155, %add3A_156 : i32
    %dma_start3A_158 = arith.constant 0 : i32
    %dma_start3A_159 = arith.constant 0 : i32
    %dma_start3A_160 = tpu.memref_slice %arg4[%add3A_157, %dma_start3A_158, %dma_start3A_159] : memref<160x40x50xi32, #tpu.memory_space<hbm>> -> memref<1x40x50xi32, #tpu.memory_space<hbm>>
    %dma_start3A_161 = tpu.memref_squeeze %dma_start3A_160 : memref<1x40x50xi32, #tpu.memory_space<hbm>> -> memref<40x50xi32, #tpu.memory_space<hbm>>
    %dma_start3A_162 = arith.constant 0 : i32
    %dma_start3A_163 = arith.constant 0 : i32
    %dma_start3A_164 = tpu.memref_slice %arg4[%add3A_157, %dma_start3A_162, %dma_start3A_163] : memref<160x40x50xi32, #tpu.memory_space<hbm>> -> memref<1x40x50xi32, #tpu.memory_space<hbm>>
    %dma_start3A_165 = tpu.memref_squeeze %dma_start3A_164 : memref<1x40x50xi32, #tpu.memory_space<hbm>> -> memref<40x50xi32, #tpu.memory_space<hbm>>
    tpu.enqueue_dma source(%dma_start3A_165 : memref<40x50xi32, #tpu.memory_space<hbm>>) target(%arg7 : memref<40x50xi32, #tpu.memory_space<vmem>>) target_semaphore(%arg15 : memref<!tpu.dma_semaphore, #tpu.memory_space<semaphore_mem>>)
    %dma_start3A_166 = arith.constant 0 : i32
    %dma_start3A_167 = arith.constant 0 : i32
    %dma_start3A_168 = tpu.memref_slice %arg8[%dma_start3A_166, %dma_start3A_167] : memref<40x50xi32, #tpu.memory_space<vmem>> -> memref<1x50xi32, #tpu.memory_space<vmem>>
    %dma_start3A_169 = tpu.memref_squeeze %dma_start3A_168 : memref<1x50xi32, #tpu.memory_space<vmem>> -> memref<50xi32, #tpu.memory_space<vmem>>
    %dma_start3A_170 = arith.constant 0 : i32
    %dma_start3A_171 = arith.constant 0 : i32
    %dma_start3A_172 = tpu.memref_slice %arg2[%dma_start3A_170, %dma_start3A_171] : memref<10000x128xf32, #tpu.memory_space<hbm>> -> memref<10000x128xf32, #tpu.memory_space<hbm>>
    tpu.enqueue_indirect_dma source(%dma_start3A_172 : memref<10000x128xf32, #tpu.memory_space<hbm>>) target(%arg10 : memref<50x128xf32, #tpu.memory_space<vmem>>) offsets(%dma_start3A_169 : memref<50xi32, #tpu.memory_space<vmem>>) semaphore(%arg17 : memref<!tpu.dma_semaphore, #tpu.memory_space<semaphore_mem>>)
    %dma_start3A_173 = arith.constant 1 : i32
    %dma_start3A_174 = arith.constant 0 : i32
    %dma_start3A_175 = tpu.memref_slice %arg8[%dma_start3A_173, %dma_start3A_174] : memref<40x50xi32, #tpu.memory_space<vmem>> -> memref<1x50xi32, #tpu.memory_space<vmem>>
    %dma_start3A_176 = tpu.memref_squeeze %dma_start3A_175 : memref<1x50xi32, #tpu.memory_space<vmem>> -> memref<50xi32, #tpu.memory_space<vmem>>
    %dma_start3A_177 = arith.constant 0 : i32
    %dma_start3A_178 = arith.constant 0 : i32
    %dma_start3A_179 = tpu.memref_slice %arg2[%dma_start3A_177, %dma_start3A_178] : memref<10000x128xf32, #tpu.memory_space<hbm>> -> memref<10000x128xf32, #tpu.memory_space<hbm>>
    tpu.enqueue_indirect_dma source(%dma_start3A_179 : memref<10000x128xf32, #tpu.memory_space<hbm>>) target(%arg11 : memref<50x128xf32, #tpu.memory_space<vmem>>) offsets(%dma_start3A_176 : memref<50xi32, #tpu.memory_space<vmem>>) semaphore(%arg18 : memref<!tpu.dma_semaphore, #tpu.memory_space<semaphore_mem>>)
    %dma_start3A_180 = arith.constant 2 : i32
    %dma_start3A_181 = arith.constant 0 : i32
    %dma_start3A_182 = tpu.memref_slice %arg8[%dma_start3A_180, %dma_start3A_181] : memref<40x50xi32, #tpu.memory_space<vmem>> -> memref<1x50xi32, #tpu.memory_space<vmem>>
    %dma_start3A_183 = tpu.memref_squeeze %dma_start3A_182 : memref<1x50xi32, #tpu.memory_space<vmem>> -> memref<50xi32, #tpu.memory_space<vmem>>
    %dma_start3A_184 = arith.constant 0 : i32
    %dma_start3A_185 = arith.constant 0 : i32
    %dma_start3A_186 = tpu.memref_slice %arg2[%dma_start3A_184, %dma_start3A_185] : memref<10000x128xf32, #tpu.memory_space<hbm>> -> memref<10000x128xf32, #tpu.memory_space<hbm>>
    tpu.enqueue_indirect_dma source(%dma_start3A_186 : memref<10000x128xf32, #tpu.memory_space<hbm>>) target(%arg12 : memref<50x128xf32, #tpu.memory_space<vmem>>) offsets(%dma_start3A_183 : memref<50xi32, #tpu.memory_space<vmem>>) semaphore(%arg19 : memref<!tpu.dma_semaphore, #tpu.memory_space<semaphore_mem>>)
    %scan3A_187 = arith.constant 0 : i32
    %scan3A_188 = arith.constant 0 : i32
    %scan3A_189 = arith.constant 10 : i32
    %scan3A_190 = arith.addi %scan3A_188, %scan3A_189 : i32
    %scan3A_191 = arith.constant 1 : i32
    %scan3A_192 = scf.for %scan3A_410 = %scan3A_188 to %scan3A_190 step %scan3A_191 iter_args(%scan3A_411 = %scan3A_187) -> (i32)  : i32 {
      %mul3A_412 = arith.constant 4 : i32
      %mul3A_413 = arith.muli %scan3A_410, %mul3A_412 : i32
      %add3A_414 = arith.constant 0 : i32
      %add3A_415 = arith.addi %mul3A_413, %add3A_414 : i32
      %dma_wait3A_416 = arith.constant 0 : i32
      %dma_wait3A_417 = tpu.memref_slice %arg8[%add3A_415, %dma_wait3A_416] : memref<40x50xi32, #tpu.memory_space<vmem>> -> memref<1x50xi32, #tpu.memory_space<vmem>>
      %dma_wait3A_418 = tpu.memref_squeeze %dma_wait3A_417 : memref<1x50xi32, #tpu.memory_space<vmem>> -> memref<50xi32, #tpu.memory_space<vmem>>
      %dma_wait3A_419 = arith.constant 0 : i32
      %dma_wait3A_420 = arith.constant 0 : i32
      %dma_wait3A_421 = tpu.memref_slice %arg2[%dma_wait3A_419, %dma_wait3A_420] : memref<10000x128xf32, #tpu.memory_space<hbm>> -> memref<10000x128xf32, #tpu.memory_space<hbm>>
      tpu.wait_indirect_dma semaphore(%arg17 : memref<!tpu.dma_semaphore, #tpu.memory_space<semaphore_mem>>) src(%dma_wait3A_421 : memref<10000x128xf32, #tpu.memory_space<hbm>>) dst(%arg10 : memref<50x128xf32, #tpu.memory_space<vmem>>)
      %add3A_422 = arith.constant 4 : i32
      %add3A_423 = arith.addi %add3A_415, %add3A_422 : i32
      %sub3A = arith.constant 1 : i32
      %sub3A_424 = arith.subi %add3A_423, %sub3A : i32
      %lt3A = arith.constant 40 : i32
      %lt3A_425 = arith.cmpi slt, %sub3A_424, %lt3A : i32
      %convert_element_type3A_426 = arith.extui %lt3A_425 : i1 to i32
      %cond3A_427 = arith.constant 0 : i32
      %cond3A_428 = arith.cmpi ne, %convert_element_type3A_426, %cond3A_427 : i32
      scf.if %cond3A_428 {
        %add3A_487 = arith.constant 4 : i32
        %add3A_488 = arith.addi %add3A_415, %add3A_487 : i32
        %sub3A_489 = arith.constant 1 : i32
        %sub3A_490 = arith.subi %add3A_488, %sub3A_489 : i32
        %dma_start3A_491 = arith.constant 0 : i32
        %dma_start3A_492 = tpu.memref_slice %arg8[%sub3A_490, %dma_start3A_491] : memref<40x50xi32, #tpu.memory_space<vmem>> -> memref<1x50xi32, #tpu.memory_space<vmem>>
        %dma_start3A_493 = tpu.memref_squeeze %dma_start3A_492 : memref<1x50xi32, #tpu.memory_space<vmem>> -> memref<50xi32, #tpu.memory_space<vmem>>
        %dma_start3A_494 = arith.constant 0 : i32
        %dma_start3A_495 = arith.constant 0 : i32
        %dma_start3A_496 = tpu.memref_slice %arg2[%dma_start3A_494, %dma_start3A_495] : memref<10000x128xf32, #tpu.memory_space<hbm>> -> memref<10000x128xf32, #tpu.memory_space<hbm>>
        tpu.enqueue_indirect_dma source(%dma_start3A_496 : memref<10000x128xf32, #tpu.memory_space<hbm>>) target(%arg13 : memref<50x128xf32, #tpu.memory_space<vmem>>) offsets(%dma_start3A_493 : memref<50xi32, #tpu.memory_space<vmem>>) semaphore(%arg20 : memref<!tpu.dma_semaphore, #tpu.memory_space<semaphore_mem>>)
      } else {
      }
      "tpu.region"() ({
        %run_scoped3A = tpu.sem_alloc : memref<!tpu.dma_semaphore, #tpu.memory_space<semaphore_mem>>
        %dma_start3A_487 = arith.constant 0 : i32
        %dma_start3A_488 = tpu.memref_slice %arg9[%add3A_415, %dma_start3A_487] : memref<40x50xi32, #tpu.memory_space<vmem>> -> memref<1x50xi32, #tpu.memory_space<vmem>>
        %dma_start3A_489 = tpu.memref_squeeze %dma_start3A_488 : memref<1x50xi32, #tpu.memory_space<vmem>> -> memref<50xi32, #tpu.memory_space<vmem>>
        %dma_start3A_490 = arith.constant 0 : i32
        %dma_start3A_491 = arith.constant 0 : i32
        %dma_start3A_492 = tpu.memref_slice %arg14[%dma_start3A_490, %dma_start3A_491] : memref<10000x128xf32, #tpu.memory_space<vmem_shared>> -> memref<10000x128xf32, #tpu.memory_space<vmem_shared>>
        tpu.enqueue_indirect_dma source(%arg10 : memref<50x128xf32, #tpu.memory_space<vmem>>) target(%dma_start3A_492 : memref<10000x128xf32, #tpu.memory_space<vmem_shared>>) offsets(%dma_start3A_489 : memref<50xi32, #tpu.memory_space<vmem>>) semaphore(%run_scoped3A : memref<!tpu.dma_semaphore, #tpu.memory_space<semaphore_mem>>) {add = true}
        %dma_wait3A_493 = arith.constant 0 : i32
        %dma_wait3A_494 = tpu.memref_slice %arg9[%add3A_415, %dma_wait3A_493] : memref<40x50xi32, #tpu.memory_space<vmem>> -> memref<1x50xi32, #tpu.memory_space<vmem>>
        %dma_wait3A_495 = tpu.memref_squeeze %dma_wait3A_494 : memref<1x50xi32, #tpu.memory_space<vmem>> -> memref<50xi32, #tpu.memory_space<vmem>>
        %dma_wait3A_496 = arith.constant 0 : i32
        %dma_wait3A_497 = arith.constant 0 : i32
        %dma_wait3A_498 = tpu.memref_slice %arg14[%dma_wait3A_496, %dma_wait3A_497] : memref<10000x128xf32, #tpu.memory_space<vmem_shared>> -> memref<10000x128xf32, #tpu.memory_space<vmem_shared>>
        tpu.wait_indirect_dma semaphore(%run_scoped3A : memref<!tpu.dma_semaphore, #tpu.memory_space<semaphore_mem>>) src(%arg10 : memref<50x128xf32, #tpu.memory_space<vmem>>) dst(%dma_wait3A_498 : memref<10000x128xf32, #tpu.memory_space<vmem_shared>>)
        tpu.yield
      }) : () -> ()
      %mul3A_429 = arith.constant 4 : i32
      %mul3A_430 = arith.muli %scan3A_410, %mul3A_429 : i32
      %add3A_431 = arith.constant 1 : i32
      %add3A_432 = arith.addi %mul3A_430, %add3A_431 : i32
      %dma_wait3A_433 = arith.constant 0 : i32
      %dma_wait3A_434 = tpu.memref_slice %arg8[%add3A_432, %dma_wait3A_433] : memref<40x50xi32, #tpu.memory_space<vmem>> -> memref<1x50xi32, #tpu.memory_space<vmem>>
      %dma_wait3A_435 = tpu.memref_squeeze %dma_wait3A_434 : memref<1x50xi32, #tpu.memory_space<vmem>> -> memref<50xi32, #tpu.memory_space<vmem>>
      %dma_wait3A_436 = arith.constant 0 : i32
      %dma_wait3A_437 = arith.constant 0 : i32
      %dma_wait3A_438 = tpu.memref_slice %arg2[%dma_wait3A_436, %dma_wait3A_437] : memref<10000x128xf32, #tpu.memory_space<hbm>> -> memref<10000x128xf32, #tpu.memory_space<hbm>>
      tpu.wait_indirect_dma semaphore(%arg18 : memref<!tpu.dma_semaphore, #tpu.memory_space<semaphore_mem>>) src(%dma_wait3A_438 : memref<10000x128xf32, #tpu.memory_space<hbm>>) dst(%arg11 : memref<50x128xf32, #tpu.memory_space<vmem>>)
      %add3A_439 = arith.constant 4 : i32
      %add3A_440 = arith.addi %add3A_432, %add3A_439 : i32
      %sub3A_441 = arith.constant 1 : i32
      %sub3A_442 = arith.subi %add3A_440, %sub3A_441 : i32
      %lt3A_443 = arith.constant 40 : i32
      %lt3A_444 = arith.cmpi slt, %sub3A_442, %lt3A_443 : i32
      %convert_element_type3A_445 = arith.extui %lt3A_444 : i1 to i32
      %cond3A_446 = arith.constant 0 : i32
      %cond3A_447 = arith.cmpi ne, %convert_element_type3A_445, %cond3A_446 : i32
      scf.if %cond3A_447 {
        %add3A_487 = arith.constant 4 : i32
        %add3A_488 = arith.addi %add3A_432, %add3A_487 : i32
        %sub3A_489 = arith.constant 1 : i32
        %sub3A_490 = arith.subi %add3A_488, %sub3A_489 : i32
        %dma_start3A_491 = arith.constant 0 : i32
        %dma_start3A_492 = tpu.memref_slice %arg8[%sub3A_490, %dma_start3A_491] : memref<40x50xi32, #tpu.memory_space<vmem>> -> memref<1x50xi32, #tpu.memory_space<vmem>>
        %dma_start3A_493 = tpu.memref_squeeze %dma_start3A_492 : memref<1x50xi32, #tpu.memory_space<vmem>> -> memref<50xi32, #tpu.memory_space<vmem>>
        %dma_start3A_494 = arith.constant 0 : i32
        %dma_start3A_495 = arith.constant 0 : i32
        %dma_start3A_496 = tpu.memref_slice %arg2[%dma_start3A_494, %dma_start3A_495] : memref<10000x128xf32, #tpu.memory_space<hbm>> -> memref<10000x128xf32, #tpu.memory_space<hbm>>
        tpu.enqueue_indirect_dma source(%dma_start3A_496 : memref<10000x128xf32, #tpu.memory_space<hbm>>) target(%arg10 : memref<50x128xf32, #tpu.memory_space<vmem>>) offsets(%dma_start3A_493 : memref<50xi32, #tpu.memory_space<vmem>>) semaphore(%arg17 : memref<!tpu.dma_semaphore, #tpu.memory_space<semaphore_mem>>)
      } else {
      }
      "tpu.region"() ({
        %run_scoped3A = tpu.sem_alloc : memref<!tpu.dma_semaphore, #tpu.memory_space<semaphore_mem>>
        %dma_start3A_487 = arith.constant 0 : i32
        %dma_start3A_488 = tpu.memref_slice %arg9[%add3A_432, %dma_start3A_487] : memref<40x50xi32, #tpu.memory_space<vmem>> -> memref<1x50xi32, #tpu.memory_space<vmem>>
        %dma_start3A_489 = tpu.memref_squeeze %dma_start3A_488 : memref<1x50xi32, #tpu.memory_space<vmem>> -> memref<50xi32, #tpu.memory_space<vmem>>
        %dma_start3A_490 = arith.constant 0 : i32
        %dma_start3A_491 = arith.constant 0 : i32
        %dma_start3A_492 = tpu.memref_slice %arg14[%dma_start3A_490, %dma_start3A_491] : memref<10000x128xf32, #tpu.memory_space<vmem_shared>> -> memref<10000x128xf32, #tpu.memory_space<vmem_shared>>
        tpu.enqueue_indirect_dma source(%arg11 : memref<50x128xf32, #tpu.memory_space<vmem>>) target(%dma_start3A_492 : memref<10000x128xf32, #tpu.memory_space<vmem_shared>>) offsets(%dma_start3A_489 : memref<50xi32, #tpu.memory_space<vmem>>) semaphore(%run_scoped3A : memref<!tpu.dma_semaphore, #tpu.memory_space<semaphore_mem>>) {add = true}
        %dma_wait3A_493 = arith.constant 0 : i32
        %dma_wait3A_494 = tpu.memref_slice %arg9[%add3A_432, %dma_wait3A_493] : memref<40x50xi32, #tpu.memory_space<vmem>> -> memref<1x50xi32, #tpu.memory_space<vmem>>
        %dma_wait3A_495 = tpu.memref_squeeze %dma_wait3A_494 : memref<1x50xi32, #tpu.memory_space<vmem>> -> memref<50xi32, #tpu.memory_space<vmem>>
        %dma_wait3A_496 = arith.constant 0 : i32
        %dma_wait3A_497 = arith.constant 0 : i32
        %dma_wait3A_498 = tpu.memref_slice %arg14[%dma_wait3A_496, %dma_wait3A_497] : memref<10000x128xf32, #tpu.memory_space<vmem_shared>> -> memref<10000x128xf32, #tpu.memory_space<vmem_shared>>
        tpu.wait_indirect_dma semaphore(%run_scoped3A : memref<!tpu.dma_semaphore, #tpu.memory_space<semaphore_mem>>) src(%arg11 : memref<50x128xf32, #tpu.memory_space<vmem>>) dst(%dma_wait3A_498 : memref<10000x128xf32, #tpu.memory_space<vmem_shared>>)
        tpu.yield
      }) : () -> ()
      %mul3A_448 = arith.constant 4 : i32
      %mul3A_449 = arith.muli %scan3A_410, %mul3A_448 : i32
      %add3A_450 = arith.constant 2 : i32
      %add3A_451 = arith.addi %mul3A_449, %add3A_450 : i32
      %dma_wait3A_452 = arith.constant 0 : i32
      %dma_wait3A_453 = tpu.memref_slice %arg8[%add3A_451, %dma_wait3A_452] : memref<40x50xi32, #tpu.memory_space<vmem>> -> memref<1x50xi32, #tpu.memory_space<vmem>>
      %dma_wait3A_454 = tpu.memref_squeeze %dma_wait3A_453 : memref<1x50xi32, #tpu.memory_space<vmem>> -> memref<50xi32, #tpu.memory_space<vmem>>
      %dma_wait3A_455 = arith.constant 0 : i32
      %dma_wait3A_456 = arith.constant 0 : i32
      %dma_wait3A_457 = tpu.memref_slice %arg2[%dma_wait3A_455, %dma_wait3A_456] : memref<10000x128xf32, #tpu.memory_space<hbm>> -> memref<10000x128xf32, #tpu.memory_space<hbm>>
      tpu.wait_indirect_dma semaphore(%arg19 : memref<!tpu.dma_semaphore, #tpu.memory_space<semaphore_mem>>) src(%dma_wait3A_457 : memref<10000x128xf32, #tpu.memory_space<hbm>>) dst(%arg12 : memref<50x128xf32, #tpu.memory_space<vmem>>)
      %add3A_458 = arith.constant 4 : i32
      %add3A_459 = arith.addi %add3A_451, %add3A_458 : i32
      %sub3A_460 = arith.constant 1 : i32
      %sub3A_461 = arith.subi %add3A_459, %sub3A_460 : i32
      %lt3A_462 = arith.constant 40 : i32
      %lt3A_463 = arith.cmpi slt, %sub3A_461, %lt3A_462 : i32
      %convert_element_type3A_464 = arith.extui %lt3A_463 : i1 to i32
      %cond3A_465 = arith.constant 0 : i32
      %cond3A_466 = arith.cmpi ne, %convert_element_type3A_464, %cond3A_465 : i32
      scf.if %cond3A_466 {
        %add3A_487 = arith.constant 4 : i32
        %add3A_488 = arith.addi %add3A_451, %add3A_487 : i32
        %sub3A_489 = arith.constant 1 : i32
        %sub3A_490 = arith.subi %add3A_488, %sub3A_489 : i32
        %dma_start3A_491 = arith.constant 0 : i32
        %dma_start3A_492 = tpu.memref_slice %arg8[%sub3A_490, %dma_start3A_491] : memref<40x50xi32, #tpu.memory_space<vmem>> -> memref<1x50xi32, #tpu.memory_space<vmem>>
        %dma_start3A_493 = tpu.memref_squeeze %dma_start3A_492 : memref<1x50xi32, #tpu.memory_space<vmem>> -> memref<50xi32, #tpu.memory_space<vmem>>
        %dma_start3A_494 = arith.constant 0 : i32
        %dma_start3A_495 = arith.constant 0 : i32
        %dma_start3A_496 = tpu.memref_slice %arg2[%dma_start3A_494, %dma_start3A_495] : memref<10000x128xf32, #tpu.memory_space<hbm>> -> memref<10000x128xf32, #tpu.memory_space<hbm>>
        tpu.enqueue_indirect_dma source(%dma_start3A_496 : memref<10000x128xf32, #tpu.memory_space<hbm>>) target(%arg11 : memref<50x128xf32, #tpu.memory_space<vmem>>) offsets(%dma_start3A_493 : memref<50xi32, #tpu.memory_space<vmem>>) semaphore(%arg18 : memref<!tpu.dma_semaphore, #tpu.memory_space<semaphore_mem>>)
      } else {
      }
      "tpu.region"() ({
        %run_scoped3A = tpu.sem_alloc : memref<!tpu.dma_semaphore, #tpu.memory_space<semaphore_mem>>
        %dma_start3A_487 = arith.constant 0 : i32
        %dma_start3A_488 = tpu.memref_slice %arg9[%add3A_451, %dma_start3A_487] : memref<40x50xi32, #tpu.memory_space<vmem>> -> memref<1x50xi32, #tpu.memory_space<vmem>>
        %dma_start3A_489 = tpu.memref_squeeze %dma_start3A_488 : memref<1x50xi32, #tpu.memory_space<vmem>> -> memref<50xi32, #tpu.memory_space<vmem>>
        %dma_start3A_490 = arith.constant 0 : i32
        %dma_start3A_491 = arith.constant 0 : i32
        %dma_start3A_492 = tpu.memref_slice %arg14[%dma_start3A_490, %dma_start3A_491] : memref<10000x128xf32, #tpu.memory_space<vmem_shared>> -> memref<10000x128xf32, #tpu.memory_space<vmem_shared>>
        tpu.enqueue_indirect_dma source(%arg12 : memref<50x128xf32, #tpu.memory_space<vmem>>) target(%dma_start3A_492 : memref<10000x128xf32, #tpu.memory_space<vmem_shared>>) offsets(%dma_start3A_489 : memref<50xi32, #tpu.memory_space<vmem>>) semaphore(%run_scoped3A : memref<!tpu.dma_semaphore, #tpu.memory_space<semaphore_mem>>) {add = true}
        %dma_wait3A_493 = arith.constant 0 : i32
        %dma_wait3A_494 = tpu.memref_slice %arg9[%add3A_451, %dma_wait3A_493] : memref<40x50xi32, #tpu.memory_space<vmem>> -> memref<1x50xi32, #tpu.memory_space<vmem>>
        %dma_wait3A_495 = tpu.memref_squeeze %dma_wait3A_494 : memref<1x50xi32, #tpu.memory_space<vmem>> -> memref<50xi32, #tpu.memory_space<vmem>>
        %dma_wait3A_496 = arith.constant 0 : i32
        %dma_wait3A_497 = arith.constant 0 : i32
        %dma_wait3A_498 = tpu.memref_slice %arg14[%dma_wait3A_496, %dma_wait3A_497] : memref<10000x128xf32, #tpu.memory_space<vmem_shared>> -> memref<10000x128xf32, #tpu.memory_space<vmem_shared>>
        tpu.wait_indirect_dma semaphore(%run_scoped3A : memref<!tpu.dma_semaphore, #tpu.memory_space<semaphore_mem>>) src(%arg12 : memref<50x128xf32, #tpu.memory_space<vmem>>) dst(%dma_wait3A_498 : memref<10000x128xf32, #tpu.memory_space<vmem_shared>>)
        tpu.yield
      }) : () -> ()
      %mul3A_467 = arith.constant 4 : i32
      %mul3A_468 = arith.muli %scan3A_410, %mul3A_467 : i32
      %add3A_469 = arith.constant 3 : i32
      %add3A_470 = arith.addi %mul3A_468, %add3A_469 : i32
      %dma_wait3A_471 = arith.constant 0 : i32
      %dma_wait3A_472 = tpu.memref_slice %arg8[%add3A_470, %dma_wait3A_471] : memref<40x50xi32, #tpu.memory_space<vmem>> -> memref<1x50xi32, #tpu.memory_space<vmem>>
      %dma_wait3A_473 = tpu.memref_squeeze %dma_wait3A_472 : memref<1x50xi32, #tpu.memory_space<vmem>> -> memref<50xi32, #tpu.memory_space<vmem>>
      %dma_wait3A_474 = arith.constant 0 : i32
      %dma_wait3A_475 = arith.constant 0 : i32
      %dma_wait3A_476 = tpu.memref_slice %arg2[%dma_wait3A_474, %dma_wait3A_475] : memref<10000x128xf32, #tpu.memory_space<hbm>> -> memref<10000x128xf32, #tpu.memory_space<hbm>>
      tpu.wait_indirect_dma semaphore(%arg20 : memref<!tpu.dma_semaphore, #tpu.memory_space<semaphore_mem>>) src(%dma_wait3A_476 : memref<10000x128xf32, #tpu.memory_space<hbm>>) dst(%arg13 : memref<50x128xf32, #tpu.memory_space<vmem>>)
      %add3A_477 = arith.constant 4 : i32
      %add3A_478 = arith.addi %add3A_470, %add3A_477 : i32
      %sub3A_479 = arith.constant 1 : i32
      %sub3A_480 = arith.subi %add3A_478, %sub3A_479 : i32
      %lt3A_481 = arith.constant 40 : i32
      %lt3A_482 = arith.cmpi slt, %sub3A_480, %lt3A_481 : i32
      %convert_element_type3A_483 = arith.extui %lt3A_482 : i1 to i32
      %cond3A_484 = arith.constant 0 : i32
      %cond3A_485 = arith.cmpi ne, %convert_element_type3A_483, %cond3A_484 : i32
      scf.if %cond3A_485 {
        %add3A_487 = arith.constant 4 : i32
        %add3A_488 = arith.addi %add3A_470, %add3A_487 : i32
        %sub3A_489 = arith.constant 1 : i32
        %sub3A_490 = arith.subi %add3A_488, %sub3A_489 : i32
        %dma_start3A_491 = arith.constant 0 : i32
        %dma_start3A_492 = tpu.memref_slice %arg8[%sub3A_490, %dma_start3A_491] : memref<40x50xi32, #tpu.memory_space<vmem>> -> memref<1x50xi32, #tpu.memory_space<vmem>>
        %dma_start3A_493 = tpu.memref_squeeze %dma_start3A_492 : memref<1x50xi32, #tpu.memory_space<vmem>> -> memref<50xi32, #tpu.memory_space<vmem>>
        %dma_start3A_494 = arith.constant 0 : i32
        %dma_start3A_495 = arith.constant 0 : i32
        %dma_start3A_496 = tpu.memref_slice %arg2[%dma_start3A_494, %dma_start3A_495] : memref<10000x128xf32, #tpu.memory_space<hbm>> -> memref<10000x128xf32, #tpu.memory_space<hbm>>
        tpu.enqueue_indirect_dma source(%dma_start3A_496 : memref<10000x128xf32, #tpu.memory_space<hbm>>) target(%arg12 : memref<50x128xf32, #tpu.memory_space<vmem>>) offsets(%dma_start3A_493 : memref<50xi32, #tpu.memory_space<vmem>>) semaphore(%arg19 : memref<!tpu.dma_semaphore, #tpu.memory_space<semaphore_mem>>)
      } else {
      }
      "tpu.region"() ({
        %run_scoped3A = tpu.sem_alloc : memref<!tpu.dma_semaphore, #tpu.memory_space<semaphore_mem>>
        %dma_start3A_487 = arith.constant 0 : i32
        %dma_start3A_488 = tpu.memref_slice %arg9[%add3A_470, %dma_start3A_487] : memref<40x50xi32, #tpu.memory_space<vmem>> -> memref<1x50xi32, #tpu.memory_space<vmem>>
        %dma_start3A_489 = tpu.memref_squeeze %dma_start3A_488 : memref<1x50xi32, #tpu.memory_space<vmem>> -> memref<50xi32, #tpu.memory_space<vmem>>
        %dma_start3A_490 = arith.constant 0 : i32
        %dma_start3A_491 = arith.constant 0 : i32
        %dma_start3A_492 = tpu.memref_slice %arg14[%dma_start3A_490, %dma_start3A_491] : memref<10000x128xf32, #tpu.memory_space<vmem_shared>> -> memref<10000x128xf32, #tpu.memory_space<vmem_shared>>
        tpu.enqueue_indirect_dma source(%arg13 : memref<50x128xf32, #tpu.memory_space<vmem>>) target(%dma_start3A_492 : memref<10000x128xf32, #tpu.memory_space<vmem_shared>>) offsets(%dma_start3A_489 : memref<50xi32, #tpu.memory_space<vmem>>) semaphore(%run_scoped3A : memref<!tpu.dma_semaphore, #tpu.memory_space<semaphore_mem>>) {add = true}
        %dma_wait3A_493 = arith.constant 0 : i32
        %dma_wait3A_494 = tpu.memref_slice %arg9[%add3A_470, %dma_wait3A_493] : memref<40x50xi32, #tpu.memory_space<vmem>> -> memref<1x50xi32, #tpu.memory_space<vmem>>
        %dma_wait3A_495 = tpu.memref_squeeze %dma_wait3A_494 : memref<1x50xi32, #tpu.memory_space<vmem>> -> memref<50xi32, #tpu.memory_space<vmem>>
        %dma_wait3A_496 = arith.constant 0 : i32
        %dma_wait3A_497 = arith.constant 0 : i32
        %dma_wait3A_498 = tpu.memref_slice %arg14[%dma_wait3A_496, %dma_wait3A_497] : memref<10000x128xf32, #tpu.memory_space<vmem_shared>> -> memref<10000x128xf32, #tpu.memory_space<vmem_shared>>
        tpu.wait_indirect_dma semaphore(%run_scoped3A : memref<!tpu.dma_semaphore, #tpu.memory_space<semaphore_mem>>) src(%arg13 : memref<50x128xf32, #tpu.memory_space<vmem>>) dst(%dma_wait3A_498 : memref<10000x128xf32, #tpu.memory_space<vmem_shared>>)
        tpu.yield
      }) : () -> ()
      %scan3A_486 = arith.constant 0 : i32
      scf.yield %scan3A_486 : i32
    }
    %scan3A_193 = arith.constant 10 : i32
    %mul3A_194 = arith.constant 5 : i32
    %mul3A_195 = arith.muli %add3A, %mul3A_194 : i32
    %add3A_196 = arith.constant 2 : i32
    %add3A_197 = arith.addi %mul3A_195, %add3A_196 : i32
    %dma_wait3A_198 = arith.constant 0 : i32
    %dma_wait3A_199 = arith.constant 0 : i32
    %dma_wait3A_200 = tpu.memref_slice %arg3[%add3A_197, %dma_wait3A_198, %dma_wait3A_199] : memref<160x40x50xi32, #tpu.memory_space<hbm>> -> memref<1x40x50xi32, #tpu.memory_space<hbm>>
    %dma_wait3A_201 = tpu.memref_squeeze %dma_wait3A_200 : memref<1x40x50xi32, #tpu.memory_space<hbm>> -> memref<40x50xi32, #tpu.memory_space<hbm>>
    %dma_wait3A_202 = arith.constant 0 : i32
    %dma_wait3A_203 = arith.constant 0 : i32
    %dma_wait3A_204 = tpu.memref_slice %arg3[%add3A_197, %dma_wait3A_202, %dma_wait3A_203] : memref<160x40x50xi32, #tpu.memory_space<hbm>> -> memref<1x40x50xi32, #tpu.memory_space<hbm>>
    %dma_wait3A_205 = tpu.memref_squeeze %dma_wait3A_204 : memref<1x40x50xi32, #tpu.memory_space<hbm>> -> memref<40x50xi32, #tpu.memory_space<hbm>>
    tpu.wait_dma2 semaphore(%arg15 : memref<!tpu.dma_semaphore, #tpu.memory_space<semaphore_mem>>) src(%dma_wait3A_205 : memref<40x50xi32, #tpu.memory_space<hbm>>) dst(%arg6 : memref<40x50xi32, #tpu.memory_space<vmem>>)
    %mul3A_206 = arith.constant 5 : i32
    %mul3A_207 = arith.muli %add3A, %mul3A_206 : i32
    %add3A_208 = arith.constant 2 : i32
    %add3A_209 = arith.addi %mul3A_207, %add3A_208 : i32
    %dma_wait3A_210 = arith.constant 0 : i32
    %dma_wait3A_211 = arith.constant 0 : i32
    %dma_wait3A_212 = tpu.memref_slice %arg4[%add3A_209, %dma_wait3A_210, %dma_wait3A_211] : memref<160x40x50xi32, #tpu.memory_space<hbm>> -> memref<1x40x50xi32, #tpu.memory_space<hbm>>
    %dma_wait3A_213 = tpu.memref_squeeze %dma_wait3A_212 : memref<1x40x50xi32, #tpu.memory_space<hbm>> -> memref<40x50xi32, #tpu.memory_space<hbm>>
    %dma_wait3A_214 = arith.constant 0 : i32
    %dma_wait3A_215 = arith.constant 0 : i32
    %dma_wait3A_216 = tpu.memref_slice %arg4[%add3A_209, %dma_wait3A_214, %dma_wait3A_215] : memref<160x40x50xi32, #tpu.memory_space<hbm>> -> memref<1x40x50xi32, #tpu.memory_space<hbm>>
    %dma_wait3A_217 = tpu.memref_squeeze %dma_wait3A_216 : memref<1x40x50xi32, #tpu.memory_space<hbm>> -> memref<40x50xi32, #tpu.memory_space<hbm>>
    tpu.wait_dma2 semaphore(%arg15 : memref<!tpu.dma_semaphore, #tpu.memory_space<semaphore_mem>>) src(%dma_wait3A_217 : memref<40x50xi32, #tpu.memory_space<hbm>>) dst(%arg7 : memref<40x50xi32, #tpu.memory_space<vmem>>)
    %mul3A_218 = arith.constant 5 : i32
    %mul3A_219 = arith.muli %add3A, %mul3A_218 : i32
    %add3A_220 = arith.constant 2 : i32
    %add3A_221 = arith.addi %mul3A_219, %add3A_220 : i32
    %add3A_222 = arith.constant 1 : i32
    %add3A_223 = arith.addi %add3A_221, %add3A_222 : i32
    %dma_start3A_224 = arith.constant 0 : i32
    %dma_start3A_225 = arith.constant 0 : i32
    %dma_start3A_226 = tpu.memref_slice %arg3[%add3A_223, %dma_start3A_224, %dma_start3A_225] : memref<160x40x50xi32, #tpu.memory_space<hbm>> -> memref<1x40x50xi32, #tpu.memory_space<hbm>>
    %dma_start3A_227 = tpu.memref_squeeze %dma_start3A_226 : memref<1x40x50xi32, #tpu.memory_space<hbm>> -> memref<40x50xi32, #tpu.memory_space<hbm>>
    %dma_start3A_228 = arith.constant 0 : i32
    %dma_start3A_229 = arith.constant 0 : i32
    %dma_start3A_230 = tpu.memref_slice %arg3[%add3A_223, %dma_start3A_228, %dma_start3A_229] : memref<160x40x50xi32, #tpu.memory_space<hbm>> -> memref<1x40x50xi32, #tpu.memory_space<hbm>>
    %dma_start3A_231 = tpu.memref_squeeze %dma_start3A_230 : memref<1x40x50xi32, #tpu.memory_space<hbm>> -> memref<40x50xi32, #tpu.memory_space<hbm>>
    tpu.enqueue_dma source(%dma_start3A_231 : memref<40x50xi32, #tpu.memory_space<hbm>>) target(%arg8 : memref<40x50xi32, #tpu.memory_space<vmem>>) target_semaphore(%arg16 : memref<!tpu.dma_semaphore, #tpu.memory_space<semaphore_mem>>)
    %mul3A_232 = arith.constant 5 : i32
    %mul3A_233 = arith.muli %add3A, %mul3A_232 : i32
    %add3A_234 = arith.constant 2 : i32
    %add3A_235 = arith.addi %mul3A_233, %add3A_234 : i32
    %add3A_236 = arith.constant 1 : i32
    %add3A_237 = arith.addi %add3A_235, %add3A_236 : i32
    %dma_start3A_238 = arith.constant 0 : i32
    %dma_start3A_239 = arith.constant 0 : i32
    %dma_start3A_240 = tpu.memref_slice %arg4[%add3A_237, %dma_start3A_238, %dma_start3A_239] : memref<160x40x50xi32, #tpu.memory_space<hbm>> -> memref<1x40x50xi32, #tpu.memory_space<hbm>>
    %dma_start3A_241 = tpu.memref_squeeze %dma_start3A_240 : memref<1x40x50xi32, #tpu.memory_space<hbm>> -> memref<40x50xi32, #tpu.memory_space<hbm>>
    %dma_start3A_242 = arith.constant 0 : i32
    %dma_start3A_243 = arith.constant 0 : i32
    %dma_start3A_244 = tpu.memref_slice %arg4[%add3A_237, %dma_start3A_242, %dma_start3A_243] : memref<160x40x50xi32, #tpu.memory_space<hbm>> -> memref<1x40x50xi32, #tpu.memory_space<hbm>>
    %dma_start3A_245 = tpu.memref_squeeze %dma_start3A_244 : memref<1x40x50xi32, #tpu.memory_space<hbm>> -> memref<40x50xi32, #tpu.memory_space<hbm>>
    tpu.enqueue_dma source(%dma_start3A_245 : memref<40x50xi32, #tpu.memory_space<hbm>>) target(%arg9 : memref<40x50xi32, #tpu.memory_space<vmem>>) target_semaphore(%arg16 : memref<!tpu.dma_semaphore, #tpu.memory_space<semaphore_mem>>)
    %dma_start3A_246 = arith.constant 0 : i32
    %dma_start3A_247 = arith.constant 0 : i32
    %dma_start3A_248 = tpu.memref_slice %arg6[%dma_start3A_246, %dma_start3A_247] : memref<40x50xi32, #tpu.memory_space<vmem>> -> memref<1x50xi32, #tpu.memory_space<vmem>>
    %dma_start3A_249 = tpu.memref_squeeze %dma_start3A_248 : memref<1x50xi32, #tpu.memory_space<vmem>> -> memref<50xi32, #tpu.memory_space<vmem>>
    %dma_start3A_250 = arith.constant 0 : i32
    %dma_start3A_251 = arith.constant 0 : i32
    %dma_start3A_252 = tpu.memref_slice %arg2[%dma_start3A_250, %dma_start3A_251] : memref<10000x128xf32, #tpu.memory_space<hbm>> -> memref<10000x128xf32, #tpu.memory_space<hbm>>
    tpu.enqueue_indirect_dma source(%dma_start3A_252 : memref<10000x128xf32, #tpu.memory_space<hbm>>) target(%arg10 : memref<50x128xf32, #tpu.memory_space<vmem>>) offsets(%dma_start3A_249 : memref<50xi32, #tpu.memory_space<vmem>>) semaphore(%arg17 : memref<!tpu.dma_semaphore, #tpu.memory_space<semaphore_mem>>)
    %dma_start3A_253 = arith.constant 1 : i32
    %dma_start3A_254 = arith.constant 0 : i32
    %dma_start3A_255 = tpu.memref_slice %arg6[%dma_start3A_253, %dma_start3A_254] : memref<40x50xi32, #tpu.memory_space<vmem>> -> memref<1x50xi32, #tpu.memory_space<vmem>>
    %dma_start3A_256 = tpu.memref_squeeze %dma_start3A_255 : memref<1x50xi32, #tpu.memory_space<vmem>> -> memref<50xi32, #tpu.memory_space<vmem>>
    %dma_start3A_257 = arith.constant 0 : i32
    %dma_start3A_258 = arith.constant 0 : i32
    %dma_start3A_259 = tpu.memref_slice %arg2[%dma_start3A_257, %dma_start3A_258] : memref<10000x128xf32, #tpu.memory_space<hbm>> -> memref<10000x128xf32, #tpu.memory_space<hbm>>
    tpu.enqueue_indirect_dma source(%dma_start3A_259 : memref<10000x128xf32, #tpu.memory_space<hbm>>) target(%arg11 : memref<50x128xf32, #tpu.memory_space<vmem>>) offsets(%dma_start3A_256 : memref<50xi32, #tpu.memory_space<vmem>>) semaphore(%arg18 : memref<!tpu.dma_semaphore, #tpu.memory_space<semaphore_mem>>)
    %dma_start3A_260 = arith.constant 2 : i32
    %dma_start3A_261 = arith.constant 0 : i32
    %dma_start3A_262 = tpu.memref_slice %arg6[%dma_start3A_260, %dma_start3A_261] : memref<40x50xi32, #tpu.memory_space<vmem>> -> memref<1x50xi32, #tpu.memory_space<vmem>>
    %dma_start3A_263 = tpu.memref_squeeze %dma_start3A_262 : memref<1x50xi32, #tpu.memory_space<vmem>> -> memref<50xi32, #tpu.memory_space<vmem>>
    %dma_start3A_264 = arith.constant 0 : i32
    %dma_start3A_265 = arith.constant 0 : i32
    %dma_start3A_266 = tpu.memref_slice %arg2[%dma_start3A_264, %dma_start3A_265] : memref<10000x128xf32, #tpu.memory_space<hbm>> -> memref<10000x128xf32, #tpu.memory_space<hbm>>
    tpu.enqueue_indirect_dma source(%dma_start3A_266 : memref<10000x128xf32, #tpu.memory_space<hbm>>) target(%arg12 : memref<50x128xf32, #tpu.memory_space<vmem>>) offsets(%dma_start3A_263 : memref<50xi32, #tpu.memory_space<vmem>>) semaphore(%arg19 : memref<!tpu.dma_semaphore, #tpu.memory_space<semaphore_mem>>)
    %scan3A_267 = arith.constant 0 : i32
    %scan3A_268 = arith.constant 0 : i32
    %scan3A_269 = arith.constant 10 : i32
    %scan3A_270 = arith.addi %scan3A_268, %scan3A_269 : i32
    %scan3A_271 = arith.constant 1 : i32
    %scan3A_272 = scf.for %scan3A_410 = %scan3A_268 to %scan3A_270 step %scan3A_271 iter_args(%scan3A_411 = %scan3A_267) -> (i32)  : i32 {
      %mul3A_412 = arith.constant 4 : i32
      %mul3A_413 = arith.muli %scan3A_410, %mul3A_412 : i32
      %add3A_414 = arith.constant 0 : i32
      %add3A_415 = arith.addi %mul3A_413, %add3A_414 : i32
      %dma_wait3A_416 = arith.constant 0 : i32
      %dma_wait3A_417 = tpu.memref_slice %arg6[%add3A_415, %dma_wait3A_416] : memref<40x50xi32, #tpu.memory_space<vmem>> -> memref<1x50xi32, #tpu.memory_space<vmem>>
      %dma_wait3A_418 = tpu.memref_squeeze %dma_wait3A_417 : memref<1x50xi32, #tpu.memory_space<vmem>> -> memref<50xi32, #tpu.memory_space<vmem>>
      %dma_wait3A_419 = arith.constant 0 : i32
      %dma_wait3A_420 = arith.constant 0 : i32
      %dma_wait3A_421 = tpu.memref_slice %arg2[%dma_wait3A_419, %dma_wait3A_420] : memref<10000x128xf32, #tpu.memory_space<hbm>> -> memref<10000x128xf32, #tpu.memory_space<hbm>>
      tpu.wait_indirect_dma semaphore(%arg17 : memref<!tpu.dma_semaphore, #tpu.memory_space<semaphore_mem>>) src(%dma_wait3A_421 : memref<10000x128xf32, #tpu.memory_space<hbm>>) dst(%arg10 : memref<50x128xf32, #tpu.memory_space<vmem>>)
      %add3A_422 = arith.constant 4 : i32
      %add3A_423 = arith.addi %add3A_415, %add3A_422 : i32
      %sub3A = arith.constant 1 : i32
      %sub3A_424 = arith.subi %add3A_423, %sub3A : i32
      %lt3A = arith.constant 40 : i32
      %lt3A_425 = arith.cmpi slt, %sub3A_424, %lt3A : i32
      %convert_element_type3A_426 = arith.extui %lt3A_425 : i1 to i32
      %cond3A_427 = arith.constant 0 : i32
      %cond3A_428 = arith.cmpi ne, %convert_element_type3A_426, %cond3A_427 : i32
      scf.if %cond3A_428 {
        %add3A_487 = arith.constant 4 : i32
        %add3A_488 = arith.addi %add3A_415, %add3A_487 : i32
        %sub3A_489 = arith.constant 1 : i32
        %sub3A_490 = arith.subi %add3A_488, %sub3A_489 : i32
        %dma_start3A_491 = arith.constant 0 : i32
        %dma_start3A_492 = tpu.memref_slice %arg6[%sub3A_490, %dma_start3A_491] : memref<40x50xi32, #tpu.memory_space<vmem>> -> memref<1x50xi32, #tpu.memory_space<vmem>>
        %dma_start3A_493 = tpu.memref_squeeze %dma_start3A_492 : memref<1x50xi32, #tpu.memory_space<vmem>> -> memref<50xi32, #tpu.memory_space<vmem>>
        %dma_start3A_494 = arith.constant 0 : i32
        %dma_start3A_495 = arith.constant 0 : i32
        %dma_start3A_496 = tpu.memref_slice %arg2[%dma_start3A_494, %dma_start3A_495] : memref<10000x128xf32, #tpu.memory_space<hbm>> -> memref<10000x128xf32, #tpu.memory_space<hbm>>
        tpu.enqueue_indirect_dma source(%dma_start3A_496 : memref<10000x128xf32, #tpu.memory_space<hbm>>) target(%arg13 : memref<50x128xf32, #tpu.memory_space<vmem>>) offsets(%dma_start3A_493 : memref<50xi32, #tpu.memory_space<vmem>>) semaphore(%arg20 : memref<!tpu.dma_semaphore, #tpu.memory_space<semaphore_mem>>)
      } else {
      }
      "tpu.region"() ({
        %run_scoped3A = tpu.sem_alloc : memref<!tpu.dma_semaphore, #tpu.memory_space<semaphore_mem>>
        %dma_start3A_487 = arith.constant 0 : i32
        %dma_start3A_488 = tpu.memref_slice %arg7[%add3A_415, %dma_start3A_487] : memref<40x50xi32, #tpu.memory_space<vmem>> -> memref<1x50xi32, #tpu.memory_space<vmem>>
        %dma_start3A_489 = tpu.memref_squeeze %dma_start3A_488 : memref<1x50xi32, #tpu.memory_space<vmem>> -> memref<50xi32, #tpu.memory_space<vmem>>
        %dma_start3A_490 = arith.constant 0 : i32
        %dma_start3A_491 = arith.constant 0 : i32
        %dma_start3A_492 = tpu.memref_slice %arg14[%dma_start3A_490, %dma_start3A_491] : memref<10000x128xf32, #tpu.memory_space<vmem_shared>> -> memref<10000x128xf32, #tpu.memory_space<vmem_shared>>
        tpu.enqueue_indirect_dma source(%arg10 : memref<50x128xf32, #tpu.memory_space<vmem>>) target(%dma_start3A_492 : memref<10000x128xf32, #tpu.memory_space<vmem_shared>>) offsets(%dma_start3A_489 : memref<50xi32, #tpu.memory_space<vmem>>) semaphore(%run_scoped3A : memref<!tpu.dma_semaphore, #tpu.memory_space<semaphore_mem>>) {add = true}
        %dma_wait3A_493 = arith.constant 0 : i32
        %dma_wait3A_494 = tpu.memref_slice %arg7[%add3A_415, %dma_wait3A_493] : memref<40x50xi32, #tpu.memory_space<vmem>> -> memref<1x50xi32, #tpu.memory_space<vmem>>
        %dma_wait3A_495 = tpu.memref_squeeze %dma_wait3A_494 : memref<1x50xi32, #tpu.memory_space<vmem>> -> memref<50xi32, #tpu.memory_space<vmem>>
        %dma_wait3A_496 = arith.constant 0 : i32
        %dma_wait3A_497 = arith.constant 0 : i32
        %dma_wait3A_498 = tpu.memref_slice %arg14[%dma_wait3A_496, %dma_wait3A_497] : memref<10000x128xf32, #tpu.memory_space<vmem_shared>> -> memref<10000x128xf32, #tpu.memory_space<vmem_shared>>
        tpu.wait_indirect_dma semaphore(%run_scoped3A : memref<!tpu.dma_semaphore, #tpu.memory_space<semaphore_mem>>) src(%arg10 : memref<50x128xf32, #tpu.memory_space<vmem>>) dst(%dma_wait3A_498 : memref<10000x128xf32, #tpu.memory_space<vmem_shared>>)
        tpu.yield
      }) : () -> ()
      %mul3A_429 = arith.constant 4 : i32
      %mul3A_430 = arith.muli %scan3A_410, %mul3A_429 : i32
      %add3A_431 = arith.constant 1 : i32
      %add3A_432 = arith.addi %mul3A_430, %add3A_431 : i32
      %dma_wait3A_433 = arith.constant 0 : i32
      %dma_wait3A_434 = tpu.memref_slice %arg6[%add3A_432, %dma_wait3A_433] : memref<40x50xi32, #tpu.memory_space<vmem>> -> memref<1x50xi32, #tpu.memory_space<vmem>>
      %dma_wait3A_435 = tpu.memref_squeeze %dma_wait3A_434 : memref<1x50xi32, #tpu.memory_space<vmem>> -> memref<50xi32, #tpu.memory_space<vmem>>
      %dma_wait3A_436 = arith.constant 0 : i32
      %dma_wait3A_437 = arith.constant 0 : i32
      %dma_wait3A_438 = tpu.memref_slice %arg2[%dma_wait3A_436, %dma_wait3A_437] : memref<10000x128xf32, #tpu.memory_space<hbm>> -> memref<10000x128xf32, #tpu.memory_space<hbm>>
      tpu.wait_indirect_dma semaphore(%arg18 : memref<!tpu.dma_semaphore, #tpu.memory_space<semaphore_mem>>) src(%dma_wait3A_438 : memref<10000x128xf32, #tpu.memory_space<hbm>>) dst(%arg11 : memref<50x128xf32, #tpu.memory_space<vmem>>)
      %add3A_439 = arith.constant 4 : i32
      %add3A_440 = arith.addi %add3A_432, %add3A_439 : i32
      %sub3A_441 = arith.constant 1 : i32
      %sub3A_442 = arith.subi %add3A_440, %sub3A_441 : i32
      %lt3A_443 = arith.constant 40 : i32
      %lt3A_444 = arith.cmpi slt, %sub3A_442, %lt3A_443 : i32
      %convert_element_type3A_445 = arith.extui %lt3A_444 : i1 to i32
      %cond3A_446 = arith.constant 0 : i32
      %cond3A_447 = arith.cmpi ne, %convert_element_type3A_445, %cond3A_446 : i32
      scf.if %cond3A_447 {
        %add3A_487 = arith.constant 4 : i32
        %add3A_488 = arith.addi %add3A_432, %add3A_487 : i32
        %sub3A_489 = arith.constant 1 : i32
        %sub3A_490 = arith.subi %add3A_488, %sub3A_489 : i32
        %dma_start3A_491 = arith.constant 0 : i32
        %dma_start3A_492 = tpu.memref_slice %arg6[%sub3A_490, %dma_start3A_491] : memref<40x50xi32, #tpu.memory_space<vmem>> -> memref<1x50xi32, #tpu.memory_space<vmem>>
        %dma_start3A_493 = tpu.memref_squeeze %dma_start3A_492 : memref<1x50xi32, #tpu.memory_space<vmem>> -> memref<50xi32, #tpu.memory_space<vmem>>
        %dma_start3A_494 = arith.constant 0 : i32
        %dma_start3A_495 = arith.constant 0 : i32
        %dma_start3A_496 = tpu.memref_slice %arg2[%dma_start3A_494, %dma_start3A_495] : memref<10000x128xf32, #tpu.memory_space<hbm>> -> memref<10000x128xf32, #tpu.memory_space<hbm>>
        tpu.enqueue_indirect_dma source(%dma_start3A_496 : memref<10000x128xf32, #tpu.memory_space<hbm>>) target(%arg10 : memref<50x128xf32, #tpu.memory_space<vmem>>) offsets(%dma_start3A_493 : memref<50xi32, #tpu.memory_space<vmem>>) semaphore(%arg17 : memref<!tpu.dma_semaphore, #tpu.memory_space<semaphore_mem>>)
      } else {
      }
      "tpu.region"() ({
        %run_scoped3A = tpu.sem_alloc : memref<!tpu.dma_semaphore, #tpu.memory_space<semaphore_mem>>
        %dma_start3A_487 = arith.constant 0 : i32
        %dma_start3A_488 = tpu.memref_slice %arg7[%add3A_432, %dma_start3A_487] : memref<40x50xi32, #tpu.memory_space<vmem>> -> memref<1x50xi32, #tpu.memory_space<vmem>>
        %dma_start3A_489 = tpu.memref_squeeze %dma_start3A_488 : memref<1x50xi32, #tpu.memory_space<vmem>> -> memref<50xi32, #tpu.memory_space<vmem>>
        %dma_start3A_490 = arith.constant 0 : i32
        %dma_start3A_491 = arith.constant 0 : i32
        %dma_start3A_492 = tpu.memref_slice %arg14[%dma_start3A_490, %dma_start3A_491] : memref<10000x128xf32, #tpu.memory_space<vmem_shared>> -> memref<10000x128xf32, #tpu.memory_space<vmem_shared>>
        tpu.enqueue_indirect_dma source(%arg11 : memref<50x128xf32, #tpu.memory_space<vmem>>) target(%dma_start3A_492 : memref<10000x128xf32, #tpu.memory_space<vmem_shared>>) offsets(%dma_start3A_489 : memref<50xi32, #tpu.memory_space<vmem>>) semaphore(%run_scoped3A : memref<!tpu.dma_semaphore, #tpu.memory_space<semaphore_mem>>) {add = true}
        %dma_wait3A_493 = arith.constant 0 : i32
        %dma_wait3A_494 = tpu.memref_slice %arg7[%add3A_432, %dma_wait3A_493] : memref<40x50xi32, #tpu.memory_space<vmem>> -> memref<1x50xi32, #tpu.memory_space<vmem>>
        %dma_wait3A_495 = tpu.memref_squeeze %dma_wait3A_494 : memref<1x50xi32, #tpu.memory_space<vmem>> -> memref<50xi32, #tpu.memory_space<vmem>>
        %dma_wait3A_496 = arith.constant 0 : i32
        %dma_wait3A_497 = arith.constant 0 : i32
        %dma_wait3A_498 = tpu.memref_slice %arg14[%dma_wait3A_496, %dma_wait3A_497] : memref<10000x128xf32, #tpu.memory_space<vmem_shared>> -> memref<10000x128xf32, #tpu.memory_space<vmem_shared>>
        tpu.wait_indirect_dma semaphore(%run_scoped3A : memref<!tpu.dma_semaphore, #tpu.memory_space<semaphore_mem>>) src(%arg11 : memref<50x128xf32, #tpu.memory_space<vmem>>) dst(%dma_wait3A_498 : memref<10000x128xf32, #tpu.memory_space<vmem_shared>>)
        tpu.yield
      }) : () -> ()
      %mul3A_448 = arith.constant 4 : i32
      %mul3A_449 = arith.muli %scan3A_410, %mul3A_448 : i32
      %add3A_450 = arith.constant 2 : i32
      %add3A_451 = arith.addi %mul3A_449, %add3A_450 : i32
      %dma_wait3A_452 = arith.constant 0 : i32
      %dma_wait3A_453 = tpu.memref_slice %arg6[%add3A_451, %dma_wait3A_452] : memref<40x50xi32, #tpu.memory_space<vmem>> -> memref<1x50xi32, #tpu.memory_space<vmem>>
      %dma_wait3A_454 = tpu.memref_squeeze %dma_wait3A_453 : memref<1x50xi32, #tpu.memory_space<vmem>> -> memref<50xi32, #tpu.memory_space<vmem>>
      %dma_wait3A_455 = arith.constant 0 : i32
      %dma_wait3A_456 = arith.constant 0 : i32
      %dma_wait3A_457 = tpu.memref_slice %arg2[%dma_wait3A_455, %dma_wait3A_456] : memref<10000x128xf32, #tpu.memory_space<hbm>> -> memref<10000x128xf32, #tpu.memory_space<hbm>>
      tpu.wait_indirect_dma semaphore(%arg19 : memref<!tpu.dma_semaphore, #tpu.memory_space<semaphore_mem>>) src(%dma_wait3A_457 : memref<10000x128xf32, #tpu.memory_space<hbm>>) dst(%arg12 : memref<50x128xf32, #tpu.memory_space<vmem>>)
      %add3A_458 = arith.constant 4 : i32
      %add3A_459 = arith.addi %add3A_451, %add3A_458 : i32
      %sub3A_460 = arith.constant 1 : i32
      %sub3A_461 = arith.subi %add3A_459, %sub3A_460 : i32
      %lt3A_462 = arith.constant 40 : i32
      %lt3A_463 = arith.cmpi slt, %sub3A_461, %lt3A_462 : i32
      %convert_element_type3A_464 = arith.extui %lt3A_463 : i1 to i32
      %cond3A_465 = arith.constant 0 : i32
      %cond3A_466 = arith.cmpi ne, %convert_element_type3A_464, %cond3A_465 : i32
      scf.if %cond3A_466 {
        %add3A_487 = arith.constant 4 : i32
        %add3A_488 = arith.addi %add3A_451, %add3A_487 : i32
        %sub3A_489 = arith.constant 1 : i32
        %sub3A_490 = arith.subi %add3A_488, %sub3A_489 : i32
        %dma_start3A_491 = arith.constant 0 : i32
        %dma_start3A_492 = tpu.memref_slice %arg6[%sub3A_490, %dma_start3A_491] : memref<40x50xi32, #tpu.memory_space<vmem>> -> memref<1x50xi32, #tpu.memory_space<vmem>>
        %dma_start3A_493 = tpu.memref_squeeze %dma_start3A_492 : memref<1x50xi32, #tpu.memory_space<vmem>> -> memref<50xi32, #tpu.memory_space<vmem>>
        %dma_start3A_494 = arith.constant 0 : i32
        %dma_start3A_495 = arith.constant 0 : i32
        %dma_start3A_496 = tpu.memref_slice %arg2[%dma_start3A_494, %dma_start3A_495] : memref<10000x128xf32, #tpu.memory_space<hbm>> -> memref<10000x128xf32, #tpu.memory_space<hbm>>
        tpu.enqueue_indirect_dma source(%dma_start3A_496 : memref<10000x128xf32, #tpu.memory_space<hbm>>) target(%arg11 : memref<50x128xf32, #tpu.memory_space<vmem>>) offsets(%dma_start3A_493 : memref<50xi32, #tpu.memory_space<vmem>>) semaphore(%arg18 : memref<!tpu.dma_semaphore, #tpu.memory_space<semaphore_mem>>)
      } else {
      }
      "tpu.region"() ({
        %run_scoped3A = tpu.sem_alloc : memref<!tpu.dma_semaphore, #tpu.memory_space<semaphore_mem>>
        %dma_start3A_487 = arith.constant 0 : i32
        %dma_start3A_488 = tpu.memref_slice %arg7[%add3A_451, %dma_start3A_487] : memref<40x50xi32, #tpu.memory_space<vmem>> -> memref<1x50xi32, #tpu.memory_space<vmem>>
        %dma_start3A_489 = tpu.memref_squeeze %dma_start3A_488 : memref<1x50xi32, #tpu.memory_space<vmem>> -> memref<50xi32, #tpu.memory_space<vmem>>
        %dma_start3A_490 = arith.constant 0 : i32
        %dma_start3A_491 = arith.constant 0 : i32
        %dma_start3A_492 = tpu.memref_slice %arg14[%dma_start3A_490, %dma_start3A_491] : memref<10000x128xf32, #tpu.memory_space<vmem_shared>> -> memref<10000x128xf32, #tpu.memory_space<vmem_shared>>
        tpu.enqueue_indirect_dma source(%arg12 : memref<50x128xf32, #tpu.memory_space<vmem>>) target(%dma_start3A_492 : memref<10000x128xf32, #tpu.memory_space<vmem_shared>>) offsets(%dma_start3A_489 : memref<50xi32, #tpu.memory_space<vmem>>) semaphore(%run_scoped3A : memref<!tpu.dma_semaphore, #tpu.memory_space<semaphore_mem>>) {add = true}
        %dma_wait3A_493 = arith.constant 0 : i32
        %dma_wait3A_494 = tpu.memref_slice %arg7[%add3A_451, %dma_wait3A_493] : memref<40x50xi32, #tpu.memory_space<vmem>> -> memref<1x50xi32, #tpu.memory_space<vmem>>
        %dma_wait3A_495 = tpu.memref_squeeze %dma_wait3A_494 : memref<1x50xi32, #tpu.memory_space<vmem>> -> memref<50xi32, #tpu.memory_space<vmem>>
        %dma_wait3A_496 = arith.constant 0 : i32
        %dma_wait3A_497 = arith.constant 0 : i32
        %dma_wait3A_498 = tpu.memref_slice %arg14[%dma_wait3A_496, %dma_wait3A_497] : memref<10000x128xf32, #tpu.memory_space<vmem_shared>> -> memref<10000x128xf32, #tpu.memory_space<vmem_shared>>
        tpu.wait_indirect_dma semaphore(%run_scoped3A : memref<!tpu.dma_semaphore, #tpu.memory_space<semaphore_mem>>) src(%arg12 : memref<50x128xf32, #tpu.memory_space<vmem>>) dst(%dma_wait3A_498 : memref<10000x128xf32, #tpu.memory_space<vmem_shared>>)
        tpu.yield
      }) : () -> ()
      %mul3A_467 = arith.constant 4 : i32
      %mul3A_468 = arith.muli %scan3A_410, %mul3A_467 : i32
      %add3A_469 = arith.constant 3 : i32
      %add3A_470 = arith.addi %mul3A_468, %add3A_469 : i32
      %dma_wait3A_471 = arith.constant 0 : i32
      %dma_wait3A_472 = tpu.memref_slice %arg6[%add3A_470, %dma_wait3A_471] : memref<40x50xi32, #tpu.memory_space<vmem>> -> memref<1x50xi32, #tpu.memory_space<vmem>>
      %dma_wait3A_473 = tpu.memref_squeeze %dma_wait3A_472 : memref<1x50xi32, #tpu.memory_space<vmem>> -> memref<50xi32, #tpu.memory_space<vmem>>
      %dma_wait3A_474 = arith.constant 0 : i32
      %dma_wait3A_475 = arith.constant 0 : i32
      %dma_wait3A_476 = tpu.memref_slice %arg2[%dma_wait3A_474, %dma_wait3A_475] : memref<10000x128xf32, #tpu.memory_space<hbm>> -> memref<10000x128xf32, #tpu.memory_space<hbm>>
      tpu.wait_indirect_dma semaphore(%arg20 : memref<!tpu.dma_semaphore, #tpu.memory_space<semaphore_mem>>) src(%dma_wait3A_476 : memref<10000x128xf32, #tpu.memory_space<hbm>>) dst(%arg13 : memref<50x128xf32, #tpu.memory_space<vmem>>)
      %add3A_477 = arith.constant 4 : i32
      %add3A_478 = arith.addi %add3A_470, %add3A_477 : i32
      %sub3A_479 = arith.constant 1 : i32
      %sub3A_480 = arith.subi %add3A_478, %sub3A_479 : i32
      %lt3A_481 = arith.constant 40 : i32
      %lt3A_482 = arith.cmpi slt, %sub3A_480, %lt3A_481 : i32
      %convert_element_type3A_483 = arith.extui %lt3A_482 : i1 to i32
      %cond3A_484 = arith.constant 0 : i32
      %cond3A_485 = arith.cmpi ne, %convert_element_type3A_483, %cond3A_484 : i32
      scf.if %cond3A_485 {
        %add3A_487 = arith.constant 4 : i32
        %add3A_488 = arith.addi %add3A_470, %add3A_487 : i32
        %sub3A_489 = arith.constant 1 : i32
        %sub3A_490 = arith.subi %add3A_488, %sub3A_489 : i32
        %dma_start3A_491 = arith.constant 0 : i32
        %dma_start3A_492 = tpu.memref_slice %arg6[%sub3A_490, %dma_start3A_491] : memref<40x50xi32, #tpu.memory_space<vmem>> -> memref<1x50xi32, #tpu.memory_space<vmem>>
        %dma_start3A_493 = tpu.memref_squeeze %dma_start3A_492 : memref<1x50xi32, #tpu.memory_space<vmem>> -> memref<50xi32, #tpu.memory_space<vmem>>
        %dma_start3A_494 = arith.constant 0 : i32
        %dma_start3A_495 = arith.constant 0 : i32
        %dma_start3A_496 = tpu.memref_slice %arg2[%dma_start3A_494, %dma_start3A_495] : memref<10000x128xf32, #tpu.memory_space<hbm>> -> memref<10000x128xf32, #tpu.memory_space<hbm>>
        tpu.enqueue_indirect_dma source(%dma_start3A_496 : memref<10000x128xf32, #tpu.memory_space<hbm>>) target(%arg12 : memref<50x128xf32, #tpu.memory_space<vmem>>) offsets(%dma_start3A_493 : memref<50xi32, #tpu.memory_space<vmem>>) semaphore(%arg19 : memref<!tpu.dma_semaphore, #tpu.memory_space<semaphore_mem>>)
      } else {
      }
      "tpu.region"() ({
        %run_scoped3A = tpu.sem_alloc : memref<!tpu.dma_semaphore, #tpu.memory_space<semaphore_mem>>
        %dma_start3A_487 = arith.constant 0 : i32
        %dma_start3A_488 = tpu.memref_slice %arg7[%add3A_470, %dma_start3A_487] : memref<40x50xi32, #tpu.memory_space<vmem>> -> memref<1x50xi32, #tpu.memory_space<vmem>>
        %dma_start3A_489 = tpu.memref_squeeze %dma_start3A_488 : memref<1x50xi32, #tpu.memory_space<vmem>> -> memref<50xi32, #tpu.memory_space<vmem>>
        %dma_start3A_490 = arith.constant 0 : i32
        %dma_start3A_491 = arith.constant 0 : i32
        %dma_start3A_492 = tpu.memref_slice %arg14[%dma_start3A_490, %dma_start3A_491] : memref<10000x128xf32, #tpu.memory_space<vmem_shared>> -> memref<10000x128xf32, #tpu.memory_space<vmem_shared>>
        tpu.enqueue_indirect_dma source(%arg13 : memref<50x128xf32, #tpu.memory_space<vmem>>) target(%dma_start3A_492 : memref<10000x128xf32, #tpu.memory_space<vmem_shared>>) offsets(%dma_start3A_489 : memref<50xi32, #tpu.memory_space<vmem>>) semaphore(%run_scoped3A : memref<!tpu.dma_semaphore, #tpu.memory_space<semaphore_mem>>) {add = true}
        %dma_wait3A_493 = arith.constant 0 : i32
        %dma_wait3A_494 = tpu.memref_slice %arg7[%add3A_470, %dma_wait3A_493] : memref<40x50xi32, #tpu.memory_space<vmem>> -> memref<1x50xi32, #tpu.memory_space<vmem>>
        %dma_wait3A_495 = tpu.memref_squeeze %dma_wait3A_494 : memref<1x50xi32, #tpu.memory_space<vmem>> -> memref<50xi32, #tpu.memory_space<vmem>>
        %dma_wait3A_496 = arith.constant 0 : i32
        %dma_wait3A_497 = arith.constant 0 : i32
        %dma_wait3A_498 = tpu.memref_slice %arg14[%dma_wait3A_496, %dma_wait3A_497] : memref<10000x128xf32, #tpu.memory_space<vmem_shared>> -> memref<10000x128xf32, #tpu.memory_space<vmem_shared>>
        tpu.wait_indirect_dma semaphore(%run_scoped3A : memref<!tpu.dma_semaphore, #tpu.memory_space<semaphore_mem>>) src(%arg13 : memref<50x128xf32, #tpu.memory_space<vmem>>) dst(%dma_wait3A_498 : memref<10000x128xf32, #tpu.memory_space<vmem_shared>>)
        tpu.yield
      }) : () -> ()
      %scan3A_486 = arith.constant 0 : i32
      scf.yield %scan3A_486 : i32
    }
    %scan3A_273 = arith.constant 10 : i32
    %mul3A_274 = arith.constant 5 : i32
    %mul3A_275 = arith.muli %add3A, %mul3A_274 : i32
    %add3A_276 = arith.constant 3 : i32
    %add3A_277 = arith.addi %mul3A_275, %add3A_276 : i32
    %dma_wait3A_278 = arith.constant 0 : i32
    %dma_wait3A_279 = arith.constant 0 : i32
    %dma_wait3A_280 = tpu.memref_slice %arg3[%add3A_277, %dma_wait3A_278, %dma_wait3A_279] : memref<160x40x50xi32, #tpu.memory_space<hbm>> -> memref<1x40x50xi32, #tpu.memory_space<hbm>>
    %dma_wait3A_281 = tpu.memref_squeeze %dma_wait3A_280 : memref<1x40x50xi32, #tpu.memory_space<hbm>> -> memref<40x50xi32, #tpu.memory_space<hbm>>
    %dma_wait3A_282 = arith.constant 0 : i32
    %dma_wait3A_283 = arith.constant 0 : i32
    %dma_wait3A_284 = tpu.memref_slice %arg3[%add3A_277, %dma_wait3A_282, %dma_wait3A_283] : memref<160x40x50xi32, #tpu.memory_space<hbm>> -> memref<1x40x50xi32, #tpu.memory_space<hbm>>
    %dma_wait3A_285 = tpu.memref_squeeze %dma_wait3A_284 : memref<1x40x50xi32, #tpu.memory_space<hbm>> -> memref<40x50xi32, #tpu.memory_space<hbm>>
    tpu.wait_dma2 semaphore(%arg16 : memref<!tpu.dma_semaphore, #tpu.memory_space<semaphore_mem>>) src(%dma_wait3A_285 : memref<40x50xi32, #tpu.memory_space<hbm>>) dst(%arg8 : memref<40x50xi32, #tpu.memory_space<vmem>>)
    %mul3A_286 = arith.constant 5 : i32
    %mul3A_287 = arith.muli %add3A, %mul3A_286 : i32
    %add3A_288 = arith.constant 3 : i32
    %add3A_289 = arith.addi %mul3A_287, %add3A_288 : i32
    %dma_wait3A_290 = arith.constant 0 : i32
    %dma_wait3A_291 = arith.constant 0 : i32
    %dma_wait3A_292 = tpu.memref_slice %arg4[%add3A_289, %dma_wait3A_290, %dma_wait3A_291] : memref<160x40x50xi32, #tpu.memory_space<hbm>> -> memref<1x40x50xi32, #tpu.memory_space<hbm>>
    %dma_wait3A_293 = tpu.memref_squeeze %dma_wait3A_292 : memref<1x40x50xi32, #tpu.memory_space<hbm>> -> memref<40x50xi32, #tpu.memory_space<hbm>>
    %dma_wait3A_294 = arith.constant 0 : i32
    %dma_wait3A_295 = arith.constant 0 : i32
    %dma_wait3A_296 = tpu.memref_slice %arg4[%add3A_289, %dma_wait3A_294, %dma_wait3A_295] : memref<160x40x50xi32, #tpu.memory_space<hbm>> -> memref<1x40x50xi32, #tpu.memory_space<hbm>>
    %dma_wait3A_297 = tpu.memref_squeeze %dma_wait3A_296 : memref<1x40x50xi32, #tpu.memory_space<hbm>> -> memref<40x50xi32, #tpu.memory_space<hbm>>
    tpu.wait_dma2 semaphore(%arg16 : memref<!tpu.dma_semaphore, #tpu.memory_space<semaphore_mem>>) src(%dma_wait3A_297 : memref<40x50xi32, #tpu.memory_space<hbm>>) dst(%arg9 : memref<40x50xi32, #tpu.memory_space<vmem>>)
    %mul3A_298 = arith.constant 5 : i32
    %mul3A_299 = arith.muli %add3A, %mul3A_298 : i32
    %add3A_300 = arith.constant 3 : i32
    %add3A_301 = arith.addi %mul3A_299, %add3A_300 : i32
    %add3A_302 = arith.constant 1 : i32
    %add3A_303 = arith.addi %add3A_301, %add3A_302 : i32
    %dma_start3A_304 = arith.constant 0 : i32
    %dma_start3A_305 = arith.constant 0 : i32
    %dma_start3A_306 = tpu.memref_slice %arg3[%add3A_303, %dma_start3A_304, %dma_start3A_305] : memref<160x40x50xi32, #tpu.memory_space<hbm>> -> memref<1x40x50xi32, #tpu.memory_space<hbm>>
    %dma_start3A_307 = tpu.memref_squeeze %dma_start3A_306 : memref<1x40x50xi32, #tpu.memory_space<hbm>> -> memref<40x50xi32, #tpu.memory_space<hbm>>
    %dma_start3A_308 = arith.constant 0 : i32
    %dma_start3A_309 = arith.constant 0 : i32
    %dma_start3A_310 = tpu.memref_slice %arg3[%add3A_303, %dma_start3A_308, %dma_start3A_309] : memref<160x40x50xi32, #tpu.memory_space<hbm>> -> memref<1x40x50xi32, #tpu.memory_space<hbm>>
    %dma_start3A_311 = tpu.memref_squeeze %dma_start3A_310 : memref<1x40x50xi32, #tpu.memory_space<hbm>> -> memref<40x50xi32, #tpu.memory_space<hbm>>
    tpu.enqueue_dma source(%dma_start3A_311 : memref<40x50xi32, #tpu.memory_space<hbm>>) target(%arg6 : memref<40x50xi32, #tpu.memory_space<vmem>>) target_semaphore(%arg15 : memref<!tpu.dma_semaphore, #tpu.memory_space<semaphore_mem>>)
    %mul3A_312 = arith.constant 5 : i32
    %mul3A_313 = arith.muli %add3A, %mul3A_312 : i32
    %add3A_314 = arith.constant 3 : i32
    %add3A_315 = arith.addi %mul3A_313, %add3A_314 : i32
    %add3A_316 = arith.constant 1 : i32
    %add3A_317 = arith.addi %add3A_315, %add3A_316 : i32
    %dma_start3A_318 = arith.constant 0 : i32
    %dma_start3A_319 = arith.constant 0 : i32
    %dma_start3A_320 = tpu.memref_slice %arg4[%add3A_317, %dma_start3A_318, %dma_start3A_319] : memref<160x40x50xi32, #tpu.memory_space<hbm>> -> memref<1x40x50xi32, #tpu.memory_space<hbm>>
    %dma_start3A_321 = tpu.memref_squeeze %dma_start3A_320 : memref<1x40x50xi32, #tpu.memory_space<hbm>> -> memref<40x50xi32, #tpu.memory_space<hbm>>
    %dma_start3A_322 = arith.constant 0 : i32
    %dma_start3A_323 = arith.constant 0 : i32
    %dma_start3A_324 = tpu.memref_slice %arg4[%add3A_317, %dma_start3A_322, %dma_start3A_323] : memref<160x40x50xi32, #tpu.memory_space<hbm>> -> memref<1x40x50xi32, #tpu.memory_space<hbm>>
    %dma_start3A_325 = tpu.memref_squeeze %dma_start3A_324 : memref<1x40x50xi32, #tpu.memory_space<hbm>> -> memref<40x50xi32, #tpu.memory_space<hbm>>
    tpu.enqueue_dma source(%dma_start3A_325 : memref<40x50xi32, #tpu.memory_space<hbm>>) target(%arg7 : memref<40x50xi32, #tpu.memory_space<vmem>>) target_semaphore(%arg15 : memref<!tpu.dma_semaphore, #tpu.memory_space<semaphore_mem>>)
    %dma_start3A_326 = arith.constant 0 : i32
    %dma_start3A_327 = arith.constant 0 : i32
    %dma_start3A_328 = tpu.memref_slice %arg8[%dma_start3A_326, %dma_start3A_327] : memref<40x50xi32, #tpu.memory_space<vmem>> -> memref<1x50xi32, #tpu.memory_space<vmem>>
    %dma_start3A_329 = tpu.memref_squeeze %dma_start3A_328 : memref<1x50xi32, #tpu.memory_space<vmem>> -> memref<50xi32, #tpu.memory_space<vmem>>
    %dma_start3A_330 = arith.constant 0 : i32
    %dma_start3A_331 = arith.constant 0 : i32
    %dma_start3A_332 = tpu.memref_slice %arg2[%dma_start3A_330, %dma_start3A_331] : memref<10000x128xf32, #tpu.memory_space<hbm>> -> memref<10000x128xf32, #tpu.memory_space<hbm>>
    tpu.enqueue_indirect_dma source(%dma_start3A_332 : memref<10000x128xf32, #tpu.memory_space<hbm>>) target(%arg10 : memref<50x128xf32, #tpu.memory_space<vmem>>) offsets(%dma_start3A_329 : memref<50xi32, #tpu.memory_space<vmem>>) semaphore(%arg17 : memref<!tpu.dma_semaphore, #tpu.memory_space<semaphore_mem>>)
    %dma_start3A_333 = arith.constant 1 : i32
    %dma_start3A_334 = arith.constant 0 : i32
    %dma_start3A_335 = tpu.memref_slice %arg8[%dma_start3A_333, %dma_start3A_334] : memref<40x50xi32, #tpu.memory_space<vmem>> -> memref<1x50xi32, #tpu.memory_space<vmem>>
    %dma_start3A_336 = tpu.memref_squeeze %dma_start3A_335 : memref<1x50xi32, #tpu.memory_space<vmem>> -> memref<50xi32, #tpu.memory_space<vmem>>
    %dma_start3A_337 = arith.constant 0 : i32
    %dma_start3A_338 = arith.constant 0 : i32
    %dma_start3A_339 = tpu.memref_slice %arg2[%dma_start3A_337, %dma_start3A_338] : memref<10000x128xf32, #tpu.memory_space<hbm>> -> memref<10000x128xf32, #tpu.memory_space<hbm>>
    tpu.enqueue_indirect_dma source(%dma_start3A_339 : memref<10000x128xf32, #tpu.memory_space<hbm>>) target(%arg11 : memref<50x128xf32, #tpu.memory_space<vmem>>) offsets(%dma_start3A_336 : memref<50xi32, #tpu.memory_space<vmem>>) semaphore(%arg18 : memref<!tpu.dma_semaphore, #tpu.memory_space<semaphore_mem>>)
    %dma_start3A_340 = arith.constant 2 : i32
    %dma_start3A_341 = arith.constant 0 : i32
    %dma_start3A_342 = tpu.memref_slice %arg8[%dma_start3A_340, %dma_start3A_341] : memref<40x50xi32, #tpu.memory_space<vmem>> -> memref<1x50xi32, #tpu.memory_space<vmem>>
    %dma_start3A_343 = tpu.memref_squeeze %dma_start3A_342 : memref<1x50xi32, #tpu.memory_space<vmem>> -> memref<50xi32, #tpu.memory_space<vmem>>
    %dma_start3A_344 = arith.constant 0 : i32
    %dma_start3A_345 = arith.constant 0 : i32
    %dma_start3A_346 = tpu.memref_slice %arg2[%dma_start3A_344, %dma_start3A_345] : memref<10000x128xf32, #tpu.memory_space<hbm>> -> memref<10000x128xf32, #tpu.memory_space<hbm>>
    tpu.enqueue_indirect_dma source(%dma_start3A_346 : memref<10000x128xf32, #tpu.memory_space<hbm>>) target(%arg12 : memref<50x128xf32, #tpu.memory_space<vmem>>) offsets(%dma_start3A_343 : memref<50xi32, #tpu.memory_space<vmem>>) semaphore(%arg19 : memref<!tpu.dma_semaphore, #tpu.memory_space<semaphore_mem>>)
    %scan3A_347 = arith.constant 0 : i32
    %scan3A_348 = arith.constant 0 : i32
    %scan3A_349 = arith.constant 10 : i32
    %scan3A_350 = arith.addi %scan3A_348, %scan3A_349 : i32
    %scan3A_351 = arith.constant 1 : i32
    %scan3A_352 = scf.for %scan3A_410 = %scan3A_348 to %scan3A_350 step %scan3A_351 iter_args(%scan3A_411 = %scan3A_347) -> (i32)  : i32 {
      %mul3A_412 = arith.constant 4 : i32
      %mul3A_413 = arith.muli %scan3A_410, %mul3A_412 : i32
      %add3A_414 = arith.constant 0 : i32
      %add3A_415 = arith.addi %mul3A_413, %add3A_414 : i32
      %dma_wait3A_416 = arith.constant 0 : i32
      %dma_wait3A_417 = tpu.memref_slice %arg8[%add3A_415, %dma_wait3A_416] : memref<40x50xi32, #tpu.memory_space<vmem>> -> memref<1x50xi32, #tpu.memory_space<vmem>>
      %dma_wait3A_418 = tpu.memref_squeeze %dma_wait3A_417 : memref<1x50xi32, #tpu.memory_space<vmem>> -> memref<50xi32, #tpu.memory_space<vmem>>
      %dma_wait3A_419 = arith.constant 0 : i32
      %dma_wait3A_420 = arith.constant 0 : i32
      %dma_wait3A_421 = tpu.memref_slice %arg2[%dma_wait3A_419, %dma_wait3A_420] : memref<10000x128xf32, #tpu.memory_space<hbm>> -> memref<10000x128xf32, #tpu.memory_space<hbm>>
      tpu.wait_indirect_dma semaphore(%arg17 : memref<!tpu.dma_semaphore, #tpu.memory_space<semaphore_mem>>) src(%dma_wait3A_421 : memref<10000x128xf32, #tpu.memory_space<hbm>>) dst(%arg10 : memref<50x128xf32, #tpu.memory_space<vmem>>)
      %add3A_422 = arith.constant 4 : i32
      %add3A_423 = arith.addi %add3A_415, %add3A_422 : i32
      %sub3A = arith.constant 1 : i32
      %sub3A_424 = arith.subi %add3A_423, %sub3A : i32
      %lt3A = arith.constant 40 : i32
      %lt3A_425 = arith.cmpi slt, %sub3A_424, %lt3A : i32
      %convert_element_type3A_426 = arith.extui %lt3A_425 : i1 to i32
      %cond3A_427 = arith.constant 0 : i32
      %cond3A_428 = arith.cmpi ne, %convert_element_type3A_426, %cond3A_427 : i32
      scf.if %cond3A_428 {
        %add3A_487 = arith.constant 4 : i32
        %add3A_488 = arith.addi %add3A_415, %add3A_487 : i32
        %sub3A_489 = arith.constant 1 : i32
        %sub3A_490 = arith.subi %add3A_488, %sub3A_489 : i32
        %dma_start3A_491 = arith.constant 0 : i32
        %dma_start3A_492 = tpu.memref_slice %arg8[%sub3A_490, %dma_start3A_491] : memref<40x50xi32, #tpu.memory_space<vmem>> -> memref<1x50xi32, #tpu.memory_space<vmem>>
        %dma_start3A_493 = tpu.memref_squeeze %dma_start3A_492 : memref<1x50xi32, #tpu.memory_space<vmem>> -> memref<50xi32, #tpu.memory_space<vmem>>
        %dma_start3A_494 = arith.constant 0 : i32
        %dma_start3A_495 = arith.constant 0 : i32
        %dma_start3A_496 = tpu.memref_slice %arg2[%dma_start3A_494, %dma_start3A_495] : memref<10000x128xf32, #tpu.memory_space<hbm>> -> memref<10000x128xf32, #tpu.memory_space<hbm>>
        tpu.enqueue_indirect_dma source(%dma_start3A_496 : memref<10000x128xf32, #tpu.memory_space<hbm>>) target(%arg13 : memref<50x128xf32, #tpu.memory_space<vmem>>) offsets(%dma_start3A_493 : memref<50xi32, #tpu.memory_space<vmem>>) semaphore(%arg20 : memref<!tpu.dma_semaphore, #tpu.memory_space<semaphore_mem>>)
      } else {
      }
      "tpu.region"() ({
        %run_scoped3A = tpu.sem_alloc : memref<!tpu.dma_semaphore, #tpu.memory_space<semaphore_mem>>
        %dma_start3A_487 = arith.constant 0 : i32
        %dma_start3A_488 = tpu.memref_slice %arg9[%add3A_415, %dma_start3A_487] : memref<40x50xi32, #tpu.memory_space<vmem>> -> memref<1x50xi32, #tpu.memory_space<vmem>>
        %dma_start3A_489 = tpu.memref_squeeze %dma_start3A_488 : memref<1x50xi32, #tpu.memory_space<vmem>> -> memref<50xi32, #tpu.memory_space<vmem>>
        %dma_start3A_490 = arith.constant 0 : i32
        %dma_start3A_491 = arith.constant 0 : i32
        %dma_start3A_492 = tpu.memref_slice %arg14[%dma_start3A_490, %dma_start3A_491] : memref<10000x128xf32, #tpu.memory_space<vmem_shared>> -> memref<10000x128xf32, #tpu.memory_space<vmem_shared>>
        tpu.enqueue_indirect_dma source(%arg10 : memref<50x128xf32, #tpu.memory_space<vmem>>) target(%dma_start3A_492 : memref<10000x128xf32, #tpu.memory_space<vmem_shared>>) offsets(%dma_start3A_489 : memref<50xi32, #tpu.memory_space<vmem>>) semaphore(%run_scoped3A : memref<!tpu.dma_semaphore, #tpu.memory_space<semaphore_mem>>) {add = true}
        %dma_wait3A_493 = arith.constant 0 : i32
        %dma_wait3A_494 = tpu.memref_slice %arg9[%add3A_415, %dma_wait3A_493] : memref<40x50xi32, #tpu.memory_space<vmem>> -> memref<1x50xi32, #tpu.memory_space<vmem>>
        %dma_wait3A_495 = tpu.memref_squeeze %dma_wait3A_494 : memref<1x50xi32, #tpu.memory_space<vmem>> -> memref<50xi32, #tpu.memory_space<vmem>>
        %dma_wait3A_496 = arith.constant 0 : i32
        %dma_wait3A_497 = arith.constant 0 : i32
        %dma_wait3A_498 = tpu.memref_slice %arg14[%dma_wait3A_496, %dma_wait3A_497] : memref<10000x128xf32, #tpu.memory_space<vmem_shared>> -> memref<10000x128xf32, #tpu.memory_space<vmem_shared>>
        tpu.wait_indirect_dma semaphore(%run_scoped3A : memref<!tpu.dma_semaphore, #tpu.memory_space<semaphore_mem>>) src(%arg10 : memref<50x128xf32, #tpu.memory_space<vmem>>) dst(%dma_wait3A_498 : memref<10000x128xf32, #tpu.memory_space<vmem_shared>>)
        tpu.yield
      }) : () -> ()
      %mul3A_429 = arith.constant 4 : i32
      %mul3A_430 = arith.muli %scan3A_410, %mul3A_429 : i32
      %add3A_431 = arith.constant 1 : i32
      %add3A_432 = arith.addi %mul3A_430, %add3A_431 : i32
      %dma_wait3A_433 = arith.constant 0 : i32
      %dma_wait3A_434 = tpu.memref_slice %arg8[%add3A_432, %dma_wait3A_433] : memref<40x50xi32, #tpu.memory_space<vmem>> -> memref<1x50xi32, #tpu.memory_space<vmem>>
      %dma_wait3A_435 = tpu.memref_squeeze %dma_wait3A_434 : memref<1x50xi32, #tpu.memory_space<vmem>> -> memref<50xi32, #tpu.memory_space<vmem>>
      %dma_wait3A_436 = arith.constant 0 : i32
      %dma_wait3A_437 = arith.constant 0 : i32
      %dma_wait3A_438 = tpu.memref_slice %arg2[%dma_wait3A_436, %dma_wait3A_437] : memref<10000x128xf32, #tpu.memory_space<hbm>> -> memref<10000x128xf32, #tpu.memory_space<hbm>>
      tpu.wait_indirect_dma semaphore(%arg18 : memref<!tpu.dma_semaphore, #tpu.memory_space<semaphore_mem>>) src(%dma_wait3A_438 : memref<10000x128xf32, #tpu.memory_space<hbm>>) dst(%arg11 : memref<50x128xf32, #tpu.memory_space<vmem>>)
      %add3A_439 = arith.constant 4 : i32
      %add3A_440 = arith.addi %add3A_432, %add3A_439 : i32
      %sub3A_441 = arith.constant 1 : i32
      %sub3A_442 = arith.subi %add3A_440, %sub3A_441 : i32
      %lt3A_443 = arith.constant 40 : i32
      %lt3A_444 = arith.cmpi slt, %sub3A_442, %lt3A_443 : i32
      %convert_element_type3A_445 = arith.extui %lt3A_444 : i1 to i32
      %cond3A_446 = arith.constant 0 : i32
      %cond3A_447 = arith.cmpi ne, %convert_element_type3A_445, %cond3A_446 : i32
      scf.if %cond3A_447 {
        %add3A_487 = arith.constant 4 : i32
        %add3A_488 = arith.addi %add3A_432, %add3A_487 : i32
        %sub3A_489 = arith.constant 1 : i32
        %sub3A_490 = arith.subi %add3A_488, %sub3A_489 : i32
        %dma_start3A_491 = arith.constant 0 : i32
        %dma_start3A_492 = tpu.memref_slice %arg8[%sub3A_490, %dma_start3A_491] : memref<40x50xi32, #tpu.memory_space<vmem>> -> memref<1x50xi32, #tpu.memory_space<vmem>>
        %dma_start3A_493 = tpu.memref_squeeze %dma_start3A_492 : memref<1x50xi32, #tpu.memory_space<vmem>> -> memref<50xi32, #tpu.memory_space<vmem>>
        %dma_start3A_494 = arith.constant 0 : i32
        %dma_start3A_495 = arith.constant 0 : i32
        %dma_start3A_496 = tpu.memref_slice %arg2[%dma_start3A_494, %dma_start3A_495] : memref<10000x128xf32, #tpu.memory_space<hbm>> -> memref<10000x128xf32, #tpu.memory_space<hbm>>
        tpu.enqueue_indirect_dma source(%dma_start3A_496 : memref<10000x128xf32, #tpu.memory_space<hbm>>) target(%arg10 : memref<50x128xf32, #tpu.memory_space<vmem>>) offsets(%dma_start3A_493 : memref<50xi32, #tpu.memory_space<vmem>>) semaphore(%arg17 : memref<!tpu.dma_semaphore, #tpu.memory_space<semaphore_mem>>)
      } else {
      }
      "tpu.region"() ({
        %run_scoped3A = tpu.sem_alloc : memref<!tpu.dma_semaphore, #tpu.memory_space<semaphore_mem>>
        %dma_start3A_487 = arith.constant 0 : i32
        %dma_start3A_488 = tpu.memref_slice %arg9[%add3A_432, %dma_start3A_487] : memref<40x50xi32, #tpu.memory_space<vmem>> -> memref<1x50xi32, #tpu.memory_space<vmem>>
        %dma_start3A_489 = tpu.memref_squeeze %dma_start3A_488 : memref<1x50xi32, #tpu.memory_space<vmem>> -> memref<50xi32, #tpu.memory_space<vmem>>
        %dma_start3A_490 = arith.constant 0 : i32
        %dma_start3A_491 = arith.constant 0 : i32
        %dma_start3A_492 = tpu.memref_slice %arg14[%dma_start3A_490, %dma_start3A_491] : memref<10000x128xf32, #tpu.memory_space<vmem_shared>> -> memref<10000x128xf32, #tpu.memory_space<vmem_shared>>
        tpu.enqueue_indirect_dma source(%arg11 : memref<50x128xf32, #tpu.memory_space<vmem>>) target(%dma_start3A_492 : memref<10000x128xf32, #tpu.memory_space<vmem_shared>>) offsets(%dma_start3A_489 : memref<50xi32, #tpu.memory_space<vmem>>) semaphore(%run_scoped3A : memref<!tpu.dma_semaphore, #tpu.memory_space<semaphore_mem>>) {add = true}
        %dma_wait3A_493 = arith.constant 0 : i32
        %dma_wait3A_494 = tpu.memref_slice %arg9[%add3A_432, %dma_wait3A_493] : memref<40x50xi32, #tpu.memory_space<vmem>> -> memref<1x50xi32, #tpu.memory_space<vmem>>
        %dma_wait3A_495 = tpu.memref_squeeze %dma_wait3A_494 : memref<1x50xi32, #tpu.memory_space<vmem>> -> memref<50xi32, #tpu.memory_space<vmem>>
        %dma_wait3A_496 = arith.constant 0 : i32
        %dma_wait3A_497 = arith.constant 0 : i32
        %dma_wait3A_498 = tpu.memref_slice %arg14[%dma_wait3A_496, %dma_wait3A_497] : memref<10000x128xf32, #tpu.memory_space<vmem_shared>> -> memref<10000x128xf32, #tpu.memory_space<vmem_shared>>
        tpu.wait_indirect_dma semaphore(%run_scoped3A : memref<!tpu.dma_semaphore, #tpu.memory_space<semaphore_mem>>) src(%arg11 : memref<50x128xf32, #tpu.memory_space<vmem>>) dst(%dma_wait3A_498 : memref<10000x128xf32, #tpu.memory_space<vmem_shared>>)
        tpu.yield
      }) : () -> ()
      %mul3A_448 = arith.constant 4 : i32
      %mul3A_449 = arith.muli %scan3A_410, %mul3A_448 : i32
      %add3A_450 = arith.constant 2 : i32
      %add3A_451 = arith.addi %mul3A_449, %add3A_450 : i32
      %dma_wait3A_452 = arith.constant 0 : i32
      %dma_wait3A_453 = tpu.memref_slice %arg8[%add3A_451, %dma_wait3A_452] : memref<40x50xi32, #tpu.memory_space<vmem>> -> memref<1x50xi32, #tpu.memory_space<vmem>>
      %dma_wait3A_454 = tpu.memref_squeeze %dma_wait3A_453 : memref<1x50xi32, #tpu.memory_space<vmem>> -> memref<50xi32, #tpu.memory_space<vmem>>
      %dma_wait3A_455 = arith.constant 0 : i32
      %dma_wait3A_456 = arith.constant 0 : i32
      %dma_wait3A_457 = tpu.memref_slice %arg2[%dma_wait3A_455, %dma_wait3A_456] : memref<10000x128xf32, #tpu.memory_space<hbm>> -> memref<10000x128xf32, #tpu.memory_space<hbm>>
      tpu.wait_indirect_dma semaphore(%arg19 : memref<!tpu.dma_semaphore, #tpu.memory_space<semaphore_mem>>) src(%dma_wait3A_457 : memref<10000x128xf32, #tpu.memory_space<hbm>>) dst(%arg12 : memref<50x128xf32, #tpu.memory_space<vmem>>)
      %add3A_458 = arith.constant 4 : i32
      %add3A_459 = arith.addi %add3A_451, %add3A_458 : i32
      %sub3A_460 = arith.constant 1 : i32
      %sub3A_461 = arith.subi %add3A_459, %sub3A_460 : i32
      %lt3A_462 = arith.constant 40 : i32
      %lt3A_463 = arith.cmpi slt, %sub3A_461, %lt3A_462 : i32
      %convert_element_type3A_464 = arith.extui %lt3A_463 : i1 to i32
      %cond3A_465 = arith.constant 0 : i32
      %cond3A_466 = arith.cmpi ne, %convert_element_type3A_464, %cond3A_465 : i32
      scf.if %cond3A_466 {
        %add3A_487 = arith.constant 4 : i32
        %add3A_488 = arith.addi %add3A_451, %add3A_487 : i32
        %sub3A_489 = arith.constant 1 : i32
        %sub3A_490 = arith.subi %add3A_488, %sub3A_489 : i32
        %dma_start3A_491 = arith.constant 0 : i32
        %dma_start3A_492 = tpu.memref_slice %arg8[%sub3A_490, %dma_start3A_491] : memref<40x50xi32, #tpu.memory_space<vmem>> -> memref<1x50xi32, #tpu.memory_space<vmem>>
        %dma_start3A_493 = tpu.memref_squeeze %dma_start3A_492 : memref<1x50xi32, #tpu.memory_space<vmem>> -> memref<50xi32, #tpu.memory_space<vmem>>
        %dma_start3A_494 = arith.constant 0 : i32
        %dma_start3A_495 = arith.constant 0 : i32
        %dma_start3A_496 = tpu.memref_slice %arg2[%dma_start3A_494, %dma_start3A_495] : memref<10000x128xf32, #tpu.memory_space<hbm>> -> memref<10000x128xf32, #tpu.memory_space<hbm>>
        tpu.enqueue_indirect_dma source(%dma_start3A_496 : memref<10000x128xf32, #tpu.memory_space<hbm>>) target(%arg11 : memref<50x128xf32, #tpu.memory_space<vmem>>) offsets(%dma_start3A_493 : memref<50xi32, #tpu.memory_space<vmem>>) semaphore(%arg18 : memref<!tpu.dma_semaphore, #tpu.memory_space<semaphore_mem>>)
      } else {
      }
      "tpu.region"() ({
        %run_scoped3A = tpu.sem_alloc : memref<!tpu.dma_semaphore, #tpu.memory_space<semaphore_mem>>
        %dma_start3A_487 = arith.constant 0 : i32
        %dma_start3A_488 = tpu.memref_slice %arg9[%add3A_451, %dma_start3A_487] : memref<40x50xi32, #tpu.memory_space<vmem>> -> memref<1x50xi32, #tpu.memory_space<vmem>>
        %dma_start3A_489 = tpu.memref_squeeze %dma_start3A_488 : memref<1x50xi32, #tpu.memory_space<vmem>> -> memref<50xi32, #tpu.memory_space<vmem>>
        %dma_start3A_490 = arith.constant 0 : i32
        %dma_start3A_491 = arith.constant 0 : i32
        %dma_start3A_492 = tpu.memref_slice %arg14[%dma_start3A_490, %dma_start3A_491] : memref<10000x128xf32, #tpu.memory_space<vmem_shared>> -> memref<10000x128xf32, #tpu.memory_space<vmem_shared>>
        tpu.enqueue_indirect_dma source(%arg12 : memref<50x128xf32, #tpu.memory_space<vmem>>) target(%dma_start3A_492 : memref<10000x128xf32, #tpu.memory_space<vmem_shared>>) offsets(%dma_start3A_489 : memref<50xi32, #tpu.memory_space<vmem>>) semaphore(%run_scoped3A : memref<!tpu.dma_semaphore, #tpu.memory_space<semaphore_mem>>) {add = true}
        %dma_wait3A_493 = arith.constant 0 : i32
        %dma_wait3A_494 = tpu.memref_slice %arg9[%add3A_451, %dma_wait3A_493] : memref<40x50xi32, #tpu.memory_space<vmem>> -> memref<1x50xi32, #tpu.memory_space<vmem>>
        %dma_wait3A_495 = tpu.memref_squeeze %dma_wait3A_494 : memref<1x50xi32, #tpu.memory_space<vmem>> -> memref<50xi32, #tpu.memory_space<vmem>>
        %dma_wait3A_496 = arith.constant 0 : i32
        %dma_wait3A_497 = arith.constant 0 : i32
        %dma_wait3A_498 = tpu.memref_slice %arg14[%dma_wait3A_496, %dma_wait3A_497] : memref<10000x128xf32, #tpu.memory_space<vmem_shared>> -> memref<10000x128xf32, #tpu.memory_space<vmem_shared>>
        tpu.wait_indirect_dma semaphore(%run_scoped3A : memref<!tpu.dma_semaphore, #tpu.memory_space<semaphore_mem>>) src(%arg12 : memref<50x128xf32, #tpu.memory_space<vmem>>) dst(%dma_wait3A_498 : memref<10000x128xf32, #tpu.memory_space<vmem_shared>>)
        tpu.yield
      }) : () -> ()
      %mul3A_467 = arith.constant 4 : i32
      %mul3A_468 = arith.muli %scan3A_410, %mul3A_467 : i32
      %add3A_469 = arith.constant 3 : i32
      %add3A_470 = arith.addi %mul3A_468, %add3A_469 : i32
      %dma_wait3A_471 = arith.constant 0 : i32
      %dma_wait3A_472 = tpu.memref_slice %arg8[%add3A_470, %dma_wait3A_471] : memref<40x50xi32, #tpu.memory_space<vmem>> -> memref<1x50xi32, #tpu.memory_space<vmem>>
      %dma_wait3A_473 = tpu.memref_squeeze %dma_wait3A_472 : memref<1x50xi32, #tpu.memory_space<vmem>> -> memref<50xi32, #tpu.memory_space<vmem>>
      %dma_wait3A_474 = arith.constant 0 : i32
      %dma_wait3A_475 = arith.constant 0 : i32
      %dma_wait3A_476 = tpu.memref_slice %arg2[%dma_wait3A_474, %dma_wait3A_475] : memref<10000x128xf32, #tpu.memory_space<hbm>> -> memref<10000x128xf32, #tpu.memory_space<hbm>>
      tpu.wait_indirect_dma semaphore(%arg20 : memref<!tpu.dma_semaphore, #tpu.memory_space<semaphore_mem>>) src(%dma_wait3A_476 : memref<10000x128xf32, #tpu.memory_space<hbm>>) dst(%arg13 : memref<50x128xf32, #tpu.memory_space<vmem>>)
      %add3A_477 = arith.constant 4 : i32
      %add3A_478 = arith.addi %add3A_470, %add3A_477 : i32
      %sub3A_479 = arith.constant 1 : i32
      %sub3A_480 = arith.subi %add3A_478, %sub3A_479 : i32
      %lt3A_481 = arith.constant 40 : i32
      %lt3A_482 = arith.cmpi slt, %sub3A_480, %lt3A_481 : i32
      %convert_element_type3A_483 = arith.extui %lt3A_482 : i1 to i32
      %cond3A_484 = arith.constant 0 : i32
      %cond3A_485 = arith.cmpi ne, %convert_element_type3A_483, %cond3A_484 : i32
      scf.if %cond3A_485 {
        %add3A_487 = arith.constant 4 : i32
        %add3A_488 = arith.addi %add3A_470, %add3A_487 : i32
        %sub3A_489 = arith.constant 1 : i32
        %sub3A_490 = arith.subi %add3A_488, %sub3A_489 : i32
        %dma_start3A_491 = arith.constant 0 : i32
        %dma_start3A_492 = tpu.memref_slice %arg8[%sub3A_490, %dma_start3A_491] : memref<40x50xi32, #tpu.memory_space<vmem>> -> memref<1x50xi32, #tpu.memory_space<vmem>>
        %dma_start3A_493 = tpu.memref_squeeze %dma_start3A_492 : memref<1x50xi32, #tpu.memory_space<vmem>> -> memref<50xi32, #tpu.memory_space<vmem>>
        %dma_start3A_494 = arith.constant 0 : i32
        %dma_start3A_495 = arith.constant 0 : i32
        %dma_start3A_496 = tpu.memref_slice %arg2[%dma_start3A_494, %dma_start3A_495] : memref<10000x128xf32, #tpu.memory_space<hbm>> -> memref<10000x128xf32, #tpu.memory_space<hbm>>
        tpu.enqueue_indirect_dma source(%dma_start3A_496 : memref<10000x128xf32, #tpu.memory_space<hbm>>) target(%arg12 : memref<50x128xf32, #tpu.memory_space<vmem>>) offsets(%dma_start3A_493 : memref<50xi32, #tpu.memory_space<vmem>>) semaphore(%arg19 : memref<!tpu.dma_semaphore, #tpu.memory_space<semaphore_mem>>)
      } else {
      }
      "tpu.region"() ({
        %run_scoped3A = tpu.sem_alloc : memref<!tpu.dma_semaphore, #tpu.memory_space<semaphore_mem>>
        %dma_start3A_487 = arith.constant 0 : i32
        %dma_start3A_488 = tpu.memref_slice %arg9[%add3A_470, %dma_start3A_487] : memref<40x50xi32, #tpu.memory_space<vmem>> -> memref<1x50xi32, #tpu.memory_space<vmem>>
        %dma_start3A_489 = tpu.memref_squeeze %dma_start3A_488 : memref<1x50xi32, #tpu.memory_space<vmem>> -> memref<50xi32, #tpu.memory_space<vmem>>
        %dma_start3A_490 = arith.constant 0 : i32
        %dma_start3A_491 = arith.constant 0 : i32
        %dma_start3A_492 = tpu.memref_slice %arg14[%dma_start3A_490, %dma_start3A_491] : memref<10000x128xf32, #tpu.memory_space<vmem_shared>> -> memref<10000x128xf32, #tpu.memory_space<vmem_shared>>
        tpu.enqueue_indirect_dma source(%arg13 : memref<50x128xf32, #tpu.memory_space<vmem>>) target(%dma_start3A_492 : memref<10000x128xf32, #tpu.memory_space<vmem_shared>>) offsets(%dma_start3A_489 : memref<50xi32, #tpu.memory_space<vmem>>) semaphore(%run_scoped3A : memref<!tpu.dma_semaphore, #tpu.memory_space<semaphore_mem>>) {add = true}
        %dma_wait3A_493 = arith.constant 0 : i32
        %dma_wait3A_494 = tpu.memref_slice %arg9[%add3A_470, %dma_wait3A_493] : memref<40x50xi32, #tpu.memory_space<vmem>> -> memref<1x50xi32, #tpu.memory_space<vmem>>
        %dma_wait3A_495 = tpu.memref_squeeze %dma_wait3A_494 : memref<1x50xi32, #tpu.memory_space<vmem>> -> memref<50xi32, #tpu.memory_space<vmem>>
        %dma_wait3A_496 = arith.constant 0 : i32
        %dma_wait3A_497 = arith.constant 0 : i32
        %dma_wait3A_498 = tpu.memref_slice %arg14[%dma_wait3A_496, %dma_wait3A_497] : memref<10000x128xf32, #tpu.memory_space<vmem_shared>> -> memref<10000x128xf32, #tpu.memory_space<vmem_shared>>
        tpu.wait_indirect_dma semaphore(%run_scoped3A : memref<!tpu.dma_semaphore, #tpu.memory_space<semaphore_mem>>) src(%arg13 : memref<50x128xf32, #tpu.memory_space<vmem>>) dst(%dma_wait3A_498 : memref<10000x128xf32, #tpu.memory_space<vmem_shared>>)
        tpu.yield
      }) : () -> ()
      %scan3A_486 = arith.constant 0 : i32
      scf.yield %scan3A_486 : i32
    }
    %scan3A_353 = arith.constant 10 : i32
    %mul3A_354 = arith.constant 5 : i32
    %mul3A_355 = arith.muli %add3A, %mul3A_354 : i32
    %add3A_356 = arith.constant 4 : i32
    %add3A_357 = arith.addi %mul3A_355, %add3A_356 : i32
    %dma_wait3A_358 = arith.constant 0 : i32
    %dma_wait3A_359 = arith.constant 0 : i32
    %dma_wait3A_360 = tpu.memref_slice %arg3[%add3A_357, %dma_wait3A_358, %dma_wait3A_359] : memref<160x40x50xi32, #tpu.memory_space<hbm>> -> memref<1x40x50xi32, #tpu.memory_space<hbm>>
    %dma_wait3A_361 = tpu.memref_squeeze %dma_wait3A_360 : memref<1x40x50xi32, #tpu.memory_space<hbm>> -> memref<40x50xi32, #tpu.memory_space<hbm>>
    %dma_wait3A_362 = arith.constant 0 : i32
    %dma_wait3A_363 = arith.constant 0 : i32
    %dma_wait3A_364 = tpu.memref_slice %arg3[%add3A_357, %dma_wait3A_362, %dma_wait3A_363] : memref<160x40x50xi32, #tpu.memory_space<hbm>> -> memref<1x40x50xi32, #tpu.memory_space<hbm>>
    %dma_wait3A_365 = tpu.memref_squeeze %dma_wait3A_364 : memref<1x40x50xi32, #tpu.memory_space<hbm>> -> memref<40x50xi32, #tpu.memory_space<hbm>>
    tpu.wait_dma2 semaphore(%arg15 : memref<!tpu.dma_semaphore, #tpu.memory_space<semaphore_mem>>) src(%dma_wait3A_365 : memref<40x50xi32, #tpu.memory_space<hbm>>) dst(%arg6 : memref<40x50xi32, #tpu.memory_space<vmem>>)
    %mul3A_366 = arith.constant 5 : i32
    %mul3A_367 = arith.muli %add3A, %mul3A_366 : i32
    %add3A_368 = arith.constant 4 : i32
    %add3A_369 = arith.addi %mul3A_367, %add3A_368 : i32
    %dma_wait3A_370 = arith.constant 0 : i32
    %dma_wait3A_371 = arith.constant 0 : i32
    %dma_wait3A_372 = tpu.memref_slice %arg4[%add3A_369, %dma_wait3A_370, %dma_wait3A_371] : memref<160x40x50xi32, #tpu.memory_space<hbm>> -> memref<1x40x50xi32, #tpu.memory_space<hbm>>
    %dma_wait3A_373 = tpu.memref_squeeze %dma_wait3A_372 : memref<1x40x50xi32, #tpu.memory_space<hbm>> -> memref<40x50xi32, #tpu.memory_space<hbm>>
    %dma_wait3A_374 = arith.constant 0 : i32
    %dma_wait3A_375 = arith.constant 0 : i32
    %dma_wait3A_376 = tpu.memref_slice %arg4[%add3A_369, %dma_wait3A_374, %dma_wait3A_375] : memref<160x40x50xi32, #tpu.memory_space<hbm>> -> memref<1x40x50xi32, #tpu.memory_space<hbm>>
    %dma_wait3A_377 = tpu.memref_squeeze %dma_wait3A_376 : memref<1x40x50xi32, #tpu.memory_space<hbm>> -> memref<40x50xi32, #tpu.memory_space<hbm>>
    tpu.wait_dma2 semaphore(%arg15 : memref<!tpu.dma_semaphore, #tpu.memory_space<semaphore_mem>>) src(%dma_wait3A_377 : memref<40x50xi32, #tpu.memory_space<hbm>>) dst(%arg7 : memref<40x50xi32, #tpu.memory_space<vmem>>)
    %dma_start3A_378 = arith.constant 0 : i32
    %dma_start3A_379 = arith.constant 0 : i32
    %dma_start3A_380 = tpu.memref_slice %arg6[%dma_start3A_378, %dma_start3A_379] : memref<40x50xi32, #tpu.memory_space<vmem>> -> memref<1x50xi32, #tpu.memory_space<vmem>>
    %dma_start3A_381 = tpu.memref_squeeze %dma_start3A_380 : memref<1x50xi32, #tpu.memory_space<vmem>> -> memref<50xi32, #tpu.memory_space<vmem>>
    %dma_start3A_382 = arith.constant 0 : i32
    %dma_start3A_383 = arith.constant 0 : i32
    %dma_start3A_384 = tpu.memref_slice %arg2[%dma_start3A_382, %dma_start3A_383] : memref<10000x128xf32, #tpu.memory_space<hbm>> -> memref<10000x128xf32, #tpu.memory_space<hbm>>
    tpu.enqueue_indirect_dma source(%dma_start3A_384 : memref<10000x128xf32, #tpu.memory_space<hbm>>) target(%arg10 : memref<50x128xf32, #tpu.memory_space<vmem>>) offsets(%dma_start3A_381 : memref<50xi32, #tpu.memory_space<vmem>>) semaphore(%arg17 : memref<!tpu.dma_semaphore, #tpu.memory_space<semaphore_mem>>)
    %dma_start3A_385 = arith.constant 1 : i32
    %dma_start3A_386 = arith.constant 0 : i32
    %dma_start3A_387 = tpu.memref_slice %arg6[%dma_start3A_385, %dma_start3A_386] : memref<40x50xi32, #tpu.memory_space<vmem>> -> memref<1x50xi32, #tpu.memory_space<vmem>>
    %dma_start3A_388 = tpu.memref_squeeze %dma_start3A_387 : memref<1x50xi32, #tpu.memory_space<vmem>> -> memref<50xi32, #tpu.memory_space<vmem>>
    %dma_start3A_389 = arith.constant 0 : i32
    %dma_start3A_390 = arith.constant 0 : i32
    %dma_start3A_391 = tpu.memref_slice %arg2[%dma_start3A_389, %dma_start3A_390] : memref<10000x128xf32, #tpu.memory_space<hbm>> -> memref<10000x128xf32, #tpu.memory_space<hbm>>
    tpu.enqueue_indirect_dma source(%dma_start3A_391 : memref<10000x128xf32, #tpu.memory_space<hbm>>) target(%arg11 : memref<50x128xf32, #tpu.memory_space<vmem>>) offsets(%dma_start3A_388 : memref<50xi32, #tpu.memory_space<vmem>>) semaphore(%arg18 : memref<!tpu.dma_semaphore, #tpu.memory_space<semaphore_mem>>)
    %dma_start3A_392 = arith.constant 2 : i32
    %dma_start3A_393 = arith.constant 0 : i32
    %dma_start3A_394 = tpu.memref_slice %arg6[%dma_start3A_392, %dma_start3A_393] : memref<40x50xi32, #tpu.memory_space<vmem>> -> memref<1x50xi32, #tpu.memory_space<vmem>>
    %dma_start3A_395 = tpu.memref_squeeze %dma_start3A_394 : memref<1x50xi32, #tpu.memory_space<vmem>> -> memref<50xi32, #tpu.memory_space<vmem>>
    %dma_start3A_396 = arith.constant 0 : i32
    %dma_start3A_397 = arith.constant 0 : i32
    %dma_start3A_398 = tpu.memref_slice %arg2[%dma_start3A_396, %dma_start3A_397] : memref<10000x128xf32, #tpu.memory_space<hbm>> -> memref<10000x128xf32, #tpu.memory_space<hbm>>
    tpu.enqueue_indirect_dma source(%dma_start3A_398 : memref<10000x128xf32, #tpu.memory_space<hbm>>) target(%arg12 : memref<50x128xf32, #tpu.memory_space<vmem>>) offsets(%dma_start3A_395 : memref<50xi32, #tpu.memory_space<vmem>>) semaphore(%arg19 : memref<!tpu.dma_semaphore, #tpu.memory_space<semaphore_mem>>)
    %scan3A_399 = arith.constant 0 : i32
    %scan3A_400 = arith.constant 0 : i32
    %scan3A_401 = arith.constant 10 : i32
    %scan3A_402 = arith.addi %scan3A_400, %scan3A_401 : i32
    %scan3A_403 = arith.constant 1 : i32
    %scan3A_404 = scf.for %scan3A_410 = %scan3A_400 to %scan3A_402 step %scan3A_403 iter_args(%scan3A_411 = %scan3A_399) -> (i32)  : i32 {
      %mul3A_412 = arith.constant 4 : i32
      %mul3A_413 = arith.muli %scan3A_410, %mul3A_412 : i32
      %add3A_414 = arith.constant 0 : i32
      %add3A_415 = arith.addi %mul3A_413, %add3A_414 : i32
      %dma_wait3A_416 = arith.constant 0 : i32
      %dma_wait3A_417 = tpu.memref_slice %arg6[%add3A_415, %dma_wait3A_416] : memref<40x50xi32, #tpu.memory_space<vmem>> -> memref<1x50xi32, #tpu.memory_space<vmem>>
      %dma_wait3A_418 = tpu.memref_squeeze %dma_wait3A_417 : memref<1x50xi32, #tpu.memory_space<vmem>> -> memref<50xi32, #tpu.memory_space<vmem>>
      %dma_wait3A_419 = arith.constant 0 : i32
      %dma_wait3A_420 = arith.constant 0 : i32
      %dma_wait3A_421 = tpu.memref_slice %arg2[%dma_wait3A_419, %dma_wait3A_420] : memref<10000x128xf32, #tpu.memory_space<hbm>> -> memref<10000x128xf32, #tpu.memory_space<hbm>>
      tpu.wait_indirect_dma semaphore(%arg17 : memref<!tpu.dma_semaphore, #tpu.memory_space<semaphore_mem>>) src(%dma_wait3A_421 : memref<10000x128xf32, #tpu.memory_space<hbm>>) dst(%arg10 : memref<50x128xf32, #tpu.memory_space<vmem>>)
      %add3A_422 = arith.constant 4 : i32
      %add3A_423 = arith.addi %add3A_415, %add3A_422 : i32
      %sub3A = arith.constant 1 : i32
      %sub3A_424 = arith.subi %add3A_423, %sub3A : i32
      %lt3A = arith.constant 40 : i32
      %lt3A_425 = arith.cmpi slt, %sub3A_424, %lt3A : i32
      %convert_element_type3A_426 = arith.extui %lt3A_425 : i1 to i32
      %cond3A_427 = arith.constant 0 : i32
      %cond3A_428 = arith.cmpi ne, %convert_element_type3A_426, %cond3A_427 : i32
      scf.if %cond3A_428 {
        %add3A_487 = arith.constant 4 : i32
        %add3A_488 = arith.addi %add3A_415, %add3A_487 : i32
        %sub3A_489 = arith.constant 1 : i32
        %sub3A_490 = arith.subi %add3A_488, %sub3A_489 : i32
        %dma_start3A_491 = arith.constant 0 : i32
        %dma_start3A_492 = tpu.memref_slice %arg6[%sub3A_490, %dma_start3A_491] : memref<40x50xi32, #tpu.memory_space<vmem>> -> memref<1x50xi32, #tpu.memory_space<vmem>>
        %dma_start3A_493 = tpu.memref_squeeze %dma_start3A_492 : memref<1x50xi32, #tpu.memory_space<vmem>> -> memref<50xi32, #tpu.memory_space<vmem>>
        %dma_start3A_494 = arith.constant 0 : i32
        %dma_start3A_495 = arith.constant 0 : i32
        %dma_start3A_496 = tpu.memref_slice %arg2[%dma_start3A_494, %dma_start3A_495] : memref<10000x128xf32, #tpu.memory_space<hbm>> -> memref<10000x128xf32, #tpu.memory_space<hbm>>
        tpu.enqueue_indirect_dma source(%dma_start3A_496 : memref<10000x128xf32, #tpu.memory_space<hbm>>) target(%arg13 : memref<50x128xf32, #tpu.memory_space<vmem>>) offsets(%dma_start3A_493 : memref<50xi32, #tpu.memory_space<vmem>>) semaphore(%arg20 : memref<!tpu.dma_semaphore, #tpu.memory_space<semaphore_mem>>)
      } else {
      }
      "tpu.region"() ({
        %run_scoped3A = tpu.sem_alloc : memref<!tpu.dma_semaphore, #tpu.memory_space<semaphore_mem>>
        %dma_start3A_487 = arith.constant 0 : i32
        %dma_start3A_488 = tpu.memref_slice %arg7[%add3A_415, %dma_start3A_487] : memref<40x50xi32, #tpu.memory_space<vmem>> -> memref<1x50xi32, #tpu.memory_space<vmem>>
        %dma_start3A_489 = tpu.memref_squeeze %dma_start3A_488 : memref<1x50xi32, #tpu.memory_space<vmem>> -> memref<50xi32, #tpu.memory_space<vmem>>
        %dma_start3A_490 = arith.constant 0 : i32
        %dma_start3A_491 = arith.constant 0 : i32
        %dma_start3A_492 = tpu.memref_slice %arg14[%dma_start3A_490, %dma_start3A_491] : memref<10000x128xf32, #tpu.memory_space<vmem_shared>> -> memref<10000x128xf32, #tpu.memory_space<vmem_shared>>
        tpu.enqueue_indirect_dma source(%arg10 : memref<50x128xf32, #tpu.memory_space<vmem>>) target(%dma_start3A_492 : memref<10000x128xf32, #tpu.memory_space<vmem_shared>>) offsets(%dma_start3A_489 : memref<50xi32, #tpu.memory_space<vmem>>) semaphore(%run_scoped3A : memref<!tpu.dma_semaphore, #tpu.memory_space<semaphore_mem>>) {add = true}
        %dma_wait3A_493 = arith.constant 0 : i32
        %dma_wait3A_494 = tpu.memref_slice %arg7[%add3A_415, %dma_wait3A_493] : memref<40x50xi32, #tpu.memory_space<vmem>> -> memref<1x50xi32, #tpu.memory_space<vmem>>
        %dma_wait3A_495 = tpu.memref_squeeze %dma_wait3A_494 : memref<1x50xi32, #tpu.memory_space<vmem>> -> memref<50xi32, #tpu.memory_space<vmem>>
        %dma_wait3A_496 = arith.constant 0 : i32
        %dma_wait3A_497 = arith.constant 0 : i32
        %dma_wait3A_498 = tpu.memref_slice %arg14[%dma_wait3A_496, %dma_wait3A_497] : memref<10000x128xf32, #tpu.memory_space<vmem_shared>> -> memref<10000x128xf32, #tpu.memory_space<vmem_shared>>
        tpu.wait_indirect_dma semaphore(%run_scoped3A : memref<!tpu.dma_semaphore, #tpu.memory_space<semaphore_mem>>) src(%arg10 : memref<50x128xf32, #tpu.memory_space<vmem>>) dst(%dma_wait3A_498 : memref<10000x128xf32, #tpu.memory_space<vmem_shared>>)
        tpu.yield
      }) : () -> ()
      %mul3A_429 = arith.constant 4 : i32
      %mul3A_430 = arith.muli %scan3A_410, %mul3A_429 : i32
      %add3A_431 = arith.constant 1 : i32
      %add3A_432 = arith.addi %mul3A_430, %add3A_431 : i32
      %dma_wait3A_433 = arith.constant 0 : i32
      %dma_wait3A_434 = tpu.memref_slice %arg6[%add3A_432, %dma_wait3A_433] : memref<40x50xi32, #tpu.memory_space<vmem>> -> memref<1x50xi32, #tpu.memory_space<vmem>>
      %dma_wait3A_435 = tpu.memref_squeeze %dma_wait3A_434 : memref<1x50xi32, #tpu.memory_space<vmem>> -> memref<50xi32, #tpu.memory_space<vmem>>
      %dma_wait3A_436 = arith.constant 0 : i32
      %dma_wait3A_437 = arith.constant 0 : i32
      %dma_wait3A_438 = tpu.memref_slice %arg2[%dma_wait3A_436, %dma_wait3A_437] : memref<10000x128xf32, #tpu.memory_space<hbm>> -> memref<10000x128xf32, #tpu.memory_space<hbm>>
      tpu.wait_indirect_dma semaphore(%arg18 : memref<!tpu.dma_semaphore, #tpu.memory_space<semaphore_mem>>) src(%dma_wait3A_438 : memref<10000x128xf32, #tpu.memory_space<hbm>>) dst(%arg11 : memref<50x128xf32, #tpu.memory_space<vmem>>)
      %add3A_439 = arith.constant 4 : i32
      %add3A_440 = arith.addi %add3A_432, %add3A_439 : i32
      %sub3A_441 = arith.constant 1 : i32
      %sub3A_442 = arith.subi %add3A_440, %sub3A_441 : i32
      %lt3A_443 = arith.constant 40 : i32
      %lt3A_444 = arith.cmpi slt, %sub3A_442, %lt3A_443 : i32
      %convert_element_type3A_445 = arith.extui %lt3A_444 : i1 to i32
      %cond3A_446 = arith.constant 0 : i32
      %cond3A_447 = arith.cmpi ne, %convert_element_type3A_445, %cond3A_446 : i32
      scf.if %cond3A_447 {
        %add3A_487 = arith.constant 4 : i32
        %add3A_488 = arith.addi %add3A_432, %add3A_487 : i32
        %sub3A_489 = arith.constant 1 : i32
        %sub3A_490 = arith.subi %add3A_488, %sub3A_489 : i32
        %dma_start3A_491 = arith.constant 0 : i32
        %dma_start3A_492 = tpu.memref_slice %arg6[%sub3A_490, %dma_start3A_491] : memref<40x50xi32, #tpu.memory_space<vmem>> -> memref<1x50xi32, #tpu.memory_space<vmem>>
        %dma_start3A_493 = tpu.memref_squeeze %dma_start3A_492 : memref<1x50xi32, #tpu.memory_space<vmem>> -> memref<50xi32, #tpu.memory_space<vmem>>
        %dma_start3A_494 = arith.constant 0 : i32
        %dma_start3A_495 = arith.constant 0 : i32
        %dma_start3A_496 = tpu.memref_slice %arg2[%dma_start3A_494, %dma_start3A_495] : memref<10000x128xf32, #tpu.memory_space<hbm>> -> memref<10000x128xf32, #tpu.memory_space<hbm>>
        tpu.enqueue_indirect_dma source(%dma_start3A_496 : memref<10000x128xf32, #tpu.memory_space<hbm>>) target(%arg10 : memref<50x128xf32, #tpu.memory_space<vmem>>) offsets(%dma_start3A_493 : memref<50xi32, #tpu.memory_space<vmem>>) semaphore(%arg17 : memref<!tpu.dma_semaphore, #tpu.memory_space<semaphore_mem>>)
      } else {
      }
      "tpu.region"() ({
        %run_scoped3A = tpu.sem_alloc : memref<!tpu.dma_semaphore, #tpu.memory_space<semaphore_mem>>
        %dma_start3A_487 = arith.constant 0 : i32
        %dma_start3A_488 = tpu.memref_slice %arg7[%add3A_432, %dma_start3A_487] : memref<40x50xi32, #tpu.memory_space<vmem>> -> memref<1x50xi32, #tpu.memory_space<vmem>>
        %dma_start3A_489 = tpu.memref_squeeze %dma_start3A_488 : memref<1x50xi32, #tpu.memory_space<vmem>> -> memref<50xi32, #tpu.memory_space<vmem>>
        %dma_start3A_490 = arith.constant 0 : i32
        %dma_start3A_491 = arith.constant 0 : i32
        %dma_start3A_492 = tpu.memref_slice %arg14[%dma_start3A_490, %dma_start3A_491] : memref<10000x128xf32, #tpu.memory_space<vmem_shared>> -> memref<10000x128xf32, #tpu.memory_space<vmem_shared>>
        tpu.enqueue_indirect_dma source(%arg11 : memref<50x128xf32, #tpu.memory_space<vmem>>) target(%dma_start3A_492 : memref<10000x128xf32, #tpu.memory_space<vmem_shared>>) offsets(%dma_start3A_489 : memref<50xi32, #tpu.memory_space<vmem>>) semaphore(%run_scoped3A : memref<!tpu.dma_semaphore, #tpu.memory_space<semaphore_mem>>) {add = true}
        %dma_wait3A_493 = arith.constant 0 : i32
        %dma_wait3A_494 = tpu.memref_slice %arg7[%add3A_432, %dma_wait3A_493] : memref<40x50xi32, #tpu.memory_space<vmem>> -> memref<1x50xi32, #tpu.memory_space<vmem>>
        %dma_wait3A_495 = tpu.memref_squeeze %dma_wait3A_494 : memref<1x50xi32, #tpu.memory_space<vmem>> -> memref<50xi32, #tpu.memory_space<vmem>>
        %dma_wait3A_496 = arith.constant 0 : i32
        %dma_wait3A_497 = arith.constant 0 : i32
        %dma_wait3A_498 = tpu.memref_slice %arg14[%dma_wait3A_496, %dma_wait3A_497] : memref<10000x128xf32, #tpu.memory_space<vmem_shared>> -> memref<10000x128xf32, #tpu.memory_space<vmem_shared>>
        tpu.wait_indirect_dma semaphore(%run_scoped3A : memref<!tpu.dma_semaphore, #tpu.memory_space<semaphore_mem>>) src(%arg11 : memref<50x128xf32, #tpu.memory_space<vmem>>) dst(%dma_wait3A_498 : memref<10000x128xf32, #tpu.memory_space<vmem_shared>>)
        tpu.yield
      }) : () -> ()
      %mul3A_448 = arith.constant 4 : i32
      %mul3A_449 = arith.muli %scan3A_410, %mul3A_448 : i32
      %add3A_450 = arith.constant 2 : i32
      %add3A_451 = arith.addi %mul3A_449, %add3A_450 : i32
      %dma_wait3A_452 = arith.constant 0 : i32
      %dma_wait3A_453 = tpu.memref_slice %arg6[%add3A_451, %dma_wait3A_452] : memref<40x50xi32, #tpu.memory_space<vmem>> -> memref<1x50xi32, #tpu.memory_space<vmem>>
      %dma_wait3A_454 = tpu.memref_squeeze %dma_wait3A_453 : memref<1x50xi32, #tpu.memory_space<vmem>> -> memref<50xi32, #tpu.memory_space<vmem>>
      %dma_wait3A_455 = arith.constant 0 : i32
      %dma_wait3A_456 = arith.constant 0 : i32
      %dma_wait3A_457 = tpu.memref_slice %arg2[%dma_wait3A_455, %dma_wait3A_456] : memref<10000x128xf32, #tpu.memory_space<hbm>> -> memref<10000x128xf32, #tpu.memory_space<hbm>>
      tpu.wait_indirect_dma semaphore(%arg19 : memref<!tpu.dma_semaphore, #tpu.memory_space<semaphore_mem>>) src(%dma_wait3A_457 : memref<10000x128xf32, #tpu.memory_space<hbm>>) dst(%arg12 : memref<50x128xf32, #tpu.memory_space<vmem>>)
      %add3A_458 = arith.constant 4 : i32
      %add3A_459 = arith.addi %add3A_451, %add3A_458 : i32
      %sub3A_460 = arith.constant 1 : i32
      %sub3A_461 = arith.subi %add3A_459, %sub3A_460 : i32
      %lt3A_462 = arith.constant 40 : i32
      %lt3A_463 = arith.cmpi slt, %sub3A_461, %lt3A_462 : i32
      %convert_element_type3A_464 = arith.extui %lt3A_463 : i1 to i32
      %cond3A_465 = arith.constant 0 : i32
      %cond3A_466 = arith.cmpi ne, %convert_element_type3A_464, %cond3A_465 : i32
      scf.if %cond3A_466 {
        %add3A_487 = arith.constant 4 : i32
        %add3A_488 = arith.addi %add3A_451, %add3A_487 : i32
        %sub3A_489 = arith.constant 1 : i32
        %sub3A_490 = arith.subi %add3A_488, %sub3A_489 : i32
        %dma_start3A_491 = arith.constant 0 : i32
        %dma_start3A_492 = tpu.memref_slice %arg6[%sub3A_490, %dma_start3A_491] : memref<40x50xi32, #tpu.memory_space<vmem>> -> memref<1x50xi32, #tpu.memory_space<vmem>>
        %dma_start3A_493 = tpu.memref_squeeze %dma_start3A_492 : memref<1x50xi32, #tpu.memory_space<vmem>> -> memref<50xi32, #tpu.memory_space<vmem>>
        %dma_start3A_494 = arith.constant 0 : i32
        %dma_start3A_495 = arith.constant 0 : i32
        %dma_start3A_496 = tpu.memref_slice %arg2[%dma_start3A_494, %dma_start3A_495] : memref<10000x128xf32, #tpu.memory_space<hbm>> -> memref<10000x128xf32, #tpu.memory_space<hbm>>
        tpu.enqueue_indirect_dma source(%dma_start3A_496 : memref<10000x128xf32, #tpu.memory_space<hbm>>) target(%arg11 : memref<50x128xf32, #tpu.memory_space<vmem>>) offsets(%dma_start3A_493 : memref<50xi32, #tpu.memory_space<vmem>>) semaphore(%arg18 : memref<!tpu.dma_semaphore, #tpu.memory_space<semaphore_mem>>)
      } else {
      }
      "tpu.region"() ({
        %run_scoped3A = tpu.sem_alloc : memref<!tpu.dma_semaphore, #tpu.memory_space<semaphore_mem>>
        %dma_start3A_487 = arith.constant 0 : i32
        %dma_start3A_488 = tpu.memref_slice %arg7[%add3A_451, %dma_start3A_487] : memref<40x50xi32, #tpu.memory_space<vmem>> -> memref<1x50xi32, #tpu.memory_space<vmem>>
        %dma_start3A_489 = tpu.memref_squeeze %dma_start3A_488 : memref<1x50xi32, #tpu.memory_space<vmem>> -> memref<50xi32, #tpu.memory_space<vmem>>
        %dma_start3A_490 = arith.constant 0 : i32
        %dma_start3A_491 = arith.constant 0 : i32
        %dma_start3A_492 = tpu.memref_slice %arg14[%dma_start3A_490, %dma_start3A_491] : memref<10000x128xf32, #tpu.memory_space<vmem_shared>> -> memref<10000x128xf32, #tpu.memory_space<vmem_shared>>
        tpu.enqueue_indirect_dma source(%arg12 : memref<50x128xf32, #tpu.memory_space<vmem>>) target(%dma_start3A_492 : memref<10000x128xf32, #tpu.memory_space<vmem_shared>>) offsets(%dma_start3A_489 : memref<50xi32, #tpu.memory_space<vmem>>) semaphore(%run_scoped3A : memref<!tpu.dma_semaphore, #tpu.memory_space<semaphore_mem>>) {add = true}
        %dma_wait3A_493 = arith.constant 0 : i32
        %dma_wait3A_494 = tpu.memref_slice %arg7[%add3A_451, %dma_wait3A_493] : memref<40x50xi32, #tpu.memory_space<vmem>> -> memref<1x50xi32, #tpu.memory_space<vmem>>
        %dma_wait3A_495 = tpu.memref_squeeze %dma_wait3A_494 : memref<1x50xi32, #tpu.memory_space<vmem>> -> memref<50xi32, #tpu.memory_space<vmem>>
        %dma_wait3A_496 = arith.constant 0 : i32
        %dma_wait3A_497 = arith.constant 0 : i32
        %dma_wait3A_498 = tpu.memref_slice %arg14[%dma_wait3A_496, %dma_wait3A_497] : memref<10000x128xf32, #tpu.memory_space<vmem_shared>> -> memref<10000x128xf32, #tpu.memory_space<vmem_shared>>
        tpu.wait_indirect_dma semaphore(%run_scoped3A : memref<!tpu.dma_semaphore, #tpu.memory_space<semaphore_mem>>) src(%arg12 : memref<50x128xf32, #tpu.memory_space<vmem>>) dst(%dma_wait3A_498 : memref<10000x128xf32, #tpu.memory_space<vmem_shared>>)
        tpu.yield
      }) : () -> ()
      %mul3A_467 = arith.constant 4 : i32
      %mul3A_468 = arith.muli %scan3A_410, %mul3A_467 : i32
      %add3A_469 = arith.constant 3 : i32
      %add3A_470 = arith.addi %mul3A_468, %add3A_469 : i32
      %dma_wait3A_471 = arith.constant 0 : i32
      %dma_wait3A_472 = tpu.memref_slice %arg6[%add3A_470, %dma_wait3A_471] : memref<40x50xi32, #tpu.memory_space<vmem>> -> memref<1x50xi32, #tpu.memory_space<vmem>>
      %dma_wait3A_473 = tpu.memref_squeeze %dma_wait3A_472 : memref<1x50xi32, #tpu.memory_space<vmem>> -> memref<50xi32, #tpu.memory_space<vmem>>
      %dma_wait3A_474 = arith.constant 0 : i32
      %dma_wait3A_475 = arith.constant 0 : i32
      %dma_wait3A_476 = tpu.memref_slice %arg2[%dma_wait3A_474, %dma_wait3A_475] : memref<10000x128xf32, #tpu.memory_space<hbm>> -> memref<10000x128xf32, #tpu.memory_space<hbm>>
      tpu.wait_indirect_dma semaphore(%arg20 : memref<!tpu.dma_semaphore, #tpu.memory_space<semaphore_mem>>) src(%dma_wait3A_476 : memref<10000x128xf32, #tpu.memory_space<hbm>>) dst(%arg13 : memref<50x128xf32, #tpu.memory_space<vmem>>)
      %add3A_477 = arith.constant 4 : i32
      %add3A_478 = arith.addi %add3A_470, %add3A_477 : i32
      %sub3A_479 = arith.constant 1 : i32
      %sub3A_480 = arith.subi %add3A_478, %sub3A_479 : i32
      %lt3A_481 = arith.constant 40 : i32
      %lt3A_482 = arith.cmpi slt, %sub3A_480, %lt3A_481 : i32
      %convert_element_type3A_483 = arith.extui %lt3A_482 : i1 to i32
      %cond3A_484 = arith.constant 0 : i32
      %cond3A_485 = arith.cmpi ne, %convert_element_type3A_483, %cond3A_484 : i32
      scf.if %cond3A_485 {
        %add3A_487 = arith.constant 4 : i32
        %add3A_488 = arith.addi %add3A_470, %add3A_487 : i32
        %sub3A_489 = arith.constant 1 : i32
        %sub3A_490 = arith.subi %add3A_488, %sub3A_489 : i32
        %dma_start3A_491 = arith.constant 0 : i32
        %dma_start3A_492 = tpu.memref_slice %arg6[%sub3A_490, %dma_start3A_491] : memref<40x50xi32, #tpu.memory_space<vmem>> -> memref<1x50xi32, #tpu.memory_space<vmem>>
        %dma_start3A_493 = tpu.memref_squeeze %dma_start3A_492 : memref<1x50xi32, #tpu.memory_space<vmem>> -> memref<50xi32, #tpu.memory_space<vmem>>
        %dma_start3A_494 = arith.constant 0 : i32
        %dma_start3A_495 = arith.constant 0 : i32
        %dma_start3A_496 = tpu.memref_slice %arg2[%dma_start3A_494, %dma_start3A_495] : memref<10000x128xf32, #tpu.memory_space<hbm>> -> memref<10000x128xf32, #tpu.memory_space<hbm>>
        tpu.enqueue_indirect_dma source(%dma_start3A_496 : memref<10000x128xf32, #tpu.memory_space<hbm>>) target(%arg12 : memref<50x128xf32, #tpu.memory_space<vmem>>) offsets(%dma_start3A_493 : memref<50xi32, #tpu.memory_space<vmem>>) semaphore(%arg19 : memref<!tpu.dma_semaphore, #tpu.memory_space<semaphore_mem>>)
      } else {
      }
      "tpu.region"() ({
        %run_scoped3A = tpu.sem_alloc : memref<!tpu.dma_semaphore, #tpu.memory_space<semaphore_mem>>
        %dma_start3A_487 = arith.constant 0 : i32
        %dma_start3A_488 = tpu.memref_slice %arg7[%add3A_470, %dma_start3A_487] : memref<40x50xi32, #tpu.memory_space<vmem>> -> memref<1x50xi32, #tpu.memory_space<vmem>>
        %dma_start3A_489 = tpu.memref_squeeze %dma_start3A_488 : memref<1x50xi32, #tpu.memory_space<vmem>> -> memref<50xi32, #tpu.memory_space<vmem>>
        %dma_start3A_490 = arith.constant 0 : i32
        %dma_start3A_491 = arith.constant 0 : i32
        %dma_start3A_492 = tpu.memref_slice %arg14[%dma_start3A_490, %dma_start3A_491] : memref<10000x128xf32, #tpu.memory_space<vmem_shared>> -> memref<10000x128xf32, #tpu.memory_space<vmem_shared>>
        tpu.enqueue_indirect_dma source(%arg13 : memref<50x128xf32, #tpu.memory_space<vmem>>) target(%dma_start3A_492 : memref<10000x128xf32, #tpu.memory_space<vmem_shared>>) offsets(%dma_start3A_489 : memref<50xi32, #tpu.memory_space<vmem>>) semaphore(%run_scoped3A : memref<!tpu.dma_semaphore, #tpu.memory_space<semaphore_mem>>) {add = true}
        %dma_wait3A_493 = arith.constant 0 : i32
        %dma_wait3A_494 = tpu.memref_slice %arg7[%add3A_470, %dma_wait3A_493] : memref<40x50xi32, #tpu.memory_space<vmem>> -> memref<1x50xi32, #tpu.memory_space<vmem>>
        %dma_wait3A_495 = tpu.memref_squeeze %dma_wait3A_494 : memref<1x50xi32, #tpu.memory_space<vmem>> -> memref<50xi32, #tpu.memory_space<vmem>>
        %dma_wait3A_496 = arith.constant 0 : i32
        %dma_wait3A_497 = arith.constant 0 : i32
        %dma_wait3A_498 = tpu.memref_slice %arg14[%dma_wait3A_496, %dma_wait3A_497] : memref<10000x128xf32, #tpu.memory_space<vmem_shared>> -> memref<10000x128xf32, #tpu.memory_space<vmem_shared>>
        tpu.wait_indirect_dma semaphore(%run_scoped3A : memref<!tpu.dma_semaphore, #tpu.memory_space<semaphore_mem>>) src(%arg13 : memref<50x128xf32, #tpu.memory_space<vmem>>) dst(%dma_wait3A_498 : memref<10000x128xf32, #tpu.memory_space<vmem_shared>>)
        tpu.yield
      }) : () -> ()
      %scan3A_486 = arith.constant 0 : i32
      scf.yield %scan3A_486 : i32
    }
    %scan3A_405 = arith.constant 10 : i32
    %barrier3A_406 = arith.constant 0 : index
    tpu.barrier barrier_id(%barrier3A_406)
    %mul3A_407 = arith.constant 10000 : i32
    %mul3A_408 = arith.muli %arg0, %mul3A_407 : i32
    %add3A_409 = arith.addi %mul3A_408, %min3A_3 : i32
    "tpu.region"() ({
      %run_scoped3A = tpu.sem_alloc : memref<!tpu.dma_semaphore, #tpu.memory_space<semaphore_mem>>
      %dma_start3A_410 = arith.constant 0 : i32
      %dma_start3A_411 = tpu.memref_slice %arg5[%add3A_409, %dma_start3A_410] : memref<20000x128xf32, #tpu.memory_space<hbm>> -> memref<640x128xf32, #tpu.memory_space<hbm>>
      %dma_start3A_412 = arith.constant 0 : i32
      %dma_start3A_413 = tpu.memref_slice %arg14[%min3A_3, %dma_start3A_412] : memref<10000x128xf32, #tpu.memory_space<vmem_shared>> -> memref<640x128xf32, #tpu.memory_space<vmem_shared>>
      tpu.enqueue_dma source(%dma_start3A_413 : memref<640x128xf32, #tpu.memory_space<vmem_shared>>) target(%dma_start3A_411 : memref<640x128xf32, #tpu.memory_space<hbm>>) target_semaphore(%run_scoped3A : memref<!tpu.dma_semaphore, #tpu.memory_space<semaphore_mem>>)
      %dma_wait3A_414 = arith.constant 0 : i32
      %dma_wait3A_415 = tpu.memref_slice %arg5[%add3A_409, %dma_wait3A_414] : memref<20000x128xf32, #tpu.memory_space<hbm>> -> memref<640x128xf32, #tpu.memory_space<hbm>>
      %dma_wait3A_416 = arith.constant 0 : i32
      %dma_wait3A_417 = tpu.memref_slice %arg14[%min3A_3, %dma_wait3A_416] : memref<10000x128xf32, #tpu.memory_space<vmem_shared>> -> memref<640x128xf32, #tpu.memory_space<vmem_shared>>
      tpu.wait_dma2 semaphore(%run_scoped3A : memref<!tpu.dma_semaphore, #tpu.memory_space<semaphore_mem>>) src(%dma_wait3A_417 : memref<640x128xf32, #tpu.memory_space<vmem_shared>>) dst(%dma_wait3A_415 : memref<640x128xf32, #tpu.memory_space<hbm>>)
      tpu.yield
    }) : () -> ()
    return
  }
}

#map = affine_map<(d0, d1) -> (0, 0, 0)>
#map1 = affine_map<(d0, d1) -> (0, 0)>
module attributes {stable_mosaic.version = 14 : i64} {
  func.func @deg_kernel(%arg0: i32, %arg1: i32, %arg2: memref<32x80x125xi32, #tpu.memory_space<hbm>>, %arg3: memref<20000x128xf32, #tpu.memory_space<hbm>>, %arg4: memref<80x125xi32, #tpu.memory_space<vmem>>, %arg5: memref<125x128xf32, #tpu.memory_space<vmem>>, %arg6: memref<125x128xf32, #tpu.memory_space<vmem>>, %arg7: memref<10000x128xf32, #tpu.memory_space<vmem_shared>>) attributes {dimension_semantics = [#tpu.dimension_semantics<core_parallel>, #tpu.dimension_semantics<subcore_parallel>], iteration_bounds = array<i64: 2, 16>, scalar_prefetch = 0 : i64, scratch_operands = 4 : i64, tpu.core_type = #tpu.core_type<sc_vector_subcore>, window_params = [{transform_indices = #map}, {transform_indices = #map1}]} {
    %mul3A = arith.constant 16 : i32
    %mul3A_0 = arith.muli %arg0, %mul3A : i32
    %add3A = arith.addi %mul3A_0, %arg1 : i32
    %mul3A_1 = arith.constant 640 : i32
    %mul3A_2 = arith.muli %arg1, %mul3A_1 : i32
    %min3A = arith.constant 9360 : i32
    %min3A_3 = arith.minsi %mul3A_2, %min3A : i32
    %scan3A = arith.constant 0 : i32
    %scan3A_4 = arith.constant 0 : i32
    %scan3A_5 = arith.constant 1000 : i32
    %scan3A_6 = arith.addi %scan3A_4, %scan3A_5 : i32
    %scan3A_7 = arith.constant 1 : i32
    %scan3A_8 = scf.for %scan3A_30 = %scan3A_4 to %scan3A_6 step %scan3A_7 iter_args(%scan3A_31 = %scan3A) -> (i32)  : i32 {
      %broadcast_in_dim3A = arith.constant 1.000000e+00 : f32
      %broadcast_in_dim3A_32 = vector.broadcast %broadcast_in_dim3A : f32 to vector<16xf32>
      %jit3A = arith.constant 8 : i32
      %div3A = arith.divsi %scan3A_30, %jit3A : i32
      %sign3A = arith.constant 0 : i32
      %sign3A_33 = arith.cmpi sgt, %scan3A_30, %sign3A : i32
      %sign3A_34 = arith.extui %sign3A_33 : i1 to i32
      %sign3A_35 = arith.constant 0 : i32
      %sign3A_36 = arith.cmpi slt, %scan3A_30, %sign3A_35 : i32
      %sign3A_37 = arith.extui %sign3A_36 : i1 to i32
      %sign3A_38 = arith.subi %sign3A_34, %sign3A_37 : i32
      %sign3A_39 = arith.constant 0 : i32
      %sign3A_40 = arith.cmpi sgt, %jit3A, %sign3A_39 : i32
      %sign3A_41 = arith.extui %sign3A_40 : i1 to i32
      %sign3A_42 = arith.constant 0 : i32
      %sign3A_43 = arith.cmpi slt, %jit3A, %sign3A_42 : i32
      %sign3A_44 = arith.extui %sign3A_43 : i1 to i32
      %sign3A_45 = arith.subi %sign3A_41, %sign3A_44 : i32
      %ne3A = arith.cmpi ne, %sign3A_38, %sign3A_45 : i32
      %rem3A = arith.remsi %scan3A_30, %jit3A : i32
      %ne3A_46 = arith.constant 0 : i32
      %ne3A_47 = arith.cmpi ne, %rem3A, %ne3A_46 : i32
      %and3A = arith.andi %ne3A, %ne3A_47 : i1
      %sub3A = arith.constant 1 : i32
      %sub3A_48 = arith.subi %div3A, %sub3A : i32
      %select_n3A = arith.select %and3A, %sub3A_48, %div3A : i32
      %jit3A_49 = arith.constant 8 : i32
      %eq3A = arith.constant 0 : i32
      %eq3A_50 = arith.cmpi eq, %jit3A_49, %eq3A : i32
      %jit3A_51 = arith.constant 1 : i32
      %select_n3A_52 = arith.select %eq3A_50, %jit3A_51, %jit3A_49 : i32
      %rem3A_53 = arith.remsi %scan3A_30, %select_n3A_52 : i32
      %ne3A_54 = arith.constant 0 : i32
      %ne3A_55 = arith.cmpi ne, %rem3A_53, %ne3A_54 : i32
      %lt3A = arith.constant 0 : i32
      %lt3A_56 = arith.cmpi slt, %rem3A_53, %lt3A : i32
      %lt3A_57 = arith.constant 0 : i32
      %lt3A_58 = arith.cmpi slt, %select_n3A_52, %lt3A_57 : i32
      %ne3A_59 = arith.xori %lt3A_56, %lt3A_58 : i1
      %and3A_60 = arith.andi %ne3A_59, %ne3A_55 : i1
      %add3A_61 = arith.addi %rem3A_53, %select_n3A_52 : i32
      %select_n3A_62 = arith.select %and3A_60, %add3A_61, %rem3A_53 : i32
      %mul3A_63 = arith.constant 16 : i32
      %mul3A_64 = arith.muli %select_n3A_62, %mul3A_63 : i32
      %swap3A = arith.index_cast %select_n3A : i32 to index
      %swap3A_65 = arith.index_cast %mul3A_64 : i32 to index
      %swap3A_66 = tpu.vector_load %arg5[%swap3A, %swap3A_65] {strides = array<i32>} : memref<125x128xf32, #tpu.memory_space<vmem>>, vector<1x16xf32>,
      %swap3A_67 = vector.shape_cast %swap3A_66 : vector<1x16xf32> to vector<16xf32>
      %swap3A_68 = vector.shape_cast %broadcast_in_dim3A_32 : vector<16xf32> to vector<1x16xf32>
      tpu.vector_store %arg5[%swap3A, %swap3A_65], %swap3A_68 {strides = array<i32>} : memref<125x128xf32, #tpu.memory_space<vmem>>, vector<1x16xf32>,
      %broadcast_in_dim3A_69 = arith.constant 0.000000e+00 : f32
      %broadcast_in_dim3A_70 = vector.broadcast %broadcast_in_dim3A_69 : f32 to vector<16xf32>
      %jit3A_71 = arith.constant 8 : i32
      %div3A_72 = arith.divsi %scan3A_30, %jit3A_71 : i32
      %sign3A_73 = arith.constant 0 : i32
      %sign3A_74 = arith.cmpi sgt, %scan3A_30, %sign3A_73 : i32
      %sign3A_75 = arith.extui %sign3A_74 : i1 to i32
      %sign3A_76 = arith.constant 0 : i32
      %sign3A_77 = arith.cmpi slt, %scan3A_30, %sign3A_76 : i32
      %sign3A_78 = arith.extui %sign3A_77 : i1 to i32
      %sign3A_79 = arith.subi %sign3A_75, %sign3A_78 : i32
      %sign3A_80 = arith.constant 0 : i32
      %sign3A_81 = arith.cmpi sgt, %jit3A_71, %sign3A_80 : i32
      %sign3A_82 = arith.extui %sign3A_81 : i1 to i32
      %sign3A_83 = arith.constant 0 : i32
      %sign3A_84 = arith.cmpi slt, %jit3A_71, %sign3A_83 : i32
      %sign3A_85 = arith.extui %sign3A_84 : i1 to i32
      %sign3A_86 = arith.subi %sign3A_82, %sign3A_85 : i32
      %ne3A_87 = arith.cmpi ne, %sign3A_79, %sign3A_86 : i32
      %rem3A_88 = arith.remsi %scan3A_30, %jit3A_71 : i32
      %ne3A_89 = arith.constant 0 : i32
      %ne3A_90 = arith.cmpi ne, %rem3A_88, %ne3A_89 : i32
      %and3A_91 = arith.andi %ne3A_87, %ne3A_90 : i1
      %sub3A_92 = arith.constant 1 : i32
      %sub3A_93 = arith.subi %div3A_72, %sub3A_92 : i32
      %select_n3A_94 = arith.select %and3A_91, %sub3A_93, %div3A_72 : i32
      %jit3A_95 = arith.constant 8 : i32
      %eq3A_96 = arith.constant 0 : i32
      %eq3A_97 = arith.cmpi eq, %jit3A_95, %eq3A_96 : i32
      %jit3A_98 = arith.constant 1 : i32
      %select_n3A_99 = arith.select %eq3A_97, %jit3A_98, %jit3A_95 : i32
      %rem3A_100 = arith.remsi %scan3A_30, %select_n3A_99 : i32
      %ne3A_101 = arith.constant 0 : i32
      %ne3A_102 = arith.cmpi ne, %rem3A_100, %ne3A_101 : i32
      %lt3A_103 = arith.constant 0 : i32
      %lt3A_104 = arith.cmpi slt, %rem3A_100, %lt3A_103 : i32
      %lt3A_105 = arith.constant 0 : i32
      %lt3A_106 = arith.cmpi slt, %select_n3A_99, %lt3A_105 : i32
      %ne3A_107 = arith.xori %lt3A_104, %lt3A_106 : i1
      %and3A_108 = arith.andi %ne3A_107, %ne3A_102 : i1
      %add3A_109 = arith.addi %rem3A_100, %select_n3A_99 : i32
      %select_n3A_110 = arith.select %and3A_108, %add3A_109, %rem3A_100 : i32
      %mul3A_111 = arith.constant 16 : i32
      %mul3A_112 = arith.muli %select_n3A_110, %mul3A_111 : i32
      %swap3A_113 = arith.index_cast %select_n3A_94 : i32 to index
      %swap3A_114 = arith.index_cast %mul3A_112 : i32 to index
      %swap3A_115 = tpu.vector_load %arg6[%swap3A_113, %swap3A_114] {strides = array<i32>} : memref<125x128xf32, #tpu.memory_space<vmem>>, vector<1x16xf32>,
      %swap3A_116 = vector.shape_cast %swap3A_115 : vector<1x16xf32> to vector<16xf32>
      %swap3A_117 = vector.shape_cast %broadcast_in_dim3A_70 : vector<16xf32> to vector<1x16xf32>
      tpu.vector_store %arg6[%swap3A_113, %swap3A_114], %swap3A_117 {strides = array<i32>} : memref<125x128xf32, #tpu.memory_space<vmem>>, vector<1x16xf32>,
      %scan3A_118 = arith.constant 0 : i32
      scf.yield %scan3A_118 : i32
    }
    %scan3A_9 = arith.constant 1000 : i32
    %scan3A_10 = arith.constant 0 : i32
    %scan3A_11 = arith.constant 0 : i32
    %scan3A_12 = arith.constant 5 : i32
    %scan3A_13 = arith.addi %scan3A_11, %scan3A_12 : i32
    %scan3A_14 = arith.constant 1 : i32
    %scan3A_15 = scf.for %scan3A_30 = %scan3A_11 to %scan3A_13 step %scan3A_14 iter_args(%scan3A_31 = %scan3A_10) -> (i32)  : i32 {
      %mul3A_32 = arith.constant 125 : i32
      %mul3A_33 = arith.muli %scan3A_30, %mul3A_32 : i32
      %add3A_34 = arith.addi %min3A_3, %mul3A_33 : i32
      "tpu.region"() ({
        %run_scoped3A = tpu.sem_alloc : memref<!tpu.dma_semaphore, #tpu.memory_space<semaphore_mem>>
        %dma_start3A = arith.constant 0 : i32
        %dma_start3A_36 = tpu.memref_slice %arg7[%add3A_34, %dma_start3A] : memref<10000x128xf32, #tpu.memory_space<vmem_shared>> -> memref<125x128xf32, #tpu.memory_space<vmem_shared>>
        %dma_start3A_37 = arith.constant 0 : i32
        %dma_start3A_38 = tpu.memref_slice %arg7[%add3A_34, %dma_start3A_37] : memref<10000x128xf32, #tpu.memory_space<vmem_shared>> -> memref<125x128xf32, #tpu.memory_space<vmem_shared>>
        tpu.enqueue_dma source(%arg6 : memref<125x128xf32, #tpu.memory_space<vmem>>) target(%dma_start3A_38 : memref<125x128xf32, #tpu.memory_space<vmem_shared>>) target_semaphore(%run_scoped3A : memref<!tpu.dma_semaphore, #tpu.memory_space<semaphore_mem>>)
        %dma_wait3A = arith.constant 0 : i32
        %dma_wait3A_39 = tpu.memref_slice %arg7[%add3A_34, %dma_wait3A] : memref<10000x128xf32, #tpu.memory_space<vmem_shared>> -> memref<125x128xf32, #tpu.memory_space<vmem_shared>>
        %dma_wait3A_40 = arith.constant 0 : i32
        %dma_wait3A_41 = tpu.memref_slice %arg7[%add3A_34, %dma_wait3A_40] : memref<10000x128xf32, #tpu.memory_space<vmem_shared>> -> memref<125x128xf32, #tpu.memory_space<vmem_shared>>
        tpu.wait_dma2 semaphore(%run_scoped3A : memref<!tpu.dma_semaphore, #tpu.memory_space<semaphore_mem>>) src(%arg6 : memref<125x128xf32, #tpu.memory_space<vmem>>) dst(%dma_wait3A_41 : memref<125x128xf32, #tpu.memory_space<vmem_shared>>)
        tpu.yield
      }) : () -> ()
      %scan3A_35 = arith.constant 0 : i32
      scf.yield %scan3A_35 : i32
    }
    %scan3A_16 = arith.constant 5 : i32
    %add3A_17 = arith.constant 625 : i32
    %add3A_18 = arith.addi %min3A_3, %add3A_17 : i32
    "tpu.region"() ({
      %run_scoped3A = tpu.sem_alloc : memref<!tpu.dma_semaphore, #tpu.memory_space<semaphore_mem>>
      %dma_start3A = arith.constant 0 : i32
      %dma_start3A_30 = arith.constant 0 : i32
      %dma_start3A_31 = tpu.memref_slice %arg6[%dma_start3A, %dma_start3A_30] : memref<125x128xf32, #tpu.memory_space<vmem>> -> memref<15x128xf32, #tpu.memory_space<vmem>>
      %dma_start3A_32 = arith.constant 0 : i32
      %dma_start3A_33 = tpu.memref_slice %arg7[%add3A_18, %dma_start3A_32] : memref<10000x128xf32, #tpu.memory_space<vmem_shared>> -> memref<15x128xf32, #tpu.memory_space<vmem_shared>>
      %dma_start3A_34 = arith.constant 0 : i32
      %dma_start3A_35 = tpu.memref_slice %arg7[%add3A_18, %dma_start3A_34] : memref<10000x128xf32, #tpu.memory_space<vmem_shared>> -> memref<15x128xf32, #tpu.memory_space<vmem_shared>>
      %dma_start3A_36 = arith.constant 0 : i32
      %dma_start3A_37 = arith.constant 0 : i32
      %dma_start3A_38 = tpu.memref_slice %arg6[%dma_start3A_36, %dma_start3A_37] : memref<125x128xf32, #tpu.memory_space<vmem>> -> memref<15x128xf32, #tpu.memory_space<vmem>>
      tpu.enqueue_dma source(%dma_start3A_38 : memref<15x128xf32, #tpu.memory_space<vmem>>) target(%dma_start3A_35 : memref<15x128xf32, #tpu.memory_space<vmem_shared>>) target_semaphore(%run_scoped3A : memref<!tpu.dma_semaphore, #tpu.memory_space<semaphore_mem>>)
      %dma_wait3A = arith.constant 0 : i32
      %dma_wait3A_39 = arith.constant 0 : i32
      %dma_wait3A_40 = tpu.memref_slice %arg6[%dma_wait3A, %dma_wait3A_39] : memref<125x128xf32, #tpu.memory_space<vmem>> -> memref<15x128xf32, #tpu.memory_space<vmem>>
      %dma_wait3A_41 = arith.constant 0 : i32
      %dma_wait3A_42 = tpu.memref_slice %arg7[%add3A_18, %dma_wait3A_41] : memref<10000x128xf32, #tpu.memory_space<vmem_shared>> -> memref<15x128xf32, #tpu.memory_space<vmem_shared>>
      %dma_wait3A_43 = arith.constant 0 : i32
      %dma_wait3A_44 = tpu.memref_slice %arg7[%add3A_18, %dma_wait3A_43] : memref<10000x128xf32, #tpu.memory_space<vmem_shared>> -> memref<15x128xf32, #tpu.memory_space<vmem_shared>>
      %dma_wait3A_45 = arith.constant 0 : i32
      %dma_wait3A_46 = arith.constant 0 : i32
      %dma_wait3A_47 = tpu.memref_slice %arg6[%dma_wait3A_45, %dma_wait3A_46] : memref<125x128xf32, #tpu.memory_space<vmem>> -> memref<15x128xf32, #tpu.memory_space<vmem>>
      tpu.wait_dma2 semaphore(%run_scoped3A : memref<!tpu.dma_semaphore, #tpu.memory_space<semaphore_mem>>) src(%dma_wait3A_47 : memref<15x128xf32, #tpu.memory_space<vmem>>) dst(%dma_wait3A_44 : memref<15x128xf32, #tpu.memory_space<vmem_shared>>)
      tpu.yield
    }) : () -> ()
    %barrier3A = arith.constant 0 : index
    tpu.barrier barrier_id(%barrier3A)
    "tpu.region"() ({
      %run_scoped3A = tpu.sem_alloc : memref<!tpu.dma_semaphore, #tpu.memory_space<semaphore_mem>>
      %dma_start3A = arith.constant 0 : i32
      %dma_start3A_30 = arith.constant 0 : i32
      %dma_start3A_31 = tpu.memref_slice %arg2[%add3A, %dma_start3A, %dma_start3A_30] : memref<32x80x125xi32, #tpu.memory_space<hbm>> -> memref<1x80x125xi32, #tpu.memory_space<hbm>>
      %dma_start3A_32 = tpu.memref_squeeze %dma_start3A_31 : memref<1x80x125xi32, #tpu.memory_space<hbm>> -> memref<80x125xi32, #tpu.memory_space<hbm>>
      %dma_start3A_33 = arith.constant 0 : i32
      %dma_start3A_34 = arith.constant 0 : i32
      %dma_start3A_35 = tpu.memref_slice %arg2[%add3A, %dma_start3A_33, %dma_start3A_34] : memref<32x80x125xi32, #tpu.memory_space<hbm>> -> memref<1x80x125xi32, #tpu.memory_space<hbm>>
      %dma_start3A_36 = tpu.memref_squeeze %dma_start3A_35 : memref<1x80x125xi32, #tpu.memory_space<hbm>> -> memref<80x125xi32, #tpu.memory_space<hbm>>
      tpu.enqueue_dma source(%dma_start3A_36 : memref<80x125xi32, #tpu.memory_space<hbm>>) target(%arg4 : memref<80x125xi32, #tpu.memory_space<vmem>>) target_semaphore(%run_scoped3A : memref<!tpu.dma_semaphore, #tpu.memory_space<semaphore_mem>>)
      %dma_wait3A = arith.constant 0 : i32
      %dma_wait3A_37 = arith.constant 0 : i32
      %dma_wait3A_38 = tpu.memref_slice %arg2[%add3A, %dma_wait3A, %dma_wait3A_37] : memref<32x80x125xi32, #tpu.memory_space<hbm>> -> memref<1x80x125xi32, #tpu.memory_space<hbm>>
      %dma_wait3A_39 = tpu.memref_squeeze %dma_wait3A_38 : memref<1x80x125xi32, #tpu.memory_space<hbm>> -> memref<80x125xi32, #tpu.memory_space<hbm>>
      %dma_wait3A_40 = arith.constant 0 : i32
      %dma_wait3A_41 = arith.constant 0 : i32
      %dma_wait3A_42 = tpu.memref_slice %arg2[%add3A, %dma_wait3A_40, %dma_wait3A_41] : memref<32x80x125xi32, #tpu.memory_space<hbm>> -> memref<1x80x125xi32, #tpu.memory_space<hbm>>
      %dma_wait3A_43 = tpu.memref_squeeze %dma_wait3A_42 : memref<1x80x125xi32, #tpu.memory_space<hbm>> -> memref<80x125xi32, #tpu.memory_space<hbm>>
      tpu.wait_dma2 semaphore(%run_scoped3A : memref<!tpu.dma_semaphore, #tpu.memory_space<semaphore_mem>>) src(%dma_wait3A_43 : memref<80x125xi32, #tpu.memory_space<hbm>>) dst(%arg4 : memref<80x125xi32, #tpu.memory_space<vmem>>)
      tpu.yield
    }) : () -> ()
    %scan3A_19 = arith.constant 0 : i32
    %scan3A_20 = arith.constant 0 : i32
    %scan3A_21 = arith.constant 80 : i32
    %scan3A_22 = arith.addi %scan3A_20, %scan3A_21 : i32
    %scan3A_23 = arith.constant 1 : i32
    %scan3A_24 = scf.for %scan3A_30 = %scan3A_20 to %scan3A_22 step %scan3A_23 iter_args(%scan3A_31 = %scan3A_19) -> (i32)  : i32 {
      "tpu.region"() ({
        %run_scoped3A = tpu.sem_alloc : memref<!tpu.dma_semaphore, #tpu.memory_space<semaphore_mem>>
        %dma_start3A = arith.constant 0 : i32
        %dma_start3A_33 = tpu.memref_slice %arg4[%scan3A_30, %dma_start3A] : memref<80x125xi32, #tpu.memory_space<vmem>> -> memref<1x125xi32, #tpu.memory_space<vmem>>
        %dma_start3A_34 = tpu.memref_squeeze %dma_start3A_33 : memref<1x125xi32, #tpu.memory_space<vmem>> -> memref<125xi32, #tpu.memory_space<vmem>>
        %dma_start3A_35 = arith.constant 0 : i32
        %dma_start3A_36 = arith.constant 0 : i32
        %dma_start3A_37 = tpu.memref_slice %arg7[%dma_start3A_35, %dma_start3A_36] : memref<10000x128xf32, #tpu.memory_space<vmem_shared>> -> memref<10000x128xf32, #tpu.memory_space<vmem_shared>>
        tpu.enqueue_indirect_dma source(%arg5 : memref<125x128xf32, #tpu.memory_space<vmem>>) target(%dma_start3A_37 : memref<10000x128xf32, #tpu.memory_space<vmem_shared>>) offsets(%dma_start3A_34 : memref<125xi32, #tpu.memory_space<vmem>>) semaphore(%run_scoped3A : memref<!tpu.dma_semaphore, #tpu.memory_space<semaphore_mem>>) {add = true}
        %dma_wait3A = arith.constant 0 : i32
        %dma_wait3A_38 = tpu.memref_slice %arg4[%scan3A_30, %dma_wait3A] : memref<80x125xi32, #tpu.memory_space<vmem>> -> memref<1x125xi32, #tpu.memory_space<vmem>>
        %dma_wait3A_39 = tpu.memref_squeeze %dma_wait3A_38 : memref<1x125xi32, #tpu.memory_space<vmem>> -> memref<125xi32, #tpu.memory_space<vmem>>
        %dma_wait3A_40 = arith.constant 0 : i32
        %dma_wait3A_41 = arith.constant 0 : i32
        %dma_wait3A_42 = tpu.memref_slice %arg7[%dma_wait3A_40, %dma_wait3A_41] : memref<10000x128xf32, #tpu.memory_space<vmem_shared>> -> memref<10000x128xf32, #tpu.memory_space<vmem_shared>>
        tpu.wait_indirect_dma semaphore(%run_scoped3A : memref<!tpu.dma_semaphore, #tpu.memory_space<semaphore_mem>>) src(%arg5 : memref<125x128xf32, #tpu.memory_space<vmem>>) dst(%dma_wait3A_42 : memref<10000x128xf32, #tpu.memory_space<vmem_shared>>)
        tpu.yield
      }) : () -> ()
      %scan3A_32 = arith.constant 0 : i32
      scf.yield %scan3A_32 : i32
    }
    %scan3A_25 = arith.constant 80 : i32
    %barrier3A_26 = arith.constant 0 : index
    tpu.barrier barrier_id(%barrier3A_26)
    %mul3A_27 = arith.constant 10000 : i32
    %mul3A_28 = arith.muli %arg0, %mul3A_27 : i32
    %add3A_29 = arith.addi %mul3A_28, %min3A_3 : i32
    "tpu.region"() ({
      %run_scoped3A = tpu.sem_alloc : memref<!tpu.dma_semaphore, #tpu.memory_space<semaphore_mem>>
      %dma_start3A = arith.constant 0 : i32
      %dma_start3A_30 = tpu.memref_slice %arg3[%add3A_29, %dma_start3A] : memref<20000x128xf32, #tpu.memory_space<hbm>> -> memref<640x128xf32, #tpu.memory_space<hbm>>
      %dma_start3A_31 = arith.constant 0 : i32
      %dma_start3A_32 = tpu.memref_slice %arg7[%min3A_3, %dma_start3A_31] : memref<10000x128xf32, #tpu.memory_space<vmem_shared>> -> memref<640x128xf32, #tpu.memory_space<vmem_shared>>
      tpu.enqueue_dma source(%dma_start3A_32 : memref<640x128xf32, #tpu.memory_space<vmem_shared>>) target(%dma_start3A_30 : memref<640x128xf32, #tpu.memory_space<hbm>>) target_semaphore(%run_scoped3A : memref<!tpu.dma_semaphore, #tpu.memory_space<semaphore_mem>>)
      %dma_wait3A = arith.constant 0 : i32
      %dma_wait3A_33 = tpu.memref_slice %arg3[%add3A_29, %dma_wait3A] : memref<20000x128xf32, #tpu.memory_space<hbm>> -> memref<640x128xf32, #tpu.memory_space<hbm>>
      %dma_wait3A_34 = arith.constant 0 : i32
      %dma_wait3A_35 = tpu.memref_slice %arg7[%min3A_3, %dma_wait3A_34] : memref<10000x128xf32, #tpu.memory_space<vmem_shared>> -> memref<640x128xf32, #tpu.memory_space<vmem_shared>>
      tpu.wait_dma2 semaphore(%run_scoped3A : memref<!tpu.dma_semaphore, #tpu.memory_space<semaphore_mem>>) src(%dma_wait3A_35 : memref<640x128xf32, #tpu.memory_space<vmem_shared>>) dst(%dma_wait3A_33 : memref<640x128xf32, #tpu.memory_space<hbm>>)
      tpu.yield
    }) : () -> ()
    return
  }
}

#map = affine_map<(d0, d1) -> (0, 0)>
#map1 = affine_map<(d0, d1) -> (0, 0, 0)>
module attributes {stable_mosaic.version = 14 : i64} {
  func.func @agg_kernel(%arg0: i32, %arg1: i32, %arg2: memref<10000x128xf32, #tpu.memory_space<hbm>>, %arg3: memref<160x40x50xi32, #tpu.memory_space<hbm>>, %arg4: memref<160x40x50xi32, #tpu.memory_space<hbm>>, %arg5: memref<20000x128xf32, #tpu.memory_space<hbm>>, %arg6: memref<40x50xi32, #tpu.memory_space<vmem>>, %arg7: memref<40x50xi32, #tpu.memory_space<vmem>>, %arg8: memref<40x50xi32, #tpu.memory_space<vmem>>, %arg9: memref<40x50xi32, #tpu.memory_space<vmem>>, %arg10: memref<50x128xf32, #tpu.memory_space<vmem>>, %arg11: memref<50x128xf32, #tpu.memory_space<vmem>>, %arg12: memref<50x128xf32, #tpu.memory_space<vmem>>, %arg13: memref<50x128xf32, #tpu.memory_space<vmem>>, %arg14: memref<10000x128xf32, #tpu.memory_space<vmem_shared>>, %arg15: memref<!tpu.dma_semaphore, #tpu.memory_space<semaphore_mem>>, %arg16: memref<!tpu.dma_semaphore, #tpu.memory_space<semaphore_mem>>, %arg17: memref<!tpu.dma_semaphore, #tpu.memory_space<semaphore_mem>>, %arg18: memref<!tpu.dma_semaphore, #tpu.memory_space<semaphore_mem>>, %arg19: memref<!tpu.dma_semaphore, #tpu.memory_space<semaphore_mem>>, %arg20: memref<!tpu.dma_semaphore, #tpu.memory_space<semaphore_mem>>) attributes {dimension_semantics = [#tpu.dimension_semantics<core_parallel>, #tpu.dimension_semantics<subcore_parallel>], iteration_bounds = array<i64: 2, 16>, scalar_prefetch = 0 : i64, scratch_operands = 15 : i64, tpu.core_type = #tpu.core_type<sc_vector_subcore>, window_params = [{transform_indices = #map}, {transform_indices = #map1}, {transform_indices = #map1}, {transform_indices = #map}]} {
    %mul3A = arith.constant 16 : i32
    %mul3A_0 = arith.muli %arg0, %mul3A : i32
    %add3A = arith.addi %mul3A_0, %arg1 : i32
    %mul3A_1 = arith.constant 640 : i32
    %mul3A_2 = arith.muli %arg1, %mul3A_1 : i32
    %min3A = arith.constant 9360 : i32
    %min3A_3 = arith.minsi %mul3A_2, %min3A : i32
    %scan3A = arith.constant 0 : i32
    %scan3A_4 = arith.constant 0 : i32
    %scan3A_5 = arith.constant 400 : i32
    %scan3A_6 = arith.addi %scan3A_4, %scan3A_5 : i32
    %scan3A_7 = arith.constant 1 : i32
    %scan3A_8 = scf.for %scan3A_410 = %scan3A_4 to %scan3A_6 step %scan3A_7 iter_args(%scan3A_411 = %scan3A) -> (i32)  : i32 {
      %broadcast_in_dim3A = arith.constant 0.000000e+00 : f32
      %broadcast_in_dim3A_412 = vector.broadcast %broadcast_in_dim3A : f32 to vector<16xf32>
      %jit3A = arith.constant 8 : i32
      %div3A = arith.divsi %scan3A_410, %jit3A : i32
      %sign3A = arith.constant 0 : i32
      %sign3A_413 = arith.cmpi sgt, %scan3A_410, %sign3A : i32
      %sign3A_414 = arith.extui %sign3A_413 : i1 to i32
      %sign3A_415 = arith.constant 0 : i32
      %sign3A_416 = arith.cmpi slt, %scan3A_410, %sign3A_415 : i32
      %sign3A_417 = arith.extui %sign3A_416 : i1 to i32
      %sign3A_418 = arith.subi %sign3A_414, %sign3A_417 : i32
      %sign3A_419 = arith.constant 0 : i32
      %sign3A_420 = arith.cmpi sgt, %jit3A, %sign3A_419 : i32
      %sign3A_421 = arith.extui %sign3A_420 : i1 to i32
      %sign3A_422 = arith.constant 0 : i32
      %sign3A_423 = arith.cmpi slt, %jit3A, %sign3A_422 : i32
      %sign3A_424 = arith.extui %sign3A_423 : i1 to i32
      %sign3A_425 = arith.subi %sign3A_421, %sign3A_424 : i32
      %ne3A_426 = arith.cmpi ne, %sign3A_418, %sign3A_425 : i32
      %rem3A = arith.remsi %scan3A_410, %jit3A : i32
      %ne3A_427 = arith.constant 0 : i32
      %ne3A_428 = arith.cmpi ne, %rem3A, %ne3A_427 : i32
      %and3A = arith.andi %ne3A_426, %ne3A_428 : i1
      %sub3A = arith.constant 1 : i32
      %sub3A_429 = arith.subi %div3A, %sub3A : i32
      %select_n3A = arith.select %and3A, %sub3A_429, %div3A : i32
      %jit3A_430 = arith.constant 8 : i32
      %eq3A_431 = arith.constant 0 : i32
      %eq3A_432 = arith.cmpi eq, %jit3A_430, %eq3A_431 : i32
      %jit3A_433 = arith.constant 1 : i32
      %select_n3A_434 = arith.select %eq3A_432, %jit3A_433, %jit3A_430 : i32
      %rem3A_435 = arith.remsi %scan3A_410, %select_n3A_434 : i32
      %ne3A_436 = arith.constant 0 : i32
      %ne3A_437 = arith.cmpi ne, %rem3A_435, %ne3A_436 : i32
      %lt3A = arith.constant 0 : i32
      %lt3A_438 = arith.cmpi slt, %rem3A_435, %lt3A : i32
      %lt3A_439 = arith.constant 0 : i32
      %lt3A_440 = arith.cmpi slt, %select_n3A_434, %lt3A_439 : i32
      %ne3A_441 = arith.xori %lt3A_438, %lt3A_440 : i1
      %and3A_442 = arith.andi %ne3A_441, %ne3A_437 : i1
      %add3A_443 = arith.addi %rem3A_435, %select_n3A_434 : i32
      %select_n3A_444 = arith.select %and3A_442, %add3A_443, %rem3A_435 : i32
      %mul3A_445 = arith.constant 16 : i32
      %mul3A_446 = arith.muli %select_n3A_444, %mul3A_445 : i32
      %swap3A = arith.index_cast %select_n3A : i32 to index
      %swap3A_447 = arith.index_cast %mul3A_446 : i32 to index
      %swap3A_448 = tpu.vector_load %arg10[%swap3A, %swap3A_447] {strides = array<i32>} : memref<50x128xf32, #tpu.memory_space<vmem>>, vector<1x16xf32>,
      %swap3A_449 = vector.shape_cast %swap3A_448 : vector<1x16xf32> to vector<16xf32>
      %swap3A_450 = vector.shape_cast %broadcast_in_dim3A_412 : vector<16xf32> to vector<1x16xf32>
      tpu.vector_store %arg10[%swap3A, %swap3A_447], %swap3A_450 {strides = array<i32>} : memref<50x128xf32, #tpu.memory_space<vmem>>, vector<1x16xf32>,
      %scan3A_451 = arith.constant 0 : i32
      scf.yield %scan3A_451 : i32
    }
    %scan3A_9 = arith.constant 400 : i32
    %eq3A = arith.constant 0 : i32
    %eq3A_10 = arith.cmpi eq, %arg0, %eq3A : i32
    %convert_element_type3A = arith.extui %eq3A_10 : i1 to i32
    %cond3A = arith.constant 0 : i32
    %cond3A_11 = arith.cmpi ne, %convert_element_type3A, %cond3A : i32
    scf.if %cond3A_11 {
      "tpu.region"() ({
        %run_scoped3A = tpu.sem_alloc : memref<!tpu.dma_semaphore, #tpu.memory_space<semaphore_mem>>
        %dma_start3A_410 = arith.constant 0 : i32
        %dma_start3A_411 = tpu.memref_slice %arg14[%min3A_3, %dma_start3A_410] : memref<10000x128xf32, #tpu.memory_space<vmem_shared>> -> memref<640x128xf32, #tpu.memory_space<vmem_shared>>
        %dma_start3A_412 = arith.constant 0 : i32
        %dma_start3A_413 = tpu.memref_slice %arg2[%min3A_3, %dma_start3A_412] : memref<10000x128xf32, #tpu.memory_space<hbm>> -> memref<640x128xf32, #tpu.memory_space<hbm>>
        tpu.enqueue_dma source(%dma_start3A_413 : memref<640x128xf32, #tpu.memory_space<hbm>>) target(%dma_start3A_411 : memref<640x128xf32, #tpu.memory_space<vmem_shared>>) target_semaphore(%run_scoped3A : memref<!tpu.dma_semaphore, #tpu.memory_space<semaphore_mem>>)
        %dma_wait3A_414 = arith.constant 0 : i32
        %dma_wait3A_415 = tpu.memref_slice %arg14[%min3A_3, %dma_wait3A_414] : memref<10000x128xf32, #tpu.memory_space<vmem_shared>> -> memref<640x128xf32, #tpu.memory_space<vmem_shared>>
        %dma_wait3A_416 = arith.constant 0 : i32
        %dma_wait3A_417 = tpu.memref_slice %arg2[%min3A_3, %dma_wait3A_416] : memref<10000x128xf32, #tpu.memory_space<hbm>> -> memref<640x128xf32, #tpu.memory_space<hbm>>
        tpu.wait_dma2 semaphore(%run_scoped3A : memref<!tpu.dma_semaphore, #tpu.memory_space<semaphore_mem>>) src(%dma_wait3A_417 : memref<640x128xf32, #tpu.memory_space<hbm>>) dst(%dma_wait3A_415 : memref<640x128xf32, #tpu.memory_space<vmem_shared>>)
        tpu.yield
      }) : () -> ()
    } else {
    }
    %ne3A = arith.constant 0 : i32
    %ne3A_12 = arith.cmpi ne, %arg0, %ne3A : i32
    %convert_element_type3A_13 = arith.extui %ne3A_12 : i1 to i32
    %cond3A_14 = arith.constant 0 : i32
    %cond3A_15 = arith.cmpi ne, %convert_element_type3A_13, %cond3A_14 : i32
    scf.if %cond3A_15 {
      %scan3A_410 = arith.constant 0 : i32
      %scan3A_411 = arith.constant 0 : i32
      %scan3A_412 = arith.constant 12 : i32
      %scan3A_413 = arith.addi %scan3A_411, %scan3A_412 : i32
      %scan3A_414 = arith.constant 1 : i32
      %scan3A_415 = scf.for %scan3A_419 = %scan3A_411 to %scan3A_413 step %scan3A_414 iter_args(%scan3A_420 = %scan3A_410) -> (i32)  : i32 {
        %mul3A_421 = arith.constant 50 : i32
        %mul3A_422 = arith.muli %scan3A_419, %mul3A_421 : i32
        %add3A_423 = arith.addi %min3A_3, %mul3A_422 : i32
        "tpu.region"() ({
          %run_scoped3A = tpu.sem_alloc : memref<!tpu.dma_semaphore, #tpu.memory_space<semaphore_mem>>
          %dma_start3A_425 = arith.constant 0 : i32
          %dma_start3A_426 = tpu.memref_slice %arg14[%add3A_423, %dma_start3A_425] : memref<10000x128xf32, #tpu.memory_space<vmem_shared>> -> memref<50x128xf32, #tpu.memory_space<vmem_shared>>
          %dma_start3A_427 = arith.constant 0 : i32
          %dma_start3A_428 = tpu.memref_slice %arg14[%add3A_423, %dma_start3A_427] : memref<10000x128xf32, #tpu.memory_space<vmem_shared>> -> memref<50x128xf32, #tpu.memory_space<vmem_shared>>
          tpu.enqueue_dma source(%arg10 : memref<50x128xf32, #tpu.memory_space<vmem>>) target(%dma_start3A_428 : memref<50x128xf32, #tpu.memory_space<vmem_shared>>) target_semaphore(%run_scoped3A : memref<!tpu.dma_semaphore, #tpu.memory_space<semaphore_mem>>)
          %dma_wait3A_429 = arith.constant 0 : i32
          %dma_wait3A_430 = tpu.memref_slice %arg14[%add3A_423, %dma_wait3A_429] : memref<10000x128xf32, #tpu.memory_space<vmem_shared>> -> memref<50x128xf32, #tpu.memory_space<vmem_shared>>
          %dma_wait3A_431 = arith.constant 0 : i32
          %dma_wait3A_432 = tpu.memref_slice %arg14[%add3A_423, %dma_wait3A_431] : memref<10000x128xf32, #tpu.memory_space<vmem_shared>> -> memref<50x128xf32, #tpu.memory_space<vmem_shared>>
          tpu.wait_dma2 semaphore(%run_scoped3A : memref<!tpu.dma_semaphore, #tpu.memory_space<semaphore_mem>>) src(%arg10 : memref<50x128xf32, #tpu.memory_space<vmem>>) dst(%dma_wait3A_432 : memref<50x128xf32, #tpu.memory_space<vmem_shared>>)
          tpu.yield
        }) : () -> ()
        %scan3A_424 = arith.constant 0 : i32
        scf.yield %scan3A_424 : i32
      }
      %scan3A_416 = arith.constant 12 : i32
      %add3A_417 = arith.constant 600 : i32
      %add3A_418 = arith.addi %min3A_3, %add3A_417 : i32
      "tpu.region"() ({
        %run_scoped3A = tpu.sem_alloc : memref<!tpu.dma_semaphore, #tpu.memory_space<semaphore_mem>>
        %dma_start3A_419 = arith.constant 0 : i32
        %dma_start3A_420 = arith.constant 0 : i32
        %dma_start3A_421 = tpu.memref_slice %arg10[%dma_start3A_419, %dma_start3A_420] : memref<50x128xf32, #tpu.memory_space<vmem>> -> memref<40x128xf32, #tpu.memory_space<vmem>>
        %dma_start3A_422 = arith.constant 0 : i32
        %dma_start3A_423 = tpu.memref_slice %arg14[%add3A_418, %dma_start3A_422] : memref<10000x128xf32, #tpu.memory_space<vmem_shared>> -> memref<40x128xf32, #tpu.memory_space<vmem_shared>>
        %dma_start3A_424 = arith.constant 0 : i32
        %dma_start3A_425 = tpu.memref_slice %arg14[%add3A_418, %dma_start3A_424] : memref<10000x128xf32, #tpu.memory_space<vmem_shared>> -> memref<40x128xf32, #tpu.memory_space<vmem_shared>>
        %dma_start3A_426 = arith.constant 0 : i32
        %dma_start3A_427 = arith.constant 0 : i32
        %dma_start3A_428 = tpu.memref_slice %arg10[%dma_start3A_426, %dma_start3A_427] : memref<50x128xf32, #tpu.memory_space<vmem>> -> memref<40x128xf32, #tpu.memory_space<vmem>>
        tpu.enqueue_dma source(%dma_start3A_428 : memref<40x128xf32, #tpu.memory_space<vmem>>) target(%dma_start3A_425 : memref<40x128xf32, #tpu.memory_space<vmem_shared>>) target_semaphore(%run_scoped3A : memref<!tpu.dma_semaphore, #tpu.memory_space<semaphore_mem>>)
        %dma_wait3A_429 = arith.constant 0 : i32
        %dma_wait3A_430 = arith.constant 0 : i32
        %dma_wait3A_431 = tpu.memref_slice %arg10[%dma_wait3A_429, %dma_wait3A_430] : memref<50x128xf32, #tpu.memory_space<vmem>> -> memref<40x128xf32, #tpu.memory_space<vmem>>
        %dma_wait3A_432 = arith.constant 0 : i32
        %dma_wait3A_433 = tpu.memref_slice %arg14[%add3A_418, %dma_wait3A_432] : memref<10000x128xf32, #tpu.memory_space<vmem_shared>> -> memref<40x128xf32, #tpu.memory_space<vmem_shared>>
        %dma_wait3A_434 = arith.constant 0 : i32
        %dma_wait3A_435 = tpu.memref_slice %arg14[%add3A_418, %dma_wait3A_434] : memref<10000x128xf32, #tpu.memory_space<vmem_shared>> -> memref<40x128xf32, #tpu.memory_space<vmem_shared>>
        %dma_wait3A_436 = arith.constant 0 : i32
        %dma_wait3A_437 = arith.constant 0 : i32
        %dma_wait3A_438 = tpu.memref_slice %arg10[%dma_wait3A_436, %dma_wait3A_437] : memref<50x128xf32, #tpu.memory_space<vmem>> -> memref<40x128xf32, #tpu.memory_space<vmem>>
        tpu.wait_dma2 semaphore(%run_scoped3A : memref<!tpu.dma_semaphore, #tpu.memory_space<semaphore_mem>>) src(%dma_wait3A_438 : memref<40x128xf32, #tpu.memory_space<vmem>>) dst(%dma_wait3A_435 : memref<40x128xf32, #tpu.memory_space<vmem_shared>>)
        tpu.yield
      }) : () -> ()
    } else {
    }
    %barrier3A = arith.constant 0 : index
    tpu.barrier barrier_id(%barrier3A)
    %mul3A_16 = arith.constant 5 : i32
    %mul3A_17 = arith.muli %add3A, %mul3A_16 : i32
    %dma_start3A = arith.constant 0 : i32
    %dma_start3A_18 = arith.constant 0 : i32
    %dma_start3A_19 = tpu.memref_slice %arg3[%mul3A_17, %dma_start3A, %dma_start3A_18] : memref<160x40x50xi32, #tpu.memory_space<hbm>> -> memref<1x40x50xi32, #tpu.memory_space<hbm>>
    %dma_start3A_20 = tpu.memref_squeeze %dma_start3A_19 : memref<1x40x50xi32, #tpu.memory_space<hbm>> -> memref<40x50xi32, #tpu.memory_space<hbm>>
    %dma_start3A_21 = arith.constant 0 : i32
    %dma_start3A_22 = arith.constant 0 : i32
    %dma_start3A_23 = tpu.memref_slice %arg3[%mul3A_17, %dma_start3A_21, %dma_start3A_22] : memref<160x40x50xi32, #tpu.memory_space<hbm>> -> memref<1x40x50xi32, #tpu.memory_space<hbm>>
    %dma_start3A_24 = tpu.memref_squeeze %dma_start3A_23 : memref<1x40x50xi32, #tpu.memory_space<hbm>> -> memref<40x50xi32, #tpu.memory_space<hbm>>
    tpu.enqueue_dma source(%dma_start3A_24 : memref<40x50xi32, #tpu.memory_space<hbm>>) target(%arg6 : memref<40x50xi32, #tpu.memory_space<vmem>>) target_semaphore(%arg15 : memref<!tpu.dma_semaphore, #tpu.memory_space<semaphore_mem>>)
    %mul3A_25 = arith.constant 5 : i32
    %mul3A_26 = arith.muli %add3A, %mul3A_25 : i32
    %dma_start3A_27 = arith.constant 0 : i32
    %dma_start3A_28 = arith.constant 0 : i32
    %dma_start3A_29 = tpu.memref_slice %arg4[%mul3A_26, %dma_start3A_27, %dma_start3A_28] : memref<160x40x50xi32, #tpu.memory_space<hbm>> -> memref<1x40x50xi32, #tpu.memory_space<hbm>>
    %dma_start3A_30 = tpu.memref_squeeze %dma_start3A_29 : memref<1x40x50xi32, #tpu.memory_space<hbm>> -> memref<40x50xi32, #tpu.memory_space<hbm>>
    %dma_start3A_31 = arith.constant 0 : i32
    %dma_start3A_32 = arith.constant 0 : i32
    %dma_start3A_33 = tpu.memref_slice %arg4[%mul3A_26, %dma_start3A_31, %dma_start3A_32] : memref<160x40x50xi32, #tpu.memory_space<hbm>> -> memref<1x40x50xi32, #tpu.memory_space<hbm>>
    %dma_start3A_34 = tpu.memref_squeeze %dma_start3A_33 : memref<1x40x50xi32, #tpu.memory_space<hbm>> -> memref<40x50xi32, #tpu.memory_space<hbm>>
    tpu.enqueue_dma source(%dma_start3A_34 : memref<40x50xi32, #tpu.memory_space<hbm>>) target(%arg7 : memref<40x50xi32, #tpu.memory_space<vmem>>) target_semaphore(%arg15 : memref<!tpu.dma_semaphore, #tpu.memory_space<semaphore_mem>>)
    %mul3A_35 = arith.constant 5 : i32
    %mul3A_36 = arith.muli %add3A, %mul3A_35 : i32
    %add3A_37 = arith.constant 0 : i32
    %add3A_38 = arith.addi %mul3A_36, %add3A_37 : i32
    %dma_wait3A = arith.constant 0 : i32
    %dma_wait3A_39 = arith.constant 0 : i32
    %dma_wait3A_40 = tpu.memref_slice %arg3[%add3A_38, %dma_wait3A, %dma_wait3A_39] : memref<160x40x50xi32, #tpu.memory_space<hbm>> -> memref<1x40x50xi32, #tpu.memory_space<hbm>>
    %dma_wait3A_41 = tpu.memref_squeeze %dma_wait3A_40 : memref<1x40x50xi32, #tpu.memory_space<hbm>> -> memref<40x50xi32, #tpu.memory_space<hbm>>
    %dma_wait3A_42 = arith.constant 0 : i32
    %dma_wait3A_43 = arith.constant 0 : i32
    %dma_wait3A_44 = tpu.memref_slice %arg3[%add3A_38, %dma_wait3A_42, %dma_wait3A_43] : memref<160x40x50xi32, #tpu.memory_space<hbm>> -> memref<1x40x50xi32, #tpu.memory_space<hbm>>
    %dma_wait3A_45 = tpu.memref_squeeze %dma_wait3A_44 : memref<1x40x50xi32, #tpu.memory_space<hbm>> -> memref<40x50xi32, #tpu.memory_space<hbm>>
    tpu.wait_dma2 semaphore(%arg15 : memref<!tpu.dma_semaphore, #tpu.memory_space<semaphore_mem>>) src(%dma_wait3A_45 : memref<40x50xi32, #tpu.memory_space<hbm>>) dst(%arg6 : memref<40x50xi32, #tpu.memory_space<vmem>>)
    %mul3A_46 = arith.constant 5 : i32
    %mul3A_47 = arith.muli %add3A, %mul3A_46 : i32
    %add3A_48 = arith.constant 0 : i32
    %add3A_49 = arith.addi %mul3A_47, %add3A_48 : i32
    %dma_wait3A_50 = arith.constant 0 : i32
    %dma_wait3A_51 = arith.constant 0 : i32
    %dma_wait3A_52 = tpu.memref_slice %arg4[%add3A_49, %dma_wait3A_50, %dma_wait3A_51] : memref<160x40x50xi32, #tpu.memory_space<hbm>> -> memref<1x40x50xi32, #tpu.memory_space<hbm>>
    %dma_wait3A_53 = tpu.memref_squeeze %dma_wait3A_52 : memref<1x40x50xi32, #tpu.memory_space<hbm>> -> memref<40x50xi32, #tpu.memory_space<hbm>>
    %dma_wait3A_54 = arith.constant 0 : i32
    %dma_wait3A_55 = arith.constant 0 : i32
    %dma_wait3A_56 = tpu.memref_slice %arg4[%add3A_49, %dma_wait3A_54, %dma_wait3A_55] : memref<160x40x50xi32, #tpu.memory_space<hbm>> -> memref<1x40x50xi32, #tpu.memory_space<hbm>>
    %dma_wait3A_57 = tpu.memref_squeeze %dma_wait3A_56 : memref<1x40x50xi32, #tpu.memory_space<hbm>> -> memref<40x50xi32, #tpu.memory_space<hbm>>
    tpu.wait_dma2 semaphore(%arg15 : memref<!tpu.dma_semaphore, #tpu.memory_space<semaphore_mem>>) src(%dma_wait3A_57 : memref<40x50xi32, #tpu.memory_space<hbm>>) dst(%arg7 : memref<40x50xi32, #tpu.memory_space<vmem>>)
    %mul3A_58 = arith.constant 5 : i32
    %mul3A_59 = arith.muli %add3A, %mul3A_58 : i32
    %add3A_60 = arith.constant 0 : i32
    %add3A_61 = arith.addi %mul3A_59, %add3A_60 : i32
    %add3A_62 = arith.constant 1 : i32
    %add3A_63 = arith.addi %add3A_61, %add3A_62 : i32
    %dma_start3A_64 = arith.constant 0 : i32
    %dma_start3A_65 = arith.constant 0 : i32
    %dma_start3A_66 = tpu.memref_slice %arg3[%add3A_63, %dma_start3A_64, %dma_start3A_65] : memref<160x40x50xi32, #tpu.memory_space<hbm>> -> memref<1x40x50xi32, #tpu.memory_space<hbm>>
    %dma_start3A_67 = tpu.memref_squeeze %dma_start3A_66 : memref<1x40x50xi32, #tpu.memory_space<hbm>> -> memref<40x50xi32, #tpu.memory_space<hbm>>
    %dma_start3A_68 = arith.constant 0 : i32
    %dma_start3A_69 = arith.constant 0 : i32
    %dma_start3A_70 = tpu.memref_slice %arg3[%add3A_63, %dma_start3A_68, %dma_start3A_69] : memref<160x40x50xi32, #tpu.memory_space<hbm>> -> memref<1x40x50xi32, #tpu.memory_space<hbm>>
    %dma_start3A_71 = tpu.memref_squeeze %dma_start3A_70 : memref<1x40x50xi32, #tpu.memory_space<hbm>> -> memref<40x50xi32, #tpu.memory_space<hbm>>
    tpu.enqueue_dma source(%dma_start3A_71 : memref<40x50xi32, #tpu.memory_space<hbm>>) target(%arg8 : memref<40x50xi32, #tpu.memory_space<vmem>>) target_semaphore(%arg16 : memref<!tpu.dma_semaphore, #tpu.memory_space<semaphore_mem>>)
    %mul3A_72 = arith.constant 5 : i32
    %mul3A_73 = arith.muli %add3A, %mul3A_72 : i32
    %add3A_74 = arith.constant 0 : i32
    %add3A_75 = arith.addi %mul3A_73, %add3A_74 : i32
    %add3A_76 = arith.constant 1 : i32
    %add3A_77 = arith.addi %add3A_75, %add3A_76 : i32
    %dma_start3A_78 = arith.constant 0 : i32
    %dma_start3A_79 = arith.constant 0 : i32
    %dma_start3A_80 = tpu.memref_slice %arg4[%add3A_77, %dma_start3A_78, %dma_start3A_79] : memref<160x40x50xi32, #tpu.memory_space<hbm>> -> memref<1x40x50xi32, #tpu.memory_space<hbm>>
    %dma_start3A_81 = tpu.memref_squeeze %dma_start3A_80 : memref<1x40x50xi32, #tpu.memory_space<hbm>> -> memref<40x50xi32, #tpu.memory_space<hbm>>
    %dma_start3A_82 = arith.constant 0 : i32
    %dma_start3A_83 = arith.constant 0 : i32
    %dma_start3A_84 = tpu.memref_slice %arg4[%add3A_77, %dma_start3A_82, %dma_start3A_83] : memref<160x40x50xi32, #tpu.memory_space<hbm>> -> memref<1x40x50xi32, #tpu.memory_space<hbm>>
    %dma_start3A_85 = tpu.memref_squeeze %dma_start3A_84 : memref<1x40x50xi32, #tpu.memory_space<hbm>> -> memref<40x50xi32, #tpu.memory_space<hbm>>
    tpu.enqueue_dma source(%dma_start3A_85 : memref<40x50xi32, #tpu.memory_space<hbm>>) target(%arg9 : memref<40x50xi32, #tpu.memory_space<vmem>>) target_semaphore(%arg16 : memref<!tpu.dma_semaphore, #tpu.memory_space<semaphore_mem>>)
    %dma_start3A_86 = arith.constant 0 : i32
    %dma_start3A_87 = arith.constant 0 : i32
    %dma_start3A_88 = tpu.memref_slice %arg6[%dma_start3A_86, %dma_start3A_87] : memref<40x50xi32, #tpu.memory_space<vmem>> -> memref<1x50xi32, #tpu.memory_space<vmem>>
    %dma_start3A_89 = tpu.memref_squeeze %dma_start3A_88 : memref<1x50xi32, #tpu.memory_space<vmem>> -> memref<50xi32, #tpu.memory_space<vmem>>
    %dma_start3A_90 = arith.constant 0 : i32
    %dma_start3A_91 = arith.constant 0 : i32
    %dma_start3A_92 = tpu.memref_slice %arg2[%dma_start3A_90, %dma_start3A_91] : memref<10000x128xf32, #tpu.memory_space<hbm>> -> memref<10000x128xf32, #tpu.memory_space<hbm>>
    tpu.enqueue_indirect_dma source(%dma_start3A_92 : memref<10000x128xf32, #tpu.memory_space<hbm>>) target(%arg10 : memref<50x128xf32, #tpu.memory_space<vmem>>) offsets(%dma_start3A_89 : memref<50xi32, #tpu.memory_space<vmem>>) semaphore(%arg17 : memref<!tpu.dma_semaphore, #tpu.memory_space<semaphore_mem>>)
    %dma_start3A_93 = arith.constant 1 : i32
    %dma_start3A_94 = arith.constant 0 : i32
    %dma_start3A_95 = tpu.memref_slice %arg6[%dma_start3A_93, %dma_start3A_94] : memref<40x50xi32, #tpu.memory_space<vmem>> -> memref<1x50xi32, #tpu.memory_space<vmem>>
    %dma_start3A_96 = tpu.memref_squeeze %dma_start3A_95 : memref<1x50xi32, #tpu.memory_space<vmem>> -> memref<50xi32, #tpu.memory_space<vmem>>
    %dma_start3A_97 = arith.constant 0 : i32
    %dma_start3A_98 = arith.constant 0 : i32
    %dma_start3A_99 = tpu.memref_slice %arg2[%dma_start3A_97, %dma_start3A_98] : memref<10000x128xf32, #tpu.memory_space<hbm>> -> memref<10000x128xf32, #tpu.memory_space<hbm>>
    tpu.enqueue_indirect_dma source(%dma_start3A_99 : memref<10000x128xf32, #tpu.memory_space<hbm>>) target(%arg11 : memref<50x128xf32, #tpu.memory_space<vmem>>) offsets(%dma_start3A_96 : memref<50xi32, #tpu.memory_space<vmem>>) semaphore(%arg18 : memref<!tpu.dma_semaphore, #tpu.memory_space<semaphore_mem>>)
    %dma_start3A_100 = arith.constant 2 : i32
    %dma_start3A_101 = arith.constant 0 : i32
    %dma_start3A_102 = tpu.memref_slice %arg6[%dma_start3A_100, %dma_start3A_101] : memref<40x50xi32, #tpu.memory_space<vmem>> -> memref<1x50xi32, #tpu.memory_space<vmem>>
    %dma_start3A_103 = tpu.memref_squeeze %dma_start3A_102 : memref<1x50xi32, #tpu.memory_space<vmem>> -> memref<50xi32, #tpu.memory_space<vmem>>
    %dma_start3A_104 = arith.constant 0 : i32
    %dma_start3A_105 = arith.constant 0 : i32
    %dma_start3A_106 = tpu.memref_slice %arg2[%dma_start3A_104, %dma_start3A_105] : memref<10000x128xf32, #tpu.memory_space<hbm>> -> memref<10000x128xf32, #tpu.memory_space<hbm>>
    tpu.enqueue_indirect_dma source(%dma_start3A_106 : memref<10000x128xf32, #tpu.memory_space<hbm>>) target(%arg12 : memref<50x128xf32, #tpu.memory_space<vmem>>) offsets(%dma_start3A_103 : memref<50xi32, #tpu.memory_space<vmem>>) semaphore(%arg19 : memref<!tpu.dma_semaphore, #tpu.memory_space<semaphore_mem>>)
    %scan3A_107 = arith.constant 0 : i32
    %scan3A_108 = arith.constant 0 : i32
    %scan3A_109 = arith.constant 10 : i32
    %scan3A_110 = arith.addi %scan3A_108, %scan3A_109 : i32
    %scan3A_111 = arith.constant 1 : i32
    %scan3A_112 = scf.for %scan3A_410 = %scan3A_108 to %scan3A_110 step %scan3A_111 iter_args(%scan3A_411 = %scan3A_107) -> (i32)  : i32 {
      %mul3A_412 = arith.constant 4 : i32
      %mul3A_413 = arith.muli %scan3A_410, %mul3A_412 : i32
      %add3A_414 = arith.constant 0 : i32
      %add3A_415 = arith.addi %mul3A_413, %add3A_414 : i32
      %dma_wait3A_416 = arith.constant 0 : i32
      %dma_wait3A_417 = tpu.memref_slice %arg6[%add3A_415, %dma_wait3A_416] : memref<40x50xi32, #tpu.memory_space<vmem>> -> memref<1x50xi32, #tpu.memory_space<vmem>>
      %dma_wait3A_418 = tpu.memref_squeeze %dma_wait3A_417 : memref<1x50xi32, #tpu.memory_space<vmem>> -> memref<50xi32, #tpu.memory_space<vmem>>
      %dma_wait3A_419 = arith.constant 0 : i32
      %dma_wait3A_420 = arith.constant 0 : i32
      %dma_wait3A_421 = tpu.memref_slice %arg2[%dma_wait3A_419, %dma_wait3A_420] : memref<10000x128xf32, #tpu.memory_space<hbm>> -> memref<10000x128xf32, #tpu.memory_space<hbm>>
      tpu.wait_indirect_dma semaphore(%arg17 : memref<!tpu.dma_semaphore, #tpu.memory_space<semaphore_mem>>) src(%dma_wait3A_421 : memref<10000x128xf32, #tpu.memory_space<hbm>>) dst(%arg10 : memref<50x128xf32, #tpu.memory_space<vmem>>)
      %add3A_422 = arith.constant 4 : i32
      %add3A_423 = arith.addi %add3A_415, %add3A_422 : i32
      %sub3A = arith.constant 1 : i32
      %sub3A_424 = arith.subi %add3A_423, %sub3A : i32
      %lt3A = arith.constant 40 : i32
      %lt3A_425 = arith.cmpi slt, %sub3A_424, %lt3A : i32
      %convert_element_type3A_426 = arith.extui %lt3A_425 : i1 to i32
      %cond3A_427 = arith.constant 0 : i32
      %cond3A_428 = arith.cmpi ne, %convert_element_type3A_426, %cond3A_427 : i32
      scf.if %cond3A_428 {
        %add3A_487 = arith.constant 4 : i32
        %add3A_488 = arith.addi %add3A_415, %add3A_487 : i32
        %sub3A_489 = arith.constant 1 : i32
        %sub3A_490 = arith.subi %add3A_488, %sub3A_489 : i32
        %dma_start3A_491 = arith.constant 0 : i32
        %dma_start3A_492 = tpu.memref_slice %arg6[%sub3A_490, %dma_start3A_491] : memref<40x50xi32, #tpu.memory_space<vmem>> -> memref<1x50xi32, #tpu.memory_space<vmem>>
        %dma_start3A_493 = tpu.memref_squeeze %dma_start3A_492 : memref<1x50xi32, #tpu.memory_space<vmem>> -> memref<50xi32, #tpu.memory_space<vmem>>
        %dma_start3A_494 = arith.constant 0 : i32
        %dma_start3A_495 = arith.constant 0 : i32
        %dma_start3A_496 = tpu.memref_slice %arg2[%dma_start3A_494, %dma_start3A_495] : memref<10000x128xf32, #tpu.memory_space<hbm>> -> memref<10000x128xf32, #tpu.memory_space<hbm>>
        tpu.enqueue_indirect_dma source(%dma_start3A_496 : memref<10000x128xf32, #tpu.memory_space<hbm>>) target(%arg13 : memref<50x128xf32, #tpu.memory_space<vmem>>) offsets(%dma_start3A_493 : memref<50xi32, #tpu.memory_space<vmem>>) semaphore(%arg20 : memref<!tpu.dma_semaphore, #tpu.memory_space<semaphore_mem>>)
      } else {
      }
      "tpu.region"() ({
        %run_scoped3A = tpu.sem_alloc : memref<!tpu.dma_semaphore, #tpu.memory_space<semaphore_mem>>
        %dma_start3A_487 = arith.constant 0 : i32
        %dma_start3A_488 = tpu.memref_slice %arg7[%add3A_415, %dma_start3A_487] : memref<40x50xi32, #tpu.memory_space<vmem>> -> memref<1x50xi32, #tpu.memory_space<vmem>>
        %dma_start3A_489 = tpu.memref_squeeze %dma_start3A_488 : memref<1x50xi32, #tpu.memory_space<vmem>> -> memref<50xi32, #tpu.memory_space<vmem>>
        %dma_start3A_490 = arith.constant 0 : i32
        %dma_start3A_491 = arith.constant 0 : i32
        %dma_start3A_492 = tpu.memref_slice %arg14[%dma_start3A_490, %dma_start3A_491] : memref<10000x128xf32, #tpu.memory_space<vmem_shared>> -> memref<10000x128xf32, #tpu.memory_space<vmem_shared>>
        tpu.enqueue_indirect_dma source(%arg10 : memref<50x128xf32, #tpu.memory_space<vmem>>) target(%dma_start3A_492 : memref<10000x128xf32, #tpu.memory_space<vmem_shared>>) offsets(%dma_start3A_489 : memref<50xi32, #tpu.memory_space<vmem>>) semaphore(%run_scoped3A : memref<!tpu.dma_semaphore, #tpu.memory_space<semaphore_mem>>) {add = true}
        %dma_wait3A_493 = arith.constant 0 : i32
        %dma_wait3A_494 = tpu.memref_slice %arg7[%add3A_415, %dma_wait3A_493] : memref<40x50xi32, #tpu.memory_space<vmem>> -> memref<1x50xi32, #tpu.memory_space<vmem>>
        %dma_wait3A_495 = tpu.memref_squeeze %dma_wait3A_494 : memref<1x50xi32, #tpu.memory_space<vmem>> -> memref<50xi32, #tpu.memory_space<vmem>>
        %dma_wait3A_496 = arith.constant 0 : i32
        %dma_wait3A_497 = arith.constant 0 : i32
        %dma_wait3A_498 = tpu.memref_slice %arg14[%dma_wait3A_496, %dma_wait3A_497] : memref<10000x128xf32, #tpu.memory_space<vmem_shared>> -> memref<10000x128xf32, #tpu.memory_space<vmem_shared>>
        tpu.wait_indirect_dma semaphore(%run_scoped3A : memref<!tpu.dma_semaphore, #tpu.memory_space<semaphore_mem>>) src(%arg10 : memref<50x128xf32, #tpu.memory_space<vmem>>) dst(%dma_wait3A_498 : memref<10000x128xf32, #tpu.memory_space<vmem_shared>>)
        tpu.yield
      }) : () -> ()
      %mul3A_429 = arith.constant 4 : i32
      %mul3A_430 = arith.muli %scan3A_410, %mul3A_429 : i32
      %add3A_431 = arith.constant 1 : i32
      %add3A_432 = arith.addi %mul3A_430, %add3A_431 : i32
      %dma_wait3A_433 = arith.constant 0 : i32
      %dma_wait3A_434 = tpu.memref_slice %arg6[%add3A_432, %dma_wait3A_433] : memref<40x50xi32, #tpu.memory_space<vmem>> -> memref<1x50xi32, #tpu.memory_space<vmem>>
      %dma_wait3A_435 = tpu.memref_squeeze %dma_wait3A_434 : memref<1x50xi32, #tpu.memory_space<vmem>> -> memref<50xi32, #tpu.memory_space<vmem>>
      %dma_wait3A_436 = arith.constant 0 : i32
      %dma_wait3A_437 = arith.constant 0 : i32
      %dma_wait3A_438 = tpu.memref_slice %arg2[%dma_wait3A_436, %dma_wait3A_437] : memref<10000x128xf32, #tpu.memory_space<hbm>> -> memref<10000x128xf32, #tpu.memory_space<hbm>>
      tpu.wait_indirect_dma semaphore(%arg18 : memref<!tpu.dma_semaphore, #tpu.memory_space<semaphore_mem>>) src(%dma_wait3A_438 : memref<10000x128xf32, #tpu.memory_space<hbm>>) dst(%arg11 : memref<50x128xf32, #tpu.memory_space<vmem>>)
      %add3A_439 = arith.constant 4 : i32
      %add3A_440 = arith.addi %add3A_432, %add3A_439 : i32
      %sub3A_441 = arith.constant 1 : i32
      %sub3A_442 = arith.subi %add3A_440, %sub3A_441 : i32
      %lt3A_443 = arith.constant 40 : i32
      %lt3A_444 = arith.cmpi slt, %sub3A_442, %lt3A_443 : i32
      %convert_element_type3A_445 = arith.extui %lt3A_444 : i1 to i32
      %cond3A_446 = arith.constant 0 : i32
      %cond3A_447 = arith.cmpi ne, %convert_element_type3A_445, %cond3A_446 : i32
      scf.if %cond3A_447 {
        %add3A_487 = arith.constant 4 : i32
        %add3A_488 = arith.addi %add3A_432, %add3A_487 : i32
        %sub3A_489 = arith.constant 1 : i32
        %sub3A_490 = arith.subi %add3A_488, %sub3A_489 : i32
        %dma_start3A_491 = arith.constant 0 : i32
        %dma_start3A_492 = tpu.memref_slice %arg6[%sub3A_490, %dma_start3A_491] : memref<40x50xi32, #tpu.memory_space<vmem>> -> memref<1x50xi32, #tpu.memory_space<vmem>>
        %dma_start3A_493 = tpu.memref_squeeze %dma_start3A_492 : memref<1x50xi32, #tpu.memory_space<vmem>> -> memref<50xi32, #tpu.memory_space<vmem>>
        %dma_start3A_494 = arith.constant 0 : i32
        %dma_start3A_495 = arith.constant 0 : i32
        %dma_start3A_496 = tpu.memref_slice %arg2[%dma_start3A_494, %dma_start3A_495] : memref<10000x128xf32, #tpu.memory_space<hbm>> -> memref<10000x128xf32, #tpu.memory_space<hbm>>
        tpu.enqueue_indirect_dma source(%dma_start3A_496 : memref<10000x128xf32, #tpu.memory_space<hbm>>) target(%arg10 : memref<50x128xf32, #tpu.memory_space<vmem>>) offsets(%dma_start3A_493 : memref<50xi32, #tpu.memory_space<vmem>>) semaphore(%arg17 : memref<!tpu.dma_semaphore, #tpu.memory_space<semaphore_mem>>)
      } else {
      }
      "tpu.region"() ({
        %run_scoped3A = tpu.sem_alloc : memref<!tpu.dma_semaphore, #tpu.memory_space<semaphore_mem>>
        %dma_start3A_487 = arith.constant 0 : i32
        %dma_start3A_488 = tpu.memref_slice %arg7[%add3A_432, %dma_start3A_487] : memref<40x50xi32, #tpu.memory_space<vmem>> -> memref<1x50xi32, #tpu.memory_space<vmem>>
        %dma_start3A_489 = tpu.memref_squeeze %dma_start3A_488 : memref<1x50xi32, #tpu.memory_space<vmem>> -> memref<50xi32, #tpu.memory_space<vmem>>
        %dma_start3A_490 = arith.constant 0 : i32
        %dma_start3A_491 = arith.constant 0 : i32
        %dma_start3A_492 = tpu.memref_slice %arg14[%dma_start3A_490, %dma_start3A_491] : memref<10000x128xf32, #tpu.memory_space<vmem_shared>> -> memref<10000x128xf32, #tpu.memory_space<vmem_shared>>
        tpu.enqueue_indirect_dma source(%arg11 : memref<50x128xf32, #tpu.memory_space<vmem>>) target(%dma_start3A_492 : memref<10000x128xf32, #tpu.memory_space<vmem_shared>>) offsets(%dma_start3A_489 : memref<50xi32, #tpu.memory_space<vmem>>) semaphore(%run_scoped3A : memref<!tpu.dma_semaphore, #tpu.memory_space<semaphore_mem>>) {add = true}
        %dma_wait3A_493 = arith.constant 0 : i32
        %dma_wait3A_494 = tpu.memref_slice %arg7[%add3A_432, %dma_wait3A_493] : memref<40x50xi32, #tpu.memory_space<vmem>> -> memref<1x50xi32, #tpu.memory_space<vmem>>
        %dma_wait3A_495 = tpu.memref_squeeze %dma_wait3A_494 : memref<1x50xi32, #tpu.memory_space<vmem>> -> memref<50xi32, #tpu.memory_space<vmem>>
        %dma_wait3A_496 = arith.constant 0 : i32
        %dma_wait3A_497 = arith.constant 0 : i32
        %dma_wait3A_498 = tpu.memref_slice %arg14[%dma_wait3A_496, %dma_wait3A_497] : memref<10000x128xf32, #tpu.memory_space<vmem_shared>> -> memref<10000x128xf32, #tpu.memory_space<vmem_shared>>
        tpu.wait_indirect_dma semaphore(%run_scoped3A : memref<!tpu.dma_semaphore, #tpu.memory_space<semaphore_mem>>) src(%arg11 : memref<50x128xf32, #tpu.memory_space<vmem>>) dst(%dma_wait3A_498 : memref<10000x128xf32, #tpu.memory_space<vmem_shared>>)
        tpu.yield
      }) : () -> ()
      %mul3A_448 = arith.constant 4 : i32
      %mul3A_449 = arith.muli %scan3A_410, %mul3A_448 : i32
      %add3A_450 = arith.constant 2 : i32
      %add3A_451 = arith.addi %mul3A_449, %add3A_450 : i32
      %dma_wait3A_452 = arith.constant 0 : i32
      %dma_wait3A_453 = tpu.memref_slice %arg6[%add3A_451, %dma_wait3A_452] : memref<40x50xi32, #tpu.memory_space<vmem>> -> memref<1x50xi32, #tpu.memory_space<vmem>>
      %dma_wait3A_454 = tpu.memref_squeeze %dma_wait3A_453 : memref<1x50xi32, #tpu.memory_space<vmem>> -> memref<50xi32, #tpu.memory_space<vmem>>
      %dma_wait3A_455 = arith.constant 0 : i32
      %dma_wait3A_456 = arith.constant 0 : i32
      %dma_wait3A_457 = tpu.memref_slice %arg2[%dma_wait3A_455, %dma_wait3A_456] : memref<10000x128xf32, #tpu.memory_space<hbm>> -> memref<10000x128xf32, #tpu.memory_space<hbm>>
      tpu.wait_indirect_dma semaphore(%arg19 : memref<!tpu.dma_semaphore, #tpu.memory_space<semaphore_mem>>) src(%dma_wait3A_457 : memref<10000x128xf32, #tpu.memory_space<hbm>>) dst(%arg12 : memref<50x128xf32, #tpu.memory_space<vmem>>)
      %add3A_458 = arith.constant 4 : i32
      %add3A_459 = arith.addi %add3A_451, %add3A_458 : i32
      %sub3A_460 = arith.constant 1 : i32
      %sub3A_461 = arith.subi %add3A_459, %sub3A_460 : i32
      %lt3A_462 = arith.constant 40 : i32
      %lt3A_463 = arith.cmpi slt, %sub3A_461, %lt3A_462 : i32
      %convert_element_type3A_464 = arith.extui %lt3A_463 : i1 to i32
      %cond3A_465 = arith.constant 0 : i32
      %cond3A_466 = arith.cmpi ne, %convert_element_type3A_464, %cond3A_465 : i32
      scf.if %cond3A_466 {
        %add3A_487 = arith.constant 4 : i32
        %add3A_488 = arith.addi %add3A_451, %add3A_487 : i32
        %sub3A_489 = arith.constant 1 : i32
        %sub3A_490 = arith.subi %add3A_488, %sub3A_489 : i32
        %dma_start3A_491 = arith.constant 0 : i32
        %dma_start3A_492 = tpu.memref_slice %arg6[%sub3A_490, %dma_start3A_491] : memref<40x50xi32, #tpu.memory_space<vmem>> -> memref<1x50xi32, #tpu.memory_space<vmem>>
        %dma_start3A_493 = tpu.memref_squeeze %dma_start3A_492 : memref<1x50xi32, #tpu.memory_space<vmem>> -> memref<50xi32, #tpu.memory_space<vmem>>
        %dma_start3A_494 = arith.constant 0 : i32
        %dma_start3A_495 = arith.constant 0 : i32
        %dma_start3A_496 = tpu.memref_slice %arg2[%dma_start3A_494, %dma_start3A_495] : memref<10000x128xf32, #tpu.memory_space<hbm>> -> memref<10000x128xf32, #tpu.memory_space<hbm>>
        tpu.enqueue_indirect_dma source(%dma_start3A_496 : memref<10000x128xf32, #tpu.memory_space<hbm>>) target(%arg11 : memref<50x128xf32, #tpu.memory_space<vmem>>) offsets(%dma_start3A_493 : memref<50xi32, #tpu.memory_space<vmem>>) semaphore(%arg18 : memref<!tpu.dma_semaphore, #tpu.memory_space<semaphore_mem>>)
      } else {
      }
      "tpu.region"() ({
        %run_scoped3A = tpu.sem_alloc : memref<!tpu.dma_semaphore, #tpu.memory_space<semaphore_mem>>
        %dma_start3A_487 = arith.constant 0 : i32
        %dma_start3A_488 = tpu.memref_slice %arg7[%add3A_451, %dma_start3A_487] : memref<40x50xi32, #tpu.memory_space<vmem>> -> memref<1x50xi32, #tpu.memory_space<vmem>>
        %dma_start3A_489 = tpu.memref_squeeze %dma_start3A_488 : memref<1x50xi32, #tpu.memory_space<vmem>> -> memref<50xi32, #tpu.memory_space<vmem>>
        %dma_start3A_490 = arith.constant 0 : i32
        %dma_start3A_491 = arith.constant 0 : i32
        %dma_start3A_492 = tpu.memref_slice %arg14[%dma_start3A_490, %dma_start3A_491] : memref<10000x128xf32, #tpu.memory_space<vmem_shared>> -> memref<10000x128xf32, #tpu.memory_space<vmem_shared>>
        tpu.enqueue_indirect_dma source(%arg12 : memref<50x128xf32, #tpu.memory_space<vmem>>) target(%dma_start3A_492 : memref<10000x128xf32, #tpu.memory_space<vmem_shared>>) offsets(%dma_start3A_489 : memref<50xi32, #tpu.memory_space<vmem>>) semaphore(%run_scoped3A : memref<!tpu.dma_semaphore, #tpu.memory_space<semaphore_mem>>) {add = true}
        %dma_wait3A_493 = arith.constant 0 : i32
        %dma_wait3A_494 = tpu.memref_slice %arg7[%add3A_451, %dma_wait3A_493] : memref<40x50xi32, #tpu.memory_space<vmem>> -> memref<1x50xi32, #tpu.memory_space<vmem>>
        %dma_wait3A_495 = tpu.memref_squeeze %dma_wait3A_494 : memref<1x50xi32, #tpu.memory_space<vmem>> -> memref<50xi32, #tpu.memory_space<vmem>>
        %dma_wait3A_496 = arith.constant 0 : i32
        %dma_wait3A_497 = arith.constant 0 : i32
        %dma_wait3A_498 = tpu.memref_slice %arg14[%dma_wait3A_496, %dma_wait3A_497] : memref<10000x128xf32, #tpu.memory_space<vmem_shared>> -> memref<10000x128xf32, #tpu.memory_space<vmem_shared>>
        tpu.wait_indirect_dma semaphore(%run_scoped3A : memref<!tpu.dma_semaphore, #tpu.memory_space<semaphore_mem>>) src(%arg12 : memref<50x128xf32, #tpu.memory_space<vmem>>) dst(%dma_wait3A_498 : memref<10000x128xf32, #tpu.memory_space<vmem_shared>>)
        tpu.yield
      }) : () -> ()
      %mul3A_467 = arith.constant 4 : i32
      %mul3A_468 = arith.muli %scan3A_410, %mul3A_467 : i32
      %add3A_469 = arith.constant 3 : i32
      %add3A_470 = arith.addi %mul3A_468, %add3A_469 : i32
      %dma_wait3A_471 = arith.constant 0 : i32
      %dma_wait3A_472 = tpu.memref_slice %arg6[%add3A_470, %dma_wait3A_471] : memref<40x50xi32, #tpu.memory_space<vmem>> -> memref<1x50xi32, #tpu.memory_space<vmem>>
      %dma_wait3A_473 = tpu.memref_squeeze %dma_wait3A_472 : memref<1x50xi32, #tpu.memory_space<vmem>> -> memref<50xi32, #tpu.memory_space<vmem>>
      %dma_wait3A_474 = arith.constant 0 : i32
      %dma_wait3A_475 = arith.constant 0 : i32
      %dma_wait3A_476 = tpu.memref_slice %arg2[%dma_wait3A_474, %dma_wait3A_475] : memref<10000x128xf32, #tpu.memory_space<hbm>> -> memref<10000x128xf32, #tpu.memory_space<hbm>>
      tpu.wait_indirect_dma semaphore(%arg20 : memref<!tpu.dma_semaphore, #tpu.memory_space<semaphore_mem>>) src(%dma_wait3A_476 : memref<10000x128xf32, #tpu.memory_space<hbm>>) dst(%arg13 : memref<50x128xf32, #tpu.memory_space<vmem>>)
      %add3A_477 = arith.constant 4 : i32
      %add3A_478 = arith.addi %add3A_470, %add3A_477 : i32
      %sub3A_479 = arith.constant 1 : i32
      %sub3A_480 = arith.subi %add3A_478, %sub3A_479 : i32
      %lt3A_481 = arith.constant 40 : i32
      %lt3A_482 = arith.cmpi slt, %sub3A_480, %lt3A_481 : i32
      %convert_element_type3A_483 = arith.extui %lt3A_482 : i1 to i32
      %cond3A_484 = arith.constant 0 : i32
      %cond3A_485 = arith.cmpi ne, %convert_element_type3A_483, %cond3A_484 : i32
      scf.if %cond3A_485 {
        %add3A_487 = arith.constant 4 : i32
        %add3A_488 = arith.addi %add3A_470, %add3A_487 : i32
        %sub3A_489 = arith.constant 1 : i32
        %sub3A_490 = arith.subi %add3A_488, %sub3A_489 : i32
        %dma_start3A_491 = arith.constant 0 : i32
        %dma_start3A_492 = tpu.memref_slice %arg6[%sub3A_490, %dma_start3A_491] : memref<40x50xi32, #tpu.memory_space<vmem>> -> memref<1x50xi32, #tpu.memory_space<vmem>>
        %dma_start3A_493 = tpu.memref_squeeze %dma_start3A_492 : memref<1x50xi32, #tpu.memory_space<vmem>> -> memref<50xi32, #tpu.memory_space<vmem>>
        %dma_start3A_494 = arith.constant 0 : i32
        %dma_start3A_495 = arith.constant 0 : i32
        %dma_start3A_496 = tpu.memref_slice %arg2[%dma_start3A_494, %dma_start3A_495] : memref<10000x128xf32, #tpu.memory_space<hbm>> -> memref<10000x128xf32, #tpu.memory_space<hbm>>
        tpu.enqueue_indirect_dma source(%dma_start3A_496 : memref<10000x128xf32, #tpu.memory_space<hbm>>) target(%arg12 : memref<50x128xf32, #tpu.memory_space<vmem>>) offsets(%dma_start3A_493 : memref<50xi32, #tpu.memory_space<vmem>>) semaphore(%arg19 : memref<!tpu.dma_semaphore, #tpu.memory_space<semaphore_mem>>)
      } else {
      }
      "tpu.region"() ({
        %run_scoped3A = tpu.sem_alloc : memref<!tpu.dma_semaphore, #tpu.memory_space<semaphore_mem>>
        %dma_start3A_487 = arith.constant 0 : i32
        %dma_start3A_488 = tpu.memref_slice %arg7[%add3A_470, %dma_start3A_487] : memref<40x50xi32, #tpu.memory_space<vmem>> -> memref<1x50xi32, #tpu.memory_space<vmem>>
        %dma_start3A_489 = tpu.memref_squeeze %dma_start3A_488 : memref<1x50xi32, #tpu.memory_space<vmem>> -> memref<50xi32, #tpu.memory_space<vmem>>
        %dma_start3A_490 = arith.constant 0 : i32
        %dma_start3A_491 = arith.constant 0 : i32
        %dma_start3A_492 = tpu.memref_slice %arg14[%dma_start3A_490, %dma_start3A_491] : memref<10000x128xf32, #tpu.memory_space<vmem_shared>> -> memref<10000x128xf32, #tpu.memory_space<vmem_shared>>
        tpu.enqueue_indirect_dma source(%arg13 : memref<50x128xf32, #tpu.memory_space<vmem>>) target(%dma_start3A_492 : memref<10000x128xf32, #tpu.memory_space<vmem_shared>>) offsets(%dma_start3A_489 : memref<50xi32, #tpu.memory_space<vmem>>) semaphore(%run_scoped3A : memref<!tpu.dma_semaphore, #tpu.memory_space<semaphore_mem>>) {add = true}
        %dma_wait3A_493 = arith.constant 0 : i32
        %dma_wait3A_494 = tpu.memref_slice %arg7[%add3A_470, %dma_wait3A_493] : memref<40x50xi32, #tpu.memory_space<vmem>> -> memref<1x50xi32, #tpu.memory_space<vmem>>
        %dma_wait3A_495 = tpu.memref_squeeze %dma_wait3A_494 : memref<1x50xi32, #tpu.memory_space<vmem>> -> memref<50xi32, #tpu.memory_space<vmem>>
        %dma_wait3A_496 = arith.constant 0 : i32
        %dma_wait3A_497 = arith.constant 0 : i32
        %dma_wait3A_498 = tpu.memref_slice %arg14[%dma_wait3A_496, %dma_wait3A_497] : memref<10000x128xf32, #tpu.memory_space<vmem_shared>> -> memref<10000x128xf32, #tpu.memory_space<vmem_shared>>
        tpu.wait_indirect_dma semaphore(%run_scoped3A : memref<!tpu.dma_semaphore, #tpu.memory_space<semaphore_mem>>) src(%arg13 : memref<50x128xf32, #tpu.memory_space<vmem>>) dst(%dma_wait3A_498 : memref<10000x128xf32, #tpu.memory_space<vmem_shared>>)
        tpu.yield
      }) : () -> ()
      %scan3A_486 = arith.constant 0 : i32
      scf.yield %scan3A_486 : i32
    }
    %scan3A_113 = arith.constant 10 : i32
    %mul3A_114 = arith.constant 5 : i32
    %mul3A_115 = arith.muli %add3A, %mul3A_114 : i32
    %add3A_116 = arith.constant 1 : i32
    %add3A_117 = arith.addi %mul3A_115, %add3A_116 : i32
    %dma_wait3A_118 = arith.constant 0 : i32
    %dma_wait3A_119 = arith.constant 0 : i32
    %dma_wait3A_120 = tpu.memref_slice %arg3[%add3A_117, %dma_wait3A_118, %dma_wait3A_119] : memref<160x40x50xi32, #tpu.memory_space<hbm>> -> memref<1x40x50xi32, #tpu.memory_space<hbm>>
    %dma_wait3A_121 = tpu.memref_squeeze %dma_wait3A_120 : memref<1x40x50xi32, #tpu.memory_space<hbm>> -> memref<40x50xi32, #tpu.memory_space<hbm>>
    %dma_wait3A_122 = arith.constant 0 : i32
    %dma_wait3A_123 = arith.constant 0 : i32
    %dma_wait3A_124 = tpu.memref_slice %arg3[%add3A_117, %dma_wait3A_122, %dma_wait3A_123] : memref<160x40x50xi32, #tpu.memory_space<hbm>> -> memref<1x40x50xi32, #tpu.memory_space<hbm>>
    %dma_wait3A_125 = tpu.memref_squeeze %dma_wait3A_124 : memref<1x40x50xi32, #tpu.memory_space<hbm>> -> memref<40x50xi32, #tpu.memory_space<hbm>>
    tpu.wait_dma2 semaphore(%arg16 : memref<!tpu.dma_semaphore, #tpu.memory_space<semaphore_mem>>) src(%dma_wait3A_125 : memref<40x50xi32, #tpu.memory_space<hbm>>) dst(%arg8 : memref<40x50xi32, #tpu.memory_space<vmem>>)
    %mul3A_126 = arith.constant 5 : i32
    %mul3A_127 = arith.muli %add3A, %mul3A_126 : i32
    %add3A_128 = arith.constant 1 : i32
    %add3A_129 = arith.addi %mul3A_127, %add3A_128 : i32
    %dma_wait3A_130 = arith.constant 0 : i32
    %dma_wait3A_131 = arith.constant 0 : i32
    %dma_wait3A_132 = tpu.memref_slice %arg4[%add3A_129, %dma_wait3A_130, %dma_wait3A_131] : memref<160x40x50xi32, #tpu.memory_space<hbm>> -> memref<1x40x50xi32, #tpu.memory_space<hbm>>
    %dma_wait3A_133 = tpu.memref_squeeze %dma_wait3A_132 : memref<1x40x50xi32, #tpu.memory_space<hbm>> -> memref<40x50xi32, #tpu.memory_space<hbm>>
    %dma_wait3A_134 = arith.constant 0 : i32
    %dma_wait3A_135 = arith.constant 0 : i32
    %dma_wait3A_136 = tpu.memref_slice %arg4[%add3A_129, %dma_wait3A_134, %dma_wait3A_135] : memref<160x40x50xi32, #tpu.memory_space<hbm>> -> memref<1x40x50xi32, #tpu.memory_space<hbm>>
    %dma_wait3A_137 = tpu.memref_squeeze %dma_wait3A_136 : memref<1x40x50xi32, #tpu.memory_space<hbm>> -> memref<40x50xi32, #tpu.memory_space<hbm>>
    tpu.wait_dma2 semaphore(%arg16 : memref<!tpu.dma_semaphore, #tpu.memory_space<semaphore_mem>>) src(%dma_wait3A_137 : memref<40x50xi32, #tpu.memory_space<hbm>>) dst(%arg9 : memref<40x50xi32, #tpu.memory_space<vmem>>)
    %mul3A_138 = arith.constant 5 : i32
    %mul3A_139 = arith.muli %add3A, %mul3A_138 : i32
    %add3A_140 = arith.constant 1 : i32
    %add3A_141 = arith.addi %mul3A_139, %add3A_140 : i32
    %add3A_142 = arith.constant 1 : i32
    %add3A_143 = arith.addi %add3A_141, %add3A_142 : i32
    %dma_start3A_144 = arith.constant 0 : i32
    %dma_start3A_145 = arith.constant 0 : i32
    %dma_start3A_146 = tpu.memref_slice %arg3[%add3A_143, %dma_start3A_144, %dma_start3A_145] : memref<160x40x50xi32, #tpu.memory_space<hbm>> -> memref<1x40x50xi32, #tpu.memory_space<hbm>>
    %dma_start3A_147 = tpu.memref_squeeze %dma_start3A_146 : memref<1x40x50xi32, #tpu.memory_space<hbm>> -> memref<40x50xi32, #tpu.memory_space<hbm>>
    %dma_start3A_148 = arith.constant 0 : i32
    %dma_start3A_149 = arith.constant 0 : i32
    %dma_start3A_150 = tpu.memref_slice %arg3[%add3A_143, %dma_start3A_148, %dma_start3A_149] : memref<160x40x50xi32, #tpu.memory_space<hbm>> -> memref<1x40x50xi32, #tpu.memory_space<hbm>>
    %dma_start3A_151 = tpu.memref_squeeze %dma_start3A_150 : memref<1x40x50xi32, #tpu.memory_space<hbm>> -> memref<40x50xi32, #tpu.memory_space<hbm>>
    tpu.enqueue_dma source(%dma_start3A_151 : memref<40x50xi32, #tpu.memory_space<hbm>>) target(%arg6 : memref<40x50xi32, #tpu.memory_space<vmem>>) target_semaphore(%arg15 : memref<!tpu.dma_semaphore, #tpu.memory_space<semaphore_mem>>)
    %mul3A_152 = arith.constant 5 : i32
    %mul3A_153 = arith.muli %add3A, %mul3A_152 : i32
    %add3A_154 = arith.constant 1 : i32
    %add3A_155 = arith.addi %mul3A_153, %add3A_154 : i32
    %add3A_156 = arith.constant 1 : i32
    %add3A_157 = arith.addi %add3A_155, %add3A_156 : i32
    %dma_start3A_158 = arith.constant 0 : i32
    %dma_start3A_159 = arith.constant 0 : i32
    %dma_start3A_160 = tpu.memref_slice %arg4[%add3A_157, %dma_start3A_158, %dma_start3A_159] : memref<160x40x50xi32, #tpu.memory_space<hbm>> -> memref<1x40x50xi32, #tpu.memory_space<hbm>>
    %dma_start3A_161 = tpu.memref_squeeze %dma_start3A_160 : memref<1x40x50xi32, #tpu.memory_space<hbm>> -> memref<40x50xi32, #tpu.memory_space<hbm>>
    %dma_start3A_162 = arith.constant 0 : i32
    %dma_start3A_163 = arith.constant 0 : i32
    %dma_start3A_164 = tpu.memref_slice %arg4[%add3A_157, %dma_start3A_162, %dma_start3A_163] : memref<160x40x50xi32, #tpu.memory_space<hbm>> -> memref<1x40x50xi32, #tpu.memory_space<hbm>>
    %dma_start3A_165 = tpu.memref_squeeze %dma_start3A_164 : memref<1x40x50xi32, #tpu.memory_space<hbm>> -> memref<40x50xi32, #tpu.memory_space<hbm>>
    tpu.enqueue_dma source(%dma_start3A_165 : memref<40x50xi32, #tpu.memory_space<hbm>>) target(%arg7 : memref<40x50xi32, #tpu.memory_space<vmem>>) target_semaphore(%arg15 : memref<!tpu.dma_semaphore, #tpu.memory_space<semaphore_mem>>)
    %dma_start3A_166 = arith.constant 0 : i32
    %dma_start3A_167 = arith.constant 0 : i32
    %dma_start3A_168 = tpu.memref_slice %arg8[%dma_start3A_166, %dma_start3A_167] : memref<40x50xi32, #tpu.memory_space<vmem>> -> memref<1x50xi32, #tpu.memory_space<vmem>>
    %dma_start3A_169 = tpu.memref_squeeze %dma_start3A_168 : memref<1x50xi32, #tpu.memory_space<vmem>> -> memref<50xi32, #tpu.memory_space<vmem>>
    %dma_start3A_170 = arith.constant 0 : i32
    %dma_start3A_171 = arith.constant 0 : i32
    %dma_start3A_172 = tpu.memref_slice %arg2[%dma_start3A_170, %dma_start3A_171] : memref<10000x128xf32, #tpu.memory_space<hbm>> -> memref<10000x128xf32, #tpu.memory_space<hbm>>
    tpu.enqueue_indirect_dma source(%dma_start3A_172 : memref<10000x128xf32, #tpu.memory_space<hbm>>) target(%arg10 : memref<50x128xf32, #tpu.memory_space<vmem>>) offsets(%dma_start3A_169 : memref<50xi32, #tpu.memory_space<vmem>>) semaphore(%arg17 : memref<!tpu.dma_semaphore, #tpu.memory_space<semaphore_mem>>)
    %dma_start3A_173 = arith.constant 1 : i32
    %dma_start3A_174 = arith.constant 0 : i32
    %dma_start3A_175 = tpu.memref_slice %arg8[%dma_start3A_173, %dma_start3A_174] : memref<40x50xi32, #tpu.memory_space<vmem>> -> memref<1x50xi32, #tpu.memory_space<vmem>>
    %dma_start3A_176 = tpu.memref_squeeze %dma_start3A_175 : memref<1x50xi32, #tpu.memory_space<vmem>> -> memref<50xi32, #tpu.memory_space<vmem>>
    %dma_start3A_177 = arith.constant 0 : i32
    %dma_start3A_178 = arith.constant 0 : i32
    %dma_start3A_179 = tpu.memref_slice %arg2[%dma_start3A_177, %dma_start3A_178] : memref<10000x128xf32, #tpu.memory_space<hbm>> -> memref<10000x128xf32, #tpu.memory_space<hbm>>
    tpu.enqueue_indirect_dma source(%dma_start3A_179 : memref<10000x128xf32, #tpu.memory_space<hbm>>) target(%arg11 : memref<50x128xf32, #tpu.memory_space<vmem>>) offsets(%dma_start3A_176 : memref<50xi32, #tpu.memory_space<vmem>>) semaphore(%arg18 : memref<!tpu.dma_semaphore, #tpu.memory_space<semaphore_mem>>)
    %dma_start3A_180 = arith.constant 2 : i32
    %dma_start3A_181 = arith.constant 0 : i32
    %dma_start3A_182 = tpu.memref_slice %arg8[%dma_start3A_180, %dma_start3A_181] : memref<40x50xi32, #tpu.memory_space<vmem>> -> memref<1x50xi32, #tpu.memory_space<vmem>>
    %dma_start3A_183 = tpu.memref_squeeze %dma_start3A_182 : memref<1x50xi32, #tpu.memory_space<vmem>> -> memref<50xi32, #tpu.memory_space<vmem>>
    %dma_start3A_184 = arith.constant 0 : i32
    %dma_start3A_185 = arith.constant 0 : i32
    %dma_start3A_186 = tpu.memref_slice %arg2[%dma_start3A_184, %dma_start3A_185] : memref<10000x128xf32, #tpu.memory_space<hbm>> -> memref<10000x128xf32, #tpu.memory_space<hbm>>
    tpu.enqueue_indirect_dma source(%dma_start3A_186 : memref<10000x128xf32, #tpu.memory_space<hbm>>) target(%arg12 : memref<50x128xf32, #tpu.memory_space<vmem>>) offsets(%dma_start3A_183 : memref<50xi32, #tpu.memory_space<vmem>>) semaphore(%arg19 : memref<!tpu.dma_semaphore, #tpu.memory_space<semaphore_mem>>)
    %scan3A_187 = arith.constant 0 : i32
    %scan3A_188 = arith.constant 0 : i32
    %scan3A_189 = arith.constant 10 : i32
    %scan3A_190 = arith.addi %scan3A_188, %scan3A_189 : i32
    %scan3A_191 = arith.constant 1 : i32
    %scan3A_192 = scf.for %scan3A_410 = %scan3A_188 to %scan3A_190 step %scan3A_191 iter_args(%scan3A_411 = %scan3A_187) -> (i32)  : i32 {
      %mul3A_412 = arith.constant 4 : i32
      %mul3A_413 = arith.muli %scan3A_410, %mul3A_412 : i32
      %add3A_414 = arith.constant 0 : i32
      %add3A_415 = arith.addi %mul3A_413, %add3A_414 : i32
      %dma_wait3A_416 = arith.constant 0 : i32
      %dma_wait3A_417 = tpu.memref_slice %arg8[%add3A_415, %dma_wait3A_416] : memref<40x50xi32, #tpu.memory_space<vmem>> -> memref<1x50xi32, #tpu.memory_space<vmem>>
      %dma_wait3A_418 = tpu.memref_squeeze %dma_wait3A_417 : memref<1x50xi32, #tpu.memory_space<vmem>> -> memref<50xi32, #tpu.memory_space<vmem>>
      %dma_wait3A_419 = arith.constant 0 : i32
      %dma_wait3A_420 = arith.constant 0 : i32
      %dma_wait3A_421 = tpu.memref_slice %arg2[%dma_wait3A_419, %dma_wait3A_420] : memref<10000x128xf32, #tpu.memory_space<hbm>> -> memref<10000x128xf32, #tpu.memory_space<hbm>>
      tpu.wait_indirect_dma semaphore(%arg17 : memref<!tpu.dma_semaphore, #tpu.memory_space<semaphore_mem>>) src(%dma_wait3A_421 : memref<10000x128xf32, #tpu.memory_space<hbm>>) dst(%arg10 : memref<50x128xf32, #tpu.memory_space<vmem>>)
      %add3A_422 = arith.constant 4 : i32
      %add3A_423 = arith.addi %add3A_415, %add3A_422 : i32
      %sub3A = arith.constant 1 : i32
      %sub3A_424 = arith.subi %add3A_423, %sub3A : i32
      %lt3A = arith.constant 40 : i32
      %lt3A_425 = arith.cmpi slt, %sub3A_424, %lt3A : i32
      %convert_element_type3A_426 = arith.extui %lt3A_425 : i1 to i32
      %cond3A_427 = arith.constant 0 : i32
      %cond3A_428 = arith.cmpi ne, %convert_element_type3A_426, %cond3A_427 : i32
      scf.if %cond3A_428 {
        %add3A_487 = arith.constant 4 : i32
        %add3A_488 = arith.addi %add3A_415, %add3A_487 : i32
        %sub3A_489 = arith.constant 1 : i32
        %sub3A_490 = arith.subi %add3A_488, %sub3A_489 : i32
        %dma_start3A_491 = arith.constant 0 : i32
        %dma_start3A_492 = tpu.memref_slice %arg8[%sub3A_490, %dma_start3A_491] : memref<40x50xi32, #tpu.memory_space<vmem>> -> memref<1x50xi32, #tpu.memory_space<vmem>>
        %dma_start3A_493 = tpu.memref_squeeze %dma_start3A_492 : memref<1x50xi32, #tpu.memory_space<vmem>> -> memref<50xi32, #tpu.memory_space<vmem>>
        %dma_start3A_494 = arith.constant 0 : i32
        %dma_start3A_495 = arith.constant 0 : i32
        %dma_start3A_496 = tpu.memref_slice %arg2[%dma_start3A_494, %dma_start3A_495] : memref<10000x128xf32, #tpu.memory_space<hbm>> -> memref<10000x128xf32, #tpu.memory_space<hbm>>
        tpu.enqueue_indirect_dma source(%dma_start3A_496 : memref<10000x128xf32, #tpu.memory_space<hbm>>) target(%arg13 : memref<50x128xf32, #tpu.memory_space<vmem>>) offsets(%dma_start3A_493 : memref<50xi32, #tpu.memory_space<vmem>>) semaphore(%arg20 : memref<!tpu.dma_semaphore, #tpu.memory_space<semaphore_mem>>)
      } else {
      }
      "tpu.region"() ({
        %run_scoped3A = tpu.sem_alloc : memref<!tpu.dma_semaphore, #tpu.memory_space<semaphore_mem>>
        %dma_start3A_487 = arith.constant 0 : i32
        %dma_start3A_488 = tpu.memref_slice %arg9[%add3A_415, %dma_start3A_487] : memref<40x50xi32, #tpu.memory_space<vmem>> -> memref<1x50xi32, #tpu.memory_space<vmem>>
        %dma_start3A_489 = tpu.memref_squeeze %dma_start3A_488 : memref<1x50xi32, #tpu.memory_space<vmem>> -> memref<50xi32, #tpu.memory_space<vmem>>
        %dma_start3A_490 = arith.constant 0 : i32
        %dma_start3A_491 = arith.constant 0 : i32
        %dma_start3A_492 = tpu.memref_slice %arg14[%dma_start3A_490, %dma_start3A_491] : memref<10000x128xf32, #tpu.memory_space<vmem_shared>> -> memref<10000x128xf32, #tpu.memory_space<vmem_shared>>
        tpu.enqueue_indirect_dma source(%arg10 : memref<50x128xf32, #tpu.memory_space<vmem>>) target(%dma_start3A_492 : memref<10000x128xf32, #tpu.memory_space<vmem_shared>>) offsets(%dma_start3A_489 : memref<50xi32, #tpu.memory_space<vmem>>) semaphore(%run_scoped3A : memref<!tpu.dma_semaphore, #tpu.memory_space<semaphore_mem>>) {add = true}
        %dma_wait3A_493 = arith.constant 0 : i32
        %dma_wait3A_494 = tpu.memref_slice %arg9[%add3A_415, %dma_wait3A_493] : memref<40x50xi32, #tpu.memory_space<vmem>> -> memref<1x50xi32, #tpu.memory_space<vmem>>
        %dma_wait3A_495 = tpu.memref_squeeze %dma_wait3A_494 : memref<1x50xi32, #tpu.memory_space<vmem>> -> memref<50xi32, #tpu.memory_space<vmem>>
        %dma_wait3A_496 = arith.constant 0 : i32
        %dma_wait3A_497 = arith.constant 0 : i32
        %dma_wait3A_498 = tpu.memref_slice %arg14[%dma_wait3A_496, %dma_wait3A_497] : memref<10000x128xf32, #tpu.memory_space<vmem_shared>> -> memref<10000x128xf32, #tpu.memory_space<vmem_shared>>
        tpu.wait_indirect_dma semaphore(%run_scoped3A : memref<!tpu.dma_semaphore, #tpu.memory_space<semaphore_mem>>) src(%arg10 : memref<50x128xf32, #tpu.memory_space<vmem>>) dst(%dma_wait3A_498 : memref<10000x128xf32, #tpu.memory_space<vmem_shared>>)
        tpu.yield
      }) : () -> ()
      %mul3A_429 = arith.constant 4 : i32
      %mul3A_430 = arith.muli %scan3A_410, %mul3A_429 : i32
      %add3A_431 = arith.constant 1 : i32
      %add3A_432 = arith.addi %mul3A_430, %add3A_431 : i32
      %dma_wait3A_433 = arith.constant 0 : i32
      %dma_wait3A_434 = tpu.memref_slice %arg8[%add3A_432, %dma_wait3A_433] : memref<40x50xi32, #tpu.memory_space<vmem>> -> memref<1x50xi32, #tpu.memory_space<vmem>>
      %dma_wait3A_435 = tpu.memref_squeeze %dma_wait3A_434 : memref<1x50xi32, #tpu.memory_space<vmem>> -> memref<50xi32, #tpu.memory_space<vmem>>
      %dma_wait3A_436 = arith.constant 0 : i32
      %dma_wait3A_437 = arith.constant 0 : i32
      %dma_wait3A_438 = tpu.memref_slice %arg2[%dma_wait3A_436, %dma_wait3A_437] : memref<10000x128xf32, #tpu.memory_space<hbm>> -> memref<10000x128xf32, #tpu.memory_space<hbm>>
      tpu.wait_indirect_dma semaphore(%arg18 : memref<!tpu.dma_semaphore, #tpu.memory_space<semaphore_mem>>) src(%dma_wait3A_438 : memref<10000x128xf32, #tpu.memory_space<hbm>>) dst(%arg11 : memref<50x128xf32, #tpu.memory_space<vmem>>)
      %add3A_439 = arith.constant 4 : i32
      %add3A_440 = arith.addi %add3A_432, %add3A_439 : i32
      %sub3A_441 = arith.constant 1 : i32
      %sub3A_442 = arith.subi %add3A_440, %sub3A_441 : i32
      %lt3A_443 = arith.constant 40 : i32
      %lt3A_444 = arith.cmpi slt, %sub3A_442, %lt3A_443 : i32
      %convert_element_type3A_445 = arith.extui %lt3A_444 : i1 to i32
      %cond3A_446 = arith.constant 0 : i32
      %cond3A_447 = arith.cmpi ne, %convert_element_type3A_445, %cond3A_446 : i32
      scf.if %cond3A_447 {
        %add3A_487 = arith.constant 4 : i32
        %add3A_488 = arith.addi %add3A_432, %add3A_487 : i32
        %sub3A_489 = arith.constant 1 : i32
        %sub3A_490 = arith.subi %add3A_488, %sub3A_489 : i32
        %dma_start3A_491 = arith.constant 0 : i32
        %dma_start3A_492 = tpu.memref_slice %arg8[%sub3A_490, %dma_start3A_491] : memref<40x50xi32, #tpu.memory_space<vmem>> -> memref<1x50xi32, #tpu.memory_space<vmem>>
        %dma_start3A_493 = tpu.memref_squeeze %dma_start3A_492 : memref<1x50xi32, #tpu.memory_space<vmem>> -> memref<50xi32, #tpu.memory_space<vmem>>
        %dma_start3A_494 = arith.constant 0 : i32
        %dma_start3A_495 = arith.constant 0 : i32
        %dma_start3A_496 = tpu.memref_slice %arg2[%dma_start3A_494, %dma_start3A_495] : memref<10000x128xf32, #tpu.memory_space<hbm>> -> memref<10000x128xf32, #tpu.memory_space<hbm>>
        tpu.enqueue_indirect_dma source(%dma_start3A_496 : memref<10000x128xf32, #tpu.memory_space<hbm>>) target(%arg10 : memref<50x128xf32, #tpu.memory_space<vmem>>) offsets(%dma_start3A_493 : memref<50xi32, #tpu.memory_space<vmem>>) semaphore(%arg17 : memref<!tpu.dma_semaphore, #tpu.memory_space<semaphore_mem>>)
      } else {
      }
      "tpu.region"() ({
        %run_scoped3A = tpu.sem_alloc : memref<!tpu.dma_semaphore, #tpu.memory_space<semaphore_mem>>
        %dma_start3A_487 = arith.constant 0 : i32
        %dma_start3A_488 = tpu.memref_slice %arg9[%add3A_432, %dma_start3A_487] : memref<40x50xi32, #tpu.memory_space<vmem>> -> memref<1x50xi32, #tpu.memory_space<vmem>>
        %dma_start3A_489 = tpu.memref_squeeze %dma_start3A_488 : memref<1x50xi32, #tpu.memory_space<vmem>> -> memref<50xi32, #tpu.memory_space<vmem>>
        %dma_start3A_490 = arith.constant 0 : i32
        %dma_start3A_491 = arith.constant 0 : i32
        %dma_start3A_492 = tpu.memref_slice %arg14[%dma_start3A_490, %dma_start3A_491] : memref<10000x128xf32, #tpu.memory_space<vmem_shared>> -> memref<10000x128xf32, #tpu.memory_space<vmem_shared>>
        tpu.enqueue_indirect_dma source(%arg11 : memref<50x128xf32, #tpu.memory_space<vmem>>) target(%dma_start3A_492 : memref<10000x128xf32, #tpu.memory_space<vmem_shared>>) offsets(%dma_start3A_489 : memref<50xi32, #tpu.memory_space<vmem>>) semaphore(%run_scoped3A : memref<!tpu.dma_semaphore, #tpu.memory_space<semaphore_mem>>) {add = true}
        %dma_wait3A_493 = arith.constant 0 : i32
        %dma_wait3A_494 = tpu.memref_slice %arg9[%add3A_432, %dma_wait3A_493] : memref<40x50xi32, #tpu.memory_space<vmem>> -> memref<1x50xi32, #tpu.memory_space<vmem>>
        %dma_wait3A_495 = tpu.memref_squeeze %dma_wait3A_494 : memref<1x50xi32, #tpu.memory_space<vmem>> -> memref<50xi32, #tpu.memory_space<vmem>>
        %dma_wait3A_496 = arith.constant 0 : i32
        %dma_wait3A_497 = arith.constant 0 : i32
        %dma_wait3A_498 = tpu.memref_slice %arg14[%dma_wait3A_496, %dma_wait3A_497] : memref<10000x128xf32, #tpu.memory_space<vmem_shared>> -> memref<10000x128xf32, #tpu.memory_space<vmem_shared>>
        tpu.wait_indirect_dma semaphore(%run_scoped3A : memref<!tpu.dma_semaphore, #tpu.memory_space<semaphore_mem>>) src(%arg11 : memref<50x128xf32, #tpu.memory_space<vmem>>) dst(%dma_wait3A_498 : memref<10000x128xf32, #tpu.memory_space<vmem_shared>>)
        tpu.yield
      }) : () -> ()
      %mul3A_448 = arith.constant 4 : i32
      %mul3A_449 = arith.muli %scan3A_410, %mul3A_448 : i32
      %add3A_450 = arith.constant 2 : i32
      %add3A_451 = arith.addi %mul3A_449, %add3A_450 : i32
      %dma_wait3A_452 = arith.constant 0 : i32
      %dma_wait3A_453 = tpu.memref_slice %arg8[%add3A_451, %dma_wait3A_452] : memref<40x50xi32, #tpu.memory_space<vmem>> -> memref<1x50xi32, #tpu.memory_space<vmem>>
      %dma_wait3A_454 = tpu.memref_squeeze %dma_wait3A_453 : memref<1x50xi32, #tpu.memory_space<vmem>> -> memref<50xi32, #tpu.memory_space<vmem>>
      %dma_wait3A_455 = arith.constant 0 : i32
      %dma_wait3A_456 = arith.constant 0 : i32
      %dma_wait3A_457 = tpu.memref_slice %arg2[%dma_wait3A_455, %dma_wait3A_456] : memref<10000x128xf32, #tpu.memory_space<hbm>> -> memref<10000x128xf32, #tpu.memory_space<hbm>>
      tpu.wait_indirect_dma semaphore(%arg19 : memref<!tpu.dma_semaphore, #tpu.memory_space<semaphore_mem>>) src(%dma_wait3A_457 : memref<10000x128xf32, #tpu.memory_space<hbm>>) dst(%arg12 : memref<50x128xf32, #tpu.memory_space<vmem>>)
      %add3A_458 = arith.constant 4 : i32
      %add3A_459 = arith.addi %add3A_451, %add3A_458 : i32
      %sub3A_460 = arith.constant 1 : i32
      %sub3A_461 = arith.subi %add3A_459, %sub3A_460 : i32
      %lt3A_462 = arith.constant 40 : i32
      %lt3A_463 = arith.cmpi slt, %sub3A_461, %lt3A_462 : i32
      %convert_element_type3A_464 = arith.extui %lt3A_463 : i1 to i32
      %cond3A_465 = arith.constant 0 : i32
      %cond3A_466 = arith.cmpi ne, %convert_element_type3A_464, %cond3A_465 : i32
      scf.if %cond3A_466 {
        %add3A_487 = arith.constant 4 : i32
        %add3A_488 = arith.addi %add3A_451, %add3A_487 : i32
        %sub3A_489 = arith.constant 1 : i32
        %sub3A_490 = arith.subi %add3A_488, %sub3A_489 : i32
        %dma_start3A_491 = arith.constant 0 : i32
        %dma_start3A_492 = tpu.memref_slice %arg8[%sub3A_490, %dma_start3A_491] : memref<40x50xi32, #tpu.memory_space<vmem>> -> memref<1x50xi32, #tpu.memory_space<vmem>>
        %dma_start3A_493 = tpu.memref_squeeze %dma_start3A_492 : memref<1x50xi32, #tpu.memory_space<vmem>> -> memref<50xi32, #tpu.memory_space<vmem>>
        %dma_start3A_494 = arith.constant 0 : i32
        %dma_start3A_495 = arith.constant 0 : i32
        %dma_start3A_496 = tpu.memref_slice %arg2[%dma_start3A_494, %dma_start3A_495] : memref<10000x128xf32, #tpu.memory_space<hbm>> -> memref<10000x128xf32, #tpu.memory_space<hbm>>
        tpu.enqueue_indirect_dma source(%dma_start3A_496 : memref<10000x128xf32, #tpu.memory_space<hbm>>) target(%arg11 : memref<50x128xf32, #tpu.memory_space<vmem>>) offsets(%dma_start3A_493 : memref<50xi32, #tpu.memory_space<vmem>>) semaphore(%arg18 : memref<!tpu.dma_semaphore, #tpu.memory_space<semaphore_mem>>)
      } else {
      }
      "tpu.region"() ({
        %run_scoped3A = tpu.sem_alloc : memref<!tpu.dma_semaphore, #tpu.memory_space<semaphore_mem>>
        %dma_start3A_487 = arith.constant 0 : i32
        %dma_start3A_488 = tpu.memref_slice %arg9[%add3A_451, %dma_start3A_487] : memref<40x50xi32, #tpu.memory_space<vmem>> -> memref<1x50xi32, #tpu.memory_space<vmem>>
        %dma_start3A_489 = tpu.memref_squeeze %dma_start3A_488 : memref<1x50xi32, #tpu.memory_space<vmem>> -> memref<50xi32, #tpu.memory_space<vmem>>
        %dma_start3A_490 = arith.constant 0 : i32
        %dma_start3A_491 = arith.constant 0 : i32
        %dma_start3A_492 = tpu.memref_slice %arg14[%dma_start3A_490, %dma_start3A_491] : memref<10000x128xf32, #tpu.memory_space<vmem_shared>> -> memref<10000x128xf32, #tpu.memory_space<vmem_shared>>
        tpu.enqueue_indirect_dma source(%arg12 : memref<50x128xf32, #tpu.memory_space<vmem>>) target(%dma_start3A_492 : memref<10000x128xf32, #tpu.memory_space<vmem_shared>>) offsets(%dma_start3A_489 : memref<50xi32, #tpu.memory_space<vmem>>) semaphore(%run_scoped3A : memref<!tpu.dma_semaphore, #tpu.memory_space<semaphore_mem>>) {add = true}
        %dma_wait3A_493 = arith.constant 0 : i32
        %dma_wait3A_494 = tpu.memref_slice %arg9[%add3A_451, %dma_wait3A_493] : memref<40x50xi32, #tpu.memory_space<vmem>> -> memref<1x50xi32, #tpu.memory_space<vmem>>
        %dma_wait3A_495 = tpu.memref_squeeze %dma_wait3A_494 : memref<1x50xi32, #tpu.memory_space<vmem>> -> memref<50xi32, #tpu.memory_space<vmem>>
        %dma_wait3A_496 = arith.constant 0 : i32
        %dma_wait3A_497 = arith.constant 0 : i32
        %dma_wait3A_498 = tpu.memref_slice %arg14[%dma_wait3A_496, %dma_wait3A_497] : memref<10000x128xf32, #tpu.memory_space<vmem_shared>> -> memref<10000x128xf32, #tpu.memory_space<vmem_shared>>
        tpu.wait_indirect_dma semaphore(%run_scoped3A : memref<!tpu.dma_semaphore, #tpu.memory_space<semaphore_mem>>) src(%arg12 : memref<50x128xf32, #tpu.memory_space<vmem>>) dst(%dma_wait3A_498 : memref<10000x128xf32, #tpu.memory_space<vmem_shared>>)
        tpu.yield
      }) : () -> ()
      %mul3A_467 = arith.constant 4 : i32
      %mul3A_468 = arith.muli %scan3A_410, %mul3A_467 : i32
      %add3A_469 = arith.constant 3 : i32
      %add3A_470 = arith.addi %mul3A_468, %add3A_469 : i32
      %dma_wait3A_471 = arith.constant 0 : i32
      %dma_wait3A_472 = tpu.memref_slice %arg8[%add3A_470, %dma_wait3A_471] : memref<40x50xi32, #tpu.memory_space<vmem>> -> memref<1x50xi32, #tpu.memory_space<vmem>>
      %dma_wait3A_473 = tpu.memref_squeeze %dma_wait3A_472 : memref<1x50xi32, #tpu.memory_space<vmem>> -> memref<50xi32, #tpu.memory_space<vmem>>
      %dma_wait3A_474 = arith.constant 0 : i32
      %dma_wait3A_475 = arith.constant 0 : i32
      %dma_wait3A_476 = tpu.memref_slice %arg2[%dma_wait3A_474, %dma_wait3A_475] : memref<10000x128xf32, #tpu.memory_space<hbm>> -> memref<10000x128xf32, #tpu.memory_space<hbm>>
      tpu.wait_indirect_dma semaphore(%arg20 : memref<!tpu.dma_semaphore, #tpu.memory_space<semaphore_mem>>) src(%dma_wait3A_476 : memref<10000x128xf32, #tpu.memory_space<hbm>>) dst(%arg13 : memref<50x128xf32, #tpu.memory_space<vmem>>)
      %add3A_477 = arith.constant 4 : i32
      %add3A_478 = arith.addi %add3A_470, %add3A_477 : i32
      %sub3A_479 = arith.constant 1 : i32
      %sub3A_480 = arith.subi %add3A_478, %sub3A_479 : i32
      %lt3A_481 = arith.constant 40 : i32
      %lt3A_482 = arith.cmpi slt, %sub3A_480, %lt3A_481 : i32
      %convert_element_type3A_483 = arith.extui %lt3A_482 : i1 to i32
      %cond3A_484 = arith.constant 0 : i32
      %cond3A_485 = arith.cmpi ne, %convert_element_type3A_483, %cond3A_484 : i32
      scf.if %cond3A_485 {
        %add3A_487 = arith.constant 4 : i32
        %add3A_488 = arith.addi %add3A_470, %add3A_487 : i32
        %sub3A_489 = arith.constant 1 : i32
        %sub3A_490 = arith.subi %add3A_488, %sub3A_489 : i32
        %dma_start3A_491 = arith.constant 0 : i32
        %dma_start3A_492 = tpu.memref_slice %arg8[%sub3A_490, %dma_start3A_491] : memref<40x50xi32, #tpu.memory_space<vmem>> -> memref<1x50xi32, #tpu.memory_space<vmem>>
        %dma_start3A_493 = tpu.memref_squeeze %dma_start3A_492 : memref<1x50xi32, #tpu.memory_space<vmem>> -> memref<50xi32, #tpu.memory_space<vmem>>
        %dma_start3A_494 = arith.constant 0 : i32
        %dma_start3A_495 = arith.constant 0 : i32
        %dma_start3A_496 = tpu.memref_slice %arg2[%dma_start3A_494, %dma_start3A_495] : memref<10000x128xf32, #tpu.memory_space<hbm>> -> memref<10000x128xf32, #tpu.memory_space<hbm>>
        tpu.enqueue_indirect_dma source(%dma_start3A_496 : memref<10000x128xf32, #tpu.memory_space<hbm>>) target(%arg12 : memref<50x128xf32, #tpu.memory_space<vmem>>) offsets(%dma_start3A_493 : memref<50xi32, #tpu.memory_space<vmem>>) semaphore(%arg19 : memref<!tpu.dma_semaphore, #tpu.memory_space<semaphore_mem>>)
      } else {
      }
      "tpu.region"() ({
        %run_scoped3A = tpu.sem_alloc : memref<!tpu.dma_semaphore, #tpu.memory_space<semaphore_mem>>
        %dma_start3A_487 = arith.constant 0 : i32
        %dma_start3A_488 = tpu.memref_slice %arg9[%add3A_470, %dma_start3A_487] : memref<40x50xi32, #tpu.memory_space<vmem>> -> memref<1x50xi32, #tpu.memory_space<vmem>>
        %dma_start3A_489 = tpu.memref_squeeze %dma_start3A_488 : memref<1x50xi32, #tpu.memory_space<vmem>> -> memref<50xi32, #tpu.memory_space<vmem>>
        %dma_start3A_490 = arith.constant 0 : i32
        %dma_start3A_491 = arith.constant 0 : i32
        %dma_start3A_492 = tpu.memref_slice %arg14[%dma_start3A_490, %dma_start3A_491] : memref<10000x128xf32, #tpu.memory_space<vmem_shared>> -> memref<10000x128xf32, #tpu.memory_space<vmem_shared>>
        tpu.enqueue_indirect_dma source(%arg13 : memref<50x128xf32, #tpu.memory_space<vmem>>) target(%dma_start3A_492 : memref<10000x128xf32, #tpu.memory_space<vmem_shared>>) offsets(%dma_start3A_489 : memref<50xi32, #tpu.memory_space<vmem>>) semaphore(%run_scoped3A : memref<!tpu.dma_semaphore, #tpu.memory_space<semaphore_mem>>) {add = true}
        %dma_wait3A_493 = arith.constant 0 : i32
        %dma_wait3A_494 = tpu.memref_slice %arg9[%add3A_470, %dma_wait3A_493] : memref<40x50xi32, #tpu.memory_space<vmem>> -> memref<1x50xi32, #tpu.memory_space<vmem>>
        %dma_wait3A_495 = tpu.memref_squeeze %dma_wait3A_494 : memref<1x50xi32, #tpu.memory_space<vmem>> -> memref<50xi32, #tpu.memory_space<vmem>>
        %dma_wait3A_496 = arith.constant 0 : i32
        %dma_wait3A_497 = arith.constant 0 : i32
        %dma_wait3A_498 = tpu.memref_slice %arg14[%dma_wait3A_496, %dma_wait3A_497] : memref<10000x128xf32, #tpu.memory_space<vmem_shared>> -> memref<10000x128xf32, #tpu.memory_space<vmem_shared>>
        tpu.wait_indirect_dma semaphore(%run_scoped3A : memref<!tpu.dma_semaphore, #tpu.memory_space<semaphore_mem>>) src(%arg13 : memref<50x128xf32, #tpu.memory_space<vmem>>) dst(%dma_wait3A_498 : memref<10000x128xf32, #tpu.memory_space<vmem_shared>>)
        tpu.yield
      }) : () -> ()
      %scan3A_486 = arith.constant 0 : i32
      scf.yield %scan3A_486 : i32
    }
    %scan3A_193 = arith.constant 10 : i32
    %mul3A_194 = arith.constant 5 : i32
    %mul3A_195 = arith.muli %add3A, %mul3A_194 : i32
    %add3A_196 = arith.constant 2 : i32
    %add3A_197 = arith.addi %mul3A_195, %add3A_196 : i32
    %dma_wait3A_198 = arith.constant 0 : i32
    %dma_wait3A_199 = arith.constant 0 : i32
    %dma_wait3A_200 = tpu.memref_slice %arg3[%add3A_197, %dma_wait3A_198, %dma_wait3A_199] : memref<160x40x50xi32, #tpu.memory_space<hbm>> -> memref<1x40x50xi32, #tpu.memory_space<hbm>>
    %dma_wait3A_201 = tpu.memref_squeeze %dma_wait3A_200 : memref<1x40x50xi32, #tpu.memory_space<hbm>> -> memref<40x50xi32, #tpu.memory_space<hbm>>
    %dma_wait3A_202 = arith.constant 0 : i32
    %dma_wait3A_203 = arith.constant 0 : i32
    %dma_wait3A_204 = tpu.memref_slice %arg3[%add3A_197, %dma_wait3A_202, %dma_wait3A_203] : memref<160x40x50xi32, #tpu.memory_space<hbm>> -> memref<1x40x50xi32, #tpu.memory_space<hbm>>
    %dma_wait3A_205 = tpu.memref_squeeze %dma_wait3A_204 : memref<1x40x50xi32, #tpu.memory_space<hbm>> -> memref<40x50xi32, #tpu.memory_space<hbm>>
    tpu.wait_dma2 semaphore(%arg15 : memref<!tpu.dma_semaphore, #tpu.memory_space<semaphore_mem>>) src(%dma_wait3A_205 : memref<40x50xi32, #tpu.memory_space<hbm>>) dst(%arg6 : memref<40x50xi32, #tpu.memory_space<vmem>>)
    %mul3A_206 = arith.constant 5 : i32
    %mul3A_207 = arith.muli %add3A, %mul3A_206 : i32
    %add3A_208 = arith.constant 2 : i32
    %add3A_209 = arith.addi %mul3A_207, %add3A_208 : i32
    %dma_wait3A_210 = arith.constant 0 : i32
    %dma_wait3A_211 = arith.constant 0 : i32
    %dma_wait3A_212 = tpu.memref_slice %arg4[%add3A_209, %dma_wait3A_210, %dma_wait3A_211] : memref<160x40x50xi32, #tpu.memory_space<hbm>> -> memref<1x40x50xi32, #tpu.memory_space<hbm>>
    %dma_wait3A_213 = tpu.memref_squeeze %dma_wait3A_212 : memref<1x40x50xi32, #tpu.memory_space<hbm>> -> memref<40x50xi32, #tpu.memory_space<hbm>>
    %dma_wait3A_214 = arith.constant 0 : i32
    %dma_wait3A_215 = arith.constant 0 : i32
    %dma_wait3A_216 = tpu.memref_slice %arg4[%add3A_209, %dma_wait3A_214, %dma_wait3A_215] : memref<160x40x50xi32, #tpu.memory_space<hbm>> -> memref<1x40x50xi32, #tpu.memory_space<hbm>>
    %dma_wait3A_217 = tpu.memref_squeeze %dma_wait3A_216 : memref<1x40x50xi32, #tpu.memory_space<hbm>> -> memref<40x50xi32, #tpu.memory_space<hbm>>
    tpu.wait_dma2 semaphore(%arg15 : memref<!tpu.dma_semaphore, #tpu.memory_space<semaphore_mem>>) src(%dma_wait3A_217 : memref<40x50xi32, #tpu.memory_space<hbm>>) dst(%arg7 : memref<40x50xi32, #tpu.memory_space<vmem>>)
    %mul3A_218 = arith.constant 5 : i32
    %mul3A_219 = arith.muli %add3A, %mul3A_218 : i32
    %add3A_220 = arith.constant 2 : i32
    %add3A_221 = arith.addi %mul3A_219, %add3A_220 : i32
    %add3A_222 = arith.constant 1 : i32
    %add3A_223 = arith.addi %add3A_221, %add3A_222 : i32
    %dma_start3A_224 = arith.constant 0 : i32
    %dma_start3A_225 = arith.constant 0 : i32
    %dma_start3A_226 = tpu.memref_slice %arg3[%add3A_223, %dma_start3A_224, %dma_start3A_225] : memref<160x40x50xi32, #tpu.memory_space<hbm>> -> memref<1x40x50xi32, #tpu.memory_space<hbm>>
    %dma_start3A_227 = tpu.memref_squeeze %dma_start3A_226 : memref<1x40x50xi32, #tpu.memory_space<hbm>> -> memref<40x50xi32, #tpu.memory_space<hbm>>
    %dma_start3A_228 = arith.constant 0 : i32
    %dma_start3A_229 = arith.constant 0 : i32
    %dma_start3A_230 = tpu.memref_slice %arg3[%add3A_223, %dma_start3A_228, %dma_start3A_229] : memref<160x40x50xi32, #tpu.memory_space<hbm>> -> memref<1x40x50xi32, #tpu.memory_space<hbm>>
    %dma_start3A_231 = tpu.memref_squeeze %dma_start3A_230 : memref<1x40x50xi32, #tpu.memory_space<hbm>> -> memref<40x50xi32, #tpu.memory_space<hbm>>
    tpu.enqueue_dma source(%dma_start3A_231 : memref<40x50xi32, #tpu.memory_space<hbm>>) target(%arg8 : memref<40x50xi32, #tpu.memory_space<vmem>>) target_semaphore(%arg16 : memref<!tpu.dma_semaphore, #tpu.memory_space<semaphore_mem>>)
    %mul3A_232 = arith.constant 5 : i32
    %mul3A_233 = arith.muli %add3A, %mul3A_232 : i32
    %add3A_234 = arith.constant 2 : i32
    %add3A_235 = arith.addi %mul3A_233, %add3A_234 : i32
    %add3A_236 = arith.constant 1 : i32
    %add3A_237 = arith.addi %add3A_235, %add3A_236 : i32
    %dma_start3A_238 = arith.constant 0 : i32
    %dma_start3A_239 = arith.constant 0 : i32
    %dma_start3A_240 = tpu.memref_slice %arg4[%add3A_237, %dma_start3A_238, %dma_start3A_239] : memref<160x40x50xi32, #tpu.memory_space<hbm>> -> memref<1x40x50xi32, #tpu.memory_space<hbm>>
    %dma_start3A_241 = tpu.memref_squeeze %dma_start3A_240 : memref<1x40x50xi32, #tpu.memory_space<hbm>> -> memref<40x50xi32, #tpu.memory_space<hbm>>
    %dma_start3A_242 = arith.constant 0 : i32
    %dma_start3A_243 = arith.constant 0 : i32
    %dma_start3A_244 = tpu.memref_slice %arg4[%add3A_237, %dma_start3A_242, %dma_start3A_243] : memref<160x40x50xi32, #tpu.memory_space<hbm>> -> memref<1x40x50xi32, #tpu.memory_space<hbm>>
    %dma_start3A_245 = tpu.memref_squeeze %dma_start3A_244 : memref<1x40x50xi32, #tpu.memory_space<hbm>> -> memref<40x50xi32, #tpu.memory_space<hbm>>
    tpu.enqueue_dma source(%dma_start3A_245 : memref<40x50xi32, #tpu.memory_space<hbm>>) target(%arg9 : memref<40x50xi32, #tpu.memory_space<vmem>>) target_semaphore(%arg16 : memref<!tpu.dma_semaphore, #tpu.memory_space<semaphore_mem>>)
    %dma_start3A_246 = arith.constant 0 : i32
    %dma_start3A_247 = arith.constant 0 : i32
    %dma_start3A_248 = tpu.memref_slice %arg6[%dma_start3A_246, %dma_start3A_247] : memref<40x50xi32, #tpu.memory_space<vmem>> -> memref<1x50xi32, #tpu.memory_space<vmem>>
    %dma_start3A_249 = tpu.memref_squeeze %dma_start3A_248 : memref<1x50xi32, #tpu.memory_space<vmem>> -> memref<50xi32, #tpu.memory_space<vmem>>
    %dma_start3A_250 = arith.constant 0 : i32
    %dma_start3A_251 = arith.constant 0 : i32
    %dma_start3A_252 = tpu.memref_slice %arg2[%dma_start3A_250, %dma_start3A_251] : memref<10000x128xf32, #tpu.memory_space<hbm>> -> memref<10000x128xf32, #tpu.memory_space<hbm>>
    tpu.enqueue_indirect_dma source(%dma_start3A_252 : memref<10000x128xf32, #tpu.memory_space<hbm>>) target(%arg10 : memref<50x128xf32, #tpu.memory_space<vmem>>) offsets(%dma_start3A_249 : memref<50xi32, #tpu.memory_space<vmem>>) semaphore(%arg17 : memref<!tpu.dma_semaphore, #tpu.memory_space<semaphore_mem>>)
    %dma_start3A_253 = arith.constant 1 : i32
    %dma_start3A_254 = arith.constant 0 : i32
    %dma_start3A_255 = tpu.memref_slice %arg6[%dma_start3A_253, %dma_start3A_254] : memref<40x50xi32, #tpu.memory_space<vmem>> -> memref<1x50xi32, #tpu.memory_space<vmem>>
    %dma_start3A_256 = tpu.memref_squeeze %dma_start3A_255 : memref<1x50xi32, #tpu.memory_space<vmem>> -> memref<50xi32, #tpu.memory_space<vmem>>
    %dma_start3A_257 = arith.constant 0 : i32
    %dma_start3A_258 = arith.constant 0 : i32
    %dma_start3A_259 = tpu.memref_slice %arg2[%dma_start3A_257, %dma_start3A_258] : memref<10000x128xf32, #tpu.memory_space<hbm>> -> memref<10000x128xf32, #tpu.memory_space<hbm>>
    tpu.enqueue_indirect_dma source(%dma_start3A_259 : memref<10000x128xf32, #tpu.memory_space<hbm>>) target(%arg11 : memref<50x128xf32, #tpu.memory_space<vmem>>) offsets(%dma_start3A_256 : memref<50xi32, #tpu.memory_space<vmem>>) semaphore(%arg18 : memref<!tpu.dma_semaphore, #tpu.memory_space<semaphore_mem>>)
    %dma_start3A_260 = arith.constant 2 : i32
    %dma_start3A_261 = arith.constant 0 : i32
    %dma_start3A_262 = tpu.memref_slice %arg6[%dma_start3A_260, %dma_start3A_261] : memref<40x50xi32, #tpu.memory_space<vmem>> -> memref<1x50xi32, #tpu.memory_space<vmem>>
    %dma_start3A_263 = tpu.memref_squeeze %dma_start3A_262 : memref<1x50xi32, #tpu.memory_space<vmem>> -> memref<50xi32, #tpu.memory_space<vmem>>
    %dma_start3A_264 = arith.constant 0 : i32
    %dma_start3A_265 = arith.constant 0 : i32
    %dma_start3A_266 = tpu.memref_slice %arg2[%dma_start3A_264, %dma_start3A_265] : memref<10000x128xf32, #tpu.memory_space<hbm>> -> memref<10000x128xf32, #tpu.memory_space<hbm>>
    tpu.enqueue_indirect_dma source(%dma_start3A_266 : memref<10000x128xf32, #tpu.memory_space<hbm>>) target(%arg12 : memref<50x128xf32, #tpu.memory_space<vmem>>) offsets(%dma_start3A_263 : memref<50xi32, #tpu.memory_space<vmem>>) semaphore(%arg19 : memref<!tpu.dma_semaphore, #tpu.memory_space<semaphore_mem>>)
    %scan3A_267 = arith.constant 0 : i32
    %scan3A_268 = arith.constant 0 : i32
    %scan3A_269 = arith.constant 10 : i32
    %scan3A_270 = arith.addi %scan3A_268, %scan3A_269 : i32
    %scan3A_271 = arith.constant 1 : i32
    %scan3A_272 = scf.for %scan3A_410 = %scan3A_268 to %scan3A_270 step %scan3A_271 iter_args(%scan3A_411 = %scan3A_267) -> (i32)  : i32 {
      %mul3A_412 = arith.constant 4 : i32
      %mul3A_413 = arith.muli %scan3A_410, %mul3A_412 : i32
      %add3A_414 = arith.constant 0 : i32
      %add3A_415 = arith.addi %mul3A_413, %add3A_414 : i32
      %dma_wait3A_416 = arith.constant 0 : i32
      %dma_wait3A_417 = tpu.memref_slice %arg6[%add3A_415, %dma_wait3A_416] : memref<40x50xi32, #tpu.memory_space<vmem>> -> memref<1x50xi32, #tpu.memory_space<vmem>>
      %dma_wait3A_418 = tpu.memref_squeeze %dma_wait3A_417 : memref<1x50xi32, #tpu.memory_space<vmem>> -> memref<50xi32, #tpu.memory_space<vmem>>
      %dma_wait3A_419 = arith.constant 0 : i32
      %dma_wait3A_420 = arith.constant 0 : i32
      %dma_wait3A_421 = tpu.memref_slice %arg2[%dma_wait3A_419, %dma_wait3A_420] : memref<10000x128xf32, #tpu.memory_space<hbm>> -> memref<10000x128xf32, #tpu.memory_space<hbm>>
      tpu.wait_indirect_dma semaphore(%arg17 : memref<!tpu.dma_semaphore, #tpu.memory_space<semaphore_mem>>) src(%dma_wait3A_421 : memref<10000x128xf32, #tpu.memory_space<hbm>>) dst(%arg10 : memref<50x128xf32, #tpu.memory_space<vmem>>)
      %add3A_422 = arith.constant 4 : i32
      %add3A_423 = arith.addi %add3A_415, %add3A_422 : i32
      %sub3A = arith.constant 1 : i32
      %sub3A_424 = arith.subi %add3A_423, %sub3A : i32
      %lt3A = arith.constant 40 : i32
      %lt3A_425 = arith.cmpi slt, %sub3A_424, %lt3A : i32
      %convert_element_type3A_426 = arith.extui %lt3A_425 : i1 to i32
      %cond3A_427 = arith.constant 0 : i32
      %cond3A_428 = arith.cmpi ne, %convert_element_type3A_426, %cond3A_427 : i32
      scf.if %cond3A_428 {
        %add3A_487 = arith.constant 4 : i32
        %add3A_488 = arith.addi %add3A_415, %add3A_487 : i32
        %sub3A_489 = arith.constant 1 : i32
        %sub3A_490 = arith.subi %add3A_488, %sub3A_489 : i32
        %dma_start3A_491 = arith.constant 0 : i32
        %dma_start3A_492 = tpu.memref_slice %arg6[%sub3A_490, %dma_start3A_491] : memref<40x50xi32, #tpu.memory_space<vmem>> -> memref<1x50xi32, #tpu.memory_space<vmem>>
        %dma_start3A_493 = tpu.memref_squeeze %dma_start3A_492 : memref<1x50xi32, #tpu.memory_space<vmem>> -> memref<50xi32, #tpu.memory_space<vmem>>
        %dma_start3A_494 = arith.constant 0 : i32
        %dma_start3A_495 = arith.constant 0 : i32
        %dma_start3A_496 = tpu.memref_slice %arg2[%dma_start3A_494, %dma_start3A_495] : memref<10000x128xf32, #tpu.memory_space<hbm>> -> memref<10000x128xf32, #tpu.memory_space<hbm>>
        tpu.enqueue_indirect_dma source(%dma_start3A_496 : memref<10000x128xf32, #tpu.memory_space<hbm>>) target(%arg13 : memref<50x128xf32, #tpu.memory_space<vmem>>) offsets(%dma_start3A_493 : memref<50xi32, #tpu.memory_space<vmem>>) semaphore(%arg20 : memref<!tpu.dma_semaphore, #tpu.memory_space<semaphore_mem>>)
      } else {
      }
      "tpu.region"() ({
        %run_scoped3A = tpu.sem_alloc : memref<!tpu.dma_semaphore, #tpu.memory_space<semaphore_mem>>
        %dma_start3A_487 = arith.constant 0 : i32
        %dma_start3A_488 = tpu.memref_slice %arg7[%add3A_415, %dma_start3A_487] : memref<40x50xi32, #tpu.memory_space<vmem>> -> memref<1x50xi32, #tpu.memory_space<vmem>>
        %dma_start3A_489 = tpu.memref_squeeze %dma_start3A_488 : memref<1x50xi32, #tpu.memory_space<vmem>> -> memref<50xi32, #tpu.memory_space<vmem>>
        %dma_start3A_490 = arith.constant 0 : i32
        %dma_start3A_491 = arith.constant 0 : i32
        %dma_start3A_492 = tpu.memref_slice %arg14[%dma_start3A_490, %dma_start3A_491] : memref<10000x128xf32, #tpu.memory_space<vmem_shared>> -> memref<10000x128xf32, #tpu.memory_space<vmem_shared>>
        tpu.enqueue_indirect_dma source(%arg10 : memref<50x128xf32, #tpu.memory_space<vmem>>) target(%dma_start3A_492 : memref<10000x128xf32, #tpu.memory_space<vmem_shared>>) offsets(%dma_start3A_489 : memref<50xi32, #tpu.memory_space<vmem>>) semaphore(%run_scoped3A : memref<!tpu.dma_semaphore, #tpu.memory_space<semaphore_mem>>) {add = true}
        %dma_wait3A_493 = arith.constant 0 : i32
        %dma_wait3A_494 = tpu.memref_slice %arg7[%add3A_415, %dma_wait3A_493] : memref<40x50xi32, #tpu.memory_space<vmem>> -> memref<1x50xi32, #tpu.memory_space<vmem>>
        %dma_wait3A_495 = tpu.memref_squeeze %dma_wait3A_494 : memref<1x50xi32, #tpu.memory_space<vmem>> -> memref<50xi32, #tpu.memory_space<vmem>>
        %dma_wait3A_496 = arith.constant 0 : i32
        %dma_wait3A_497 = arith.constant 0 : i32
        %dma_wait3A_498 = tpu.memref_slice %arg14[%dma_wait3A_496, %dma_wait3A_497] : memref<10000x128xf32, #tpu.memory_space<vmem_shared>> -> memref<10000x128xf32, #tpu.memory_space<vmem_shared>>
        tpu.wait_indirect_dma semaphore(%run_scoped3A : memref<!tpu.dma_semaphore, #tpu.memory_space<semaphore_mem>>) src(%arg10 : memref<50x128xf32, #tpu.memory_space<vmem>>) dst(%dma_wait3A_498 : memref<10000x128xf32, #tpu.memory_space<vmem_shared>>)
        tpu.yield
      }) : () -> ()
      %mul3A_429 = arith.constant 4 : i32
      %mul3A_430 = arith.muli %scan3A_410, %mul3A_429 : i32
      %add3A_431 = arith.constant 1 : i32
      %add3A_432 = arith.addi %mul3A_430, %add3A_431 : i32
      %dma_wait3A_433 = arith.constant 0 : i32
      %dma_wait3A_434 = tpu.memref_slice %arg6[%add3A_432, %dma_wait3A_433] : memref<40x50xi32, #tpu.memory_space<vmem>> -> memref<1x50xi32, #tpu.memory_space<vmem>>
      %dma_wait3A_435 = tpu.memref_squeeze %dma_wait3A_434 : memref<1x50xi32, #tpu.memory_space<vmem>> -> memref<50xi32, #tpu.memory_space<vmem>>
      %dma_wait3A_436 = arith.constant 0 : i32
      %dma_wait3A_437 = arith.constant 0 : i32
      %dma_wait3A_438 = tpu.memref_slice %arg2[%dma_wait3A_436, %dma_wait3A_437] : memref<10000x128xf32, #tpu.memory_space<hbm>> -> memref<10000x128xf32, #tpu.memory_space<hbm>>
      tpu.wait_indirect_dma semaphore(%arg18 : memref<!tpu.dma_semaphore, #tpu.memory_space<semaphore_mem>>) src(%dma_wait3A_438 : memref<10000x128xf32, #tpu.memory_space<hbm>>) dst(%arg11 : memref<50x128xf32, #tpu.memory_space<vmem>>)
      %add3A_439 = arith.constant 4 : i32
      %add3A_440 = arith.addi %add3A_432, %add3A_439 : i32
      %sub3A_441 = arith.constant 1 : i32
      %sub3A_442 = arith.subi %add3A_440, %sub3A_441 : i32
      %lt3A_443 = arith.constant 40 : i32
      %lt3A_444 = arith.cmpi slt, %sub3A_442, %lt3A_443 : i32
      %convert_element_type3A_445 = arith.extui %lt3A_444 : i1 to i32
      %cond3A_446 = arith.constant 0 : i32
      %cond3A_447 = arith.cmpi ne, %convert_element_type3A_445, %cond3A_446 : i32
      scf.if %cond3A_447 {
        %add3A_487 = arith.constant 4 : i32
        %add3A_488 = arith.addi %add3A_432, %add3A_487 : i32
        %sub3A_489 = arith.constant 1 : i32
        %sub3A_490 = arith.subi %add3A_488, %sub3A_489 : i32
        %dma_start3A_491 = arith.constant 0 : i32
        %dma_start3A_492 = tpu.memref_slice %arg6[%sub3A_490, %dma_start3A_491] : memref<40x50xi32, #tpu.memory_space<vmem>> -> memref<1x50xi32, #tpu.memory_space<vmem>>
        %dma_start3A_493 = tpu.memref_squeeze %dma_start3A_492 : memref<1x50xi32, #tpu.memory_space<vmem>> -> memref<50xi32, #tpu.memory_space<vmem>>
        %dma_start3A_494 = arith.constant 0 : i32
        %dma_start3A_495 = arith.constant 0 : i32
        %dma_start3A_496 = tpu.memref_slice %arg2[%dma_start3A_494, %dma_start3A_495] : memref<10000x128xf32, #tpu.memory_space<hbm>> -> memref<10000x128xf32, #tpu.memory_space<hbm>>
        tpu.enqueue_indirect_dma source(%dma_start3A_496 : memref<10000x128xf32, #tpu.memory_space<hbm>>) target(%arg10 : memref<50x128xf32, #tpu.memory_space<vmem>>) offsets(%dma_start3A_493 : memref<50xi32, #tpu.memory_space<vmem>>) semaphore(%arg17 : memref<!tpu.dma_semaphore, #tpu.memory_space<semaphore_mem>>)
      } else {
      }
      "tpu.region"() ({
        %run_scoped3A = tpu.sem_alloc : memref<!tpu.dma_semaphore, #tpu.memory_space<semaphore_mem>>
        %dma_start3A_487 = arith.constant 0 : i32
        %dma_start3A_488 = tpu.memref_slice %arg7[%add3A_432, %dma_start3A_487] : memref<40x50xi32, #tpu.memory_space<vmem>> -> memref<1x50xi32, #tpu.memory_space<vmem>>
        %dma_start3A_489 = tpu.memref_squeeze %dma_start3A_488 : memref<1x50xi32, #tpu.memory_space<vmem>> -> memref<50xi32, #tpu.memory_space<vmem>>
        %dma_start3A_490 = arith.constant 0 : i32
        %dma_start3A_491 = arith.constant 0 : i32
        %dma_start3A_492 = tpu.memref_slice %arg14[%dma_start3A_490, %dma_start3A_491] : memref<10000x128xf32, #tpu.memory_space<vmem_shared>> -> memref<10000x128xf32, #tpu.memory_space<vmem_shared>>
        tpu.enqueue_indirect_dma source(%arg11 : memref<50x128xf32, #tpu.memory_space<vmem>>) target(%dma_start3A_492 : memref<10000x128xf32, #tpu.memory_space<vmem_shared>>) offsets(%dma_start3A_489 : memref<50xi32, #tpu.memory_space<vmem>>) semaphore(%run_scoped3A : memref<!tpu.dma_semaphore, #tpu.memory_space<semaphore_mem>>) {add = true}
        %dma_wait3A_493 = arith.constant 0 : i32
        %dma_wait3A_494 = tpu.memref_slice %arg7[%add3A_432, %dma_wait3A_493] : memref<40x50xi32, #tpu.memory_space<vmem>> -> memref<1x50xi32, #tpu.memory_space<vmem>>
        %dma_wait3A_495 = tpu.memref_squeeze %dma_wait3A_494 : memref<1x50xi32, #tpu.memory_space<vmem>> -> memref<50xi32, #tpu.memory_space<vmem>>
        %dma_wait3A_496 = arith.constant 0 : i32
        %dma_wait3A_497 = arith.constant 0 : i32
        %dma_wait3A_498 = tpu.memref_slice %arg14[%dma_wait3A_496, %dma_wait3A_497] : memref<10000x128xf32, #tpu.memory_space<vmem_shared>> -> memref<10000x128xf32, #tpu.memory_space<vmem_shared>>
        tpu.wait_indirect_dma semaphore(%run_scoped3A : memref<!tpu.dma_semaphore, #tpu.memory_space<semaphore_mem>>) src(%arg11 : memref<50x128xf32, #tpu.memory_space<vmem>>) dst(%dma_wait3A_498 : memref<10000x128xf32, #tpu.memory_space<vmem_shared>>)
        tpu.yield
      }) : () -> ()
      %mul3A_448 = arith.constant 4 : i32
      %mul3A_449 = arith.muli %scan3A_410, %mul3A_448 : i32
      %add3A_450 = arith.constant 2 : i32
      %add3A_451 = arith.addi %mul3A_449, %add3A_450 : i32
      %dma_wait3A_452 = arith.constant 0 : i32
      %dma_wait3A_453 = tpu.memref_slice %arg6[%add3A_451, %dma_wait3A_452] : memref<40x50xi32, #tpu.memory_space<vmem>> -> memref<1x50xi32, #tpu.memory_space<vmem>>
      %dma_wait3A_454 = tpu.memref_squeeze %dma_wait3A_453 : memref<1x50xi32, #tpu.memory_space<vmem>> -> memref<50xi32, #tpu.memory_space<vmem>>
      %dma_wait3A_455 = arith.constant 0 : i32
      %dma_wait3A_456 = arith.constant 0 : i32
      %dma_wait3A_457 = tpu.memref_slice %arg2[%dma_wait3A_455, %dma_wait3A_456] : memref<10000x128xf32, #tpu.memory_space<hbm>> -> memref<10000x128xf32, #tpu.memory_space<hbm>>
      tpu.wait_indirect_dma semaphore(%arg19 : memref<!tpu.dma_semaphore, #tpu.memory_space<semaphore_mem>>) src(%dma_wait3A_457 : memref<10000x128xf32, #tpu.memory_space<hbm>>) dst(%arg12 : memref<50x128xf32, #tpu.memory_space<vmem>>)
      %add3A_458 = arith.constant 4 : i32
      %add3A_459 = arith.addi %add3A_451, %add3A_458 : i32
      %sub3A_460 = arith.constant 1 : i32
      %sub3A_461 = arith.subi %add3A_459, %sub3A_460 : i32
      %lt3A_462 = arith.constant 40 : i32
      %lt3A_463 = arith.cmpi slt, %sub3A_461, %lt3A_462 : i32
      %convert_element_type3A_464 = arith.extui %lt3A_463 : i1 to i32
      %cond3A_465 = arith.constant 0 : i32
      %cond3A_466 = arith.cmpi ne, %convert_element_type3A_464, %cond3A_465 : i32
      scf.if %cond3A_466 {
        %add3A_487 = arith.constant 4 : i32
        %add3A_488 = arith.addi %add3A_451, %add3A_487 : i32
        %sub3A_489 = arith.constant 1 : i32
        %sub3A_490 = arith.subi %add3A_488, %sub3A_489 : i32
        %dma_start3A_491 = arith.constant 0 : i32
        %dma_start3A_492 = tpu.memref_slice %arg6[%sub3A_490, %dma_start3A_491] : memref<40x50xi32, #tpu.memory_space<vmem>> -> memref<1x50xi32, #tpu.memory_space<vmem>>
        %dma_start3A_493 = tpu.memref_squeeze %dma_start3A_492 : memref<1x50xi32, #tpu.memory_space<vmem>> -> memref<50xi32, #tpu.memory_space<vmem>>
        %dma_start3A_494 = arith.constant 0 : i32
        %dma_start3A_495 = arith.constant 0 : i32
        %dma_start3A_496 = tpu.memref_slice %arg2[%dma_start3A_494, %dma_start3A_495] : memref<10000x128xf32, #tpu.memory_space<hbm>> -> memref<10000x128xf32, #tpu.memory_space<hbm>>
        tpu.enqueue_indirect_dma source(%dma_start3A_496 : memref<10000x128xf32, #tpu.memory_space<hbm>>) target(%arg11 : memref<50x128xf32, #tpu.memory_space<vmem>>) offsets(%dma_start3A_493 : memref<50xi32, #tpu.memory_space<vmem>>) semaphore(%arg18 : memref<!tpu.dma_semaphore, #tpu.memory_space<semaphore_mem>>)
      } else {
      }
      "tpu.region"() ({
        %run_scoped3A = tpu.sem_alloc : memref<!tpu.dma_semaphore, #tpu.memory_space<semaphore_mem>>
        %dma_start3A_487 = arith.constant 0 : i32
        %dma_start3A_488 = tpu.memref_slice %arg7[%add3A_451, %dma_start3A_487] : memref<40x50xi32, #tpu.memory_space<vmem>> -> memref<1x50xi32, #tpu.memory_space<vmem>>
        %dma_start3A_489 = tpu.memref_squeeze %dma_start3A_488 : memref<1x50xi32, #tpu.memory_space<vmem>> -> memref<50xi32, #tpu.memory_space<vmem>>
        %dma_start3A_490 = arith.constant 0 : i32
        %dma_start3A_491 = arith.constant 0 : i32
        %dma_start3A_492 = tpu.memref_slice %arg14[%dma_start3A_490, %dma_start3A_491] : memref<10000x128xf32, #tpu.memory_space<vmem_shared>> -> memref<10000x128xf32, #tpu.memory_space<vmem_shared>>
        tpu.enqueue_indirect_dma source(%arg12 : memref<50x128xf32, #tpu.memory_space<vmem>>) target(%dma_start3A_492 : memref<10000x128xf32, #tpu.memory_space<vmem_shared>>) offsets(%dma_start3A_489 : memref<50xi32, #tpu.memory_space<vmem>>) semaphore(%run_scoped3A : memref<!tpu.dma_semaphore, #tpu.memory_space<semaphore_mem>>) {add = true}
        %dma_wait3A_493 = arith.constant 0 : i32
        %dma_wait3A_494 = tpu.memref_slice %arg7[%add3A_451, %dma_wait3A_493] : memref<40x50xi32, #tpu.memory_space<vmem>> -> memref<1x50xi32, #tpu.memory_space<vmem>>
        %dma_wait3A_495 = tpu.memref_squeeze %dma_wait3A_494 : memref<1x50xi32, #tpu.memory_space<vmem>> -> memref<50xi32, #tpu.memory_space<vmem>>
        %dma_wait3A_496 = arith.constant 0 : i32
        %dma_wait3A_497 = arith.constant 0 : i32
        %dma_wait3A_498 = tpu.memref_slice %arg14[%dma_wait3A_496, %dma_wait3A_497] : memref<10000x128xf32, #tpu.memory_space<vmem_shared>> -> memref<10000x128xf32, #tpu.memory_space<vmem_shared>>
        tpu.wait_indirect_dma semaphore(%run_scoped3A : memref<!tpu.dma_semaphore, #tpu.memory_space<semaphore_mem>>) src(%arg12 : memref<50x128xf32, #tpu.memory_space<vmem>>) dst(%dma_wait3A_498 : memref<10000x128xf32, #tpu.memory_space<vmem_shared>>)
        tpu.yield
      }) : () -> ()
      %mul3A_467 = arith.constant 4 : i32
      %mul3A_468 = arith.muli %scan3A_410, %mul3A_467 : i32
      %add3A_469 = arith.constant 3 : i32
      %add3A_470 = arith.addi %mul3A_468, %add3A_469 : i32
      %dma_wait3A_471 = arith.constant 0 : i32
      %dma_wait3A_472 = tpu.memref_slice %arg6[%add3A_470, %dma_wait3A_471] : memref<40x50xi32, #tpu.memory_space<vmem>> -> memref<1x50xi32, #tpu.memory_space<vmem>>
      %dma_wait3A_473 = tpu.memref_squeeze %dma_wait3A_472 : memref<1x50xi32, #tpu.memory_space<vmem>> -> memref<50xi32, #tpu.memory_space<vmem>>
      %dma_wait3A_474 = arith.constant 0 : i32
      %dma_wait3A_475 = arith.constant 0 : i32
      %dma_wait3A_476 = tpu.memref_slice %arg2[%dma_wait3A_474, %dma_wait3A_475] : memref<10000x128xf32, #tpu.memory_space<hbm>> -> memref<10000x128xf32, #tpu.memory_space<hbm>>
      tpu.wait_indirect_dma semaphore(%arg20 : memref<!tpu.dma_semaphore, #tpu.memory_space<semaphore_mem>>) src(%dma_wait3A_476 : memref<10000x128xf32, #tpu.memory_space<hbm>>) dst(%arg13 : memref<50x128xf32, #tpu.memory_space<vmem>>)
      %add3A_477 = arith.constant 4 : i32
      %add3A_478 = arith.addi %add3A_470, %add3A_477 : i32
      %sub3A_479 = arith.constant 1 : i32
      %sub3A_480 = arith.subi %add3A_478, %sub3A_479 : i32
      %lt3A_481 = arith.constant 40 : i32
      %lt3A_482 = arith.cmpi slt, %sub3A_480, %lt3A_481 : i32
      %convert_element_type3A_483 = arith.extui %lt3A_482 : i1 to i32
      %cond3A_484 = arith.constant 0 : i32
      %cond3A_485 = arith.cmpi ne, %convert_element_type3A_483, %cond3A_484 : i32
      scf.if %cond3A_485 {
        %add3A_487 = arith.constant 4 : i32
        %add3A_488 = arith.addi %add3A_470, %add3A_487 : i32
        %sub3A_489 = arith.constant 1 : i32
        %sub3A_490 = arith.subi %add3A_488, %sub3A_489 : i32
        %dma_start3A_491 = arith.constant 0 : i32
        %dma_start3A_492 = tpu.memref_slice %arg6[%sub3A_490, %dma_start3A_491] : memref<40x50xi32, #tpu.memory_space<vmem>> -> memref<1x50xi32, #tpu.memory_space<vmem>>
        %dma_start3A_493 = tpu.memref_squeeze %dma_start3A_492 : memref<1x50xi32, #tpu.memory_space<vmem>> -> memref<50xi32, #tpu.memory_space<vmem>>
        %dma_start3A_494 = arith.constant 0 : i32
        %dma_start3A_495 = arith.constant 0 : i32
        %dma_start3A_496 = tpu.memref_slice %arg2[%dma_start3A_494, %dma_start3A_495] : memref<10000x128xf32, #tpu.memory_space<hbm>> -> memref<10000x128xf32, #tpu.memory_space<hbm>>
        tpu.enqueue_indirect_dma source(%dma_start3A_496 : memref<10000x128xf32, #tpu.memory_space<hbm>>) target(%arg12 : memref<50x128xf32, #tpu.memory_space<vmem>>) offsets(%dma_start3A_493 : memref<50xi32, #tpu.memory_space<vmem>>) semaphore(%arg19 : memref<!tpu.dma_semaphore, #tpu.memory_space<semaphore_mem>>)
      } else {
      }
      "tpu.region"() ({
        %run_scoped3A = tpu.sem_alloc : memref<!tpu.dma_semaphore, #tpu.memory_space<semaphore_mem>>
        %dma_start3A_487 = arith.constant 0 : i32
        %dma_start3A_488 = tpu.memref_slice %arg7[%add3A_470, %dma_start3A_487] : memref<40x50xi32, #tpu.memory_space<vmem>> -> memref<1x50xi32, #tpu.memory_space<vmem>>
        %dma_start3A_489 = tpu.memref_squeeze %dma_start3A_488 : memref<1x50xi32, #tpu.memory_space<vmem>> -> memref<50xi32, #tpu.memory_space<vmem>>
        %dma_start3A_490 = arith.constant 0 : i32
        %dma_start3A_491 = arith.constant 0 : i32
        %dma_start3A_492 = tpu.memref_slice %arg14[%dma_start3A_490, %dma_start3A_491] : memref<10000x128xf32, #tpu.memory_space<vmem_shared>> -> memref<10000x128xf32, #tpu.memory_space<vmem_shared>>
        tpu.enqueue_indirect_dma source(%arg13 : memref<50x128xf32, #tpu.memory_space<vmem>>) target(%dma_start3A_492 : memref<10000x128xf32, #tpu.memory_space<vmem_shared>>) offsets(%dma_start3A_489 : memref<50xi32, #tpu.memory_space<vmem>>) semaphore(%run_scoped3A : memref<!tpu.dma_semaphore, #tpu.memory_space<semaphore_mem>>) {add = true}
        %dma_wait3A_493 = arith.constant 0 : i32
        %dma_wait3A_494 = tpu.memref_slice %arg7[%add3A_470, %dma_wait3A_493] : memref<40x50xi32, #tpu.memory_space<vmem>> -> memref<1x50xi32, #tpu.memory_space<vmem>>
        %dma_wait3A_495 = tpu.memref_squeeze %dma_wait3A_494 : memref<1x50xi32, #tpu.memory_space<vmem>> -> memref<50xi32, #tpu.memory_space<vmem>>
        %dma_wait3A_496 = arith.constant 0 : i32
        %dma_wait3A_497 = arith.constant 0 : i32
        %dma_wait3A_498 = tpu.memref_slice %arg14[%dma_wait3A_496, %dma_wait3A_497] : memref<10000x128xf32, #tpu.memory_space<vmem_shared>> -> memref<10000x128xf32, #tpu.memory_space<vmem_shared>>
        tpu.wait_indirect_dma semaphore(%run_scoped3A : memref<!tpu.dma_semaphore, #tpu.memory_space<semaphore_mem>>) src(%arg13 : memref<50x128xf32, #tpu.memory_space<vmem>>) dst(%dma_wait3A_498 : memref<10000x128xf32, #tpu.memory_space<vmem_shared>>)
        tpu.yield
      }) : () -> ()
      %scan3A_486 = arith.constant 0 : i32
      scf.yield %scan3A_486 : i32
    }
    %scan3A_273 = arith.constant 10 : i32
    %mul3A_274 = arith.constant 5 : i32
    %mul3A_275 = arith.muli %add3A, %mul3A_274 : i32
    %add3A_276 = arith.constant 3 : i32
    %add3A_277 = arith.addi %mul3A_275, %add3A_276 : i32
    %dma_wait3A_278 = arith.constant 0 : i32
    %dma_wait3A_279 = arith.constant 0 : i32
    %dma_wait3A_280 = tpu.memref_slice %arg3[%add3A_277, %dma_wait3A_278, %dma_wait3A_279] : memref<160x40x50xi32, #tpu.memory_space<hbm>> -> memref<1x40x50xi32, #tpu.memory_space<hbm>>
    %dma_wait3A_281 = tpu.memref_squeeze %dma_wait3A_280 : memref<1x40x50xi32, #tpu.memory_space<hbm>> -> memref<40x50xi32, #tpu.memory_space<hbm>>
    %dma_wait3A_282 = arith.constant 0 : i32
    %dma_wait3A_283 = arith.constant 0 : i32
    %dma_wait3A_284 = tpu.memref_slice %arg3[%add3A_277, %dma_wait3A_282, %dma_wait3A_283] : memref<160x40x50xi32, #tpu.memory_space<hbm>> -> memref<1x40x50xi32, #tpu.memory_space<hbm>>
    %dma_wait3A_285 = tpu.memref_squeeze %dma_wait3A_284 : memref<1x40x50xi32, #tpu.memory_space<hbm>> -> memref<40x50xi32, #tpu.memory_space<hbm>>
    tpu.wait_dma2 semaphore(%arg16 : memref<!tpu.dma_semaphore, #tpu.memory_space<semaphore_mem>>) src(%dma_wait3A_285 : memref<40x50xi32, #tpu.memory_space<hbm>>) dst(%arg8 : memref<40x50xi32, #tpu.memory_space<vmem>>)
    %mul3A_286 = arith.constant 5 : i32
    %mul3A_287 = arith.muli %add3A, %mul3A_286 : i32
    %add3A_288 = arith.constant 3 : i32
    %add3A_289 = arith.addi %mul3A_287, %add3A_288 : i32
    %dma_wait3A_290 = arith.constant 0 : i32
    %dma_wait3A_291 = arith.constant 0 : i32
    %dma_wait3A_292 = tpu.memref_slice %arg4[%add3A_289, %dma_wait3A_290, %dma_wait3A_291] : memref<160x40x50xi32, #tpu.memory_space<hbm>> -> memref<1x40x50xi32, #tpu.memory_space<hbm>>
    %dma_wait3A_293 = tpu.memref_squeeze %dma_wait3A_292 : memref<1x40x50xi32, #tpu.memory_space<hbm>> -> memref<40x50xi32, #tpu.memory_space<hbm>>
    %dma_wait3A_294 = arith.constant 0 : i32
    %dma_wait3A_295 = arith.constant 0 : i32
    %dma_wait3A_296 = tpu.memref_slice %arg4[%add3A_289, %dma_wait3A_294, %dma_wait3A_295] : memref<160x40x50xi32, #tpu.memory_space<hbm>> -> memref<1x40x50xi32, #tpu.memory_space<hbm>>
    %dma_wait3A_297 = tpu.memref_squeeze %dma_wait3A_296 : memref<1x40x50xi32, #tpu.memory_space<hbm>> -> memref<40x50xi32, #tpu.memory_space<hbm>>
    tpu.wait_dma2 semaphore(%arg16 : memref<!tpu.dma_semaphore, #tpu.memory_space<semaphore_mem>>) src(%dma_wait3A_297 : memref<40x50xi32, #tpu.memory_space<hbm>>) dst(%arg9 : memref<40x50xi32, #tpu.memory_space<vmem>>)
    %mul3A_298 = arith.constant 5 : i32
    %mul3A_299 = arith.muli %add3A, %mul3A_298 : i32
    %add3A_300 = arith.constant 3 : i32
    %add3A_301 = arith.addi %mul3A_299, %add3A_300 : i32
    %add3A_302 = arith.constant 1 : i32
    %add3A_303 = arith.addi %add3A_301, %add3A_302 : i32
    %dma_start3A_304 = arith.constant 0 : i32
    %dma_start3A_305 = arith.constant 0 : i32
    %dma_start3A_306 = tpu.memref_slice %arg3[%add3A_303, %dma_start3A_304, %dma_start3A_305] : memref<160x40x50xi32, #tpu.memory_space<hbm>> -> memref<1x40x50xi32, #tpu.memory_space<hbm>>
    %dma_start3A_307 = tpu.memref_squeeze %dma_start3A_306 : memref<1x40x50xi32, #tpu.memory_space<hbm>> -> memref<40x50xi32, #tpu.memory_space<hbm>>
    %dma_start3A_308 = arith.constant 0 : i32
    %dma_start3A_309 = arith.constant 0 : i32
    %dma_start3A_310 = tpu.memref_slice %arg3[%add3A_303, %dma_start3A_308, %dma_start3A_309] : memref<160x40x50xi32, #tpu.memory_space<hbm>> -> memref<1x40x50xi32, #tpu.memory_space<hbm>>
    %dma_start3A_311 = tpu.memref_squeeze %dma_start3A_310 : memref<1x40x50xi32, #tpu.memory_space<hbm>> -> memref<40x50xi32, #tpu.memory_space<hbm>>
    tpu.enqueue_dma source(%dma_start3A_311 : memref<40x50xi32, #tpu.memory_space<hbm>>) target(%arg6 : memref<40x50xi32, #tpu.memory_space<vmem>>) target_semaphore(%arg15 : memref<!tpu.dma_semaphore, #tpu.memory_space<semaphore_mem>>)
    %mul3A_312 = arith.constant 5 : i32
    %mul3A_313 = arith.muli %add3A, %mul3A_312 : i32
    %add3A_314 = arith.constant 3 : i32
    %add3A_315 = arith.addi %mul3A_313, %add3A_314 : i32
    %add3A_316 = arith.constant 1 : i32
    %add3A_317 = arith.addi %add3A_315, %add3A_316 : i32
    %dma_start3A_318 = arith.constant 0 : i32
    %dma_start3A_319 = arith.constant 0 : i32
    %dma_start3A_320 = tpu.memref_slice %arg4[%add3A_317, %dma_start3A_318, %dma_start3A_319] : memref<160x40x50xi32, #tpu.memory_space<hbm>> -> memref<1x40x50xi32, #tpu.memory_space<hbm>>
    %dma_start3A_321 = tpu.memref_squeeze %dma_start3A_320 : memref<1x40x50xi32, #tpu.memory_space<hbm>> -> memref<40x50xi32, #tpu.memory_space<hbm>>
    %dma_start3A_322 = arith.constant 0 : i32
    %dma_start3A_323 = arith.constant 0 : i32
    %dma_start3A_324 = tpu.memref_slice %arg4[%add3A_317, %dma_start3A_322, %dma_start3A_323] : memref<160x40x50xi32, #tpu.memory_space<hbm>> -> memref<1x40x50xi32, #tpu.memory_space<hbm>>
    %dma_start3A_325 = tpu.memref_squeeze %dma_start3A_324 : memref<1x40x50xi32, #tpu.memory_space<hbm>> -> memref<40x50xi32, #tpu.memory_space<hbm>>
    tpu.enqueue_dma source(%dma_start3A_325 : memref<40x50xi32, #tpu.memory_space<hbm>>) target(%arg7 : memref<40x50xi32, #tpu.memory_space<vmem>>) target_semaphore(%arg15 : memref<!tpu.dma_semaphore, #tpu.memory_space<semaphore_mem>>)
    %dma_start3A_326 = arith.constant 0 : i32
    %dma_start3A_327 = arith.constant 0 : i32
    %dma_start3A_328 = tpu.memref_slice %arg8[%dma_start3A_326, %dma_start3A_327] : memref<40x50xi32, #tpu.memory_space<vmem>> -> memref<1x50xi32, #tpu.memory_space<vmem>>
    %dma_start3A_329 = tpu.memref_squeeze %dma_start3A_328 : memref<1x50xi32, #tpu.memory_space<vmem>> -> memref<50xi32, #tpu.memory_space<vmem>>
    %dma_start3A_330 = arith.constant 0 : i32
    %dma_start3A_331 = arith.constant 0 : i32
    %dma_start3A_332 = tpu.memref_slice %arg2[%dma_start3A_330, %dma_start3A_331] : memref<10000x128xf32, #tpu.memory_space<hbm>> -> memref<10000x128xf32, #tpu.memory_space<hbm>>
    tpu.enqueue_indirect_dma source(%dma_start3A_332 : memref<10000x128xf32, #tpu.memory_space<hbm>>) target(%arg10 : memref<50x128xf32, #tpu.memory_space<vmem>>) offsets(%dma_start3A_329 : memref<50xi32, #tpu.memory_space<vmem>>) semaphore(%arg17 : memref<!tpu.dma_semaphore, #tpu.memory_space<semaphore_mem>>)
    %dma_start3A_333 = arith.constant 1 : i32
    %dma_start3A_334 = arith.constant 0 : i32
    %dma_start3A_335 = tpu.memref_slice %arg8[%dma_start3A_333, %dma_start3A_334] : memref<40x50xi32, #tpu.memory_space<vmem>> -> memref<1x50xi32, #tpu.memory_space<vmem>>
    %dma_start3A_336 = tpu.memref_squeeze %dma_start3A_335 : memref<1x50xi32, #tpu.memory_space<vmem>> -> memref<50xi32, #tpu.memory_space<vmem>>
    %dma_start3A_337 = arith.constant 0 : i32
    %dma_start3A_338 = arith.constant 0 : i32
    %dma_start3A_339 = tpu.memref_slice %arg2[%dma_start3A_337, %dma_start3A_338] : memref<10000x128xf32, #tpu.memory_space<hbm>> -> memref<10000x128xf32, #tpu.memory_space<hbm>>
    tpu.enqueue_indirect_dma source(%dma_start3A_339 : memref<10000x128xf32, #tpu.memory_space<hbm>>) target(%arg11 : memref<50x128xf32, #tpu.memory_space<vmem>>) offsets(%dma_start3A_336 : memref<50xi32, #tpu.memory_space<vmem>>) semaphore(%arg18 : memref<!tpu.dma_semaphore, #tpu.memory_space<semaphore_mem>>)
    %dma_start3A_340 = arith.constant 2 : i32
    %dma_start3A_341 = arith.constant 0 : i32
    %dma_start3A_342 = tpu.memref_slice %arg8[%dma_start3A_340, %dma_start3A_341] : memref<40x50xi32, #tpu.memory_space<vmem>> -> memref<1x50xi32, #tpu.memory_space<vmem>>
    %dma_start3A_343 = tpu.memref_squeeze %dma_start3A_342 : memref<1x50xi32, #tpu.memory_space<vmem>> -> memref<50xi32, #tpu.memory_space<vmem>>
    %dma_start3A_344 = arith.constant 0 : i32
    %dma_start3A_345 = arith.constant 0 : i32
    %dma_start3A_346 = tpu.memref_slice %arg2[%dma_start3A_344, %dma_start3A_345] : memref<10000x128xf32, #tpu.memory_space<hbm>> -> memref<10000x128xf32, #tpu.memory_space<hbm>>
    tpu.enqueue_indirect_dma source(%dma_start3A_346 : memref<10000x128xf32, #tpu.memory_space<hbm>>) target(%arg12 : memref<50x128xf32, #tpu.memory_space<vmem>>) offsets(%dma_start3A_343 : memref<50xi32, #tpu.memory_space<vmem>>) semaphore(%arg19 : memref<!tpu.dma_semaphore, #tpu.memory_space<semaphore_mem>>)
    %scan3A_347 = arith.constant 0 : i32
    %scan3A_348 = arith.constant 0 : i32
    %scan3A_349 = arith.constant 10 : i32
    %scan3A_350 = arith.addi %scan3A_348, %scan3A_349 : i32
    %scan3A_351 = arith.constant 1 : i32
    %scan3A_352 = scf.for %scan3A_410 = %scan3A_348 to %scan3A_350 step %scan3A_351 iter_args(%scan3A_411 = %scan3A_347) -> (i32)  : i32 {
      %mul3A_412 = arith.constant 4 : i32
      %mul3A_413 = arith.muli %scan3A_410, %mul3A_412 : i32
      %add3A_414 = arith.constant 0 : i32
      %add3A_415 = arith.addi %mul3A_413, %add3A_414 : i32
      %dma_wait3A_416 = arith.constant 0 : i32
      %dma_wait3A_417 = tpu.memref_slice %arg8[%add3A_415, %dma_wait3A_416] : memref<40x50xi32, #tpu.memory_space<vmem>> -> memref<1x50xi32, #tpu.memory_space<vmem>>
      %dma_wait3A_418 = tpu.memref_squeeze %dma_wait3A_417 : memref<1x50xi32, #tpu.memory_space<vmem>> -> memref<50xi32, #tpu.memory_space<vmem>>
      %dma_wait3A_419 = arith.constant 0 : i32
      %dma_wait3A_420 = arith.constant 0 : i32
      %dma_wait3A_421 = tpu.memref_slice %arg2[%dma_wait3A_419, %dma_wait3A_420] : memref<10000x128xf32, #tpu.memory_space<hbm>> -> memref<10000x128xf32, #tpu.memory_space<hbm>>
      tpu.wait_indirect_dma semaphore(%arg17 : memref<!tpu.dma_semaphore, #tpu.memory_space<semaphore_mem>>) src(%dma_wait3A_421 : memref<10000x128xf32, #tpu.memory_space<hbm>>) dst(%arg10 : memref<50x128xf32, #tpu.memory_space<vmem>>)
      %add3A_422 = arith.constant 4 : i32
      %add3A_423 = arith.addi %add3A_415, %add3A_422 : i32
      %sub3A = arith.constant 1 : i32
      %sub3A_424 = arith.subi %add3A_423, %sub3A : i32
      %lt3A = arith.constant 40 : i32
      %lt3A_425 = arith.cmpi slt, %sub3A_424, %lt3A : i32
      %convert_element_type3A_426 = arith.extui %lt3A_425 : i1 to i32
      %cond3A_427 = arith.constant 0 : i32
      %cond3A_428 = arith.cmpi ne, %convert_element_type3A_426, %cond3A_427 : i32
      scf.if %cond3A_428 {
        %add3A_487 = arith.constant 4 : i32
        %add3A_488 = arith.addi %add3A_415, %add3A_487 : i32
        %sub3A_489 = arith.constant 1 : i32
        %sub3A_490 = arith.subi %add3A_488, %sub3A_489 : i32
        %dma_start3A_491 = arith.constant 0 : i32
        %dma_start3A_492 = tpu.memref_slice %arg8[%sub3A_490, %dma_start3A_491] : memref<40x50xi32, #tpu.memory_space<vmem>> -> memref<1x50xi32, #tpu.memory_space<vmem>>
        %dma_start3A_493 = tpu.memref_squeeze %dma_start3A_492 : memref<1x50xi32, #tpu.memory_space<vmem>> -> memref<50xi32, #tpu.memory_space<vmem>>
        %dma_start3A_494 = arith.constant 0 : i32
        %dma_start3A_495 = arith.constant 0 : i32
        %dma_start3A_496 = tpu.memref_slice %arg2[%dma_start3A_494, %dma_start3A_495] : memref<10000x128xf32, #tpu.memory_space<hbm>> -> memref<10000x128xf32, #tpu.memory_space<hbm>>
        tpu.enqueue_indirect_dma source(%dma_start3A_496 : memref<10000x128xf32, #tpu.memory_space<hbm>>) target(%arg13 : memref<50x128xf32, #tpu.memory_space<vmem>>) offsets(%dma_start3A_493 : memref<50xi32, #tpu.memory_space<vmem>>) semaphore(%arg20 : memref<!tpu.dma_semaphore, #tpu.memory_space<semaphore_mem>>)
      } else {
      }
      "tpu.region"() ({
        %run_scoped3A = tpu.sem_alloc : memref<!tpu.dma_semaphore, #tpu.memory_space<semaphore_mem>>
        %dma_start3A_487 = arith.constant 0 : i32
        %dma_start3A_488 = tpu.memref_slice %arg9[%add3A_415, %dma_start3A_487] : memref<40x50xi32, #tpu.memory_space<vmem>> -> memref<1x50xi32, #tpu.memory_space<vmem>>
        %dma_start3A_489 = tpu.memref_squeeze %dma_start3A_488 : memref<1x50xi32, #tpu.memory_space<vmem>> -> memref<50xi32, #tpu.memory_space<vmem>>
        %dma_start3A_490 = arith.constant 0 : i32
        %dma_start3A_491 = arith.constant 0 : i32
        %dma_start3A_492 = tpu.memref_slice %arg14[%dma_start3A_490, %dma_start3A_491] : memref<10000x128xf32, #tpu.memory_space<vmem_shared>> -> memref<10000x128xf32, #tpu.memory_space<vmem_shared>>
        tpu.enqueue_indirect_dma source(%arg10 : memref<50x128xf32, #tpu.memory_space<vmem>>) target(%dma_start3A_492 : memref<10000x128xf32, #tpu.memory_space<vmem_shared>>) offsets(%dma_start3A_489 : memref<50xi32, #tpu.memory_space<vmem>>) semaphore(%run_scoped3A : memref<!tpu.dma_semaphore, #tpu.memory_space<semaphore_mem>>) {add = true}
        %dma_wait3A_493 = arith.constant 0 : i32
        %dma_wait3A_494 = tpu.memref_slice %arg9[%add3A_415, %dma_wait3A_493] : memref<40x50xi32, #tpu.memory_space<vmem>> -> memref<1x50xi32, #tpu.memory_space<vmem>>
        %dma_wait3A_495 = tpu.memref_squeeze %dma_wait3A_494 : memref<1x50xi32, #tpu.memory_space<vmem>> -> memref<50xi32, #tpu.memory_space<vmem>>
        %dma_wait3A_496 = arith.constant 0 : i32
        %dma_wait3A_497 = arith.constant 0 : i32
        %dma_wait3A_498 = tpu.memref_slice %arg14[%dma_wait3A_496, %dma_wait3A_497] : memref<10000x128xf32, #tpu.memory_space<vmem_shared>> -> memref<10000x128xf32, #tpu.memory_space<vmem_shared>>
        tpu.wait_indirect_dma semaphore(%run_scoped3A : memref<!tpu.dma_semaphore, #tpu.memory_space<semaphore_mem>>) src(%arg10 : memref<50x128xf32, #tpu.memory_space<vmem>>) dst(%dma_wait3A_498 : memref<10000x128xf32, #tpu.memory_space<vmem_shared>>)
        tpu.yield
      }) : () -> ()
      %mul3A_429 = arith.constant 4 : i32
      %mul3A_430 = arith.muli %scan3A_410, %mul3A_429 : i32
      %add3A_431 = arith.constant 1 : i32
      %add3A_432 = arith.addi %mul3A_430, %add3A_431 : i32
      %dma_wait3A_433 = arith.constant 0 : i32
      %dma_wait3A_434 = tpu.memref_slice %arg8[%add3A_432, %dma_wait3A_433] : memref<40x50xi32, #tpu.memory_space<vmem>> -> memref<1x50xi32, #tpu.memory_space<vmem>>
      %dma_wait3A_435 = tpu.memref_squeeze %dma_wait3A_434 : memref<1x50xi32, #tpu.memory_space<vmem>> -> memref<50xi32, #tpu.memory_space<vmem>>
      %dma_wait3A_436 = arith.constant 0 : i32
      %dma_wait3A_437 = arith.constant 0 : i32
      %dma_wait3A_438 = tpu.memref_slice %arg2[%dma_wait3A_436, %dma_wait3A_437] : memref<10000x128xf32, #tpu.memory_space<hbm>> -> memref<10000x128xf32, #tpu.memory_space<hbm>>
      tpu.wait_indirect_dma semaphore(%arg18 : memref<!tpu.dma_semaphore, #tpu.memory_space<semaphore_mem>>) src(%dma_wait3A_438 : memref<10000x128xf32, #tpu.memory_space<hbm>>) dst(%arg11 : memref<50x128xf32, #tpu.memory_space<vmem>>)
      %add3A_439 = arith.constant 4 : i32
      %add3A_440 = arith.addi %add3A_432, %add3A_439 : i32
      %sub3A_441 = arith.constant 1 : i32
      %sub3A_442 = arith.subi %add3A_440, %sub3A_441 : i32
      %lt3A_443 = arith.constant 40 : i32
      %lt3A_444 = arith.cmpi slt, %sub3A_442, %lt3A_443 : i32
      %convert_element_type3A_445 = arith.extui %lt3A_444 : i1 to i32
      %cond3A_446 = arith.constant 0 : i32
      %cond3A_447 = arith.cmpi ne, %convert_element_type3A_445, %cond3A_446 : i32
      scf.if %cond3A_447 {
        %add3A_487 = arith.constant 4 : i32
        %add3A_488 = arith.addi %add3A_432, %add3A_487 : i32
        %sub3A_489 = arith.constant 1 : i32
        %sub3A_490 = arith.subi %add3A_488, %sub3A_489 : i32
        %dma_start3A_491 = arith.constant 0 : i32
        %dma_start3A_492 = tpu.memref_slice %arg8[%sub3A_490, %dma_start3A_491] : memref<40x50xi32, #tpu.memory_space<vmem>> -> memref<1x50xi32, #tpu.memory_space<vmem>>
        %dma_start3A_493 = tpu.memref_squeeze %dma_start3A_492 : memref<1x50xi32, #tpu.memory_space<vmem>> -> memref<50xi32, #tpu.memory_space<vmem>>
        %dma_start3A_494 = arith.constant 0 : i32
        %dma_start3A_495 = arith.constant 0 : i32
        %dma_start3A_496 = tpu.memref_slice %arg2[%dma_start3A_494, %dma_start3A_495] : memref<10000x128xf32, #tpu.memory_space<hbm>> -> memref<10000x128xf32, #tpu.memory_space<hbm>>
        tpu.enqueue_indirect_dma source(%dma_start3A_496 : memref<10000x128xf32, #tpu.memory_space<hbm>>) target(%arg10 : memref<50x128xf32, #tpu.memory_space<vmem>>) offsets(%dma_start3A_493 : memref<50xi32, #tpu.memory_space<vmem>>) semaphore(%arg17 : memref<!tpu.dma_semaphore, #tpu.memory_space<semaphore_mem>>)
      } else {
      }
      "tpu.region"() ({
        %run_scoped3A = tpu.sem_alloc : memref<!tpu.dma_semaphore, #tpu.memory_space<semaphore_mem>>
        %dma_start3A_487 = arith.constant 0 : i32
        %dma_start3A_488 = tpu.memref_slice %arg9[%add3A_432, %dma_start3A_487] : memref<40x50xi32, #tpu.memory_space<vmem>> -> memref<1x50xi32, #tpu.memory_space<vmem>>
        %dma_start3A_489 = tpu.memref_squeeze %dma_start3A_488 : memref<1x50xi32, #tpu.memory_space<vmem>> -> memref<50xi32, #tpu.memory_space<vmem>>
        %dma_start3A_490 = arith.constant 0 : i32
        %dma_start3A_491 = arith.constant 0 : i32
        %dma_start3A_492 = tpu.memref_slice %arg14[%dma_start3A_490, %dma_start3A_491] : memref<10000x128xf32, #tpu.memory_space<vmem_shared>> -> memref<10000x128xf32, #tpu.memory_space<vmem_shared>>
        tpu.enqueue_indirect_dma source(%arg11 : memref<50x128xf32, #tpu.memory_space<vmem>>) target(%dma_start3A_492 : memref<10000x128xf32, #tpu.memory_space<vmem_shared>>) offsets(%dma_start3A_489 : memref<50xi32, #tpu.memory_space<vmem>>) semaphore(%run_scoped3A : memref<!tpu.dma_semaphore, #tpu.memory_space<semaphore_mem>>) {add = true}
        %dma_wait3A_493 = arith.constant 0 : i32
        %dma_wait3A_494 = tpu.memref_slice %arg9[%add3A_432, %dma_wait3A_493] : memref<40x50xi32, #tpu.memory_space<vmem>> -> memref<1x50xi32, #tpu.memory_space<vmem>>
        %dma_wait3A_495 = tpu.memref_squeeze %dma_wait3A_494 : memref<1x50xi32, #tpu.memory_space<vmem>> -> memref<50xi32, #tpu.memory_space<vmem>>
        %dma_wait3A_496 = arith.constant 0 : i32
        %dma_wait3A_497 = arith.constant 0 : i32
        %dma_wait3A_498 = tpu.memref_slice %arg14[%dma_wait3A_496, %dma_wait3A_497] : memref<10000x128xf32, #tpu.memory_space<vmem_shared>> -> memref<10000x128xf32, #tpu.memory_space<vmem_shared>>
        tpu.wait_indirect_dma semaphore(%run_scoped3A : memref<!tpu.dma_semaphore, #tpu.memory_space<semaphore_mem>>) src(%arg11 : memref<50x128xf32, #tpu.memory_space<vmem>>) dst(%dma_wait3A_498 : memref<10000x128xf32, #tpu.memory_space<vmem_shared>>)
        tpu.yield
      }) : () -> ()
      %mul3A_448 = arith.constant 4 : i32
      %mul3A_449 = arith.muli %scan3A_410, %mul3A_448 : i32
      %add3A_450 = arith.constant 2 : i32
      %add3A_451 = arith.addi %mul3A_449, %add3A_450 : i32
      %dma_wait3A_452 = arith.constant 0 : i32
      %dma_wait3A_453 = tpu.memref_slice %arg8[%add3A_451, %dma_wait3A_452] : memref<40x50xi32, #tpu.memory_space<vmem>> -> memref<1x50xi32, #tpu.memory_space<vmem>>
      %dma_wait3A_454 = tpu.memref_squeeze %dma_wait3A_453 : memref<1x50xi32, #tpu.memory_space<vmem>> -> memref<50xi32, #tpu.memory_space<vmem>>
      %dma_wait3A_455 = arith.constant 0 : i32
      %dma_wait3A_456 = arith.constant 0 : i32
      %dma_wait3A_457 = tpu.memref_slice %arg2[%dma_wait3A_455, %dma_wait3A_456] : memref<10000x128xf32, #tpu.memory_space<hbm>> -> memref<10000x128xf32, #tpu.memory_space<hbm>>
      tpu.wait_indirect_dma semaphore(%arg19 : memref<!tpu.dma_semaphore, #tpu.memory_space<semaphore_mem>>) src(%dma_wait3A_457 : memref<10000x128xf32, #tpu.memory_space<hbm>>) dst(%arg12 : memref<50x128xf32, #tpu.memory_space<vmem>>)
      %add3A_458 = arith.constant 4 : i32
      %add3A_459 = arith.addi %add3A_451, %add3A_458 : i32
      %sub3A_460 = arith.constant 1 : i32
      %sub3A_461 = arith.subi %add3A_459, %sub3A_460 : i32
      %lt3A_462 = arith.constant 40 : i32
      %lt3A_463 = arith.cmpi slt, %sub3A_461, %lt3A_462 : i32
      %convert_element_type3A_464 = arith.extui %lt3A_463 : i1 to i32
      %cond3A_465 = arith.constant 0 : i32
      %cond3A_466 = arith.cmpi ne, %convert_element_type3A_464, %cond3A_465 : i32
      scf.if %cond3A_466 {
        %add3A_487 = arith.constant 4 : i32
        %add3A_488 = arith.addi %add3A_451, %add3A_487 : i32
        %sub3A_489 = arith.constant 1 : i32
        %sub3A_490 = arith.subi %add3A_488, %sub3A_489 : i32
        %dma_start3A_491 = arith.constant 0 : i32
        %dma_start3A_492 = tpu.memref_slice %arg8[%sub3A_490, %dma_start3A_491] : memref<40x50xi32, #tpu.memory_space<vmem>> -> memref<1x50xi32, #tpu.memory_space<vmem>>
        %dma_start3A_493 = tpu.memref_squeeze %dma_start3A_492 : memref<1x50xi32, #tpu.memory_space<vmem>> -> memref<50xi32, #tpu.memory_space<vmem>>
        %dma_start3A_494 = arith.constant 0 : i32
        %dma_start3A_495 = arith.constant 0 : i32
        %dma_start3A_496 = tpu.memref_slice %arg2[%dma_start3A_494, %dma_start3A_495] : memref<10000x128xf32, #tpu.memory_space<hbm>> -> memref<10000x128xf32, #tpu.memory_space<hbm>>
        tpu.enqueue_indirect_dma source(%dma_start3A_496 : memref<10000x128xf32, #tpu.memory_space<hbm>>) target(%arg11 : memref<50x128xf32, #tpu.memory_space<vmem>>) offsets(%dma_start3A_493 : memref<50xi32, #tpu.memory_space<vmem>>) semaphore(%arg18 : memref<!tpu.dma_semaphore, #tpu.memory_space<semaphore_mem>>)
      } else {
      }
      "tpu.region"() ({
        %run_scoped3A = tpu.sem_alloc : memref<!tpu.dma_semaphore, #tpu.memory_space<semaphore_mem>>
        %dma_start3A_487 = arith.constant 0 : i32
        %dma_start3A_488 = tpu.memref_slice %arg9[%add3A_451, %dma_start3A_487] : memref<40x50xi32, #tpu.memory_space<vmem>> -> memref<1x50xi32, #tpu.memory_space<vmem>>
        %dma_start3A_489 = tpu.memref_squeeze %dma_start3A_488 : memref<1x50xi32, #tpu.memory_space<vmem>> -> memref<50xi32, #tpu.memory_space<vmem>>
        %dma_start3A_490 = arith.constant 0 : i32
        %dma_start3A_491 = arith.constant 0 : i32
        %dma_start3A_492 = tpu.memref_slice %arg14[%dma_start3A_490, %dma_start3A_491] : memref<10000x128xf32, #tpu.memory_space<vmem_shared>> -> memref<10000x128xf32, #tpu.memory_space<vmem_shared>>
        tpu.enqueue_indirect_dma source(%arg12 : memref<50x128xf32, #tpu.memory_space<vmem>>) target(%dma_start3A_492 : memref<10000x128xf32, #tpu.memory_space<vmem_shared>>) offsets(%dma_start3A_489 : memref<50xi32, #tpu.memory_space<vmem>>) semaphore(%run_scoped3A : memref<!tpu.dma_semaphore, #tpu.memory_space<semaphore_mem>>) {add = true}
        %dma_wait3A_493 = arith.constant 0 : i32
        %dma_wait3A_494 = tpu.memref_slice %arg9[%add3A_451, %dma_wait3A_493] : memref<40x50xi32, #tpu.memory_space<vmem>> -> memref<1x50xi32, #tpu.memory_space<vmem>>
        %dma_wait3A_495 = tpu.memref_squeeze %dma_wait3A_494 : memref<1x50xi32, #tpu.memory_space<vmem>> -> memref<50xi32, #tpu.memory_space<vmem>>
        %dma_wait3A_496 = arith.constant 0 : i32
        %dma_wait3A_497 = arith.constant 0 : i32
        %dma_wait3A_498 = tpu.memref_slice %arg14[%dma_wait3A_496, %dma_wait3A_497] : memref<10000x128xf32, #tpu.memory_space<vmem_shared>> -> memref<10000x128xf32, #tpu.memory_space<vmem_shared>>
        tpu.wait_indirect_dma semaphore(%run_scoped3A : memref<!tpu.dma_semaphore, #tpu.memory_space<semaphore_mem>>) src(%arg12 : memref<50x128xf32, #tpu.memory_space<vmem>>) dst(%dma_wait3A_498 : memref<10000x128xf32, #tpu.memory_space<vmem_shared>>)
        tpu.yield
      }) : () -> ()
      %mul3A_467 = arith.constant 4 : i32
      %mul3A_468 = arith.muli %scan3A_410, %mul3A_467 : i32
      %add3A_469 = arith.constant 3 : i32
      %add3A_470 = arith.addi %mul3A_468, %add3A_469 : i32
      %dma_wait3A_471 = arith.constant 0 : i32
      %dma_wait3A_472 = tpu.memref_slice %arg8[%add3A_470, %dma_wait3A_471] : memref<40x50xi32, #tpu.memory_space<vmem>> -> memref<1x50xi32, #tpu.memory_space<vmem>>
      %dma_wait3A_473 = tpu.memref_squeeze %dma_wait3A_472 : memref<1x50xi32, #tpu.memory_space<vmem>> -> memref<50xi32, #tpu.memory_space<vmem>>
      %dma_wait3A_474 = arith.constant 0 : i32
      %dma_wait3A_475 = arith.constant 0 : i32
      %dma_wait3A_476 = tpu.memref_slice %arg2[%dma_wait3A_474, %dma_wait3A_475] : memref<10000x128xf32, #tpu.memory_space<hbm>> -> memref<10000x128xf32, #tpu.memory_space<hbm>>
      tpu.wait_indirect_dma semaphore(%arg20 : memref<!tpu.dma_semaphore, #tpu.memory_space<semaphore_mem>>) src(%dma_wait3A_476 : memref<10000x128xf32, #tpu.memory_space<hbm>>) dst(%arg13 : memref<50x128xf32, #tpu.memory_space<vmem>>)
      %add3A_477 = arith.constant 4 : i32
      %add3A_478 = arith.addi %add3A_470, %add3A_477 : i32
      %sub3A_479 = arith.constant 1 : i32
      %sub3A_480 = arith.subi %add3A_478, %sub3A_479 : i32
      %lt3A_481 = arith.constant 40 : i32
      %lt3A_482 = arith.cmpi slt, %sub3A_480, %lt3A_481 : i32
      %convert_element_type3A_483 = arith.extui %lt3A_482 : i1 to i32
      %cond3A_484 = arith.constant 0 : i32
      %cond3A_485 = arith.cmpi ne, %convert_element_type3A_483, %cond3A_484 : i32
      scf.if %cond3A_485 {
        %add3A_487 = arith.constant 4 : i32
        %add3A_488 = arith.addi %add3A_470, %add3A_487 : i32
        %sub3A_489 = arith.constant 1 : i32
        %sub3A_490 = arith.subi %add3A_488, %sub3A_489 : i32
        %dma_start3A_491 = arith.constant 0 : i32
        %dma_start3A_492 = tpu.memref_slice %arg8[%sub3A_490, %dma_start3A_491] : memref<40x50xi32, #tpu.memory_space<vmem>> -> memref<1x50xi32, #tpu.memory_space<vmem>>
        %dma_start3A_493 = tpu.memref_squeeze %dma_start3A_492 : memref<1x50xi32, #tpu.memory_space<vmem>> -> memref<50xi32, #tpu.memory_space<vmem>>
        %dma_start3A_494 = arith.constant 0 : i32
        %dma_start3A_495 = arith.constant 0 : i32
        %dma_start3A_496 = tpu.memref_slice %arg2[%dma_start3A_494, %dma_start3A_495] : memref<10000x128xf32, #tpu.memory_space<hbm>> -> memref<10000x128xf32, #tpu.memory_space<hbm>>
        tpu.enqueue_indirect_dma source(%dma_start3A_496 : memref<10000x128xf32, #tpu.memory_space<hbm>>) target(%arg12 : memref<50x128xf32, #tpu.memory_space<vmem>>) offsets(%dma_start3A_493 : memref<50xi32, #tpu.memory_space<vmem>>) semaphore(%arg19 : memref<!tpu.dma_semaphore, #tpu.memory_space<semaphore_mem>>)
      } else {
      }
      "tpu.region"() ({
        %run_scoped3A = tpu.sem_alloc : memref<!tpu.dma_semaphore, #tpu.memory_space<semaphore_mem>>
        %dma_start3A_487 = arith.constant 0 : i32
        %dma_start3A_488 = tpu.memref_slice %arg9[%add3A_470, %dma_start3A_487] : memref<40x50xi32, #tpu.memory_space<vmem>> -> memref<1x50xi32, #tpu.memory_space<vmem>>
        %dma_start3A_489 = tpu.memref_squeeze %dma_start3A_488 : memref<1x50xi32, #tpu.memory_space<vmem>> -> memref<50xi32, #tpu.memory_space<vmem>>
        %dma_start3A_490 = arith.constant 0 : i32
        %dma_start3A_491 = arith.constant 0 : i32
        %dma_start3A_492 = tpu.memref_slice %arg14[%dma_start3A_490, %dma_start3A_491] : memref<10000x128xf32, #tpu.memory_space<vmem_shared>> -> memref<10000x128xf32, #tpu.memory_space<vmem_shared>>
        tpu.enqueue_indirect_dma source(%arg13 : memref<50x128xf32, #tpu.memory_space<vmem>>) target(%dma_start3A_492 : memref<10000x128xf32, #tpu.memory_space<vmem_shared>>) offsets(%dma_start3A_489 : memref<50xi32, #tpu.memory_space<vmem>>) semaphore(%run_scoped3A : memref<!tpu.dma_semaphore, #tpu.memory_space<semaphore_mem>>) {add = true}
        %dma_wait3A_493 = arith.constant 0 : i32
        %dma_wait3A_494 = tpu.memref_slice %arg9[%add3A_470, %dma_wait3A_493] : memref<40x50xi32, #tpu.memory_space<vmem>> -> memref<1x50xi32, #tpu.memory_space<vmem>>
        %dma_wait3A_495 = tpu.memref_squeeze %dma_wait3A_494 : memref<1x50xi32, #tpu.memory_space<vmem>> -> memref<50xi32, #tpu.memory_space<vmem>>
        %dma_wait3A_496 = arith.constant 0 : i32
        %dma_wait3A_497 = arith.constant 0 : i32
        %dma_wait3A_498 = tpu.memref_slice %arg14[%dma_wait3A_496, %dma_wait3A_497] : memref<10000x128xf32, #tpu.memory_space<vmem_shared>> -> memref<10000x128xf32, #tpu.memory_space<vmem_shared>>
        tpu.wait_indirect_dma semaphore(%run_scoped3A : memref<!tpu.dma_semaphore, #tpu.memory_space<semaphore_mem>>) src(%arg13 : memref<50x128xf32, #tpu.memory_space<vmem>>) dst(%dma_wait3A_498 : memref<10000x128xf32, #tpu.memory_space<vmem_shared>>)
        tpu.yield
      }) : () -> ()
      %scan3A_486 = arith.constant 0 : i32
      scf.yield %scan3A_486 : i32
    }
    %scan3A_353 = arith.constant 10 : i32
    %mul3A_354 = arith.constant 5 : i32
    %mul3A_355 = arith.muli %add3A, %mul3A_354 : i32
    %add3A_356 = arith.constant 4 : i32
    %add3A_357 = arith.addi %mul3A_355, %add3A_356 : i32
    %dma_wait3A_358 = arith.constant 0 : i32
    %dma_wait3A_359 = arith.constant 0 : i32
    %dma_wait3A_360 = tpu.memref_slice %arg3[%add3A_357, %dma_wait3A_358, %dma_wait3A_359] : memref<160x40x50xi32, #tpu.memory_space<hbm>> -> memref<1x40x50xi32, #tpu.memory_space<hbm>>
    %dma_wait3A_361 = tpu.memref_squeeze %dma_wait3A_360 : memref<1x40x50xi32, #tpu.memory_space<hbm>> -> memref<40x50xi32, #tpu.memory_space<hbm>>
    %dma_wait3A_362 = arith.constant 0 : i32
    %dma_wait3A_363 = arith.constant 0 : i32
    %dma_wait3A_364 = tpu.memref_slice %arg3[%add3A_357, %dma_wait3A_362, %dma_wait3A_363] : memref<160x40x50xi32, #tpu.memory_space<hbm>> -> memref<1x40x50xi32, #tpu.memory_space<hbm>>
    %dma_wait3A_365 = tpu.memref_squeeze %dma_wait3A_364 : memref<1x40x50xi32, #tpu.memory_space<hbm>> -> memref<40x50xi32, #tpu.memory_space<hbm>>
    tpu.wait_dma2 semaphore(%arg15 : memref<!tpu.dma_semaphore, #tpu.memory_space<semaphore_mem>>) src(%dma_wait3A_365 : memref<40x50xi32, #tpu.memory_space<hbm>>) dst(%arg6 : memref<40x50xi32, #tpu.memory_space<vmem>>)
    %mul3A_366 = arith.constant 5 : i32
    %mul3A_367 = arith.muli %add3A, %mul3A_366 : i32
    %add3A_368 = arith.constant 4 : i32
    %add3A_369 = arith.addi %mul3A_367, %add3A_368 : i32
    %dma_wait3A_370 = arith.constant 0 : i32
    %dma_wait3A_371 = arith.constant 0 : i32
    %dma_wait3A_372 = tpu.memref_slice %arg4[%add3A_369, %dma_wait3A_370, %dma_wait3A_371] : memref<160x40x50xi32, #tpu.memory_space<hbm>> -> memref<1x40x50xi32, #tpu.memory_space<hbm>>
    %dma_wait3A_373 = tpu.memref_squeeze %dma_wait3A_372 : memref<1x40x50xi32, #tpu.memory_space<hbm>> -> memref<40x50xi32, #tpu.memory_space<hbm>>
    %dma_wait3A_374 = arith.constant 0 : i32
    %dma_wait3A_375 = arith.constant 0 : i32
    %dma_wait3A_376 = tpu.memref_slice %arg4[%add3A_369, %dma_wait3A_374, %dma_wait3A_375] : memref<160x40x50xi32, #tpu.memory_space<hbm>> -> memref<1x40x50xi32, #tpu.memory_space<hbm>>
    %dma_wait3A_377 = tpu.memref_squeeze %dma_wait3A_376 : memref<1x40x50xi32, #tpu.memory_space<hbm>> -> memref<40x50xi32, #tpu.memory_space<hbm>>
    tpu.wait_dma2 semaphore(%arg15 : memref<!tpu.dma_semaphore, #tpu.memory_space<semaphore_mem>>) src(%dma_wait3A_377 : memref<40x50xi32, #tpu.memory_space<hbm>>) dst(%arg7 : memref<40x50xi32, #tpu.memory_space<vmem>>)
    %dma_start3A_378 = arith.constant 0 : i32
    %dma_start3A_379 = arith.constant 0 : i32
    %dma_start3A_380 = tpu.memref_slice %arg6[%dma_start3A_378, %dma_start3A_379] : memref<40x50xi32, #tpu.memory_space<vmem>> -> memref<1x50xi32, #tpu.memory_space<vmem>>
    %dma_start3A_381 = tpu.memref_squeeze %dma_start3A_380 : memref<1x50xi32, #tpu.memory_space<vmem>> -> memref<50xi32, #tpu.memory_space<vmem>>
    %dma_start3A_382 = arith.constant 0 : i32
    %dma_start3A_383 = arith.constant 0 : i32
    %dma_start3A_384 = tpu.memref_slice %arg2[%dma_start3A_382, %dma_start3A_383] : memref<10000x128xf32, #tpu.memory_space<hbm>> -> memref<10000x128xf32, #tpu.memory_space<hbm>>
    tpu.enqueue_indirect_dma source(%dma_start3A_384 : memref<10000x128xf32, #tpu.memory_space<hbm>>) target(%arg10 : memref<50x128xf32, #tpu.memory_space<vmem>>) offsets(%dma_start3A_381 : memref<50xi32, #tpu.memory_space<vmem>>) semaphore(%arg17 : memref<!tpu.dma_semaphore, #tpu.memory_space<semaphore_mem>>)
    %dma_start3A_385 = arith.constant 1 : i32
    %dma_start3A_386 = arith.constant 0 : i32
    %dma_start3A_387 = tpu.memref_slice %arg6[%dma_start3A_385, %dma_start3A_386] : memref<40x50xi32, #tpu.memory_space<vmem>> -> memref<1x50xi32, #tpu.memory_space<vmem>>
    %dma_start3A_388 = tpu.memref_squeeze %dma_start3A_387 : memref<1x50xi32, #tpu.memory_space<vmem>> -> memref<50xi32, #tpu.memory_space<vmem>>
    %dma_start3A_389 = arith.constant 0 : i32
    %dma_start3A_390 = arith.constant 0 : i32
    %dma_start3A_391 = tpu.memref_slice %arg2[%dma_start3A_389, %dma_start3A_390] : memref<10000x128xf32, #tpu.memory_space<hbm>> -> memref<10000x128xf32, #tpu.memory_space<hbm>>
    tpu.enqueue_indirect_dma source(%dma_start3A_391 : memref<10000x128xf32, #tpu.memory_space<hbm>>) target(%arg11 : memref<50x128xf32, #tpu.memory_space<vmem>>) offsets(%dma_start3A_388 : memref<50xi32, #tpu.memory_space<vmem>>) semaphore(%arg18 : memref<!tpu.dma_semaphore, #tpu.memory_space<semaphore_mem>>)
    %dma_start3A_392 = arith.constant 2 : i32
    %dma_start3A_393 = arith.constant 0 : i32
    %dma_start3A_394 = tpu.memref_slice %arg6[%dma_start3A_392, %dma_start3A_393] : memref<40x50xi32, #tpu.memory_space<vmem>> -> memref<1x50xi32, #tpu.memory_space<vmem>>
    %dma_start3A_395 = tpu.memref_squeeze %dma_start3A_394 : memref<1x50xi32, #tpu.memory_space<vmem>> -> memref<50xi32, #tpu.memory_space<vmem>>
    %dma_start3A_396 = arith.constant 0 : i32
    %dma_start3A_397 = arith.constant 0 : i32
    %dma_start3A_398 = tpu.memref_slice %arg2[%dma_start3A_396, %dma_start3A_397] : memref<10000x128xf32, #tpu.memory_space<hbm>> -> memref<10000x128xf32, #tpu.memory_space<hbm>>
    tpu.enqueue_indirect_dma source(%dma_start3A_398 : memref<10000x128xf32, #tpu.memory_space<hbm>>) target(%arg12 : memref<50x128xf32, #tpu.memory_space<vmem>>) offsets(%dma_start3A_395 : memref<50xi32, #tpu.memory_space<vmem>>) semaphore(%arg19 : memref<!tpu.dma_semaphore, #tpu.memory_space<semaphore_mem>>)
    %scan3A_399 = arith.constant 0 : i32
    %scan3A_400 = arith.constant 0 : i32
    %scan3A_401 = arith.constant 10 : i32
    %scan3A_402 = arith.addi %scan3A_400, %scan3A_401 : i32
    %scan3A_403 = arith.constant 1 : i32
    %scan3A_404 = scf.for %scan3A_410 = %scan3A_400 to %scan3A_402 step %scan3A_403 iter_args(%scan3A_411 = %scan3A_399) -> (i32)  : i32 {
      %mul3A_412 = arith.constant 4 : i32
      %mul3A_413 = arith.muli %scan3A_410, %mul3A_412 : i32
      %add3A_414 = arith.constant 0 : i32
      %add3A_415 = arith.addi %mul3A_413, %add3A_414 : i32
      %dma_wait3A_416 = arith.constant 0 : i32
      %dma_wait3A_417 = tpu.memref_slice %arg6[%add3A_415, %dma_wait3A_416] : memref<40x50xi32, #tpu.memory_space<vmem>> -> memref<1x50xi32, #tpu.memory_space<vmem>>
      %dma_wait3A_418 = tpu.memref_squeeze %dma_wait3A_417 : memref<1x50xi32, #tpu.memory_space<vmem>> -> memref<50xi32, #tpu.memory_space<vmem>>
      %dma_wait3A_419 = arith.constant 0 : i32
      %dma_wait3A_420 = arith.constant 0 : i32
      %dma_wait3A_421 = tpu.memref_slice %arg2[%dma_wait3A_419, %dma_wait3A_420] : memref<10000x128xf32, #tpu.memory_space<hbm>> -> memref<10000x128xf32, #tpu.memory_space<hbm>>
      tpu.wait_indirect_dma semaphore(%arg17 : memref<!tpu.dma_semaphore, #tpu.memory_space<semaphore_mem>>) src(%dma_wait3A_421 : memref<10000x128xf32, #tpu.memory_space<hbm>>) dst(%arg10 : memref<50x128xf32, #tpu.memory_space<vmem>>)
      %add3A_422 = arith.constant 4 : i32
      %add3A_423 = arith.addi %add3A_415, %add3A_422 : i32
      %sub3A = arith.constant 1 : i32
      %sub3A_424 = arith.subi %add3A_423, %sub3A : i32
      %lt3A = arith.constant 40 : i32
      %lt3A_425 = arith.cmpi slt, %sub3A_424, %lt3A : i32
      %convert_element_type3A_426 = arith.extui %lt3A_425 : i1 to i32
      %cond3A_427 = arith.constant 0 : i32
      %cond3A_428 = arith.cmpi ne, %convert_element_type3A_426, %cond3A_427 : i32
      scf.if %cond3A_428 {
        %add3A_487 = arith.constant 4 : i32
        %add3A_488 = arith.addi %add3A_415, %add3A_487 : i32
        %sub3A_489 = arith.constant 1 : i32
        %sub3A_490 = arith.subi %add3A_488, %sub3A_489 : i32
        %dma_start3A_491 = arith.constant 0 : i32
        %dma_start3A_492 = tpu.memref_slice %arg6[%sub3A_490, %dma_start3A_491] : memref<40x50xi32, #tpu.memory_space<vmem>> -> memref<1x50xi32, #tpu.memory_space<vmem>>
        %dma_start3A_493 = tpu.memref_squeeze %dma_start3A_492 : memref<1x50xi32, #tpu.memory_space<vmem>> -> memref<50xi32, #tpu.memory_space<vmem>>
        %dma_start3A_494 = arith.constant 0 : i32
        %dma_start3A_495 = arith.constant 0 : i32
        %dma_start3A_496 = tpu.memref_slice %arg2[%dma_start3A_494, %dma_start3A_495] : memref<10000x128xf32, #tpu.memory_space<hbm>> -> memref<10000x128xf32, #tpu.memory_space<hbm>>
        tpu.enqueue_indirect_dma source(%dma_start3A_496 : memref<10000x128xf32, #tpu.memory_space<hbm>>) target(%arg13 : memref<50x128xf32, #tpu.memory_space<vmem>>) offsets(%dma_start3A_493 : memref<50xi32, #tpu.memory_space<vmem>>) semaphore(%arg20 : memref<!tpu.dma_semaphore, #tpu.memory_space<semaphore_mem>>)
      } else {
      }
      "tpu.region"() ({
        %run_scoped3A = tpu.sem_alloc : memref<!tpu.dma_semaphore, #tpu.memory_space<semaphore_mem>>
        %dma_start3A_487 = arith.constant 0 : i32
        %dma_start3A_488 = tpu.memref_slice %arg7[%add3A_415, %dma_start3A_487] : memref<40x50xi32, #tpu.memory_space<vmem>> -> memref<1x50xi32, #tpu.memory_space<vmem>>
        %dma_start3A_489 = tpu.memref_squeeze %dma_start3A_488 : memref<1x50xi32, #tpu.memory_space<vmem>> -> memref<50xi32, #tpu.memory_space<vmem>>
        %dma_start3A_490 = arith.constant 0 : i32
        %dma_start3A_491 = arith.constant 0 : i32
        %dma_start3A_492 = tpu.memref_slice %arg14[%dma_start3A_490, %dma_start3A_491] : memref<10000x128xf32, #tpu.memory_space<vmem_shared>> -> memref<10000x128xf32, #tpu.memory_space<vmem_shared>>
        tpu.enqueue_indirect_dma source(%arg10 : memref<50x128xf32, #tpu.memory_space<vmem>>) target(%dma_start3A_492 : memref<10000x128xf32, #tpu.memory_space<vmem_shared>>) offsets(%dma_start3A_489 : memref<50xi32, #tpu.memory_space<vmem>>) semaphore(%run_scoped3A : memref<!tpu.dma_semaphore, #tpu.memory_space<semaphore_mem>>) {add = true}
        %dma_wait3A_493 = arith.constant 0 : i32
        %dma_wait3A_494 = tpu.memref_slice %arg7[%add3A_415, %dma_wait3A_493] : memref<40x50xi32, #tpu.memory_space<vmem>> -> memref<1x50xi32, #tpu.memory_space<vmem>>
        %dma_wait3A_495 = tpu.memref_squeeze %dma_wait3A_494 : memref<1x50xi32, #tpu.memory_space<vmem>> -> memref<50xi32, #tpu.memory_space<vmem>>
        %dma_wait3A_496 = arith.constant 0 : i32
        %dma_wait3A_497 = arith.constant 0 : i32
        %dma_wait3A_498 = tpu.memref_slice %arg14[%dma_wait3A_496, %dma_wait3A_497] : memref<10000x128xf32, #tpu.memory_space<vmem_shared>> -> memref<10000x128xf32, #tpu.memory_space<vmem_shared>>
        tpu.wait_indirect_dma semaphore(%run_scoped3A : memref<!tpu.dma_semaphore, #tpu.memory_space<semaphore_mem>>) src(%arg10 : memref<50x128xf32, #tpu.memory_space<vmem>>) dst(%dma_wait3A_498 : memref<10000x128xf32, #tpu.memory_space<vmem_shared>>)
        tpu.yield
      }) : () -> ()
      %mul3A_429 = arith.constant 4 : i32
      %mul3A_430 = arith.muli %scan3A_410, %mul3A_429 : i32
      %add3A_431 = arith.constant 1 : i32
      %add3A_432 = arith.addi %mul3A_430, %add3A_431 : i32
      %dma_wait3A_433 = arith.constant 0 : i32
      %dma_wait3A_434 = tpu.memref_slice %arg6[%add3A_432, %dma_wait3A_433] : memref<40x50xi32, #tpu.memory_space<vmem>> -> memref<1x50xi32, #tpu.memory_space<vmem>>
      %dma_wait3A_435 = tpu.memref_squeeze %dma_wait3A_434 : memref<1x50xi32, #tpu.memory_space<vmem>> -> memref<50xi32, #tpu.memory_space<vmem>>
      %dma_wait3A_436 = arith.constant 0 : i32
      %dma_wait3A_437 = arith.constant 0 : i32
      %dma_wait3A_438 = tpu.memref_slice %arg2[%dma_wait3A_436, %dma_wait3A_437] : memref<10000x128xf32, #tpu.memory_space<hbm>> -> memref<10000x128xf32, #tpu.memory_space<hbm>>
      tpu.wait_indirect_dma semaphore(%arg18 : memref<!tpu.dma_semaphore, #tpu.memory_space<semaphore_mem>>) src(%dma_wait3A_438 : memref<10000x128xf32, #tpu.memory_space<hbm>>) dst(%arg11 : memref<50x128xf32, #tpu.memory_space<vmem>>)
      %add3A_439 = arith.constant 4 : i32
      %add3A_440 = arith.addi %add3A_432, %add3A_439 : i32
      %sub3A_441 = arith.constant 1 : i32
      %sub3A_442 = arith.subi %add3A_440, %sub3A_441 : i32
      %lt3A_443 = arith.constant 40 : i32
      %lt3A_444 = arith.cmpi slt, %sub3A_442, %lt3A_443 : i32
      %convert_element_type3A_445 = arith.extui %lt3A_444 : i1 to i32
      %cond3A_446 = arith.constant 0 : i32
      %cond3A_447 = arith.cmpi ne, %convert_element_type3A_445, %cond3A_446 : i32
      scf.if %cond3A_447 {
        %add3A_487 = arith.constant 4 : i32
        %add3A_488 = arith.addi %add3A_432, %add3A_487 : i32
        %sub3A_489 = arith.constant 1 : i32
        %sub3A_490 = arith.subi %add3A_488, %sub3A_489 : i32
        %dma_start3A_491 = arith.constant 0 : i32
        %dma_start3A_492 = tpu.memref_slice %arg6[%sub3A_490, %dma_start3A_491] : memref<40x50xi32, #tpu.memory_space<vmem>> -> memref<1x50xi32, #tpu.memory_space<vmem>>
        %dma_start3A_493 = tpu.memref_squeeze %dma_start3A_492 : memref<1x50xi32, #tpu.memory_space<vmem>> -> memref<50xi32, #tpu.memory_space<vmem>>
        %dma_start3A_494 = arith.constant 0 : i32
        %dma_start3A_495 = arith.constant 0 : i32
        %dma_start3A_496 = tpu.memref_slice %arg2[%dma_start3A_494, %dma_start3A_495] : memref<10000x128xf32, #tpu.memory_space<hbm>> -> memref<10000x128xf32, #tpu.memory_space<hbm>>
        tpu.enqueue_indirect_dma source(%dma_start3A_496 : memref<10000x128xf32, #tpu.memory_space<hbm>>) target(%arg10 : memref<50x128xf32, #tpu.memory_space<vmem>>) offsets(%dma_start3A_493 : memref<50xi32, #tpu.memory_space<vmem>>) semaphore(%arg17 : memref<!tpu.dma_semaphore, #tpu.memory_space<semaphore_mem>>)
      } else {
      }
      "tpu.region"() ({
        %run_scoped3A = tpu.sem_alloc : memref<!tpu.dma_semaphore, #tpu.memory_space<semaphore_mem>>
        %dma_start3A_487 = arith.constant 0 : i32
        %dma_start3A_488 = tpu.memref_slice %arg7[%add3A_432, %dma_start3A_487] : memref<40x50xi32, #tpu.memory_space<vmem>> -> memref<1x50xi32, #tpu.memory_space<vmem>>
        %dma_start3A_489 = tpu.memref_squeeze %dma_start3A_488 : memref<1x50xi32, #tpu.memory_space<vmem>> -> memref<50xi32, #tpu.memory_space<vmem>>
        %dma_start3A_490 = arith.constant 0 : i32
        %dma_start3A_491 = arith.constant 0 : i32
        %dma_start3A_492 = tpu.memref_slice %arg14[%dma_start3A_490, %dma_start3A_491] : memref<10000x128xf32, #tpu.memory_space<vmem_shared>> -> memref<10000x128xf32, #tpu.memory_space<vmem_shared>>
        tpu.enqueue_indirect_dma source(%arg11 : memref<50x128xf32, #tpu.memory_space<vmem>>) target(%dma_start3A_492 : memref<10000x128xf32, #tpu.memory_space<vmem_shared>>) offsets(%dma_start3A_489 : memref<50xi32, #tpu.memory_space<vmem>>) semaphore(%run_scoped3A : memref<!tpu.dma_semaphore, #tpu.memory_space<semaphore_mem>>) {add = true}
        %dma_wait3A_493 = arith.constant 0 : i32
        %dma_wait3A_494 = tpu.memref_slice %arg7[%add3A_432, %dma_wait3A_493] : memref<40x50xi32, #tpu.memory_space<vmem>> -> memref<1x50xi32, #tpu.memory_space<vmem>>
        %dma_wait3A_495 = tpu.memref_squeeze %dma_wait3A_494 : memref<1x50xi32, #tpu.memory_space<vmem>> -> memref<50xi32, #tpu.memory_space<vmem>>
        %dma_wait3A_496 = arith.constant 0 : i32
        %dma_wait3A_497 = arith.constant 0 : i32
        %dma_wait3A_498 = tpu.memref_slice %arg14[%dma_wait3A_496, %dma_wait3A_497] : memref<10000x128xf32, #tpu.memory_space<vmem_shared>> -> memref<10000x128xf32, #tpu.memory_space<vmem_shared>>
        tpu.wait_indirect_dma semaphore(%run_scoped3A : memref<!tpu.dma_semaphore, #tpu.memory_space<semaphore_mem>>) src(%arg11 : memref<50x128xf32, #tpu.memory_space<vmem>>) dst(%dma_wait3A_498 : memref<10000x128xf32, #tpu.memory_space<vmem_shared>>)
        tpu.yield
      }) : () -> ()
      %mul3A_448 = arith.constant 4 : i32
      %mul3A_449 = arith.muli %scan3A_410, %mul3A_448 : i32
      %add3A_450 = arith.constant 2 : i32
      %add3A_451 = arith.addi %mul3A_449, %add3A_450 : i32
      %dma_wait3A_452 = arith.constant 0 : i32
      %dma_wait3A_453 = tpu.memref_slice %arg6[%add3A_451, %dma_wait3A_452] : memref<40x50xi32, #tpu.memory_space<vmem>> -> memref<1x50xi32, #tpu.memory_space<vmem>>
      %dma_wait3A_454 = tpu.memref_squeeze %dma_wait3A_453 : memref<1x50xi32, #tpu.memory_space<vmem>> -> memref<50xi32, #tpu.memory_space<vmem>>
      %dma_wait3A_455 = arith.constant 0 : i32
      %dma_wait3A_456 = arith.constant 0 : i32
      %dma_wait3A_457 = tpu.memref_slice %arg2[%dma_wait3A_455, %dma_wait3A_456] : memref<10000x128xf32, #tpu.memory_space<hbm>> -> memref<10000x128xf32, #tpu.memory_space<hbm>>
      tpu.wait_indirect_dma semaphore(%arg19 : memref<!tpu.dma_semaphore, #tpu.memory_space<semaphore_mem>>) src(%dma_wait3A_457 : memref<10000x128xf32, #tpu.memory_space<hbm>>) dst(%arg12 : memref<50x128xf32, #tpu.memory_space<vmem>>)
      %add3A_458 = arith.constant 4 : i32
      %add3A_459 = arith.addi %add3A_451, %add3A_458 : i32
      %sub3A_460 = arith.constant 1 : i32
      %sub3A_461 = arith.subi %add3A_459, %sub3A_460 : i32
      %lt3A_462 = arith.constant 40 : i32
      %lt3A_463 = arith.cmpi slt, %sub3A_461, %lt3A_462 : i32
      %convert_element_type3A_464 = arith.extui %lt3A_463 : i1 to i32
      %cond3A_465 = arith.constant 0 : i32
      %cond3A_466 = arith.cmpi ne, %convert_element_type3A_464, %cond3A_465 : i32
      scf.if %cond3A_466 {
        %add3A_487 = arith.constant 4 : i32
        %add3A_488 = arith.addi %add3A_451, %add3A_487 : i32
        %sub3A_489 = arith.constant 1 : i32
        %sub3A_490 = arith.subi %add3A_488, %sub3A_489 : i32
        %dma_start3A_491 = arith.constant 0 : i32
        %dma_start3A_492 = tpu.memref_slice %arg6[%sub3A_490, %dma_start3A_491] : memref<40x50xi32, #tpu.memory_space<vmem>> -> memref<1x50xi32, #tpu.memory_space<vmem>>
        %dma_start3A_493 = tpu.memref_squeeze %dma_start3A_492 : memref<1x50xi32, #tpu.memory_space<vmem>> -> memref<50xi32, #tpu.memory_space<vmem>>
        %dma_start3A_494 = arith.constant 0 : i32
        %dma_start3A_495 = arith.constant 0 : i32
        %dma_start3A_496 = tpu.memref_slice %arg2[%dma_start3A_494, %dma_start3A_495] : memref<10000x128xf32, #tpu.memory_space<hbm>> -> memref<10000x128xf32, #tpu.memory_space<hbm>>
        tpu.enqueue_indirect_dma source(%dma_start3A_496 : memref<10000x128xf32, #tpu.memory_space<hbm>>) target(%arg11 : memref<50x128xf32, #tpu.memory_space<vmem>>) offsets(%dma_start3A_493 : memref<50xi32, #tpu.memory_space<vmem>>) semaphore(%arg18 : memref<!tpu.dma_semaphore, #tpu.memory_space<semaphore_mem>>)
      } else {
      }
      "tpu.region"() ({
        %run_scoped3A = tpu.sem_alloc : memref<!tpu.dma_semaphore, #tpu.memory_space<semaphore_mem>>
        %dma_start3A_487 = arith.constant 0 : i32
        %dma_start3A_488 = tpu.memref_slice %arg7[%add3A_451, %dma_start3A_487] : memref<40x50xi32, #tpu.memory_space<vmem>> -> memref<1x50xi32, #tpu.memory_space<vmem>>
        %dma_start3A_489 = tpu.memref_squeeze %dma_start3A_488 : memref<1x50xi32, #tpu.memory_space<vmem>> -> memref<50xi32, #tpu.memory_space<vmem>>
        %dma_start3A_490 = arith.constant 0 : i32
        %dma_start3A_491 = arith.constant 0 : i32
        %dma_start3A_492 = tpu.memref_slice %arg14[%dma_start3A_490, %dma_start3A_491] : memref<10000x128xf32, #tpu.memory_space<vmem_shared>> -> memref<10000x128xf32, #tpu.memory_space<vmem_shared>>
        tpu.enqueue_indirect_dma source(%arg12 : memref<50x128xf32, #tpu.memory_space<vmem>>) target(%dma_start3A_492 : memref<10000x128xf32, #tpu.memory_space<vmem_shared>>) offsets(%dma_start3A_489 : memref<50xi32, #tpu.memory_space<vmem>>) semaphore(%run_scoped3A : memref<!tpu.dma_semaphore, #tpu.memory_space<semaphore_mem>>) {add = true}
        %dma_wait3A_493 = arith.constant 0 : i32
        %dma_wait3A_494 = tpu.memref_slice %arg7[%add3A_451, %dma_wait3A_493] : memref<40x50xi32, #tpu.memory_space<vmem>> -> memref<1x50xi32, #tpu.memory_space<vmem>>
        %dma_wait3A_495 = tpu.memref_squeeze %dma_wait3A_494 : memref<1x50xi32, #tpu.memory_space<vmem>> -> memref<50xi32, #tpu.memory_space<vmem>>
        %dma_wait3A_496 = arith.constant 0 : i32
        %dma_wait3A_497 = arith.constant 0 : i32
        %dma_wait3A_498 = tpu.memref_slice %arg14[%dma_wait3A_496, %dma_wait3A_497] : memref<10000x128xf32, #tpu.memory_space<vmem_shared>> -> memref<10000x128xf32, #tpu.memory_space<vmem_shared>>
        tpu.wait_indirect_dma semaphore(%run_scoped3A : memref<!tpu.dma_semaphore, #tpu.memory_space<semaphore_mem>>) src(%arg12 : memref<50x128xf32, #tpu.memory_space<vmem>>) dst(%dma_wait3A_498 : memref<10000x128xf32, #tpu.memory_space<vmem_shared>>)
        tpu.yield
      }) : () -> ()
      %mul3A_467 = arith.constant 4 : i32
      %mul3A_468 = arith.muli %scan3A_410, %mul3A_467 : i32
      %add3A_469 = arith.constant 3 : i32
      %add3A_470 = arith.addi %mul3A_468, %add3A_469 : i32
      %dma_wait3A_471 = arith.constant 0 : i32
      %dma_wait3A_472 = tpu.memref_slice %arg6[%add3A_470, %dma_wait3A_471] : memref<40x50xi32, #tpu.memory_space<vmem>> -> memref<1x50xi32, #tpu.memory_space<vmem>>
      %dma_wait3A_473 = tpu.memref_squeeze %dma_wait3A_472 : memref<1x50xi32, #tpu.memory_space<vmem>> -> memref<50xi32, #tpu.memory_space<vmem>>
      %dma_wait3A_474 = arith.constant 0 : i32
      %dma_wait3A_475 = arith.constant 0 : i32
      %dma_wait3A_476 = tpu.memref_slice %arg2[%dma_wait3A_474, %dma_wait3A_475] : memref<10000x128xf32, #tpu.memory_space<hbm>> -> memref<10000x128xf32, #tpu.memory_space<hbm>>
      tpu.wait_indirect_dma semaphore(%arg20 : memref<!tpu.dma_semaphore, #tpu.memory_space<semaphore_mem>>) src(%dma_wait3A_476 : memref<10000x128xf32, #tpu.memory_space<hbm>>) dst(%arg13 : memref<50x128xf32, #tpu.memory_space<vmem>>)
      %add3A_477 = arith.constant 4 : i32
      %add3A_478 = arith.addi %add3A_470, %add3A_477 : i32
      %sub3A_479 = arith.constant 1 : i32
      %sub3A_480 = arith.subi %add3A_478, %sub3A_479 : i32
      %lt3A_481 = arith.constant 40 : i32
      %lt3A_482 = arith.cmpi slt, %sub3A_480, %lt3A_481 : i32
      %convert_element_type3A_483 = arith.extui %lt3A_482 : i1 to i32
      %cond3A_484 = arith.constant 0 : i32
      %cond3A_485 = arith.cmpi ne, %convert_element_type3A_483, %cond3A_484 : i32
      scf.if %cond3A_485 {
        %add3A_487 = arith.constant 4 : i32
        %add3A_488 = arith.addi %add3A_470, %add3A_487 : i32
        %sub3A_489 = arith.constant 1 : i32
        %sub3A_490 = arith.subi %add3A_488, %sub3A_489 : i32
        %dma_start3A_491 = arith.constant 0 : i32
        %dma_start3A_492 = tpu.memref_slice %arg6[%sub3A_490, %dma_start3A_491] : memref<40x50xi32, #tpu.memory_space<vmem>> -> memref<1x50xi32, #tpu.memory_space<vmem>>
        %dma_start3A_493 = tpu.memref_squeeze %dma_start3A_492 : memref<1x50xi32, #tpu.memory_space<vmem>> -> memref<50xi32, #tpu.memory_space<vmem>>
        %dma_start3A_494 = arith.constant 0 : i32
        %dma_start3A_495 = arith.constant 0 : i32
        %dma_start3A_496 = tpu.memref_slice %arg2[%dma_start3A_494, %dma_start3A_495] : memref<10000x128xf32, #tpu.memory_space<hbm>> -> memref<10000x128xf32, #tpu.memory_space<hbm>>
        tpu.enqueue_indirect_dma source(%dma_start3A_496 : memref<10000x128xf32, #tpu.memory_space<hbm>>) target(%arg12 : memref<50x128xf32, #tpu.memory_space<vmem>>) offsets(%dma_start3A_493 : memref<50xi32, #tpu.memory_space<vmem>>) semaphore(%arg19 : memref<!tpu.dma_semaphore, #tpu.memory_space<semaphore_mem>>)
      } else {
      }
      "tpu.region"() ({
        %run_scoped3A = tpu.sem_alloc : memref<!tpu.dma_semaphore, #tpu.memory_space<semaphore_mem>>
        %dma_start3A_487 = arith.constant 0 : i32
        %dma_start3A_488 = tpu.memref_slice %arg7[%add3A_470, %dma_start3A_487] : memref<40x50xi32, #tpu.memory_space<vmem>> -> memref<1x50xi32, #tpu.memory_space<vmem>>
        %dma_start3A_489 = tpu.memref_squeeze %dma_start3A_488 : memref<1x50xi32, #tpu.memory_space<vmem>> -> memref<50xi32, #tpu.memory_space<vmem>>
        %dma_start3A_490 = arith.constant 0 : i32
        %dma_start3A_491 = arith.constant 0 : i32
        %dma_start3A_492 = tpu.memref_slice %arg14[%dma_start3A_490, %dma_start3A_491] : memref<10000x128xf32, #tpu.memory_space<vmem_shared>> -> memref<10000x128xf32, #tpu.memory_space<vmem_shared>>
        tpu.enqueue_indirect_dma source(%arg13 : memref<50x128xf32, #tpu.memory_space<vmem>>) target(%dma_start3A_492 : memref<10000x128xf32, #tpu.memory_space<vmem_shared>>) offsets(%dma_start3A_489 : memref<50xi32, #tpu.memory_space<vmem>>) semaphore(%run_scoped3A : memref<!tpu.dma_semaphore, #tpu.memory_space<semaphore_mem>>) {add = true}
        %dma_wait3A_493 = arith.constant 0 : i32
        %dma_wait3A_494 = tpu.memref_slice %arg7[%add3A_470, %dma_wait3A_493] : memref<40x50xi32, #tpu.memory_space<vmem>> -> memref<1x50xi32, #tpu.memory_space<vmem>>
        %dma_wait3A_495 = tpu.memref_squeeze %dma_wait3A_494 : memref<1x50xi32, #tpu.memory_space<vmem>> -> memref<50xi32, #tpu.memory_space<vmem>>
        %dma_wait3A_496 = arith.constant 0 : i32
        %dma_wait3A_497 = arith.constant 0 : i32
        %dma_wait3A_498 = tpu.memref_slice %arg14[%dma_wait3A_496, %dma_wait3A_497] : memref<10000x128xf32, #tpu.memory_space<vmem_shared>> -> memref<10000x128xf32, #tpu.memory_space<vmem_shared>>
        tpu.wait_indirect_dma semaphore(%run_scoped3A : memref<!tpu.dma_semaphore, #tpu.memory_space<semaphore_mem>>) src(%arg13 : memref<50x128xf32, #tpu.memory_space<vmem>>) dst(%dma_wait3A_498 : memref<10000x128xf32, #tpu.memory_space<vmem_shared>>)
        tpu.yield
      }) : () -> ()
      %scan3A_486 = arith.constant 0 : i32
      scf.yield %scan3A_486 : i32
    }
    %scan3A_405 = arith.constant 10 : i32
    %barrier3A_406 = arith.constant 0 : index
    tpu.barrier barrier_id(%barrier3A_406)
    %mul3A_407 = arith.constant 10000 : i32
    %mul3A_408 = arith.muli %arg0, %mul3A_407 : i32
    %add3A_409 = arith.addi %mul3A_408, %min3A_3 : i32
    "tpu.region"() ({
      %run_scoped3A = tpu.sem_alloc : memref<!tpu.dma_semaphore, #tpu.memory_space<semaphore_mem>>
      %dma_start3A_410 = arith.constant 0 : i32
      %dma_start3A_411 = tpu.memref_slice %arg5[%add3A_409, %dma_start3A_410] : memref<20000x128xf32, #tpu.memory_space<hbm>> -> memref<640x128xf32, #tpu.memory_space<hbm>>
      %dma_start3A_412 = arith.constant 0 : i32
      %dma_start3A_413 = tpu.memref_slice %arg14[%min3A_3, %dma_start3A_412] : memref<10000x128xf32, #tpu.memory_space<vmem_shared>> -> memref<640x128xf32, #tpu.memory_space<vmem_shared>>
      tpu.enqueue_dma source(%dma_start3A_413 : memref<640x128xf32, #tpu.memory_space<vmem_shared>>) target(%dma_start3A_411 : memref<640x128xf32, #tpu.memory_space<hbm>>) target_semaphore(%run_scoped3A : memref<!tpu.dma_semaphore, #tpu.memory_space<semaphore_mem>>)
      %dma_wait3A_414 = arith.constant 0 : i32
      %dma_wait3A_415 = tpu.memref_slice %arg5[%add3A_409, %dma_wait3A_414] : memref<20000x128xf32, #tpu.memory_space<hbm>> -> memref<640x128xf32, #tpu.memory_space<hbm>>
      %dma_wait3A_416 = arith.constant 0 : i32
      %dma_wait3A_417 = tpu.memref_slice %arg14[%min3A_3, %dma_wait3A_416] : memref<10000x128xf32, #tpu.memory_space<vmem_shared>> -> memref<640x128xf32, #tpu.memory_space<vmem_shared>>
      tpu.wait_dma2 semaphore(%run_scoped3A : memref<!tpu.dma_semaphore, #tpu.memory_space<semaphore_mem>>) src(%dma_wait3A_417 : memref<640x128xf32, #tpu.memory_space<vmem_shared>>) dst(%dma_wait3A_415 : memref<640x128xf32, #tpu.memory_space<hbm>>)
      tpu.yield
    }) : () -> ()
    return
  }
}

module attributes {stable_mosaic.version = 14 : i64} {
  func.func @_k1a_body(%arg0: i32, %arg1: memref<1000x128xf32, #tpu.memory_space<vmem>>, %arg2: memref<128x128xf32, #tpu.memory_space<vmem>>, %arg3: memref<1000x128xf32, #tpu.memory_space<vmem>>) attributes {dimension_semantics = [#tpu.dimension_semantics<arbitrary>], iteration_bounds = array<i64: 10>, scalar_prefetch = 0 : i64, scratch_operands = 0 : i64, tpu.core_type = #tpu.core_type<tc>, window_params = [{transform_indices = @transform_0, window_bounds = array<i64: 1000, 128>}, {pipeline_mode = #tpu.pipeline_mode<synchronous>, transform_indices = @transform_1, window_bounds = array<i64: 128, 128>}, {transform_indices = @transform_2, window_bounds = array<i64: 1000, 128>}]} {
    %get3A = arith.constant 0 : index
    %get3A_0 = arith.constant 0 : index
    %get3A_1 = vector.load %arg1[%get3A, %get3A_0] : memref<1000x128xf32, #tpu.memory_space<vmem>>, vector<1000x128xf32>
    %get3A_2 = arith.constant 0 : index
    %get3A_3 = arith.constant 0 : index
    %get3A_4 = vector.load %arg2[%get3A_2, %get3A_3] : memref<128x128xf32, #tpu.memory_space<vmem>>, vector<128x128xf32>
    %dot_general3A = arith.constant dense<0.000000e+00> : vector<1000x128xf32>
    %dot_general3A_5 = tpu.matmul %get3A_1, %get3A_4, %dot_general3A {dimension_numbers = #tpu.dot_dimension_numbers<[1], [0], [0], [1], [0, 0, 1, 1], [], []>, transpose_lhs_hint = false} : vector<1000x128xf32>, vector<128x128xf32>, vector<1000x128xf32> -> vector<1000x128xf32>
    %swap3A = arith.constant 0 : index
    %swap3A_6 = arith.constant 0 : index
    %swap3A_7 = vector.load %arg3[%swap3A, %swap3A_6] : memref<1000x128xf32, #tpu.memory_space<vmem>>, vector<1000x128xf32>
    tpu.vector_store %arg3[%swap3A, %swap3A_6], %dot_general3A_5 {strides = array<i32>} : memref<1000x128xf32, #tpu.memory_space<vmem>>, vector<1000x128xf32>,
    return
  }
  func.func @transform_0(%arg0: i32) -> (i32, i32) {
    %c0_i32 = arith.constant 0 : i32
    %c0_i32_0 = arith.constant 0 : i32
    return %arg0, %c0_i32 : i32, i32
  }
  func.func @transform_1(%arg0: i32) -> (i32, i32) {
    %c0_i32 = arith.constant 0 : i32
    %c0_i32_0 = arith.constant 0 : i32
    %c0_i32_1 = arith.constant 0 : i32
    return %c0_i32, %c0_i32_0 : i32, i32
  }
  func.func @transform_2(%arg0: i32) -> (i32, i32) {
    %c0_i32 = arith.constant 0 : i32
    %c0_i32_0 = arith.constant 0 : i32
    return %arg0, %c0_i32 : i32, i32
  }
}

module attributes {stable_mosaic.version = 14 : i64} {
  func.func @_k1b_body(%arg0: i32, %arg1: memref<1000x128xf32, #tpu.memory_space<vmem>>, %arg2: memref<1000x128xf32, #tpu.memory_space<vmem>>, %arg3: memref<1000x128xf32, #tpu.memory_space<vmem>>, %arg4: memref<1000x128xf32, #tpu.memory_space<vmem>>, %arg5: memref<1x1x1000xf32, #tpu.memory_space<vmem>>) attributes {dimension_semantics = [#tpu.dimension_semantics<arbitrary>], iteration_bounds = array<i64: 10>, scalar_prefetch = 0 : i64, scratch_operands = 0 : i64, tpu.core_type = #tpu.core_type<tc>, window_params = [{transform_indices = @transform_0, window_bounds = array<i64: 1000, 128>}, {transform_indices = @transform_1, window_bounds = array<i64: 1000, 128>}, {transform_indices = @transform_2, window_bounds = array<i64: 1000, 128>}, {transform_indices = @transform_3, window_bounds = array<i64: 1000, 128>}, {transform_indices = @transform_4, window_bounds = array<i64: 1, 1, 1000>}]} {
    %get3A = arith.constant 0 : index
    %get3A_0 = arith.constant 0 : index
    %get3A_1 = vector.load %arg2[%get3A, %get3A_0] : memref<1000x128xf32, #tpu.memory_space<vmem>>, vector<1000x128xf32>
    %get3A_2 = arith.constant 0 : index
    %get3A_3 = arith.constant 0 : index
    %get3A_4 = vector.load %arg3[%get3A_2, %get3A_3] : memref<1000x128xf32, #tpu.memory_space<vmem>>, vector<1000x128xf32>
    %reduce_sum3A = arith.constant dense<0.000000e+00> : vector<1000xf32>
    %reduce_sum3A_5 = vector.multi_reduction <add>, %get3A_1, %reduce_sum3A [1] : vector<1000x128xf32> to vector<1000xf32>
    %reduce_sum3A_6 = arith.constant dense<0.000000e+00> : vector<1000xf32>
    %reduce_sum3A_7 = vector.multi_reduction <add>, %get3A_4, %reduce_sum3A_6 [1] : vector<1000x128xf32> to vector<1000xf32>
    %add3A = arith.addf %reduce_sum3A_5, %reduce_sum3A_7 : vector<1000xf32>
    %mul3A = arith.constant 7.812500e-03 : f32
    %mul3A_8 = vector.broadcast %mul3A : f32 to vector<1000xf32>
    %mul3A_9 = arith.mulf %add3A, %mul3A_8 : vector<1000xf32>
    %add3A_10 = arith.constant 1.000000e+00 : f32
    %add3A_11 = vector.broadcast %add3A_10 : f32 to vector<1000xf32>
    %add3A_12 = arith.addf %mul3A_9, %add3A_11 : vector<1000xf32>
    %rsqrt3A = math.rsqrt %add3A_12 : vector<1000xf32>
    %broadcast_in_dim3A = vector.shape_cast %rsqrt3A : vector<1000xf32> to vector<1000x1xf32>
    %squeeze3A = vector.shape_cast %broadcast_in_dim3A : vector<1000x1xf32> to vector<1000xf32>
    %swap3A = arith.constant 0 : index
    %swap3A_13 = arith.constant 0 : index
    %swap3A_14 = arith.constant 0 : index
    %swap3A_15 = vector.load %arg5[%swap3A, %swap3A_13, %swap3A_14] : memref<1x1x1000xf32, #tpu.memory_space<vmem>>, vector<1x1x1000xf32>
    %swap3A_16 = vector.shape_cast %swap3A_15 : vector<1x1x1000xf32> to vector<1000xf32>
    %swap3A_17 = vector.shape_cast %squeeze3A : vector<1000xf32> to vector<1x1x1000xf32>
    tpu.vector_store %arg5[%swap3A, %swap3A_13, %swap3A_14], %swap3A_17 {strides = array<i32>} : memref<1x1x1000xf32, #tpu.memory_space<vmem>>, vector<1x1x1000xf32>,
    %get3A_18 = arith.constant 0 : index
    %get3A_19 = arith.constant 0 : index
    %get3A_20 = vector.load %arg1[%get3A_18, %get3A_19] : memref<1000x128xf32, #tpu.memory_space<vmem>>, vector<1000x128xf32>
    %mul3A_21 = vector.broadcast %broadcast_in_dim3A : vector<1000x1xf32> to vector<1000x128xf32>
    %mul3A_22 = arith.mulf %get3A_20, %mul3A_21 : vector<1000x128xf32>
    %swap3A_23 = arith.constant 0 : index
    %swap3A_24 = arith.constant 0 : index
    %swap3A_25 = vector.load %arg4[%swap3A_23, %swap3A_24] : memref<1000x128xf32, #tpu.memory_space<vmem>>, vector<1000x128xf32>
    tpu.vector_store %arg4[%swap3A_23, %swap3A_24], %mul3A_22 {strides = array<i32>} : memref<1000x128xf32, #tpu.memory_space<vmem>>, vector<1000x128xf32>,
    return
  }
  func.func @transform_0(%arg0: i32) -> (i32, i32) {
    %c0_i32 = arith.constant 0 : i32
    %c0_i32_0 = arith.constant 0 : i32
    return %arg0, %c0_i32 : i32, i32
  }
  func.func @transform_1(%arg0: i32) -> (i32, i32) {
    %c0_i32 = arith.constant 0 : i32
    %c0_i32_0 = arith.constant 0 : i32
    return %arg0, %c0_i32 : i32, i32
  }
  func.func @transform_2(%arg0: i32) -> (i32, i32) {
    %add3A = arith.constant 10 : i32
    %add3A_0 = arith.addi %arg0, %add3A : i32
    %c0_i32 = arith.constant 0 : i32
    %c0_i32_1 = arith.constant 0 : i32
    return %add3A_0, %c0_i32 : i32, i32
  }
  func.func @transform_3(%arg0: i32) -> (i32, i32) {
    %c0_i32 = arith.constant 0 : i32
    %c0_i32_0 = arith.constant 0 : i32
    return %arg0, %c0_i32 : i32, i32
  }
  func.func @transform_4(%arg0: i32) -> (i32, i32, i32) {
    %c0_i32 = arith.constant 0 : i32
    %c0_i32_0 = arith.constant 0 : i32
    %c0_i32_1 = arith.constant 0 : i32
    return %arg0, %c0_i32, %c0_i32_0 : i32, i32, i32
  }
}

module attributes {stable_mosaic.version = 14 : i64} {
  func.func @_k2_body(%arg0: i32, %arg1: memref<1000x128xf32, #tpu.memory_space<vmem>>, %arg2: memref<1000x128xf32, #tpu.memory_space<vmem>>, %arg3: memref<1x1x1000xf32, #tpu.memory_space<vmem>>, %arg4: memref<128x128xf32, #tpu.memory_space<vmem>>, %arg5: memref<1x128xf32, #tpu.memory_space<vmem>>, %arg6: memref<1000x128xf32, #tpu.memory_space<vmem>>) attributes {dimension_semantics = [#tpu.dimension_semantics<arbitrary>], iteration_bounds = array<i64: 10>, scalar_prefetch = 0 : i64, scratch_operands = 0 : i64, tpu.core_type = #tpu.core_type<tc>, window_params = [{transform_indices = @transform_0, window_bounds = array<i64: 1000, 128>}, {transform_indices = @transform_1, window_bounds = array<i64: 1000, 128>}, {transform_indices = @transform_2, window_bounds = array<i64: 1, 1, 1000>}, {pipeline_mode = #tpu.pipeline_mode<synchronous>, transform_indices = @transform_3, window_bounds = array<i64: 128, 128>}, {pipeline_mode = #tpu.pipeline_mode<synchronous>, transform_indices = @transform_4, window_bounds = array<i64: 1, 128>}, {transform_indices = @transform_5, window_bounds = array<i64: 1000, 128>}]} {
    %get3A = arith.constant 0 : index
    %get3A_0 = arith.constant 0 : index
    %get3A_1 = arith.constant 0 : index
    %get3A_2 = vector.load %arg3[%get3A, %get3A_0, %get3A_1] : memref<1x1x1000xf32, #tpu.memory_space<vmem>>, vector<1x1x1000xf32>
    %get3A_3 = vector.shape_cast %get3A_2 : vector<1x1x1000xf32> to vector<1000xf32>
    %broadcast_in_dim3A = vector.shape_cast %get3A_3 : vector<1000xf32> to vector<1000x1xf32>
    %get3A_4 = arith.constant 0 : index
    %get3A_5 = arith.constant 0 : index
    %get3A_6 = vector.load %arg1[%get3A_4, %get3A_5] : memref<1000x128xf32, #tpu.memory_space<vmem>>, vector<1000x128xf32>
    %get3A_7 = arith.constant 0 : index
    %get3A_8 = arith.constant 0 : index
    %get3A_9 = vector.load %arg2[%get3A_7, %get3A_8] : memref<1000x128xf32, #tpu.memory_space<vmem>>, vector<1000x128xf32>
    %add3A = arith.addf %get3A_6, %get3A_9 : vector<1000x128xf32>
    %mul3A = vector.broadcast %broadcast_in_dim3A : vector<1000x1xf32> to vector<1000x128xf32>
    %mul3A_10 = arith.mulf %mul3A, %add3A : vector<1000x128xf32>
    %get3A_11 = arith.constant 0 : index
    %get3A_12 = arith.constant 0 : index
    %get3A_13 = vector.load %arg5[%get3A_11, %get3A_12] : memref<1x128xf32, #tpu.memory_space<vmem>>, vector<1x128xf32>
    %add3A_14 = vector.broadcast %get3A_13 : vector<1x128xf32> to vector<1000x128xf32>
    %add3A_15 = arith.addf %mul3A_10, %add3A_14 : vector<1000x128xf32>
    %max3A = arith.constant 0.000000e+00 : f32
    %max3A_16 = vector.broadcast %max3A : f32 to vector<1000x128xf32>
    %max3A_17 = arith.maximumf %add3A_15, %max3A_16 : vector<1000x128xf32>
    %get3A_18 = arith.constant 0 : index
    %get3A_19 = arith.constant 0 : index
    %get3A_20 = vector.load %arg4[%get3A_18, %get3A_19] : memref<128x128xf32, #tpu.memory_space<vmem>>, vector<128x128xf32>
    %dot_general3A = arith.constant dense<0.000000e+00> : vector<1000x128xf32>
    %dot_general3A_21 = tpu.matmul %max3A_17, %get3A_20, %dot_general3A {dimension_numbers = #tpu.dot_dimension_numbers<[1], [0], [0], [1], [0, 0, 1, 1], [], []>, transpose_lhs_hint = false} : vector<1000x128xf32>, vector<128x128xf32>, vector<1000x128xf32> -> vector<1000x128xf32>
    %mul3A_22 = vector.broadcast %broadcast_in_dim3A : vector<1000x1xf32> to vector<1000x128xf32>
    %mul3A_23 = arith.mulf %dot_general3A_21, %mul3A_22 : vector<1000x128xf32>
    %swap3A = arith.constant 0 : index
    %swap3A_24 = arith.constant 0 : index
    %swap3A_25 = vector.load %arg6[%swap3A, %swap3A_24] : memref<1000x128xf32, #tpu.memory_space<vmem>>, vector<1000x128xf32>
    tpu.vector_store %arg6[%swap3A, %swap3A_24], %mul3A_23 {strides = array<i32>} : memref<1000x128xf32, #tpu.memory_space<vmem>>, vector<1000x128xf32>,
    return
  }
  func.func @transform_0(%arg0: i32) -> (i32, i32) {
    %c0_i32 = arith.constant 0 : i32
    %c0_i32_0 = arith.constant 0 : i32
    return %arg0, %c0_i32 : i32, i32
  }
  func.func @transform_1(%arg0: i32) -> (i32, i32) {
    %add3A = arith.constant 10 : i32
    %add3A_0 = arith.addi %arg0, %add3A : i32
    %c0_i32 = arith.constant 0 : i32
    %c0_i32_1 = arith.constant 0 : i32
    return %add3A_0, %c0_i32 : i32, i32
  }
  func.func @transform_2(%arg0: i32) -> (i32, i32, i32) {
    %c0_i32 = arith.constant 0 : i32
    %c0_i32_0 = arith.constant 0 : i32
    %c0_i32_1 = arith.constant 0 : i32
    return %arg0, %c0_i32, %c0_i32_0 : i32, i32, i32
  }
  func.func @transform_3(%arg0: i32) -> (i32, i32) {
    %c0_i32 = arith.constant 0 : i32
    %c0_i32_0 = arith.constant 0 : i32
    %c0_i32_1 = arith.constant 0 : i32
    return %c0_i32, %c0_i32_0 : i32, i32
  }
  func.func @transform_4(%arg0: i32) -> (i32, i32) {
    %c0_i32 = arith.constant 0 : i32
    %c0_i32_0 = arith.constant 0 : i32
    %c0_i32_1 = arith.constant 0 : i32
    return %c0_i32, %c0_i32_0 : i32, i32
  }
  func.func @transform_5(%arg0: i32) -> (i32, i32) {
    %c0_i32 = arith.constant 0 : i32
    %c0_i32_0 = arith.constant 0 : i32
    return %arg0, %c0_i32 : i32, i32
  }
}

module attributes {stable_mosaic.version = 14 : i64} {
  func.func @_k3_body(%arg0: i32, %arg1: memref<1000x128xf32, #tpu.memory_space<vmem>>, %arg2: memref<1000x128xf32, #tpu.memory_space<vmem>>, %arg3: memref<1x1x1000xf32, #tpu.memory_space<vmem>>, %arg4: memref<1x128xf32, #tpu.memory_space<vmem>>, %arg5: memref<1x1x1000xi32, #tpu.memory_space<vmem>>, %arg6: memref<128x16xf32, #tpu.memory_space<vmem>>, %arg7: memref<1x16xf32, #tpu.memory_space<vmem>>, %arg8: memref<64x16xf32, #tpu.memory_space<vmem>>, %arg9: memref<64x128xf32, #tpu.memory_space<vmem>>, %arg10: memref<64x128xf32, #tpu.memory_space<vmem>>) attributes {dimension_semantics = [#tpu.dimension_semantics<arbitrary>], iteration_bounds = array<i64: 10>, scalar_prefetch = 0 : i64, scratch_operands = 2 : i64, tpu.core_type = #tpu.core_type<tc>, window_params = [{transform_indices = @transform_0, window_bounds = array<i64: 1000, 128>}, {transform_indices = @transform_1, window_bounds = array<i64: 1000, 128>}, {transform_indices = @transform_2, window_bounds = array<i64: 1, 1, 1000>}, {pipeline_mode = #tpu.pipeline_mode<synchronous>, transform_indices = @transform_3, window_bounds = array<i64: 1, 128>}, {transform_indices = @transform_4, window_bounds = array<i64: 1, 1, 1000>}, {pipeline_mode = #tpu.pipeline_mode<synchronous>, transform_indices = @transform_5, window_bounds = array<i64: 128, 16>}, {pipeline_mode = #tpu.pipeline_mode<synchronous>, transform_indices = @transform_6, window_bounds = array<i64: 1, 16>}, {pipeline_mode = #tpu.pipeline_mode<synchronous>, transform_indices = @transform_7, window_bounds = array<i64: 64, 16>}]} {
    %get3A = arith.constant 0 : index
    %get3A_0 = arith.constant 0 : index
    %get3A_1 = arith.constant 0 : index
    %get3A_2 = vector.load %arg3[%get3A, %get3A_0, %get3A_1] : memref<1x1x1000xf32, #tpu.memory_space<vmem>>, vector<1x1x1000xf32>
    %get3A_3 = vector.shape_cast %get3A_2 : vector<1x1x1000xf32> to vector<1000xf32>
    %broadcast_in_dim3A = vector.shape_cast %get3A_3 : vector<1000xf32> to vector<1000x1xf32>
    %get3A_4 = arith.constant 0 : index
    %get3A_5 = arith.constant 0 : index
    %get3A_6 = vector.load %arg1[%get3A_4, %get3A_5] : memref<1000x128xf32, #tpu.memory_space<vmem>>, vector<1000x128xf32>
    %get3A_7 = arith.constant 0 : index
    %get3A_8 = arith.constant 0 : index
    %get3A_9 = vector.load %arg2[%get3A_7, %get3A_8] : memref<1000x128xf32, #tpu.memory_space<vmem>>, vector<1000x128xf32>
    %add3A = arith.addf %get3A_6, %get3A_9 : vector<1000x128xf32>
    %mul3A = vector.broadcast %broadcast_in_dim3A : vector<1000x1xf32> to vector<1000x128xf32>
    %mul3A_10 = arith.mulf %mul3A, %add3A : vector<1000x128xf32>
    %get3A_11 = arith.constant 0 : index
    %get3A_12 = arith.constant 0 : index
    %get3A_13 = vector.load %arg4[%get3A_11, %get3A_12] : memref<1x128xf32, #tpu.memory_space<vmem>>, vector<1x128xf32>
    %add3A_14 = vector.broadcast %get3A_13 : vector<1x128xf32> to vector<1000x128xf32>
    %add3A_15 = arith.addf %mul3A_10, %add3A_14 : vector<1000x128xf32>
    %iota3A = tpu.iota {dimensions = array<i32: 0>} : vector<64x1000xi32>
    %get3A_16 = arith.constant 0 : index
    %get3A_17 = arith.constant 0 : index
    %get3A_18 = arith.constant 0 : index
    %get3A_19 = vector.load %arg5[%get3A_16, %get3A_17, %get3A_18] : memref<1x1x1000xi32, #tpu.memory_space<vmem>>, vector<1x1x1000xi32>
    %get3A_20 = vector.shape_cast %get3A_19 : vector<1x1x1000xi32> to vector<1000xi32>
    %broadcast_in_dim3A_21 = vector.shape_cast %get3A_20 : vector<1000xi32> to vector<1x1000xi32>
    %eq3A = vector.broadcast %broadcast_in_dim3A_21 : vector<1x1000xi32> to vector<64x1000xi32>
    %eq3A_22 = arith.cmpi eq, %iota3A, %eq3A : vector<64x1000xi32>
    %convert_element_type3A = arith.extui %eq3A_22 : vector<64x1000xi1> to vector<64x1000xi32>
    %convert_element_type3A_23 = arith.sitofp %convert_element_type3A : vector<64x1000xi32> to vector<64x1000xf32>
    %dot_general3A = arith.constant dense<0.000000e+00> : vector<64x128xf32>
    %dot_general3A_24 = tpu.matmul %convert_element_type3A_23, %add3A_15, %dot_general3A {dimension_numbers = #tpu.dot_dimension_numbers<[1], [0], [0], [1], [0, 0, 1, 1], [], []>, transpose_lhs_hint = false} : vector<64x1000xf32>, vector<1000x128xf32>, vector<64x128xf32> -> vector<64x128xf32>
    %reduce_sum3A = arith.constant dense<0.000000e+00> : vector<64xf32>
    %reduce_sum3A_25 = vector.multi_reduction <add>, %convert_element_type3A_23, %reduce_sum3A [1] : vector<64x1000xf32> to vector<64xf32>
    %broadcast_in_dim3A_26 = vector.shape_cast %reduce_sum3A_25 : vector<64xf32> to vector<64x1xf32>
    %broadcast_in_dim3A_27 = arith.constant 1.000000e+00 : f32
    %broadcast_in_dim3A_28 = vector.broadcast %broadcast_in_dim3A_27 : f32 to vector<1x128xf32>
    %mul3A_29 = vector.broadcast %broadcast_in_dim3A_26 : vector<64x1xf32> to vector<64x128xf32>
    %mul3A_30 = vector.broadcast %broadcast_in_dim3A_28 : vector<1x128xf32> to vector<64x128xf32>
    %mul3A_31 = arith.mulf %mul3A_29, %mul3A_30 : vector<64x128xf32>
    %eq3A_32 = arith.constant 0 : i32
    %eq3A_33 = arith.cmpi eq, %arg0, %eq3A_32 : i32
    %convert_element_type3A_34 = arith.extui %eq3A_33 : i1 to i32
    %cond3A = arith.constant 0 : i32
    %cond3A_35 = arith.cmpi ne, %convert_element_type3A_34, %cond3A : i32
    scf.if %cond3A_35 {
      %swap3A = arith.constant 0 : index
      %swap3A_45 = arith.constant 0 : index
      %swap3A_46 = vector.load %arg9[%swap3A, %swap3A_45] : memref<64x128xf32, #tpu.memory_space<vmem>>, vector<64x128xf32>
      tpu.vector_store %arg9[%swap3A, %swap3A_45], %dot_general3A_24 {strides = array<i32>} : memref<64x128xf32, #tpu.memory_space<vmem>>, vector<64x128xf32>,
      %swap3A_47 = arith.constant 0 : index
      %swap3A_48 = arith.constant 0 : index
      %swap3A_49 = vector.load %arg10[%swap3A_47, %swap3A_48] : memref<64x128xf32, #tpu.memory_space<vmem>>, vector<64x128xf32>
      tpu.vector_store %arg10[%swap3A_47, %swap3A_48], %mul3A_31 {strides = array<i32>} : memref<64x128xf32, #tpu.memory_space<vmem>>, vector<64x128xf32>,
    } else {
    }
    %gt3A = arith.constant 0 : i32
    %gt3A_36 = arith.cmpi sgt, %arg0, %gt3A : i32
    %convert_element_type3A_37 = arith.extui %gt3A_36 : i1 to i32
    %cond3A_38 = arith.constant 0 : i32
    %cond3A_39 = arith.cmpi ne, %convert_element_type3A_37, %cond3A_38 : i32
    scf.if %cond3A_39 {
      %get3A_45 = arith.constant 0 : index
      %get3A_46 = arith.constant 0 : index
      %get3A_47 = vector.load %arg9[%get3A_45, %get3A_46] : memref<64x128xf32, #tpu.memory_space<vmem>>, vector<64x128xf32>
      %add3A_48 = arith.addf %get3A_47, %dot_general3A_24 : vector<64x128xf32>
      %swap3A = arith.constant 0 : index
      %swap3A_49 = arith.constant 0 : index
      %swap3A_50 = vector.load %arg9[%swap3A, %swap3A_49] : memref<64x128xf32, #tpu.memory_space<vmem>>, vector<64x128xf32>
      tpu.vector_store %arg9[%swap3A, %swap3A_49], %add3A_48 {strides = array<i32>} : memref<64x128xf32, #tpu.memory_space<vmem>>, vector<64x128xf32>,
      %get3A_51 = arith.constant 0 : index
      %get3A_52 = arith.constant 0 : index
      %get3A_53 = vector.load %arg10[%get3A_51, %get3A_52] : memref<64x128xf32, #tpu.memory_space<vmem>>, vector<64x128xf32>
      %add3A_54 = arith.addf %get3A_53, %mul3A_31 : vector<64x128xf32>
      %swap3A_55 = arith.constant 0 : index
      %swap3A_56 = arith.constant 0 : index
      %swap3A_57 = vector.load %arg10[%swap3A_55, %swap3A_56] : memref<64x128xf32, #tpu.memory_space<vmem>>, vector<64x128xf32>
      tpu.vector_store %arg10[%swap3A_55, %swap3A_56], %add3A_54 {strides = array<i32>} : memref<64x128xf32, #tpu.memory_space<vmem>>, vector<64x128xf32>,
    } else {
    }
    %eq3A_40 = arith.constant 9 : i32
    %eq3A_41 = arith.cmpi eq, %arg0, %eq3A_40 : i32
    %convert_element_type3A_42 = arith.extui %eq3A_41 : i1 to i32
    %cond3A_43 = arith.constant 0 : i32
    %cond3A_44 = arith.cmpi ne, %convert_element_type3A_42, %cond3A_43 : i32
    scf.if %cond3A_44 {
      %get3A_45 = arith.constant 0 : index
      %get3A_46 = arith.constant 0 : index
      %get3A_47 = vector.load %arg9[%get3A_45, %get3A_46] : memref<64x128xf32, #tpu.memory_space<vmem>>, vector<64x128xf32>
      %get3A_48 = arith.constant 0 : index
      %get3A_49 = arith.constant 0 : index
      %get3A_50 = vector.load %arg10[%get3A_48, %get3A_49] : memref<64x128xf32, #tpu.memory_space<vmem>>, vector<64x128xf32>
      %max3A = arith.constant 1.000000e+00 : f32
      %max3A_51 = vector.broadcast %max3A : f32 to vector<64x128xf32>
      %max3A_52 = arith.maximumf %get3A_50, %max3A_51 : vector<64x128xf32>
      %div3A = arith.divf %get3A_47, %max3A_52 : vector<64x128xf32>
      %get3A_53 = arith.constant 0 : index
      %get3A_54 = arith.constant 0 : index
      %get3A_55 = vector.load %arg6[%get3A_53, %get3A_54] : memref<128x16xf32, #tpu.memory_space<vmem>>, vector<128x16xf32>
      %dot_general3A_56 = arith.constant dense<0.000000e+00> : vector<64x16xf32>
      %dot_general3A_57 = tpu.matmul %div3A, %get3A_55, %dot_general3A_56 {dimension_numbers = #tpu.dot_dimension_numbers<[1], [0], [0], [1], [0, 0, 1, 1], [], []>, transpose_lhs_hint = false} : vector<64x128xf32>, vector<128x16xf32>, vector<64x16xf32> -> vector<64x16xf32>
      %get3A_58 = arith.constant 0 : index
      %get3A_59 = arith.constant 0 : index
      %get3A_60 = vector.load %arg7[%get3A_58, %get3A_59] : memref<1x16xf32, #tpu.memory_space<vmem>>, vector<1x16xf32>
      %add3A_61 = vector.broadcast %get3A_60 : vector<1x16xf32> to vector<64x16xf32>
      %add3A_62 = arith.addf %dot_general3A_57, %add3A_61 : vector<64x16xf32>
      %reduce_max3A = arith.constant dense<0xFF800000> : vector<64xf32>
      %reduce_max3A_63 = vector.multi_reduction <maximumf>, %add3A_62, %reduce_max3A [1] : vector<64x16xf32> to vector<64xf32>
      %broadcast_in_dim3A_64 = vector.shape_cast %reduce_max3A_63 : vector<64xf32> to vector<64x1xf32>
      %sub3A = vector.broadcast %broadcast_in_dim3A_64 : vector<64x1xf32> to vector<64x16xf32>
      %sub3A_65 = arith.subf %add3A_62, %sub3A : vector<64x16xf32>
      %exp3A = math.exp %sub3A_65 : vector<64x16xf32>
      %reduce_sum3A_66 = arith.constant dense<0.000000e+00> : vector<64xf32>
      %reduce_sum3A_67 = vector.multi_reduction <add>, %exp3A, %reduce_sum3A_66 [1] : vector<64x16xf32> to vector<64xf32>
      %broadcast_in_dim3A_68 = vector.shape_cast %reduce_sum3A_67 : vector<64xf32> to vector<64x1xf32>
      %log3A = math.log %broadcast_in_dim3A_68 : vector<64x1xf32>
      %sub3A_69 = vector.broadcast %log3A : vector<64x1xf32> to vector<64x16xf32>
      %sub3A_70 = arith.subf %sub3A_65, %sub3A_69 : vector<64x16xf32>
      %swap3A = arith.constant 0 : index
      %swap3A_71 = arith.constant 0 : index
      %swap3A_72 = vector.load %arg8[%swap3A, %swap3A_71] : memref<64x16xf32, #tpu.memory_space<vmem>>, vector<64x16xf32>
      tpu.vector_store %arg8[%swap3A, %swap3A_71], %sub3A_70 {strides = array<i32>} : memref<64x16xf32, #tpu.memory_space<vmem>>, vector<64x16xf32>,
    } else {
    }
    return
  }
  func.func @transform_0(%arg0: i32) -> (i32, i32) {
    %c0_i32 = arith.constant 0 : i32
    %c0_i32_0 = arith.constant 0 : i32
    return %arg0, %c0_i32 : i32, i32
  }
  func.func @transform_1(%arg0: i32) -> (i32, i32) {
    %add3A = arith.constant 10 : i32
    %add3A_0 = arith.addi %arg0, %add3A : i32
    %c0_i32 = arith.constant 0 : i32
    %c0_i32_1 = arith.constant 0 : i32
    return %add3A_0, %c0_i32 : i32, i32
  }
  func.func @transform_2(%arg0: i32) -> (i32, i32, i32) {
    %c0_i32 = arith.constant 0 : i32
    %c0_i32_0 = arith.constant 0 : i32
    %c0_i32_1 = arith.constant 0 : i32
    return %arg0, %c0_i32, %c0_i32_0 : i32, i32, i32
  }
  func.func @transform_3(%arg0: i32) -> (i32, i32) {
    %c0_i32 = arith.constant 0 : i32
    %c0_i32_0 = arith.constant 0 : i32
    %c0_i32_1 = arith.constant 0 : i32
    return %c0_i32, %c0_i32_0 : i32, i32
  }
  func.func @transform_4(%arg0: i32) -> (i32, i32, i32) {
    %c0_i32 = arith.constant 0 : i32
    %c0_i32_0 = arith.constant 0 : i32
    %c0_i32_1 = arith.constant 0 : i32
    return %arg0, %c0_i32, %c0_i32_0 : i32, i32, i32
  }
  func.func @transform_5(%arg0: i32) -> (i32, i32) {
    %c0_i32 = arith.constant 0 : i32
    %c0_i32_0 = arith.constant 0 : i32
    %c0_i32_1 = arith.constant 0 : i32
    return %c0_i32, %c0_i32_0 : i32, i32
  }
  func.func @transform_6(%arg0: i32) -> (i32, i32) {
    %c0_i32 = arith.constant 0 : i32
    %c0_i32_0 = arith.constant 0 : i32
    %c0_i32_1 = arith.constant 0 : i32
    return %c0_i32, %c0_i32_0 : i32, i32
  }
  func.func @transform_7(%arg0: i32) -> (i32, i32) {
    %c0_i32 = arith.constant 0 : i32
    %c0_i32_0 = arith.constant 0 : i32
    %c0_i32_1 = arith.constant 0 : i32
    return %c0_i32, %c0_i32_0 : i32, i32
  }
}

</mosaic_0001>

<sc_bundles>
// kernel: kernel.12.cloned.1.call-start
scs
__scs_entry_jumppad:
0x0: {  	(pc) =	sbr.rel $0x88, $3  }
0x1: {  	(tag) =	ssettag $0x0;
	lr =	simm.s32 $0x1  }
0x2: {  	[smem:$0x3F98] =	sst lr;
	_ =	strace $0xD0000000  }
0x3: {  	_ = 	snop  }
0x4: {  	_ = 	snop  }
0x5: {  	_ = 	snop  }
0x6: {  	_ = 	snop  }
0x7: {  	_ = 	snop  }
__scs_overlays_trampoline_lowered:
0x8: {  	[smem:$0x3FA7] =	sst s0  }
0x9: {  	[smem:$0x3FA8] =	sst s1  }
0xa: {  	[smem:$0x3FA9] =	sst s2  }
0xb: {  	[smem:$0x3FAA] =	sst s3  }
0xc: {  	[smem:$0x3FAB] =	sst s4  }
0xd: {  	[smem:$0x3FAC] =	sst s5  }
0xe: {  	[smem:$0x3FAD] =	sst s6  }
0xf: {  	[smem:$0x3FAE] =	sst s7  }
0x10: {  	[smem:$0x3FAF] =	sst s8  }
0x11: {  	[smem:$0x3FB0] =	sst s9;
	s0 =	simm.s32 @!p0 $0x0  }
0x12: {  	s1 =	sld [smem:$0x3F96];
	s0 =	simm.s32 @p0 $0x1  }
0x13: {  	[smem:$0x3FB1] =	sst s0;
	s0 =	simm.s32 @!p1 $0x0  }
0x14: {  	s2 =	sld [smem:$0x3F95];
	s0 =	simm.s32 @p1 $0x1  }
0x15: {  	[smem:$0x3FB2] =	sst s0;
	s0 =	simm.s32 @!p2 $0x0  }
0x16: {  	s3 =	sld [smem:$0x3FDB];
	s0 =	simm.s32 @p2 $0x1  }
0x17: {  	s4 =	simm.s32 $0x1BF5;
	[smem:$0x3FB4] =	sst s0  }
0x18: {  	s0 =	sld [smem:$0x3F97];
	_ =	swait.ge [sflag:s4], $0x0  }
0x19: {  	s7 =	sld [smem:$0x3F98]  }
0x1a: {  	s8 =	sadd.s32 $0xFFFFE003, lr  }
0x1b: {  	s9 =	sadd.s32 $0xFFFFFEF7, lr;
	s5 =	simm.s32 $0xFFFFFFFF;
	p2 =	slt.u32 s8, $0xFFFFF086  }
0x1c: {  	p1 =	slt.u32 s9, $0xF7A;
	s5 =	simm.s32 @!p2 $0x0  }
0x1d: {  	s5 =	simm.s32 @p1 $0x1;
	p0 =	seq.s32 s7, s2  }
0x1e: {  	s7 =	smul.u32 @!p0 $0xF7A, s2;
	p2 =	seq.s32 @!p0 s5, $0x0  }
0x1f: {  	s9 =	smul.u32 $0xF7A, s1;
	s8 =	simm.s32 @!p0 $0x1BF5;
	p2 =	por !p2, p0  }
0x20: {  	[sflag:s8] =	ssyncset.s32 @!p0 $0xFFFFF086;
	s6 =	sadd.s32 @!p0 s3, s7;
	s7 =	simm.s32 @!p0 $0x108  }
0x21: {  	s3 =	sadd.s32 s3, s9;
	s6 =	sadd.s32 @!p0 $0x88, s6;
	s7 =	simm.s32 @p2 $0x1082  }
0x22: {  	[simem:s7], [sflag:s8] =	dma.local @!p0 [hbm:s6], $0xF7A  }
0x23: {  	s9 =	sor.u32 $0xD0000000, s2;
	s6 =	simm.s32 $0x108;
	_ =	swait.ge @!p0 [sflag:s8], $0x0  }
0x24: {  	s3 =	sadd.s32 $0x88, s3;
	s6 =	simm.s32 @!p1 $0x1082;
	[sflag:s4] =	ssyncset.s32 $0xFFFFF086  }
0x25: {  	[simem:s6], [sflag:s4] =	dma.local [hbm:s3], $0xF7A  }
0x26: {  	[smem:$0x3F98] =	sst s1;
	(tag) =	ssettag s2;
	_ =	strace s9  }
0x27: {  	s1 =	sld [smem:$0x3FA8]  }
0x28: {  	s2 =	sld [smem:$0x3FA9]  }
0x29: {  	s4 =	sld [smem:$0x3FAB]  }
0x2a: {  	p0 =	seq.s32 s5, $0x0;
	s5 =	sld [smem:$0x3FAC]  }
0x2b: {  	s6 =	sld [smem:$0x3FAD]  }
0x2c: {  	s7 =	sld [smem:$0x3FAE]  }
0x2d: {  	s3 =	simm.s32 $0x108;
	s8 =	sld [smem:$0x3FAF]  }
0x2e: {  	s3 =	simm.s32 @!p0 $0x1082;
	s9 =	sld [smem:$0x3FB0]  }
0x2f: {  	lr =	sadd.s32 s0, s3;
	s0 =	sld [smem:$0x3FA7]  }
0x30: {  	s3 =	sld [smem:$0x3FAA]  }
0x31: {  	[smem:$0x3FB3] =	sst s10  }
0x32: {  	s10 =	sld [smem:$0x3FB1];
	_ =	sdelay $0x3  }
0x33: {  	p0 =	seq.s32 s10, $0x1;
	s10 =	sld [smem:$0x3FB3];
	_ =	sdelay $0x3  }
0x34: {  	[smem:$0x3FB3] =	sst s10  }
0x35: {  	s10 =	sld [smem:$0x3FB2];
	_ =	sdelay $0x3  }
0x36: {  	p1 =	seq.s32 s10, $0x1;
	s10 =	sld [smem:$0x3FB3];
	_ =	sdelay $0x3  }
0x37: {  	[smem:$0x3FB3] =	sst s10  }
0x38: {  	s10 =	sld [smem:$0x3FB4]  }
0x39: {  	_ = 	snop;
	(pc) =	sbr.ind lr, $3  }
0x3a: {  	_ = 	snop  }
0x3b: {  	_ = 	snop  }
0x3c: {  	p2 =	seq.s32 s10, $0x1;
	s10 =	sld [smem:$0x3FB3]  }
0x3d: {  	_ =	shalt  }
0x3e: {  	_ =	shalt  }
0x3f: {  	_ =	shalt  }
0x40: {  	_ =	shalt  }
0x41: {  	_ =	shalt  }
0x42: {  	_ =	shalt  }
0x43: {  	_ =	shalt  }
0x44: {  	_ =	shalt  }
0x45: {  	_ =	shalt  }
0x46: {  	_ =	shalt  }
0x47: {  	_ =	shalt  }
0x48: {  	_ =	shalt  }
0x49: {  	_ =	shalt  }
0x4a: {  	_ =	shalt  }
0x4b: {  	_ =	shalt  }
0x4c: {  	_ =	shalt  }
0x4d: {  	_ =	shalt  }
0x4e: {  	_ =	shalt  }
0x4f: {  	_ =	shalt  }
0x50: {  	_ =	shalt  }
0x51: {  	_ =	shalt  }
0x52: {  	_ =	shalt  }
0x53: {  	_ =	shalt  }
0x54: {  	_ =	shalt  }
0x55: {  	_ =	shalt  }
0x56: {  	_ =	shalt  }
0x57: {  	_ =	shalt  }
0x58: {  	_ =	shalt  }
0x59: {  	_ =	shalt  }
0x5a: {  	_ =	shalt  }
0x5b: {  	_ =	shalt  }
0x5c: {  	_ =	shalt  }
0x5d: {  	_ =	shalt  }
0x5e: {  	_ =	shalt  }
0x5f: {  	_ =	shalt  }
0x60: {  	_ =	shalt  }
0x61: {  	_ =	shalt  }
0x62: {  	_ =	shalt  }
0x63: {  	_ =	shalt  }
0x64: {  	_ =	shalt  }
0x65: {  	_ =	shalt  }
0x66: {  	_ =	shalt  }
0x67: {  	_ =	shalt  }
0x68: {  	_ =	shalt  }
0x69: {  	_ =	shalt  }
0x6a: {  	_ =	shalt  }
0x6b: {  	_ =	shalt  }
0x6c: {  	_ =	shalt  }
0x6d: {  	_ =	shalt  }
0x6e: {  	_ =	shalt  }
0x6f: {  	_ =	shalt  }
0x70: {  	_ =	shalt  }
0x71: {  	_ =	shalt  }
0x72: {  	_ =	shalt  }
0x73: {  	_ =	shalt  }
0x74: {  	_ =	shalt  }
0x75: {  	_ =	shalt  }
0x76: {  	_ =	shalt  }
0x77: {  	_ =	shalt  }
0x78: {  	_ =	shalt  }
0x79: {  	_ =	shalt  }
0x7a: {  	_ =	shalt  }
0x7b: {  	_ =	shalt  }
0x7c: {  	_ =	shalt  }
0x7d: {  	_ =	shalt  }
0x7e: {  	_ =	shalt  }
0x7f: {  	_ =	shalt  }
0x80: {  	_ =	shalt  }
0x81: {  	_ =	shalt  }
0x82: {  	_ =	shalt  }
0x83: {  	_ =	shalt  }
0x84: {  	_ =	shalt  }
0x85: {  	_ =	shalt  }
0x86: {  	_ =	shalt  }
0x87: {  	_ =	shalt  }
.Lfunc_end0:
.L_simem_size_0:
called_computation.1_lowered:
.L_overlay_start_0:
0x88: {  	s2 =	sld [smem:$0x3FD9]  }
0x89: {  	s3 =	sld [smem:$0x3FFE];
	_ =	sdelay $0x1  }
0x8a: {  	s1 =	srdreg.scid  }
0x8b: {  	s0 =	sand.u32 $0x1, s1  }
0x8c: {  	s16 =	sshll.u32 s0, $0xA;
	s2 =	sadd.s32 s3, s2  }
0x8d: {  	s2 =	sadd.s32 s2, s16  }
0x8e: {  	[smem:$0x3FBF] =	sst s2  }
0x8f: {  	_ = 	snop  }
0x90: {  	(tm) =	ssettm $0x1  }
0x91: {  	s17 =	sld [smem:$0x3FFB];
	_ =	sdelay $0x3  }
0x92: {  	_ =	strace s17  }
0x93: {  	s2 =	sld [smem:$0x3FFC];
	_ =	sdelay $0x3  }
0x94: {  	_ =	strace s2  }
0x95: {  	s2 =	sld [smem:$0x3FFD];
	_ =	sdelay $0x3  }
0x96: {  	_ =	strace s2  }
0x97: {  	_ =	strace $0x8FFFFFFF  }
0x98: {  	s18 =	sld [smem:$0x3FDB];
	_ =	sdelay $0x1  }
0x99: {  	s19 =	simm.s32 $_scs_section_size  }
0x9a: {  	s4 =	simm.s32 $_size__tile_overlayer_lowered;
	s5 =	simm.s32 $_tile_overlayer_lowered  }
0x9b: {  	s22 =	simm.s32 $0x1BFF;
	s21 =	sshll.u32 s5, $0x1;
	s2 =	sadd.s32 s19, s18  }
0x9c: {  	s6 =	simm.s32 $0x0;
	s20 =	sshll.u32 s4, $0x1;
	s4 =	sadd.s32 s21, s2  }
0x9d: {  	[timem:s6], [sflag:s22] =	dma.local [hbm:s4], s20  }
0x9e: {  	_ =	swait.ge [sflag:s22], s20  }
0x9f: {  	s3 =	ssub.s32 $0x0, s20;
	[sflag:s22] =	ssyncset.done $0x0  }
0xa0: {  	[sflag:s22] =	ssyncadd.s32 s3;
	_ =	sdelay $0x1  }
0xa1: {  	s23 =	simm.s32 $0x1B8B  }
0xa2: {  	_ =	swait.ge [sflag:s23], $0x1  }
0xa3: {  	[sflag:s23] =	ssyncset.done $0x0  }
0xa4: {  	s25 =	simm.s32 $0x1B8E;
	s24 =	sld [smem:$0x3FFE];
	[sflag:s23] =	ssyncadd.s32 $0xFFFFFFFF  }
0xa5: {  	s26 =	simm.s32 $execute0_lowered;
	[smem:$0x3FD2] =	sst s25  }
0xa6: {  	s4 =	sshll.u32 s26, $0x1;
	_ =	strace $0x80000049;
	[dreg:$0x1] =	wrdreg $0xFFFFFFFF  }
0xa7: {  	s28 =	simm.s32 $_size_execute0_lowered;
	s2 =	sadd.s32 s2, s4;
	[dreg:$0x0] =	wrdreg $0x0  }
0xa8: {  	s4 =	sshll.u32 s28, $0x1;
	[dreg:$0x2] =	wrdreg s2  }
0xa9: {  	[dreg:$0x3] =	wrdreg s4  }
0xaa: {  	[dreg:$0x4] =	wrdreg $0xC0  }
0xab: {  	_ =	task [dreg:s6], $0x5FFFF  }
0xac: {  	[dreg:$0x1] =	wrdreg $0xFFFFFFFF  }
0xad: {  	[dreg:$0x0] =	wrdreg $0x60  }
0xae: {  	[dreg:$0x2] =	wrdreg s24  }
0xaf: {  	[dreg:$0x3] =	wrdreg $0xC0000  }
0xb0: {  	[dreg:$0x4] =	wrdreg $0x9  }
0xb1: {  	_ =	task.clear_ibuf [dreg:s6], $0x5FFFF;
	_ =	strace $0x90000049  }
0xb2: {  	s29 =	simm.s32 $0x9;
	_ =	strace $0x8000004B  }
0xb3: {  	_ =	swait.ge [sflag:s29], $0x1  }
0xb4: {  	[sflag:s29] =	ssyncadd.s32 $0xFFFFFFFF  }
0xb5: {  	_ =	strace $0x9000004B  }
0xb6: {  	_ =	sfence  }
0xb7: {  	s30 =	sld [smem:$0x0];
	_ =	sdelay $0x2  }
0xb8: {  	s31 =	sshll.u32 s1, $0xD;
	s1 =	sshrl.u32 s1, $0x2  }
0xb9: {  	s3 =	sand.u32 $0x4000, s31;
	s1 =	sadd.s32 s1, s30  }
0xba: {  	s0 =	sor.u32 s3, s0;
	s1 =	sshll.u32 s1, $0x11  }
0xbb: {  	s0 =	sor.u32 s1, s0  }
0xbc: {  	s0 =	sadd.s32 $0x8F2B, s0  }
0xbd: {  	[sflag:s0] =	ssyncadd.remote.s32 $0x1  }
0xbe: {  	_ =	sfence.sel $0xFFFF  }
0xbf: {  	[dreg:$0x0] =	wrdreg $0xFFFFFFFF;
	(pc) =	sbr.abs _section_cstart, $3  }
0xc0: {  	[dreg:$0x1] =	wrdreg $0xFFFFFFFF  }
0xc1: {  	_ =	task.clear_ibuf [dreg:s6], $0x2FFFF;
	_ =	strace $0x9FFFFFFF  }
0xc2: {  	(tm) =	ssettm $0x7FFFFFFF  }
0xc3: {  	_ =	shalt  }
tec
execute0_lowered:
.L_overlay_start_1:
0x0: {  	(tag) =	ssettag $0x1  }
0x1: {  	s0 =	rddreg [dreg:$0x0];
	s1 =	srdreg.scid  }
0x2: {  	s9 =	stileid.u32;
	s2 =	rddreg [dreg:$0x1];
	s4 =	simm.s32 $0x0  }
0x3: {  	s30 =	simm.s32 $0x4F00;
	s31 =	simm.s32 $0x4F80;
	s1 =	sand.u32 $0x1, s1  }
0x4: {  	s3 =	smul.u32 $0x280, s9;
	[smem:$0x7FF] =	sst s4;
	s4 =	sadd.s32 $0x2600, s0  }
0x5: {  	s6 =	sadd.s32 $0x73800, s0;
	s8 =	sadd.s32 $0x5A800, s0;
	s5 =	smul.u32 $0x2710, s1  }
0x6: {  	_ =	strace $0x8000004A;
	s7 =	sshll.u32 s1, $0x4;
	s21 =	ssub.s32 $0x2, s1  }
0x7: {  	s3 =	smin.u32 s3, $0x2490;
	s7 =	sor.u32 s9, s7;
	s11 =	sshrl.u32 s21, $0x1  }
0x8: {  	s5 =	sadd.s32 s5, s3;
	s22 =	sshll.u32 s3, $0x7;
	s3 =	sshll.u32 s3, $0x4  }
0x9: {  	s10 =	smul.u32 $0xC80, s7;
	s9 =	ssub.s32 s21, s11;
	s3 =	sadd.s32 s4, s3  }
0xa: {  	s5 =	sshll.u32 s5, $0x4;
	s17 =	smax.u32 s9, $0x1;
	[dreg:$0x4] =	wrdreg s3  }
0xb: {  	s0 =	sadd.s32 s5, s0;
	s24 =	sadd.s32 s6, s10;
	[dreg:$0x10] =	wrdreg s17  }
0xc: {  	s5 =	sadd.s32 s22, s2;
	s26 =	sadd.s32 s8, s10;
	[dreg:$0x5] =	wrdreg s24  }
0xd: {  	p0 =	seq.s32 s1, $0x0;
	s23 =	sadd.s32 $0x12C00, s5;
	[dreg:$0x6] =	wrdreg s26  }
0xe: {  	s1 =	simm.s32 $0x1400;
	s0 =	sadd.s32 $0x8C800, s0;
	[dreg:$0x3] =	wrdreg s23  }
0xf: {  	s7 =	smul.u32 $0x6400, s7;
	s18 =	sadd.s32 $0x1900, s5;
	[dreg:$0xf] =	wrdreg s0  }
0x10: {  	s11 =	simm.s32 $0x100;
	s19 =	sadd.s32 $0x3200, s5;
	[dreg:$0x11] =	wrdreg s18  }
0x11: {  	s25 =	sshrl.u32 s7, $0x3;
	s20 =	sadd.s32 $0x4B00, s5;
	[dreg:$0x12] =	wrdreg s19  }
0x12: {  	s28 =	sadd.s32 $0x280, s25;
	s21 =	sadd.s32 $0x6400, s5;
	[dreg:$0x13] =	wrdreg s20  }
0x13: {  	s29 =	sadd.s32 $0x500, s25;
	s22 =	sadd.s32 $0x7D00, s5;
	[dreg:$0x14] =	wrdreg s21  }
0x14: {  	s15 =	sadd.s32 $0x780, s25;
	s24 =	sadd.s32 $0xAF00, s5;
	[dreg:$0x15] =	wrdreg s22  }
0x15: {  	s3 =	sadd.s32 $0xA00, s25;
	s25 =	sadd.s32 $0xC800, s5;
	[dreg:$0x17] =	wrdreg s24  }
0x16: {  	s9 =	simm.s32 $0x80;
	s26 =	sadd.s32 $0xE100, s5;
	[dreg:$0x18] =	wrdreg s25  }
0x17: {  	s10 =	simm.s32 $0x6C00;
	s12 =	sadd.s32 s6, s28;
	[dreg:$0x19] =	wrdreg s26  }
0x18: {  	s17 =	simm.s32 $0x5;
	s7 =	sadd.s32 s8, s28;
	[dreg:$0x7] =	wrdreg s12  }
0x19: {  	s13 =	sadd.s32 s6, s29;
	s14 =	sadd.s32 s8, s29;
	[dreg:$0x8] =	wrdreg s7  }
0x1a: {  	s16 =	sadd.s32 s6, s15;
	s6 =	sadd.s32 s6, s3;
	[dreg:$0x9] =	wrdreg s13  }
0x1b: {  	s3 =	sadd.s32 s8, s3;
	s23 =	sadd.s32 $0x9600, s5;
	[dreg:$0xa] =	wrdreg s14  }
0x1c: {  	s28 =	sadd.s32 $0xFA00, s5;
	s29 =	sadd.s32 $0x11300, s5;
	[dreg:$0xb] =	wrdreg s16  }
0x1d: {  	s18 =	simm.s32 $0x6;
	s19 =	simm.s32 $0x1380;
	[dreg:$0xd] =	wrdreg s6  }
0x1e: {  	s0 =	simm.s32 $0x2600;
	s20 =	simm.s32 $0x2680;
	[dreg:$0xe] =	wrdreg s3  }
0x1f: {  	s21 =	simm.s32 $0x2700;
	s22 =	simm.s32 $0x2780;
	[dreg:$0x16] =	wrdreg s23  }
0x20: {  	s24 =	simm.s32 $0x0;
	s7 =	sadd.s32 s8, s15;
	[dreg:$0x1a] =	wrdreg s28  }
0x21: {  	[dreg:$0x1b] =	wrdreg s29;
	s3 =	simm.s32 $0x1;
	s6 =	simm.s32 $0x2800  }
0x22: {  	s8 =	simm.s32 $0x5000;
	s12 =	simm.s32 $0x8800;
	s13 =	simm.s32 $0x3  }
0x23: {  	s14 =	simm.s32 $0xA400;
	s15 =	simm.s32 $0x7;
	s16 =	simm.s32 $0x4  }
0x24: {  	v0 =	vimm.f32 $0.0e+00;
	s23 =	simm.s32 $0x2;
	[dreg:$0xc] =	wrdreg s7;
	s7 =	simm.s32 $0x32  }
.LBB2_1:
0x25: {  	s26 =	simm.s32 $0x0  }
0x26: {  	s25 =	sand.u32 $0x7E00, s26  }
0x27: {  	s26 =	sand.u32 $0x70, s26;
	s28 =	sshrl.u32 s25, $0x2  }
0x28: {  	s25 =	simm.s32 $0x40;
	s28 =	sor.u32 s26, s28;
	s26 =	simm.s32 $0x0  }
.LBB2_2:
0x29: {  	p1 =	sne.s32 s25, $0x63C0  }
0x2a: {  	[tilespmem:s28+$0x5000] =	vst v0;
	s26 =	sadd.s32 $0x10, s26;
	s28 =	smov.u32 s25;
	s25 =	sadd.s32 $0x40, s25  }
.Ltmp0:
0x2b: {  	(pc) =	sbr.rel @p1 .LBB2_2-.Ltmp0, $4  }
0x2c: {  	_ = 	snop  }
0x2d: {  	s28 =	sand.u32 $0x7E00, s28  }
0x2e: {  	s29 =	sand.u32 $0x70, s26;
	s28 =	sshrl.u32 s28, $0x2  }
0x2f: {  	s28 =	sor.u32 s29, s28  }
0x30: {  	s29 =	stileid.u32  }
0x31: {  	s25 =	sshll.u32 @p0 s29, $0x6  }
0x32: {  	[tilespmem:s28+$0x5000] =	vst v0;
	s26 =	sshrl.u32 @p0 s5, $0x3;
	s28 =	rddreg [dreg:$0x4];
	s25 =	sor.u32 @p0 $0x1C07, s25  }
0x33: {  	[spmem:s26], [sflag:s25] =	dma.local @p0 [hbm:s28], $0x2800  }
0x34: {  	s25 =	simm.s32 @p0 $0x7  }
0x35: {  	_ =	swait.ge @p0 [sflag:s25], $0x2800  }
0x36: {  	[sflag:s25] =	ssyncset.done @p0 $0x0  }
0x37: {  	s26 =	simm.s32 @!p0 $0x7;
	[sflag:s25] =	ssyncadd.s32 @p0 $0xFFFFD800;
	s25 =	simm.s32 @!p0 $0x5000  }
0x38: {  	[spmem:s5] =	stream.linear.scatter @!p0 [tilespmem:s25], [sflag:$0x7], $0x1900, $0x38;
	[tilespmem:$0x1F880] =	vst v63  }
0x39: {  	_ =	swait.ge @!p0 [sflag:s26], $0x1900  }
0x3a: {  	[sflag:s26] =	ssyncset.done @!p0 $0x0  }
0x3b: {  	s28 =	rddreg [dreg:$0x11];
	[sflag:s26] =	ssyncadd.s32 @!p0 $0xFFFFE700  }
0x3c: {  	[spmem:s28] =	stream.linear.scatter @!p0 [tilespmem:s25], [sflag:$0x7], $0x1900, $0x38;
	[tilespmem:$0x1F880] =	vst v63  }
0x3d: {  	_ =	swait.ge @!p0 [sflag:s26], $0x1900  }
0x3e: {  	[sflag:s26] =	ssyncset.done @!p0 $0x0  }
0x3f: {  	s28 =	rddreg [dreg:$0x12];
	[sflag:s26] =	ssyncadd.s32 @!p0 $0xFFFFE700  }
0x40: {  	[spmem:s28] =	stream.linear.scatter @!p0 [tilespmem:s25], [sflag:$0x7], $0x1900, $0x38;
	[tilespmem:$0x1F880] =	vst v63  }
0x41: {  	_ =	swait.ge @!p0 [sflag:s26], $0x1900  }
0x42: {  	[sflag:s26] =	ssyncset.done @!p0 $0x0  }
0x43: {  	s28 =	rddreg [dreg:$0x13];
	[sflag:s26] =	ssyncadd.s32 @!p0 $0xFFFFE700  }
0x44: {  	[spmem:s28] =	stream.linear.scatter @!p0 [tilespmem:s25], [sflag:$0x7], $0x1900, $0x38;
	[tilespmem:$0x1F880] =	vst v63  }
0x45: {  	_ =	swait.ge @!p0 [sflag:s26], $0x1900  }
0x46: {  	[sflag:s26] =	ssyncset.done @!p0 $0x0  }
0x47: {  	s28 =	rddreg [dreg:$0x14];
	[sflag:s26] =	ssyncadd.s32 @!p0 $0xFFFFE700  }
0x48: {  	[spmem:s28] =	stream.linear.scatter @!p0 [tilespmem:s25], [sflag:$0x7], $0x1900, $0x38;
	[tilespmem:$0x1F880] =	vst v63  }
0x49: {  	_ =	swait.ge @!p0 [sflag:s26], $0x1900  }
0x4a: {  	[sflag:s26] =	ssyncset.done @!p0 $0x0  }
0x4b: {  	s28 =	rddreg [dreg:$0x15];
	[sflag:s26] =	ssyncadd.s32 @!p0 $0xFFFFE700  }
0x4c: {  	[spmem:s28] =	stream.linear.scatter @!p0 [tilespmem:s25], [sflag:$0x7], $0x1900, $0x38;
	[tilespmem:$0x1F880] =	vst v63  }
0x4d: {  	_ =	swait.ge @!p0 [sflag:s26], $0x1900  }
0x4e: {  	[sflag:s26] =	ssyncset.done @!p0 $0x0  }
0x4f: {  	s28 =	rddreg [dreg:$0x16];
	[sflag:s26] =	ssyncadd.s32 @!p0 $0xFFFFE700  }
0x50: {  	[spmem:s28] =	stream.linear.scatter @!p0 [tilespmem:s25], [sflag:$0x7], $0x1900, $0x38;
	[tilespmem:$0x1F880] =	vst v63  }
0x51: {  	_ =	swait.ge @!p0 [sflag:s26], $0x1900  }
0x52: {  	[sflag:s26] =	ssyncset.done @!p0 $0x0  }
0x53: {  	s28 =	rddreg [dreg:$0x17];
	[sflag:s26] =	ssyncadd.s32 @!p0 $0xFFFFE700  }
0x54: {  	[spmem:s28] =	stream.linear.scatter @!p0 [tilespmem:s25], [sflag:$0x7], $0x1900, $0x38;
	[tilespmem:$0x1F880] =	vst v63  }
0x55: {  	_ =	swait.ge @!p0 [sflag:s26], $0x1900  }
0x56: {  	[sflag:s26] =	ssyncset.done @!p0 $0x0  }
0x57: {  	s28 =	rddreg [dreg:$0x18];
	[sflag:s26] =	ssyncadd.s32 @!p0 $0xFFFFE700  }
0x58: {  	[spmem:s28] =	stream.linear.scatter @!p0 [tilespmem:s25], [sflag:$0x7], $0x1900, $0x38;
	[tilespmem:$0x1F880] =	vst v63  }
0x59: {  	_ =	swait.ge @!p0 [sflag:s26], $0x1900  }
0x5a: {  	[sflag:s26] =	ssyncset.done @!p0 $0x0  }
0x5b: {  	s28 =	rddreg [dreg:$0x19];
	[sflag:s26] =	ssyncadd.s32 @!p0 $0xFFFFE700  }
0x5c: {  	[spmem:s28] =	stream.linear.scatter @!p0 [tilespmem:s25], [sflag:$0x7], $0x1900, $0x38;
	[tilespmem:$0x1F880] =	vst v63  }
0x5d: {  	_ =	swait.ge @!p0 [sflag:s26], $0x1900  }
0x5e: {  	[sflag:s26] =	ssyncset.done @!p0 $0x0  }
0x5f: {  	s28 =	rddreg [dreg:$0x1a];
	[sflag:s26] =	ssyncadd.s32 @!p0 $0xFFFFE700  }
0x60: {  	[spmem:s28] =	stream.linear.scatter @!p0 [tilespmem:s25], [sflag:$0x7], $0x1900, $0x38;
	[tilespmem:$0x1F880] =	vst v63  }
0x61: {  	_ =	swait.ge @!p0 [sflag:s26], $0x1900  }
0x62: {  	[sflag:s26] =	ssyncset.done @!p0 $0x0  }
0x63: {  	s28 =	rddreg [dreg:$0x1b];
	[sflag:s26] =	ssyncadd.s32 @!p0 $0xFFFFE700  }
0x64: {  	[spmem:s28] =	stream.linear.scatter @!p0 [tilespmem:s25], [sflag:$0x7], $0x1900, $0x38;
	[tilespmem:$0x1F880] =	vst v63  }
0x65: {  	_ =	swait.ge @!p0 [sflag:s26], $0x1900  }
0x66: {  	[sflag:s26] =	ssyncset.done @!p0 $0x0  }
0x67: {  	s28 =	rddreg [dreg:$0x3];
	[sflag:s26] =	ssyncadd.s32 @!p0 $0xFFFFE700  }
0x68: {  	[spmem:s28] =	stream.linear.scatter @!p0 [tilespmem:s25], [sflag:$0x7], $0x1400, $0x38;
	[tilespmem:$0x1F880] =	vst v63  }
0x69: {  	_ =	swait.ge @!p0 [sflag:s26], $0x1400  }
0x6a: {  	[sflag:s26] =	ssyncset.done @!p0 $0x0  }
0x6b: {  	[sflag:s26] =	ssyncadd.s32 @!p0 $0xFFFFEC00  }
0x6c: {  	[bflag:$0x0] =	sbarrier.arrive $0xFFFF  }
0x6d: {  	s25 =	simm.s32 $0x0;
	s28 =	rddreg [dreg:$0x5]  }
0x6e: {  	[tilespmem:s25], [sflag:$0x1] =	stream.linear.gather [hbm4b:s28+s25], $0x1400, $0x38;
	[tilespmem:$0x1F880] =	vst v63  }
0x6f: {  	s28 =	rddreg [dreg:$0x6]  }
0x70: {  	[tilespmem:s1], [sflag:$0x1] =	stream.linear.gather [hbm4b:s28+s25], $0x1400, $0x38;
	[tilespmem:$0x1F880] =	vst v63  }
0x71: {  	_ =	swait.ge [sflag:s3], $0x1400  }
0x72: {  	[sflag:s3] =	ssyncset.done $0x0  }
0x73: {  	[sflag:s3] =	ssyncadd.s32 $0xFFFFEC00  }
0x74: {  	_ =	swait.ge [sflag:s3], $0x1400  }
0x75: {  	[sflag:s3] =	ssyncset.done $0x0  }
0x76: {  	s28 =	rddreg [dreg:$0x7];
	[sflag:s3] =	ssyncadd.s32 $0xFFFFEC00  }
0x77: {  	[tilespmem:s6], [sflag:$0x2] =	stream.linear.gather [hbm4b:s28+s25], $0x1400, $0x38;
	[tilespmem:$0x1F880] =	vst v63  }
0x78: {  	s26 =	rddreg [dreg:$0x8];
	s28 =	simm.s32 $0x3C00  }
0x79: {  	[tilespmem:s28], [sflag:$0x2] =	stream.linear.gather [hbm4b:s26+s25], $0x1400, $0x38;
	[tilespmem:$0x1F880] =	vst v63  }
0x7a: {  	_ = 	snop  }
0x7b: {  	[tilespmem:s8], [sflag:$0x3] =	stream.indirect.gather [hbm4b:s4+s7], $0x80, s25, s7, $0xb8;
	[tilespmem:$0x1F880] =	vst v63  }
0x7c: {  	_ = 	snop  }
0x7d: {  	[tilespmem:s10], [sflag:$0x4] =	stream.indirect.gather [hbm4b:s4+s7], $0x80, s9, s7, $0xb8;
	[tilespmem:$0x1F880] =	vst v63  }
0x7e: {  	_ = 	snop  }
0x7f: {  	[tilespmem:s12], [sflag:$0x5] =	stream.indirect.gather [hbm4b:s4+s7], $0x80, s11, s7, $0xb8;
	[tilespmem:$0x1F880] =	vst v63  }
0x80: {  	_ =	swait.ge [sflag:s13], $0x1900  }
0x81: {  	[sflag:s13] =	ssyncset.done $0x0  }
0x82: {  	s26 =	simm.s32 $0x180;
	[sflag:s13] =	ssyncadd.s32 $0xFFFFE700  }
0x83: {  	[tilespmem:s14], [sflag:$0x6] =	stream.indirect.gather [hbm4b:s4+s7], $0x80, s26, s7, $0xb8;
	[tilespmem:$0x1F880] =	vst v63  }
0x84: {  	s28 =	simm.s32 $0x1400  }
0x85: {  	[spmem:s2] =	stream.indirect.scatter.add.f32 [tilespmem:s8], [sflag:$0x7], $0x80, s28, s7, $0xb8;
	[tilespmem:$0x1F880] =	vst v63  }
0x86: {  	_ =	swait.ge [sflag:s15], $0x1900  }
0x87: {  	[sflag:s15] =	ssyncset.done $0x0  }
0x88: {  	[sflag:s15] =	ssyncadd.s32 $0xFFFFE700  }
0x89: {  	_ =	swait.ge [sflag:s16], $0x1900  }
0x8a: {  	[sflag:s16] =	ssyncset.done $0x0  }
0x8b: {  	s26 =	simm.s32 $0x200;
	[sflag:s16] =	ssyncadd.s32 $0xFFFFE700  }
0x8c: {  	[tilespmem:s8], [sflag:$0x3] =	stream.indirect.gather [hbm4b:s4+s7], $0x80, s26, s7, $0xb8;
	[tilespmem:$0x1F880] =	vst v63  }
0x8d: {  	s28 =	simm.s32 $0x1480  }
0x8e: {  	[spmem:s2] =	stream.indirect.scatter.add.f32 [tilespmem:s10], [sflag:$0x7], $0x80, s28, s7, $0xb8;
	[tilespmem:$0x1F880] =	vst v63  }
0x8f: {  	_ =	swait.ge [sflag:s15], $0x1900  }
0x90: {  	[sflag:s15] =	ssyncset.done $0x0  }
0x91: {  	[sflag:s15] =	ssyncadd.s32 $0xFFFFE700  }
0x92: {  	_ =	swait.ge [sflag:s17], $0x1900  }
0x93: {  	[sflag:s17] =	ssyncset.done $0x0  }
0x94: {  	s26 =	simm.s32 $0x280;
	[sflag:s17] =	ssyncadd.s32 $0xFFFFE700  }
0x95: {  	[tilespmem:s10], [sflag:$0x4] =	stream.indirect.gather [hbm4b:s4+s7], $0x80, s26, s7, $0xb8;
	[tilespmem:$0x1F880] =	vst v63  }
0x96: {  	s28 =	simm.s32 $0x1500  }
0x97: {  	[spmem:s2] =	stream.indirect.scatter.add.f32 [tilespmem:s12], [sflag:$0x7], $0x80, s28, s7, $0xb8;
	[tilespmem:$0x1F880] =	vst v63  }
0x98: {  	_ =	swait.ge [sflag:s15], $0x1900  }
0x99: {  	[sflag:s15] =	ssyncset.done $0x0  }
0x9a: {  	[sflag:s15] =	ssyncadd.s32 $0xFFFFE700  }
0x9b: {  	_ =	swait.ge [sflag:s18], $0x1900  }
0x9c: {  	[sflag:s18] =	ssyncset.done $0x0  }
0x9d: {  	s26 =	simm.s32 $0x300;
	[sflag:s18] =	ssyncadd.s32 $0xFFFFE700  }
0x9e: {  	[tilespmem:s12], [sflag:$0x5] =	stream.indirect.gather [hbm4b:s4+s7], $0x80, s26, s7, $0xb8;
	[tilespmem:$0x1F880] =	vst v63  }
0x9f: {  	s28 =	simm.s32 $0x1580  }
0xa0: {  	[spmem:s2] =	stream.indirect.scatter.add.f32 [tilespmem:s14], [sflag:$0x7], $0x80, s28, s7, $0xb8;
	[tilespmem:$0x1F880] =	vst v63  }
0xa1: {  	_ =	swait.ge [sflag:s15], $0x1900  }
0xa2: {  	s25 =	simm.s32 $0x800;
	[sflag:s15] =	ssyncset.done $0x0  }
.LBB2_4:
0xa3: {  	p1 =	sne.s32 s25, $0x4000  }
0xa4: {  	[sflag:s15] =	ssyncadd.s32 $0xFFFFE700;
	s26 =	smov.u32 s25;
	s25 =	sadd.s32 $0x800, s25  }
0xa5: {  	_ = 	snop  }
0xa6: {  	_ =	swait.ge [sflag:s13], $0x1900  }
0xa7: {  	s26 =	sshra.s32 s26, $0x2;
	[sflag:s13] =	ssyncset.done $0x0  }
0xa8: {  	s28 =	sadd.s32 $0x180, s26;
	[sflag:s13] =	ssyncadd.s32 $0xFFFFE700  }
0xa9: {  	[tilespmem:s14], [sflag:$0x6] =	stream.indirect.gather [hbm4b:s4+s7], $0x80, s28, s7, $0xb8;
	[tilespmem:$0x1F880] =	vst v63  }
0xaa: {  	s28 =	sadd.s32 $0x1400, s26  }
0xab: {  	[spmem:s2] =	stream.indirect.scatter.add.f32 [tilespmem:s8], [sflag:$0x7], $0x80, s28, s7, $0xb8;
	[tilespmem:$0x1F880] =	vst v63  }
0xac: {  	_ =	swait.ge [sflag:s15], $0x1900  }
0xad: {  	[sflag:s15] =	ssyncset.done $0x0  }
0xae: {  	[sflag:s15] =	ssyncadd.s32 $0xFFFFE700  }
0xaf: {  	_ =	swait.ge [sflag:s16], $0x1900  }
0xb0: {  	[sflag:s16] =	ssyncset.done $0x0  }
0xb1: {  	s28 =	sadd.s32 $0x200, s26;
	[sflag:s16] =	ssyncadd.s32 $0xFFFFE700  }
0xb2: {  	[tilespmem:s8], [sflag:$0x3] =	stream.indirect.gather [hbm4b:s4+s7], $0x80, s28, s7, $0xb8;
	[tilespmem:$0x1F880] =	vst v63  }
0xb3: {  	s28 =	sadd.s32 $0x1480, s26  }
0xb4: {  	[spmem:s2] =	stream.indirect.scatter.add.f32 [tilespmem:s10], [sflag:$0x7], $0x80, s28, s7, $0xb8;
	[tilespmem:$0x1F880] =	vst v63  }
0xb5: {  	_ =	swait.ge [sflag:s15], $0x1900  }
0xb6: {  	[sflag:s15] =	ssyncset.done $0x0  }
0xb7: {  	[sflag:s15] =	ssyncadd.s32 $0xFFFFE700  }
0xb8: {  	_ =	swait.ge [sflag:s17], $0x1900  }
0xb9: {  	[sflag:s17] =	ssyncset.done $0x0  }
0xba: {  	s28 =	sadd.s32 $0x280, s26;
	[sflag:s17] =	ssyncadd.s32 $0xFFFFE700  }
0xbb: {  	[tilespmem:s10], [sflag:$0x4] =	stream.indirect.gather [hbm4b:s4+s7], $0x80, s28, s7, $0xb8;
	[tilespmem:$0x1F880] =	vst v63  }
0xbc: {  	s28 =	sadd.s32 $0x1500, s26  }
0xbd: {  	[spmem:s2] =	stream.indirect.scatter.add.f32 [tilespmem:s12], [sflag:$0x7], $0x80, s28, s7, $0xb8;
	[tilespmem:$0x1F880] =	vst v63  }
0xbe: {  	_ =	swait.ge [sflag:s15], $0x1900  }
0xbf: {  	[sflag:s15] =	ssyncset.done $0x0  }
0xc0: {  	[sflag:s15] =	ssyncadd.s32 $0xFFFFE700  }
0xc1: {  	_ =	swait.ge [sflag:s18], $0x1900  }
0xc2: {  	[sflag:s18] =	ssyncset.done $0x0  }
0xc3: {  	s28 =	sadd.s32 $0x300, s26;
	[sflag:s18] =	ssyncadd.s32 $0xFFFFE700  }
0xc4: {  	[tilespmem:s12], [sflag:$0x5] =	stream.indirect.gather [hbm4b:s4+s7], $0x80, s28, s7, $0xb8;
	[tilespmem:$0x1F880] =	vst v63  }
.Ltmp1:
0xc5: {  	_ = 	snop;
	(pc) =	sbr.rel @p1 .LBB2_4-.Ltmp1, $4  }
0xc6: {  	s26 =	sadd.s32 $0x1580, s26  }
0xc7: {  	[spmem:s2] =	stream.indirect.scatter.add.f32 [tilespmem:s14], [sflag:$0x7], $0x80, s26, s7, $0xb8;
	[tilespmem:$0x1F880] =	vst v63  }
0xc8: {  	_ =	swait.ge [sflag:s15], $0x1900  }
0xc9: {  	[sflag:s15] =	ssyncset.done $0x0  }
0xca: {  	[sflag:s15] =	ssyncadd.s32 $0xFFFFE700  }
0xcb: {  	_ =	swait.ge [sflag:s13], $0x1900  }
0xcc: {  	[sflag:s13] =	ssyncset.done $0x0  }
0xcd: {  	[sflag:s13] =	ssyncadd.s32 $0xFFFFE700  }
0xce: {  	[tilespmem:s14], [sflag:$0x6] =	stream.indirect.gather [hbm4b:s4+s7], $0x80, s19, s7, $0xb8;
	[tilespmem:$0x1F880] =	vst v63  }
0xcf: {  	_ = 	snop  }
0xd0: {  	[spmem:s2] =	stream.indirect.scatter.add.f32 [tilespmem:s8], [sflag:$0x7], $0x80, s0, s7, $0xb8;
	[tilespmem:$0x1F880] =	vst v63  }
0xd1: {  	_ =	swait.ge [sflag:s15], $0x1900  }
0xd2: {  	[sflag:s15] =	ssyncset.done $0x0  }
0xd3: {  	[sflag:s15] =	ssyncadd.s32 $0xFFFFE700  }
0xd4: {  	_ =	swait.ge [sflag:s16], $0x1900  }
0xd5: {  	[sflag:s16] =	ssyncset.done $0x0  }
0xd6: {  	[sflag:s16] =	ssyncadd.s32 $0xFFFFE700  }
0xd7: {  	[spmem:s2] =	stream.indirect.scatter.add.f32 [tilespmem:s10], [sflag:$0x7], $0x80, s20, s7, $0xb8;
	[tilespmem:$0x1F880] =	vst v63  }
0xd8: {  	_ =	swait.ge [sflag:s15], $0x1900  }
0xd9: {  	[sflag:s15] =	ssyncset.done $0x0  }
0xda: {  	[sflag:s15] =	ssyncadd.s32 $0xFFFFE700  }
0xdb: {  	_ =	swait.ge [sflag:s17], $0x1900  }
0xdc: {  	[sflag:s17] =	ssyncset.done $0x0  }
0xdd: {  	[sflag:s17] =	ssyncadd.s32 $0xFFFFE700  }
0xde: {  	[spmem:s2] =	stream.indirect.scatter.add.f32 [tilespmem:s12], [sflag:$0x7], $0x80, s21, s7, $0xb8;
	[tilespmem:$0x1F880] =	vst v63  }
0xdf: {  	_ =	swait.ge [sflag:s15], $0x1900  }
0xe0: {  	[sflag:s15] =	ssyncset.done $0x0  }
0xe1: {  	[sflag:s15] =	ssyncadd.s32 $0xFFFFE700  }
0xe2: {  	_ =	swait.ge [sflag:s18], $0x1900  }
0xe3: {  	[sflag:s18] =	ssyncset.done $0x0  }
0xe4: {  	[sflag:s18] =	ssyncadd.s32 $0xFFFFE700  }
0xe5: {  	[spmem:s2] =	stream.indirect.scatter.add.f32 [tilespmem:s14], [sflag:$0x7], $0x80, s22, s7, $0xb8;
	[tilespmem:$0x1F880] =	vst v63  }
0xe6: {  	_ =	swait.ge [sflag:s15], $0x1900  }
0xe7: {  	[sflag:s15] =	ssyncset.done $0x0  }
0xe8: {  	[sflag:s15] =	ssyncadd.s32 $0xFFFFE700  }
0xe9: {  	_ =	swait.ge [sflag:s23], $0x1400  }
0xea: {  	[sflag:s23] =	ssyncset.done $0x0  }
0xeb: {  	[sflag:s23] =	ssyncadd.s32 $0xFFFFEC00  }
0xec: {  	_ =	swait.ge [sflag:s23], $0x1400  }
0xed: {  	[sflag:s23] =	ssyncset.done $0x0  }
0xee: {  	s25 =	simm.s32 $0x0;
	s26 =	rddreg [dreg:$0x9];
	[sflag:s23] =	ssyncadd.s32 $0xFFFFEC00  }
0xef: {  	[tilespmem:s25], [sflag:$0x1] =	stream.linear.gather [hbm4b:s26+s25], $0x1400, $0x38;
	[tilespmem:$0x1F880] =	vst v63  }
0xf0: {  	s28 =	rddreg [dreg:$0xa]  }
0xf1: {  	[tilespmem:s1], [sflag:$0x1] =	stream.linear.gather [hbm4b:s28+s25], $0x1400, $0x38;
	[tilespmem:$0x1F880] =	vst v63  }
0xf2: {  	_ = 	snop  }
0xf3: {  	[tilespmem:s8], [sflag:$0x3] =	stream.indirect.gather [hbm4b:s4+s7], $0x80, s6, s7, $0xb8;
	[tilespmem:$0x1F880] =	vst v63  }
0xf4: {  	s26 =	simm.s32 $0x2880  }
0xf5: {  	[tilespmem:s10], [sflag:$0x4] =	stream.indirect.gather [hbm4b:s4+s7], $0x80, s26, s7, $0xb8;
	[tilespmem:$0x1F880] =	vst v63  }
0xf6: {  	s28 =	simm.s32 $0x2900  }
0xf7: {  	[tilespmem:s12], [sflag:$0x5] =	stream.indirect.gather [hbm4b:s4+s7], $0x80, s28, s7, $0xb8;
	[tilespmem:$0x1F880] =	vst v63  }
0xf8: {  	_ =	swait.ge [sflag:s13], $0x1900  }
0xf9: {  	[sflag:s13] =	ssyncset.done $0x0  }
0xfa: {  	s26 =	simm.s32 $0x2980;
	[sflag:s13] =	ssyncadd.s32 $0xFFFFE700  }
0xfb: {  	[tilespmem:s14], [sflag:$0x6] =	stream.indirect.gather [hbm4b:s4+s7], $0x80, s26, s7, $0xb8;
	[tilespmem:$0x1F880] =	vst v63  }
0xfc: {  	s28 =	simm.s32 $0x3C00  }
0xfd: {  	[spmem:s2] =	stream.indirect.scatter.add.f32 [tilespmem:s8], [sflag:$0x7], $0x80, s28, s7, $0xb8;
	[tilespmem:$0x1F880] =	vst v63  }
0xfe: {  	_ =	swait.ge [sflag:s15], $0x1900  }
0xff: {  	[sflag:s15] =	ssyncset.done $0x0  }
0x100: {  	[sflag:s15] =	ssyncadd.s32 $0xFFFFE700  }
0x101: {  	_ =	swait.ge [sflag:s16], $0x1900  }
0x102: {  	[sflag:s16] =	ssyncset.done $0x0  }
0x103: {  	s26 =	simm.s32 $0x2A00;
	[sflag:s16] =	ssyncadd.s32 $0xFFFFE700  }
0x104: {  	[tilespmem:s8], [sflag:$0x3] =	stream.indirect.gather [hbm4b:s4+s7], $0x80, s26, s7, $0xb8;
	[tilespmem:$0x1F880] =	vst v63  }
0x105: {  	s28 =	simm.s32 $0x3C80  }
0x106: {  	[spmem:s2] =	stream.indirect.scatter.add.f32 [tilespmem:s10], [sflag:$0x7], $0x80, s28, s7, $0xb8;
	[tilespmem:$0x1F880] =	vst v63  }
0x107: {  	_ =	swait.ge [sflag:s15], $0x1900  }
0x108: {  	[sflag:s15] =	ssyncset.done $0x0  }
0x109: {  	[sflag:s15] =	ssyncadd.s32 $0xFFFFE700  }
0x10a: {  	_ =	swait.ge [sflag:s17], $0x1900  }
0x10b: {  	[sflag:s17] =	ssyncset.done $0x0  }
0x10c: {  	s26 =	simm.s32 $0x2A80;
	[sflag:s17] =	ssyncadd.s32 $0xFFFFE700  }
0x10d: {  	[tilespmem:s10], [sflag:$0x4] =	stream.indirect.gather [hbm4b:s4+s7], $0x80, s26, s7, $0xb8;
	[tilespmem:$0x1F880] =	vst v63  }
0x10e: {  	s28 =	simm.s32 $0x3D00  }
0x10f: {  	[spmem:s2] =	stream.indirect.scatter.add.f32 [tilespmem:s12], [sflag:$0x7], $0x80, s28, s7, $0xb8;
	[tilespmem:$0x1F880] =	vst v63  }
0x110: {  	_ =	swait.ge [sflag:s15], $0x1900  }
0x111: {  	[sflag:s15] =	ssyncset.done $0x0  }
0x112: {  	[sflag:s15] =	ssyncadd.s32 $0xFFFFE700  }
0x113: {  	_ =	swait.ge [sflag:s18], $0x1900  }
0x114: {  	[sflag:s18] =	ssyncset.done $0x0  }
0x115: {  	s26 =	simm.s32 $0x2B00;
	[sflag:s18] =	ssyncadd.s32 $0xFFFFE700  }
0x116: {  	[tilespmem:s12], [sflag:$0x5] =	stream.indirect.gather [hbm4b:s4+s7], $0x80, s26, s7, $0xb8;
	[tilespmem:$0x1F880] =	vst v63  }
0x117: {  	s28 =	simm.s32 $0x3D80  }
0x118: {  	[spmem:s2] =	stream.indirect.scatter.add.f32 [tilespmem:s14], [sflag:$0x7], $0x80, s28, s7, $0xb8;
	[tilespmem:$0x1F880] =	vst v63  }
0x119: {  	_ =	swait.ge [sflag:s15], $0x1900  }
0x11a: {  	s25 =	simm.s32 $0x800;
	[sflag:s15] =	ssyncset.done $0x0  }
.LBB2_6:
0x11b: {  	p1 =	sne.s32 s25, $0x4000  }
0x11c: {  	[sflag:s15] =	ssyncadd.s32 $0xFFFFE700;
	s26 =	smov.u32 s25;
	s25 =	sadd.s32 $0x800, s25  }
0x11d: {  	_ = 	snop  }
0x11e: {  	_ =	swait.ge [sflag:s13], $0x1900  }
0x11f: {  	s26 =	sshra.s32 s26, $0x2;
	[sflag:s13] =	ssyncset.done $0x0  }
0x120: {  	s28 =	sadd.s32 $0x2980, s26;
	[sflag:s13] =	ssyncadd.s32 $0xFFFFE700  }
0x121: {  	[tilespmem:s14], [sflag:$0x6] =	stream.indirect.gather [hbm4b:s4+s7], $0x80, s28, s7, $0xb8;
	[tilespmem:$0x1F880] =	vst v63  }
0x122: {  	s28 =	sadd.s32 $0x3C00, s26  }
0x123: {  	[spmem:s2] =	stream.indirect.scatter.add.f32 [tilespmem:s8], [sflag:$0x7], $0x80, s28, s7, $0xb8;
	[tilespmem:$0x1F880] =	vst v63  }
0x124: {  	_ =	swait.ge [sflag:s15], $0x1900  }
0x125: {  	[sflag:s15] =	ssyncset.done $0x0  }
0x126: {  	[sflag:s15] =	ssyncadd.s32 $0xFFFFE700  }
0x127: {  	_ =	swait.ge [sflag:s16], $0x1900  }
0x128: {  	[sflag:s16] =	ssyncset.done $0x0  }
0x129: {  	s28 =	sadd.s32 $0x2A00, s26;
	[sflag:s16] =	ssyncadd.s32 $0xFFFFE700  }
0x12a: {  	[tilespmem:s8], [sflag:$0x3] =	stream.indirect.gather [hbm4b:s4+s7], $0x80, s28, s7, $0xb8;
	[tilespmem:$0x1F880] =	vst v63  }
0x12b: {  	s28 =	sadd.s32 $0x3C80, s26  }
0x12c: {  	[spmem:s2] =	stream.indirect.scatter.add.f32 [tilespmem:s10], [sflag:$0x7], $0x80, s28, s7, $0xb8;
	[tilespmem:$0x1F880] =	vst v63  }
0x12d: {  	_ =	swait.ge [sflag:s15], $0x1900  }
0x12e: {  	[sflag:s15] =	ssyncset.done $0x0  }
0x12f: {  	[sflag:s15] =	ssyncadd.s32 $0xFFFFE700  }
0x130: {  	_ =	swait.ge [sflag:s17], $0x1900  }
0x131: {  	[sflag:s17] =	ssyncset.done $0x0  }
0x132: {  	s28 =	sadd.s32 $0x2A80, s26;
	[sflag:s17] =	ssyncadd.s32 $0xFFFFE700  }
0x133: {  	[tilespmem:s10], [sflag:$0x4] =	stream.indirect.gather [hbm4b:s4+s7], $0x80, s28, s7, $0xb8;
	[tilespmem:$0x1F880] =	vst v63  }
0x134: {  	s28 =	sadd.s32 $0x3D00, s26  }
0x135: {  	[spmem:s2] =	stream.indirect.scatter.add.f32 [tilespmem:s12], [sflag:$0x7], $0x80, s28, s7, $0xb8;
	[tilespmem:$0x1F880] =	vst v63  }
0x136: {  	_ =	swait.ge [sflag:s15], $0x1900  }
0x137: {  	[sflag:s15] =	ssyncset.done $0x0  }
0x138: {  	[sflag:s15] =	ssyncadd.s32 $0xFFFFE700  }
0x139: {  	_ =	swait.ge [sflag:s18], $0x1900  }
0x13a: {  	[sflag:s18] =	ssyncset.done $0x0  }
0x13b: {  	s28 =	sadd.s32 $0x2B00, s26;
	[sflag:s18] =	ssyncadd.s32 $0xFFFFE700  }
0x13c: {  	[tilespmem:s12], [sflag:$0x5] =	stream.indirect.gather [hbm4b:s4+s7], $0x80, s28, s7, $0xb8;
	[tilespmem:$0x1F880] =	vst v63  }
.Ltmp2:
0x13d: {  	_ = 	snop;
	(pc) =	sbr.rel @p1 .LBB2_6-.Ltmp2, $4  }
0x13e: {  	s26 =	sadd.s32 $0x3D80, s26  }
0x13f: {  	[spmem:s2] =	stream.indirect.scatter.add.f32 [tilespmem:s14], [sflag:$0x7], $0x80, s26, s7, $0xb8;
	[tilespmem:$0x1F880] =	vst v63  }
0x140: {  	_ =	swait.ge [sflag:s15], $0x1900  }
0x141: {  	[sflag:s15] =	ssyncset.done $0x0  }
0x142: {  	[sflag:s15] =	ssyncadd.s32 $0xFFFFE700  }
0x143: {  	_ =	swait.ge [sflag:s13], $0x1900  }
0x144: {  	[sflag:s13] =	ssyncset.done $0x0  }
0x145: {  	s25 =	simm.s32 $0x3B80;
	[sflag:s13] =	ssyncadd.s32 $0xFFFFE700  }
0x146: {  	[tilespmem:s14], [sflag:$0x6] =	stream.indirect.gather [hbm4b:s4+s7], $0x80, s25, s7, $0xb8;
	[tilespmem:$0x1F880] =	vst v63  }
0x147: {  	s26 =	simm.s32 $0x4E00  }
0x148: {  	[spmem:s2] =	stream.indirect.scatter.add.f32 [tilespmem:s8], [sflag:$0x7], $0x80, s26, s7, $0xb8;
	[tilespmem:$0x1F880] =	vst v63  }
0x149: {  	_ =	swait.ge [sflag:s15], $0x1900  }
0x14a: {  	[sflag:s15] =	ssyncset.done $0x0  }
0x14b: {  	[sflag:s15] =	ssyncadd.s32 $0xFFFFE700  }
0x14c: {  	_ =	swait.ge [sflag:s16], $0x1900  }
0x14d: {  	[sflag:s16] =	ssyncset.done $0x0  }
0x14e: {  	s28 =	simm.s32 $0x4E80;
	[sflag:s16] =	ssyncadd.s32 $0xFFFFE700  }
0x14f: {  	[spmem:s2] =	stream.indirect.scatter.add.f32 [tilespmem:s10], [sflag:$0x7], $0x80, s28, s7, $0xb8;
	[tilespmem:$0x1F880] =	vst v63  }
0x150: {  	_ =	swait.ge [sflag:s15], $0x1900  }
0x151: {  	[sflag:s15] =	ssyncset.done $0x0  }
0x152: {  	[sflag:s15] =	ssyncadd.s32 $0xFFFFE700  }
0x153: {  	_ =	swait.ge [sflag:s17], $0x1900  }
0x154: {  	[sflag:s17] =	ssyncset.done $0x0  }
0x155: {  	[sflag:s17] =	ssyncadd.s32 $0xFFFFE700  }
0x156: {  	[spmem:s2] =	stream.indirect.scatter.add.f32 [tilespmem:s12], [sflag:$0x7], $0x80, s30, s7, $0xb8;
	[tilespmem:$0x1F880] =	vst v63  }
0x157: {  	_ =	swait.ge [sflag:s15], $0x1900  }
0x158: {  	[sflag:s15] =	ssyncset.done $0x0  }
0x159: {  	[sflag:s15] =	ssyncadd.s32 $0xFFFFE700  }
0x15a: {  	_ =	swait.ge [sflag:s18], $0x1900  }
0x15b: {  	[sflag:s18] =	ssyncset.done $0x0  }
0x15c: {  	[sflag:s18] =	ssyncadd.s32 $0xFFFFE700  }
0x15d: {  	[spmem:s2] =	stream.indirect.scatter.add.f32 [tilespmem:s14], [sflag:$0x7], $0x80, s31, s7, $0xb8;
	[tilespmem:$0x1F880] =	vst v63  }
0x15e: {  	_ =	swait.ge [sflag:s15], $0x1900  }
0x15f: {  	[sflag:s15] =	ssyncset.done $0x0  }
0x160: {  	[sflag:s15] =	ssyncadd.s32 $0xFFFFE700  }
0x161: {  	_ =	swait.ge [sflag:s3], $0x1400  }
0x162: {  	[sflag:s3] =	ssyncset.done $0x0  }
0x163: {  	[sflag:s3] =	ssyncadd.s32 $0xFFFFEC00  }
0x164: {  	_ =	swait.ge [sflag:s3], $0x1400  }
0x165: {  	[sflag:s3] =	ssyncset.done $0x0  }
0x166: {  	s25 =	simm.s32 $0x0;
	s26 =	rddreg [dreg:$0xb];
	[sflag:s3] =	ssyncadd.s32 $0xFFFFEC00  }
0x167: {  	[tilespmem:s6], [sflag:$0x2] =	stream.linear.gather [hbm4b:s26+s25], $0x1400, $0x38;
	[tilespmem:$0x1F880] =	vst v63  }
0x168: {  	s28 =	simm.s32 $0x3C00;
	s26 =	rddreg [dreg:$0xc]  }
0x169: {  	[tilespmem:s28], [sflag:$0x2] =	stream.linear.gather [hbm4b:s26+s25], $0x1400, $0x38;
	[tilespmem:$0x1F880] =	vst v63  }
0x16a: {  	_ = 	snop  }
0x16b: {  	[tilespmem:s8], [sflag:$0x3] =	stream.indirect.gather [hbm4b:s4+s7], $0x80, s25, s7, $0xb8;
	[tilespmem:$0x1F880] =	vst v63  }
0x16c: {  	_ = 	snop  }
0x16d: {  	[tilespmem:s10], [sflag:$0x4] =	stream.indirect.gather [hbm4b:s4+s7], $0x80, s9, s7, $0xb8;
	[tilespmem:$0x1F880] =	vst v63  }
0x16e: {  	_ = 	snop  }
0x16f: {  	[tilespmem:s12], [sflag:$0x5] =	stream.indirect.gather [hbm4b:s4+s7], $0x80, s11, s7, $0xb8;
	[tilespmem:$0x1F880] =	vst v63  }
0x170: {  	_ =	swait.ge [sflag:s13], $0x1900  }
0x171: {  	[sflag:s13] =	ssyncset.done $0x0  }
0x172: {  	s26 =	simm.s32 $0x180;
	[sflag:s13] =	ssyncadd.s32 $0xFFFFE700  }
0x173: {  	[tilespmem:s14], [sflag:$0x6] =	stream.indirect.gather [hbm4b:s4+s7], $0x80, s26, s7, $0xb8;
	[tilespmem:$0x1F880] =	vst v63  }
0x174: {  	s28 =	simm.s32 $0x1400  }
0x175: {  	[spmem:s2] =	stream.indirect.scatter.add.f32 [tilespmem:s8], [sflag:$0x7], $0x80, s28, s7, $0xb8;
	[tilespmem:$0x1F880] =	vst v63  }
0x176: {  	_ =	swait.ge [sflag:s15], $0x1900  }
0x177: {  	[sflag:s15] =	ssyncset.done $0x0  }
0x178: {  	[sflag:s15] =	ssyncadd.s32 $0xFFFFE700  }
0x179: {  	_ =	swait.ge [sflag:s16], $0x1900  }
0x17a: {  	[sflag:s16] =	ssyncset.done $0x0  }
0x17b: {  	s26 =	simm.s32 $0x200;
	[sflag:s16] =	ssyncadd.s32 $0xFFFFE700  }
0x17c: {  	[tilespmem:s8], [sflag:$0x3] =	stream.indirect.gather [hbm4b:s4+s7], $0x80, s26, s7, $0xb8;
	[tilespmem:$0x1F880] =	vst v63  }
0x17d: {  	s28 =	simm.s32 $0x1480  }
0x17e: {  	[spmem:s2] =	stream.indirect.scatter.add.f32 [tilespmem:s10], [sflag:$0x7], $0x80, s28, s7, $0xb8;
	[tilespmem:$0x1F880] =	vst v63  }
0x17f: {  	_ =	swait.ge [sflag:s15], $0x1900  }
0x180: {  	[sflag:s15] =	ssyncset.done $0x0  }
0x181: {  	[sflag:s15] =	ssyncadd.s32 $0xFFFFE700  }
0x182: {  	_ =	swait.ge [sflag:s17], $0x1900  }
0x183: {  	[sflag:s17] =	ssyncset.done $0x0  }
0x184: {  	s26 =	simm.s32 $0x280;
	[sflag:s17] =	ssyncadd.s32 $0xFFFFE700  }
0x185: {  	[tilespmem:s10], [sflag:$0x4] =	stream.indirect.gather [hbm4b:s4+s7], $0x80, s26, s7, $0xb8;
	[tilespmem:$0x1F880] =	vst v63  }
0x186: {  	s28 =	simm.s32 $0x1500  }
0x187: {  	[spmem:s2] =	stream.indirect.scatter.add.f32 [tilespmem:s12], [sflag:$0x7], $0x80, s28, s7, $0xb8;
	[tilespmem:$0x1F880] =	vst v63  }
0x188: {  	_ =	swait.ge [sflag:s15], $0x1900  }
0x189: {  	[sflag:s15] =	ssyncset.done $0x0  }
0x18a: {  	[sflag:s15] =	ssyncadd.s32 $0xFFFFE700  }
0x18b: {  	_ =	swait.ge [sflag:s18], $0x1900  }
0x18c: {  	[sflag:s18] =	ssyncset.done $0x0  }
0x18d: {  	s26 =	simm.s32 $0x300;
	[sflag:s18] =	ssyncadd.s32 $0xFFFFE700  }
0x18e: {  	[tilespmem:s12], [sflag:$0x5] =	stream.indirect.gather [hbm4b:s4+s7], $0x80, s26, s7, $0xb8;
	[tilespmem:$0x1F880] =	vst v63  }
0x18f: {  	s28 =	simm.s32 $0x1580  }
0x190: {  	[spmem:s2] =	stream.indirect.scatter.add.f32 [tilespmem:s14], [sflag:$0x7], $0x80, s28, s7, $0xb8;
	[tilespmem:$0x1F880] =	vst v63  }
0x191: {  	_ =	swait.ge [sflag:s15], $0x1900  }
0x192: {  	s25 =	simm.s32 $0x800;
	[sflag:s15] =	ssyncset.done $0x0  }
.LBB2_8:
0x193: {  	p1 =	sne.s32 s25, $0x4000  }
0x194: {  	[sflag:s15] =	ssyncadd.s32 $0xFFFFE700;
	s26 =	smov.u32 s25;
	s25 =	sadd.s32 $0x800, s25  }
0x195: {  	_ = 	snop  }
0x196: {  	_ =	swait.ge [sflag:s13], $0x1900  }
0x197: {  	s26 =	sshra.s32 s26, $0x2;
	[sflag:s13] =	ssyncset.done $0x0  }
0x198: {  	s28 =	sadd.s32 $0x180, s26;
	[sflag:s13] =	ssyncadd.s32 $0xFFFFE700  }
0x199: {  	[tilespmem:s14], [sflag:$0x6] =	stream.indirect.gather [hbm4b:s4+s7], $0x80, s28, s7, $0xb8;
	[tilespmem:$0x1F880] =	vst v63  }
0x19a: {  	s28 =	sadd.s32 $0x1400, s26  }
0x19b: {  	[spmem:s2] =	stream.indirect.scatter.add.f32 [tilespmem:s8], [sflag:$0x7], $0x80, s28, s7, $0xb8;
	[tilespmem:$0x1F880] =	vst v63  }
0x19c: {  	_ =	swait.ge [sflag:s15], $0x1900  }
0x19d: {  	[sflag:s15] =	ssyncset.done $0x0  }
0x19e: {  	[sflag:s15] =	ssyncadd.s32 $0xFFFFE700  }
0x19f: {  	_ =	swait.ge [sflag:s16], $0x1900  }
0x1a0: {  	[sflag:s16] =	ssyncset.done $0x0  }
0x1a1: {  	s28 =	sadd.s32 $0x200, s26;
	[sflag:s16] =	ssyncadd.s32 $0xFFFFE700  }
0x1a2: {  	[tilespmem:s8], [sflag:$0x3] =	stream.indirect.gather [hbm4b:s4+s7], $0x80, s28, s7, $0xb8;
	[tilespmem:$0x1F880] =	vst v63  }
0x1a3: {  	s28 =	sadd.s32 $0x1480, s26  }
0x1a4: {  	[spmem:s2] =	stream.indirect.scatter.add.f32 [tilespmem:s10], [sflag:$0x7], $0x80, s28, s7, $0xb8;
	[tilespmem:$0x1F880] =	vst v63  }
0x1a5: {  	_ =	swait.ge [sflag:s15], $0x1900  }
0x1a6: {  	[sflag:s15] =	ssyncset.done $0x0  }
0x1a7: {  	[sflag:s15] =	ssyncadd.s32 $0xFFFFE700  }
0x1a8: {  	_ =	swait.ge [sflag:s17], $0x1900  }
0x1a9: {  	[sflag:s17] =	ssyncset.done $0x0  }
0x1aa: {  	s28 =	sadd.s32 $0x280, s26;
	[sflag:s17] =	ssyncadd.s32 $0xFFFFE700  }
0x1ab: {  	[tilespmem:s10], [sflag:$0x4] =	stream.indirect.gather [hbm4b:s4+s7], $0x80, s28, s7, $0xb8;
	[tilespmem:$0x1F880] =	vst v63  }
0x1ac: {  	s28 =	sadd.s32 $0x1500, s26  }
0x1ad: {  	[spmem:s2] =	stream.indirect.scatter.add.f32 [tilespmem:s12], [sflag:$0x7], $0x80, s28, s7, $0xb8;
	[tilespmem:$0x1F880] =	vst v63  }
0x1ae: {  	_ =	swait.ge [sflag:s15], $0x1900  }
0x1af: {  	[sflag:s15] =	ssyncset.done $0x0  }
0x1b0: {  	[sflag:s15] =	ssyncadd.s32 $0xFFFFE700  }
0x1b1: {  	_ =	swait.ge [sflag:s18], $0x1900  }
0x1b2: {  	[sflag:s18] =	ssyncset.done $0x0  }
0x1b3: {  	s28 =	sadd.s32 $0x300, s26;
	[sflag:s18] =	ssyncadd.s32 $0xFFFFE700  }
0x1b4: {  	[tilespmem:s12], [sflag:$0x5] =	stream.indirect.gather [hbm4b:s4+s7], $0x80, s28, s7, $0xb8;
	[tilespmem:$0x1F880] =	vst v63  }
.Ltmp3:
0x1b5: {  	_ = 	snop;
	(pc) =	sbr.rel @p1 .LBB2_8-.Ltmp3, $4  }
0x1b6: {  	s26 =	sadd.s32 $0x1580, s26  }
0x1b7: {  	[spmem:s2] =	stream.indirect.scatter.add.f32 [tilespmem:s14], [sflag:$0x7], $0x80, s26, s7, $0xb8;
	[tilespmem:$0x1F880] =	vst v63  }
0x1b8: {  	_ =	swait.ge [sflag:s15], $0x1900  }
0x1b9: {  	[sflag:s15] =	ssyncset.done $0x0  }
0x1ba: {  	[sflag:s15] =	ssyncadd.s32 $0xFFFFE700  }
0x1bb: {  	_ =	swait.ge [sflag:s13], $0x1900  }
0x1bc: {  	[sflag:s13] =	ssyncset.done $0x0  }
0x1bd: {  	[sflag:s13] =	ssyncadd.s32 $0xFFFFE700  }
0x1be: {  	[tilespmem:s14], [sflag:$0x6] =	stream.indirect.gather [hbm4b:s4+s7], $0x80, s19, s7, $0xb8;
	[tilespmem:$0x1F880] =	vst v63  }
0x1bf: {  	_ = 	snop  }
0x1c0: {  	[spmem:s2] =	stream.indirect.scatter.add.f32 [tilespmem:s8], [sflag:$0x7], $0x80, s0, s7, $0xb8;
	[tilespmem:$0x1F880] =	vst v63  }
0x1c1: {  	_ =	swait.ge [sflag:s15], $0x1900  }
0x1c2: {  	[sflag:s15] =	ssyncset.done $0x0  }
0x1c3: {  	[sflag:s15] =	ssyncadd.s32 $0xFFFFE700  }
0x1c4: {  	_ =	swait.ge [sflag:s16], $0x1900  }
0x1c5: {  	[sflag:s16] =	ssyncset.done $0x0  }
0x1c6: {  	[sflag:s16] =	ssyncadd.s32 $0xFFFFE700  }
0x1c7: {  	[spmem:s2] =	stream.indirect.scatter.add.f32 [tilespmem:s10], [sflag:$0x7], $0x80, s20, s7, $0xb8;
	[tilespmem:$0x1F880] =	vst v63  }
0x1c8: {  	_ =	swait.ge [sflag:s15], $0x1900  }
0x1c9: {  	[sflag:s15] =	ssyncset.done $0x0  }
0x1ca: {  	[sflag:s15] =	ssyncadd.s32 $0xFFFFE700  }
0x1cb: {  	_ =	swait.ge [sflag:s17], $0x1900  }
0x1cc: {  	[sflag:s17] =	ssyncset.done $0x0  }
0x1cd: {  	[sflag:s17] =	ssyncadd.s32 $0xFFFFE700  }
0x1ce: {  	[spmem:s2] =	stream.indirect.scatter.add.f32 [tilespmem:s12], [sflag:$0x7], $0x80, s21, s7, $0xb8;
	[tilespmem:$0x1F880] =	vst v63  }
0x1cf: {  	_ =	swait.ge [sflag:s15], $0x1900  }
0x1d0: {  	[sflag:s15] =	ssyncset.done $0x0  }
0x1d1: {  	[sflag:s15] =	ssyncadd.s32 $0xFFFFE700  }
0x1d2: {  	_ =	swait.ge [sflag:s18], $0x1900  }
0x1d3: {  	[sflag:s18] =	ssyncset.done $0x0  }
0x1d4: {  	[sflag:s18] =	ssyncadd.s32 $0xFFFFE700  }
0x1d5: {  	[spmem:s2] =	stream.indirect.scatter.add.f32 [tilespmem:s14], [sflag:$0x7], $0x80, s22, s7, $0xb8;
	[tilespmem:$0x1F880] =	vst v63  }
0x1d6: {  	_ =	swait.ge [sflag:s15], $0x1900  }
0x1d7: {  	[sflag:s15] =	ssyncset.done $0x0  }
0x1d8: {  	[sflag:s15] =	ssyncadd.s32 $0xFFFFE700  }
0x1d9: {  	_ =	swait.ge [sflag:s23], $0x1400  }
0x1da: {  	[sflag:s23] =	ssyncset.done $0x0  }
0x1db: {  	[sflag:s23] =	ssyncadd.s32 $0xFFFFEC00  }
0x1dc: {  	_ =	swait.ge [sflag:s23], $0x1400  }
0x1dd: {  	[sflag:s23] =	ssyncset.done $0x0  }
0x1de: {  	s25 =	simm.s32 $0x0;
	s26 =	rddreg [dreg:$0xd];
	[sflag:s23] =	ssyncadd.s32 $0xFFFFEC00  }
0x1df: {  	[tilespmem:s25], [sflag:$0x1] =	stream.linear.gather [hbm4b:s26+s25], $0x1400, $0x38;
	[tilespmem:$0x1F880] =	vst v63  }
0x1e0: {  	s28 =	rddreg [dreg:$0xe]  }
0x1e1: {  	[tilespmem:s1], [sflag:$0x1] =	stream.linear.gather [hbm4b:s28+s25], $0x1400, $0x38;
	[tilespmem:$0x1F880] =	vst v63  }
0x1e2: {  	_ = 	snop  }
0x1e3: {  	[tilespmem:s8], [sflag:$0x3] =	stream.indirect.gather [hbm4b:s4+s7], $0x80, s6, s7, $0xb8;
	[tilespmem:$0x1F880] =	vst v63  }
0x1e4: {  	s26 =	simm.s32 $0x2880  }
0x1e5: {  	[tilespmem:s10], [sflag:$0x4] =	stream.indirect.gather [hbm4b:s4+s7], $0x80, s26, s7, $0xb8;
	[tilespmem:$0x1F880] =	vst v63  }
0x1e6: {  	s28 =	simm.s32 $0x2900  }
0x1e7: {  	[tilespmem:s12], [sflag:$0x5] =	stream.indirect.gather [hbm4b:s4+s7], $0x80, s28, s7, $0xb8;
	[tilespmem:$0x1F880] =	vst v63  }
0x1e8: {  	_ =	swait.ge [sflag:s13], $0x1900  }
0x1e9: {  	[sflag:s13] =	ssyncset.done $0x0  }
0x1ea: {  	s26 =	simm.s32 $0x2980;
	[sflag:s13] =	ssyncadd.s32 $0xFFFFE700  }
0x1eb: {  	[tilespmem:s14], [sflag:$0x6] =	stream.indirect.gather [hbm4b:s4+s7], $0x80, s26, s7, $0xb8;
	[tilespmem:$0x1F880] =	vst v63  }
0x1ec: {  	s28 =	simm.s32 $0x3C00  }
0x1ed: {  	[spmem:s2] =	stream.indirect.scatter.add.f32 [tilespmem:s8], [sflag:$0x7], $0x80, s28, s7, $0xb8;
	[tilespmem:$0x1F880] =	vst v63  }
0x1ee: {  	_ =	swait.ge [sflag:s15], $0x1900  }
0x1ef: {  	[sflag:s15] =	ssyncset.done $0x0  }
0x1f0: {  	[sflag:s15] =	ssyncadd.s32 $0xFFFFE700  }
0x1f1: {  	_ =	swait.ge [sflag:s16], $0x1900  }
0x1f2: {  	[sflag:s16] =	ssyncset.done $0x0  }
0x1f3: {  	s26 =	simm.s32 $0x2A00;
	[sflag:s16] =	ssyncadd.s32 $0xFFFFE700  }
0x1f4: {  	[tilespmem:s8], [sflag:$0x3] =	stream.indirect.gather [hbm4b:s4+s7], $0x80, s26, s7, $0xb8;
	[tilespmem:$0x1F880] =	vst v63  }
0x1f5: {  	s28 =	simm.s32 $0x3C80  }
0x1f6: {  	[spmem:s2] =	stream.indirect.scatter.add.f32 [tilespmem:s10], [sflag:$0x7], $0x80, s28, s7, $0xb8;
	[tilespmem:$0x1F880] =	vst v63  }
0x1f7: {  	_ =	swait.ge [sflag:s15], $0x1900  }
0x1f8: {  	[sflag:s15] =	ssyncset.done $0x0  }
0x1f9: {  	[sflag:s15] =	ssyncadd.s32 $0xFFFFE700  }
0x1fa: {  	_ =	swait.ge [sflag:s17], $0x1900  }
0x1fb: {  	[sflag:s17] =	ssyncset.done $0x0  }
0x1fc: {  	s26 =	simm.s32 $0x2A80;
	[sflag:s17] =	ssyncadd.s32 $0xFFFFE700  }
0x1fd: {  	[tilespmem:s10], [sflag:$0x4] =	stream.indirect.gather [hbm4b:s4+s7], $0x80, s26, s7, $0xb8;
	[tilespmem:$0x1F880] =	vst v63  }
0x1fe: {  	s28 =	simm.s32 $0x3D00  }
0x1ff: {  	[spmem:s2] =	stream.indirect.scatter.add.f32 [tilespmem:s12], [sflag:$0x7], $0x80, s28, s7, $0xb8;
	[tilespmem:$0x1F880] =	vst v63  }
0x200: {  	_ =	swait.ge [sflag:s15], $0x1900  }
0x201: {  	[sflag:s15] =	ssyncset.done $0x0  }
0x202: {  	[sflag:s15] =	ssyncadd.s32 $0xFFFFE700  }
0x203: {  	_ =	swait.ge [sflag:s18], $0x1900  }
0x204: {  	[sflag:s18] =	ssyncset.done $0x0  }
0x205: {  	s26 =	simm.s32 $0x2B00;
	[sflag:s18] =	ssyncadd.s32 $0xFFFFE700  }
0x206: {  	[tilespmem:s12], [sflag:$0x5] =	stream.indirect.gather [hbm4b:s4+s7], $0x80, s26, s7, $0xb8;
	[tilespmem:$0x1F880] =	vst v63  }
0x207: {  	s28 =	simm.s32 $0x3D80  }
0x208: {  	[spmem:s2] =	stream.indirect.scatter.add.f32 [tilespmem:s14], [sflag:$0x7], $0x80, s28, s7, $0xb8;
	[tilespmem:$0x1F880] =	vst v63  }
0x209: {  	_ =	swait.ge [sflag:s15], $0x1900  }
0x20a: {  	s25 =	simm.s32 $0x800;
	[sflag:s15] =	ssyncset.done $0x0  }
.LBB2_10:
0x20b: {  	p1 =	sne.s32 s25, $0x4000  }
0x20c: {  	[sflag:s15] =	ssyncadd.s32 $0xFFFFE700;
	s26 =	smov.u32 s25;
	s25 =	sadd.s32 $0x800, s25  }
0x20d: {  	_ = 	snop  }
0x20e: {  	_ =	swait.ge [sflag:s13], $0x1900  }
0x20f: {  	s26 =	sshra.s32 s26, $0x2;
	[sflag:s13] =	ssyncset.done $0x0  }
0x210: {  	s28 =	sadd.s32 $0x2980, s26;
	[sflag:s13] =	ssyncadd.s32 $0xFFFFE700  }
0x211: {  	[tilespmem:s14], [sflag:$0x6] =	stream.indirect.gather [hbm4b:s4+s7], $0x80, s28, s7, $0xb8;
	[tilespmem:$0x1F880] =	vst v63  }
0x212: {  	s28 =	sadd.s32 $0x3C00, s26  }
0x213: {  	[spmem:s2] =	stream.indirect.scatter.add.f32 [tilespmem:s8], [sflag:$0x7], $0x80, s28, s7, $0xb8;
	[tilespmem:$0x1F880] =	vst v63  }
0x214: {  	_ =	swait.ge [sflag:s15], $0x1900  }
0x215: {  	[sflag:s15] =	ssyncset.done $0x0  }
0x216: {  	[sflag:s15] =	ssyncadd.s32 $0xFFFFE700  }
0x217: {  	_ =	swait.ge [sflag:s16], $0x1900  }
0x218: {  	[sflag:s16] =	ssyncset.done $0x0  }
0x219: {  	s28 =	sadd.s32 $0x2A00, s26;
	[sflag:s16] =	ssyncadd.s32 $0xFFFFE700  }
0x21a: {  	[tilespmem:s8], [sflag:$0x3] =	stream.indirect.gather [hbm4b:s4+s7], $0x80, s28, s7, $0xb8;
	[tilespmem:$0x1F880] =	vst v63  }
0x21b: {  	s28 =	sadd.s32 $0x3C80, s26  }
0x21c: {  	[spmem:s2] =	stream.indirect.scatter.add.f32 [tilespmem:s10], [sflag:$0x7], $0x80, s28, s7, $0xb8;
	[tilespmem:$0x1F880] =	vst v63  }
0x21d: {  	_ =	swait.ge [sflag:s15], $0x1900  }
0x21e: {  	[sflag:s15] =	ssyncset.done $0x0  }
0x21f: {  	[sflag:s15] =	ssyncadd.s32 $0xFFFFE700  }
0x220: {  	_ =	swait.ge [sflag:s17], $0x1900  }
0x221: {  	[sflag:s17] =	ssyncset.done $0x0  }
0x222: {  	s28 =	sadd.s32 $0x2A80, s26;
	[sflag:s17] =	ssyncadd.s32 $0xFFFFE700  }
0x223: {  	[tilespmem:s10], [sflag:$0x4] =	stream.indirect.gather [hbm4b:s4+s7], $0x80, s28, s7, $0xb8;
	[tilespmem:$0x1F880] =	vst v63  }
0x224: {  	s28 =	sadd.s32 $0x3D00, s26  }
0x225: {  	[spmem:s2] =	stream.indirect.scatter.add.f32 [tilespmem:s12], [sflag:$0x7], $0x80, s28, s7, $0xb8;
	[tilespmem:$0x1F880] =	vst v63  }
0x226: {  	_ =	swait.ge [sflag:s15], $0x1900  }
0x227: {  	[sflag:s15] =	ssyncset.done $0x0  }
0x228: {  	[sflag:s15] =	ssyncadd.s32 $0xFFFFE700  }
0x229: {  	_ =	swait.ge [sflag:s18], $0x1900  }
0x22a: {  	[sflag:s18] =	ssyncset.done $0x0  }
0x22b: {  	s28 =	sadd.s32 $0x2B00, s26;
	[sflag:s18] =	ssyncadd.s32 $0xFFFFE700  }
0x22c: {  	[tilespmem:s12], [sflag:$0x5] =	stream.indirect.gather [hbm4b:s4+s7], $0x80, s28, s7, $0xb8;
	[tilespmem:$0x1F880] =	vst v63  }
.Ltmp4:
0x22d: {  	_ = 	snop;
	(pc) =	sbr.rel @p1 .LBB2_10-.Ltmp4, $4  }
0x22e: {  	s26 =	sadd.s32 $0x3D80, s26  }
0x22f: {  	[spmem:s2] =	stream.indirect.scatter.add.f32 [tilespmem:s14], [sflag:$0x7], $0x80, s26, s7, $0xb8;
	[tilespmem:$0x1F880] =	vst v63  }
0x230: {  	_ =	swait.ge [sflag:s15], $0x1900  }
0x231: {  	[sflag:s15] =	ssyncset.done $0x0  }
0x232: {  	[sflag:s15] =	ssyncadd.s32 $0xFFFFE700  }
0x233: {  	_ =	swait.ge [sflag:s13], $0x1900  }
0x234: {  	[sflag:s13] =	ssyncset.done $0x0  }
0x235: {  	s25 =	simm.s32 $0x3B80;
	[sflag:s13] =	ssyncadd.s32 $0xFFFFE700  }
0x236: {  	[tilespmem:s14], [sflag:$0x6] =	stream.indirect.gather [hbm4b:s4+s7], $0x80, s25, s7, $0xb8;
	[tilespmem:$0x1F880] =	vst v63  }
0x237: {  	s28 =	simm.s32 $0x4E00  }
0x238: {  	[spmem:s2] =	stream.indirect.scatter.add.f32 [tilespmem:s8], [sflag:$0x7], $0x80, s28, s7, $0xb8;
	[tilespmem:$0x1F880] =	vst v63  }
0x239: {  	_ =	swait.ge [sflag:s15], $0x1900  }
0x23a: {  	[sflag:s15] =	ssyncset.done $0x0  }
0x23b: {  	[sflag:s15] =	ssyncadd.s32 $0xFFFFE700  }
0x23c: {  	_ =	swait.ge [sflag:s16], $0x1900  }
0x23d: {  	[sflag:s16] =	ssyncset.done $0x0  }
0x23e: {  	s26 =	simm.s32 $0x4E80;
	[sflag:s16] =	ssyncadd.s32 $0xFFFFE700  }
0x23f: {  	[spmem:s2] =	stream.indirect.scatter.add.f32 [tilespmem:s10], [sflag:$0x7], $0x80, s26, s7, $0xb8;
	[tilespmem:$0x1F880] =	vst v63  }
0x240: {  	_ =	swait.ge [sflag:s15], $0x1900  }
0x241: {  	[sflag:s15] =	ssyncset.done $0x0  }
0x242: {  	[sflag:s15] =	ssyncadd.s32 $0xFFFFE700  }
0x243: {  	_ =	swait.ge [sflag:s17], $0x1900  }
0x244: {  	[sflag:s17] =	ssyncset.done $0x0  }
0x245: {  	[sflag:s17] =	ssyncadd.s32 $0xFFFFE700  }
0x246: {  	[spmem:s2] =	stream.indirect.scatter.add.f32 [tilespmem:s12], [sflag:$0x7], $0x80, s30, s7, $0xb8;
	[tilespmem:$0x1F880] =	vst v63  }
0x247: {  	_ =	swait.ge [sflag:s15], $0x1900  }
0x248: {  	[sflag:s15] =	ssyncset.done $0x0  }
0x249: {  	[sflag:s15] =	ssyncadd.s32 $0xFFFFE700  }
0x24a: {  	_ =	swait.ge [sflag:s18], $0x1900  }
0x24b: {  	[sflag:s18] =	ssyncset.done $0x0  }
0x24c: {  	[sflag:s18] =	ssyncadd.s32 $0xFFFFE700  }
0x24d: {  	[spmem:s2] =	stream.indirect.scatter.add.f32 [tilespmem:s14], [sflag:$0x7], $0x80, s31, s7, $0xb8;
	[tilespmem:$0x1F880] =	vst v63  }
0x24e: {  	_ =	swait.ge [sflag:s15], $0x1900  }
0x24f: {  	[sflag:s15] =	ssyncset.done $0x0  }
0x250: {  	[sflag:s15] =	ssyncadd.s32 $0xFFFFE700  }
0x251: {  	_ =	swait.ge [sflag:s3], $0x1400  }
0x252: {  	[sflag:s3] =	ssyncset.done $0x0  }
0x253: {  	[sflag:s3] =	ssyncadd.s32 $0xFFFFEC00  }
0x254: {  	_ =	swait.ge [sflag:s3], $0x1400  }
0x255: {  	[sflag:s3] =	ssyncset.done $0x0  }
0x256: {  	s28 =	simm.s32 $0x0;
	[sflag:s3] =	ssyncadd.s32 $0xFFFFEC00  }
0x257: {  	[tilespmem:s8], [sflag:$0x3] =	stream.indirect.gather [hbm4b:s4+s7], $0x80, s28, s7, $0xb8;
	[tilespmem:$0x1F880] =	vst v63  }
0x258: {  	_ = 	snop  }
0x259: {  	[tilespmem:s10], [sflag:$0x4] =	stream.indirect.gather [hbm4b:s4+s7], $0x80, s9, s7, $0xb8;
	[tilespmem:$0x1F880] =	vst v63  }
0x25a: {  	_ = 	snop  }
0x25b: {  	[tilespmem:s12], [sflag:$0x5] =	stream.indirect.gather [hbm4b:s4+s7], $0x80, s11, s7, $0xb8;
	[tilespmem:$0x1F880] =	vst v63  }
0x25c: {  	_ =	swait.ge [sflag:s13], $0x1900  }
0x25d: {  	[sflag:s13] =	ssyncset.done $0x0  }
0x25e: {  	s26 =	simm.s32 $0x180;
	[sflag:s13] =	ssyncadd.s32 $0xFFFFE700  }
0x25f: {  	[tilespmem:s14], [sflag:$0x6] =	stream.indirect.gather [hbm4b:s4+s7], $0x80, s26, s7, $0xb8;
	[tilespmem:$0x1F880] =	vst v63  }
0x260: {  	s28 =	simm.s32 $0x1400  }
0x261: {  	[spmem:s2] =	stream.indirect.scatter.add.f32 [tilespmem:s8], [sflag:$0x7], $0x80, s28, s7, $0xb8;
	[tilespmem:$0x1F880] =	vst v63  }
0x262: {  	_ =	swait.ge [sflag:s15], $0x1900  }
0x263: {  	[sflag:s15] =	ssyncset.done $0x0  }
0x264: {  	[sflag:s15] =	ssyncadd.s32 $0xFFFFE700  }
0x265: {  	_ =	swait.ge [sflag:s16], $0x1900  }
0x266: {  	[sflag:s16] =	ssyncset.done $0x0  }
0x267: {  	s26 =	simm.s32 $0x200;
	[sflag:s16] =	ssyncadd.s32 $0xFFFFE700  }
0x268: {  	[tilespmem:s8], [sflag:$0x3] =	stream.indirect.gather [hbm4b:s4+s7], $0x80, s26, s7, $0xb8;
	[tilespmem:$0x1F880] =	vst v63  }
0x269: {  	s28 =	simm.s32 $0x1480  }
0x26a: {  	[spmem:s2] =	stream.indirect.scatter.add.f32 [tilespmem:s10], [sflag:$0x7], $0x80, s28, s7, $0xb8;
	[tilespmem:$0x1F880] =	vst v63  }
0x26b: {  	_ =	swait.ge [sflag:s15], $0x1900  }
0x26c: {  	[sflag:s15] =	ssyncset.done $0x0  }
0x26d: {  	[sflag:s15] =	ssyncadd.s32 $0xFFFFE700  }
0x26e: {  	_ =	swait.ge [sflag:s17], $0x1900  }
0x26f: {  	[sflag:s17] =	ssyncset.done $0x0  }
0x270: {  	s26 =	simm.s32 $0x280;
	[sflag:s17] =	ssyncadd.s32 $0xFFFFE700  }
0x271: {  	[tilespmem:s10], [sflag:$0x4] =	stream.indirect.gather [hbm4b:s4+s7], $0x80, s26, s7, $0xb8;
	[tilespmem:$0x1F880] =	vst v63  }
0x272: {  	s28 =	simm.s32 $0x1500  }
0x273: {  	[spmem:s2] =	stream.indirect.scatter.add.f32 [tilespmem:s12], [sflag:$0x7], $0x80, s28, s7, $0xb8;
	[tilespmem:$0x1F880] =	vst v63  }
0x274: {  	_ =	swait.ge [sflag:s15], $0x1900  }
0x275: {  	[sflag:s15] =	ssyncset.done $0x0  }
0x276: {  	[sflag:s15] =	ssyncadd.s32 $0xFFFFE700  }
0x277: {  	_ =	swait.ge [sflag:s18], $0x1900  }
0x278: {  	[sflag:s18] =	ssyncset.done $0x0  }
0x279: {  	s26 =	simm.s32 $0x300;
	[sflag:s18] =	ssyncadd.s32 $0xFFFFE700  }
0x27a: {  	[tilespmem:s12], [sflag:$0x5] =	stream.indirect.gather [hbm4b:s4+s7], $0x80, s26, s7, $0xb8;
	[tilespmem:$0x1F880] =	vst v63  }
0x27b: {  	s28 =	simm.s32 $0x1580  }
0x27c: {  	[spmem:s2] =	stream.indirect.scatter.add.f32 [tilespmem:s14], [sflag:$0x7], $0x80, s28, s7, $0xb8;
	[tilespmem:$0x1F880] =	vst v63  }
0x27d: {  	_ =	swait.ge [sflag:s15], $0x1900  }
0x27e: {  	s25 =	simm.s32 $0x800;
	[sflag:s15] =	ssyncset.done $0x0  }
.LBB2_12:
0x27f: {  	p1 =	sne.s32 s25, $0x4000  }
0x280: {  	[sflag:s15] =	ssyncadd.s32 $0xFFFFE700;
	s26 =	smov.u32 s25;
	s25 =	sadd.s32 $0x800, s25  }
0x281: {  	_ = 	snop  }
0x282: {  	_ =	swait.ge [sflag:s13], $0x1900  }
0x283: {  	s26 =	sshra.s32 s26, $0x2;
	[sflag:s13] =	ssyncset.done $0x0  }
0x284: {  	s28 =	sadd.s32 $0x180, s26;
	[sflag:s13] =	ssyncadd.s32 $0xFFFFE700  }
0x285: {  	[tilespmem:s14], [sflag:$0x6] =	stream.indirect.gather [hbm4b:s4+s7], $0x80, s28, s7, $0xb8;
	[tilespmem:$0x1F880] =	vst v63  }
0x286: {  	s28 =	sadd.s32 $0x1400, s26  }
0x287: {  	[spmem:s2] =	stream.indirect.scatter.add.f32 [tilespmem:s8], [sflag:$0x7], $0x80, s28, s7, $0xb8;
	[tilespmem:$0x1F880] =	vst v63  }
0x288: {  	_ =	swait.ge [sflag:s15], $0x1900  }
0x289: {  	[sflag:s15] =	ssyncset.done $0x0  }
0x28a: {  	[sflag:s15] =	ssyncadd.s32 $0xFFFFE700  }
0x28b: {  	_ =	swait.ge [sflag:s16], $0x1900  }
0x28c: {  	[sflag:s16] =	ssyncset.done $0x0  }
0x28d: {  	s28 =	sadd.s32 $0x200, s26;
	[sflag:s16] =	ssyncadd.s32 $0xFFFFE700  }
0x28e: {  	[tilespmem:s8], [sflag:$0x3] =	stream.indirect.gather [hbm4b:s4+s7], $0x80, s28, s7, $0xb8;
	[tilespmem:$0x1F880] =	vst v63  }
0x28f: {  	s28 =	sadd.s32 $0x1480, s26  }
0x290: {  	[spmem:s2] =	stream.indirect.scatter.add.f32 [tilespmem:s10], [sflag:$0x7], $0x80, s28, s7, $0xb8;
	[tilespmem:$0x1F880] =	vst v63  }
0x291: {  	_ =	swait.ge [sflag:s15], $0x1900  }
0x292: {  	[sflag:s15] =	ssyncset.done $0x0  }
0x293: {  	[sflag:s15] =	ssyncadd.s32 $0xFFFFE700  }
0x294: {  	_ =	swait.ge [sflag:s17], $0x1900  }
0x295: {  	[sflag:s17] =	ssyncset.done $0x0  }
0x296: {  	s28 =	sadd.s32 $0x280, s26;
	[sflag:s17] =	ssyncadd.s32 $0xFFFFE700  }
0x297: {  	[tilespmem:s10], [sflag:$0x4] =	stream.indirect.gather [hbm4b:s4+s7], $0x80, s28, s7, $0xb8;
	[tilespmem:$0x1F880] =	vst v63  }
0x298: {  	s28 =	sadd.s32 $0x1500, s26  }
0x299: {  	[spmem:s2] =	stream.indirect.scatter.add.f32 [tilespmem:s12], [sflag:$0x7], $0x80, s28, s7, $0xb8;
	[tilespmem:$0x1F880] =	vst v63  }
0x29a: {  	_ =	swait.ge [sflag:s15], $0x1900  }
0x29b: {  	[sflag:s15] =	ssyncset.done $0x0  }
0x29c: {  	[sflag:s15] =	ssyncadd.s32 $0xFFFFE700  }
0x29d: {  	_ =	swait.ge [sflag:s18], $0x1900  }
0x29e: {  	[sflag:s18] =	ssyncset.done $0x0  }
0x29f: {  	s28 =	sadd.s32 $0x300, s26;
	[sflag:s18] =	ssyncadd.s32 $0xFFFFE700  }
0x2a0: {  	[tilespmem:s12], [sflag:$0x5] =	stream.indirect.gather [hbm4b:s4+s7], $0x80, s28, s7, $0xb8;
	[tilespmem:$0x1F880] =	vst v63  }
.Ltmp5:
0x2a1: {  	_ = 	snop;
	(pc) =	sbr.rel @p1 .LBB2_12-.Ltmp5, $4  }
0x2a2: {  	s26 =	sadd.s32 $0x1580, s26  }
0x2a3: {  	[spmem:s2] =	stream.indirect.scatter.add.f32 [tilespmem:s14], [sflag:$0x7], $0x80, s26, s7, $0xb8;
	[tilespmem:$0x1F880] =	vst v63  }
0x2a4: {  	_ =	swait.ge [sflag:s15], $0x1900  }
0x2a5: {  	[sflag:s15] =	ssyncset.done $0x0  }
0x2a6: {  	[sflag:s15] =	ssyncadd.s32 $0xFFFFE700  }
0x2a7: {  	_ =	swait.ge [sflag:s13], $0x1900  }
0x2a8: {  	[sflag:s13] =	ssyncset.done $0x0  }
0x2a9: {  	[sflag:s13] =	ssyncadd.s32 $0xFFFFE700  }
0x2aa: {  	[tilespmem:s14], [sflag:$0x6] =	stream.indirect.gather [hbm4b:s4+s7], $0x80, s19, s7, $0xb8;
	[tilespmem:$0x1F880] =	vst v63  }
0x2ab: {  	_ = 	snop  }
0x2ac: {  	[spmem:s2] =	stream.indirect.scatter.add.f32 [tilespmem:s8], [sflag:$0x7], $0x80, s0, s7, $0xb8;
	[tilespmem:$0x1F880] =	vst v63  }
0x2ad: {  	_ =	swait.ge [sflag:s15], $0x1900  }
0x2ae: {  	[sflag:s15] =	ssyncset.done $0x0  }
0x2af: {  	[sflag:s15] =	ssyncadd.s32 $0xFFFFE700  }
0x2b0: {  	_ =	swait.ge [sflag:s16], $0x1900  }
0x2b1: {  	[sflag:s16] =	ssyncset.done $0x0  }
0x2b2: {  	[sflag:s16] =	ssyncadd.s32 $0xFFFFE700  }
0x2b3: {  	[spmem:s2] =	stream.indirect.scatter.add.f32 [tilespmem:s10], [sflag:$0x7], $0x80, s20, s7, $0xb8;
	[tilespmem:$0x1F880] =	vst v63  }
0x2b4: {  	_ =	swait.ge [sflag:s15], $0x1900  }
0x2b5: {  	[sflag:s15] =	ssyncset.done $0x0  }
0x2b6: {  	[sflag:s15] =	ssyncadd.s32 $0xFFFFE700  }
0x2b7: {  	_ =	swait.ge [sflag:s17], $0x1900  }
0x2b8: {  	[sflag:s17] =	ssyncset.done $0x0  }
0x2b9: {  	[sflag:s17] =	ssyncadd.s32 $0xFFFFE700  }
0x2ba: {  	[spmem:s2] =	stream.indirect.scatter.add.f32 [tilespmem:s12], [sflag:$0x7], $0x80, s21, s7, $0xb8;
	[tilespmem:$0x1F880] =	vst v63  }
0x2bb: {  	_ =	swait.ge [sflag:s15], $0x1900  }
0x2bc: {  	[sflag:s15] =	ssyncset.done $0x0  }
0x2bd: {  	[sflag:s15] =	ssyncadd.s32 $0xFFFFE700  }
0x2be: {  	_ =	swait.ge [sflag:s18], $0x1900  }
0x2bf: {  	[sflag:s18] =	ssyncset.done $0x0  }
0x2c0: {  	[sflag:s18] =	ssyncadd.s32 $0xFFFFE700  }
0x2c1: {  	[spmem:s2] =	stream.indirect.scatter.add.f32 [tilespmem:s14], [sflag:$0x7], $0x80, s22, s7, $0xb8;
	[tilespmem:$0x1F880] =	vst v63  }
0x2c2: {  	_ =	swait.ge [sflag:s15], $0x1900  }
0x2c3: {  	[sflag:s15] =	ssyncset.done $0x0  }
0x2c4: {  	[sflag:s15] =	ssyncadd.s32 $0xFFFFE700  }
0x2c5: {  	s25 =	sshll.u32 s29, $0x6;
	[bflag:$0x0] =	sbarrier.arrive $0xFFFF  }
0x2c6: {  	s26 =	sshrl.u32 s5, $0x3;
	s25 =	sor.u32 $0x1C07, s25;
	s28 =	rddreg [dreg:$0xf]  }
0x2c7: {  	[hbm:s28], [sflag:s25] =	dma.local [spmem:s26], $0x2800  }
0x2c8: {  	_ =	swait.ge [sflag:s15], $0x2800  }
0x2c9: {  	s24 =	sadd.s32 $0x1, s24;
	s28 =	rddreg [dreg:$0x10]  }
0x2ca: {  	p1 =	sne.s32 s24, s28  }
.Ltmp6:
0x2cb: {  	_ = 	snop;
	(pc) =	sbr.rel @p1 .LBB2_1-.Ltmp6, $3  }
0x2cc: {  	_ =	sdelay $0x1  }
0x2cd: {  	[sflag:s15] =	ssyncset.done $0x0  }
0x2ce: {  	[sflag:s15] =	ssyncadd.s32 $0xFFFFD800  }
0x2cf: {  	_ =	sfence.sel $0x180000  }
0x2d0: {  	[bflag:$0x0] =	sbarrier.arrive $0xFFFF  }
0x2d1: {  	_ =	strace $0x9000004A  }
0x2d2: {  	[bflag:$0x2] =	sbarrier.arrive $0xFFFF  }
0x2d3: {  	p0 =	sne.s32 s29, $0x0;
	s0 =	rddreg [dreg:$0x2]  }
0x2d4: {  	s0 =	sadd.s32 @!p0 $0x100000, s0  }
0x2d5: {  	[sflag:s0] =	ssyncadd.tile.s32 @!p0 $0x1;
	_ =	shalt  }
.Lfunc_end2:
_tile_overlayer_lowered:
.L_overlay_start_2:
0x2d6: {  	(tag) =	ssettag $0x2  }
0x2d7: {  	s0 =	rddreg [dreg:$0x0];
	s2 =	stileid.u32  }
0x2d8: {  	s1 =	rddreg [dreg:$0x1];
	p0 =	sne.s32 s2, $0x0  }
0x2d9: {  	s3 =	rddreg [dreg:$0x2];
	[bflag:$0x3] =	sbarrier.arrive $0xFFFF;
	s2 =	simm.s32 @!p0 $0x1C07  }
0x2da: {  	[timem:s3], [sflag:s2] =	dma.local @!p0 [hbm:s0], s1  }
0x2db: {  	s0 =	simm.s32 @!p0 $0x7  }
0x2dc: {  	_ =	swait.ge @!p0 [sflag:s0], s1  }
0x2dd: {  	s1 =	ssub.s32 @!p0 $0x0, s1;
	[sflag:s0] =	ssyncset.done @!p0 $0x0  }
0x2de: {  	[sflag:s0] =	ssyncadd.s32 @!p0 s1  }
0x2df: {  	[bflag:$0x3] =	sbarrier.arrive $0xFFFF  }
0x2e0: {  	_ =	shalt  }

// kernel: kernel.15.cloned.1.call-start
scs
__scs_entry_jumppad:
0x0: {  	(pc) =	sbr.rel $0x88, $3  }
0x1: {  	(tag) =	ssettag $0x0;
	lr =	simm.s32 $0x1  }
0x2: {  	[smem:$0x3F98] =	sst lr;
	_ =	strace $0xD0000000  }
0x3: {  	_ = 	snop  }
0x4: {  	_ = 	snop  }
0x5: {  	_ = 	snop  }
0x6: {  	_ = 	snop  }
0x7: {  	_ = 	snop  }
__scs_overlays_trampoline_lowered:
0x8: {  	[smem:$0x3FA7] =	sst s0  }
0x9: {  	[smem:$0x3FA8] =	sst s1  }
0xa: {  	[smem:$0x3FA9] =	sst s2  }
0xb: {  	[smem:$0x3FAA] =	sst s3  }
0xc: {  	[smem:$0x3FAB] =	sst s4  }
0xd: {  	[smem:$0x3FAC] =	sst s5  }
0xe: {  	[smem:$0x3FAD] =	sst s6  }
0xf: {  	[smem:$0x3FAE] =	sst s7  }
0x10: {  	[smem:$0x3FAF] =	sst s8  }
0x11: {  	[smem:$0x3FB0] =	sst s9;
	s0 =	simm.s32 @!p0 $0x0  }
0x12: {  	s1 =	sld [smem:$0x3F96];
	s0 =	simm.s32 @p0 $0x1  }
0x13: {  	[smem:$0x3FB1] =	sst s0;
	s0 =	simm.s32 @!p1 $0x0  }
0x14: {  	s2 =	sld [smem:$0x3F95];
	s0 =	simm.s32 @p1 $0x1  }
0x15: {  	[smem:$0x3FB2] =	sst s0;
	s0 =	simm.s32 @!p2 $0x0  }
0x16: {  	s3 =	sld [smem:$0x3FDB];
	s0 =	simm.s32 @p2 $0x1  }
0x17: {  	s4 =	simm.s32 $0x1BF5;
	[smem:$0x3FB4] =	sst s0  }
0x18: {  	s0 =	sld [smem:$0x3F97];
	_ =	swait.ge [sflag:s4], $0x0  }
0x19: {  	s7 =	sld [smem:$0x3F98]  }
0x1a: {  	s8 =	sadd.s32 $0xFFFFE003, lr  }
0x1b: {  	s9 =	sadd.s32 $0xFFFFFEF7, lr;
	s5 =	simm.s32 $0xFFFFFFFF;
	p2 =	slt.u32 s8, $0xFFFFF086  }
0x1c: {  	p1 =	slt.u32 s9, $0xF7A;
	s5 =	simm.s32 @!p2 $0x0  }
0x1d: {  	s5 =	simm.s32 @p1 $0x1;
	p0 =	seq.s32 s7, s2  }
0x1e: {  	s7 =	smul.u32 @!p0 $0xF7A, s2;
	p2 =	seq.s32 @!p0 s5, $0x0  }
0x1f: {  	s9 =	smul.u32 $0xF7A, s1;
	s8 =	simm.s32 @!p0 $0x1BF5;
	p2 =	por !p2, p0  }
0x20: {  	[sflag:s8] =	ssyncset.s32 @!p0 $0xFFFFF086;
	s6 =	sadd.s32 @!p0 s3, s7;
	s7 =	simm.s32 @!p0 $0x108  }
0x21: {  	s3 =	sadd.s32 s3, s9;
	s6 =	sadd.s32 @!p0 $0x88, s6;
	s7 =	simm.s32 @p2 $0x1082  }
0x22: {  	[simem:s7], [sflag:s8] =	dma.local @!p0 [hbm:s6], $0xF7A  }
0x23: {  	s9 =	sor.u32 $0xD0000000, s2;
	s6 =	simm.s32 $0x108;
	_ =	swait.ge @!p0 [sflag:s8], $0x0  }
0x24: {  	s3 =	sadd.s32 $0x88, s3;
	s6 =	simm.s32 @!p1 $0x1082;
	[sflag:s4] =	ssyncset.s32 $0xFFFFF086  }
0x25: {  	[simem:s6], [sflag:s4] =	dma.local [hbm:s3], $0xF7A  }
0x26: {  	[smem:$0x3F98] =	sst s1;
	(tag) =	ssettag s2;
	_ =	strace s9  }
0x27: {  	s1 =	sld [smem:$0x3FA8]  }
0x28: {  	s2 =	sld [smem:$0x3FA9]  }
0x29: {  	s4 =	sld [smem:$0x3FAB]  }
0x2a: {  	p0 =	seq.s32 s5, $0x0;
	s5 =	sld [smem:$0x3FAC]  }
0x2b: {  	s6 =	sld [smem:$0x3FAD]  }
0x2c: {  	s7 =	sld [smem:$0x3FAE]  }
0x2d: {  	s3 =	simm.s32 $0x108;
	s8 =	sld [smem:$0x3FAF]  }
0x2e: {  	s3 =	simm.s32 @!p0 $0x1082;
	s9 =	sld [smem:$0x3FB0]  }
0x2f: {  	lr =	sadd.s32 s0, s3;
	s0 =	sld [smem:$0x3FA7]  }
0x30: {  	s3 =	sld [smem:$0x3FAA]  }
0x31: {  	[smem:$0x3FB3] =	sst s10  }
0x32: {  	s10 =	sld [smem:$0x3FB1];
	_ =	sdelay $0x3  }
0x33: {  	p0 =	seq.s32 s10, $0x1;
	s10 =	sld [smem:$0x3FB3];
	_ =	sdelay $0x3  }
0x34: {  	[smem:$0x3FB3] =	sst s10  }
0x35: {  	s10 =	sld [smem:$0x3FB2];
	_ =	sdelay $0x3  }
0x36: {  	p1 =	seq.s32 s10, $0x1;
	s10 =	sld [smem:$0x3FB3];
	_ =	sdelay $0x3  }
0x37: {  	[smem:$0x3FB3] =	sst s10  }
0x38: {  	s10 =	sld [smem:$0x3FB4]  }
0x39: {  	_ = 	snop;
	(pc) =	sbr.ind lr, $3  }
0x3a: {  	_ = 	snop  }
0x3b: {  	_ = 	snop  }
0x3c: {  	p2 =	seq.s32 s10, $0x1;
	s10 =	sld [smem:$0x3FB3]  }
0x3d: {  	_ =	shalt  }
0x3e: {  	_ =	shalt  }
0x3f: {  	_ =	shalt  }
0x40: {  	_ =	shalt  }
0x41: {  	_ =	shalt  }
0x42: {  	_ =	shalt  }
0x43: {  	_ =	shalt  }
0x44: {  	_ =	shalt  }
0x45: {  	_ =	shalt  }
0x46: {  	_ =	shalt  }
0x47: {  	_ =	shalt  }
0x48: {  	_ =	shalt  }
0x49: {  	_ =	shalt  }
0x4a: {  	_ =	shalt  }
0x4b: {  	_ =	shalt  }
0x4c: {  	_ =	shalt  }
0x4d: {  	_ =	shalt  }
0x4e: {  	_ =	shalt  }
0x4f: {  	_ =	shalt  }
0x50: {  	_ =	shalt  }
0x51: {  	_ =	shalt  }
0x52: {  	_ =	shalt  }
0x53: {  	_ =	shalt  }
0x54: {  	_ =	shalt  }
0x55: {  	_ =	shalt  }
0x56: {  	_ =	shalt  }
0x57: {  	_ =	shalt  }
0x58: {  	_ =	shalt  }
0x59: {  	_ =	shalt  }
0x5a: {  	_ =	shalt  }
0x5b: {  	_ =	shalt  }
0x5c: {  	_ =	shalt  }
0x5d: {  	_ =	shalt  }
0x5e: {  	_ =	shalt  }
0x5f: {  	_ =	shalt  }
0x60: {  	_ =	shalt  }
0x61: {  	_ =	shalt  }
0x62: {  	_ =	shalt  }
0x63: {  	_ =	shalt  }
0x64: {  	_ =	shalt  }
0x65: {  	_ =	shalt  }
0x66: {  	_ =	shalt  }
0x67: {  	_ =	shalt  }
0x68: {  	_ =	shalt  }
0x69: {  	_ =	shalt  }
0x6a: {  	_ =	shalt  }
0x6b: {  	_ =	shalt  }
0x6c: {  	_ =	shalt  }
0x6d: {  	_ =	shalt  }
0x6e: {  	_ =	shalt  }
0x6f: {  	_ =	shalt  }
0x70: {  	_ =	shalt  }
0x71: {  	_ =	shalt  }
0x72: {  	_ =	shalt  }
0x73: {  	_ =	shalt  }
0x74: {  	_ =	shalt  }
0x75: {  	_ =	shalt  }
0x76: {  	_ =	shalt  }
0x77: {  	_ =	shalt  }
0x78: {  	_ =	shalt  }
0x79: {  	_ =	shalt  }
0x7a: {  	_ =	shalt  }
0x7b: {  	_ =	shalt  }
0x7c: {  	_ =	shalt  }
0x7d: {  	_ =	shalt  }
0x7e: {  	_ =	shalt  }
0x7f: {  	_ =	shalt  }
0x80: {  	_ =	shalt  }
0x81: {  	_ =	shalt  }
0x82: {  	_ =	shalt  }
0x83: {  	_ =	shalt  }
0x84: {  	_ =	shalt  }
0x85: {  	_ =	shalt  }
0x86: {  	_ =	shalt  }
0x87: {  	_ =	shalt  }
.Lfunc_end0:
.L_simem_size_0:
called_computation.2_lowered:
.L_overlay_start_0:
0x88: {  	s2 =	sld [smem:$0x3FD9]  }
0x89: {  	s3 =	sld [smem:$0x3FFE];
	_ =	sdelay $0x1  }
0x8a: {  	s1 =	srdreg.scid  }
0x8b: {  	s0 =	sand.u32 $0x1, s1  }
0x8c: {  	s16 =	sshll.u32 s0, $0xA;
	s2 =	sadd.s32 s3, s2  }
0x8d: {  	s2 =	sadd.s32 s2, s16  }
0x8e: {  	[smem:$0x3FBF] =	sst s2  }
0x8f: {  	_ = 	snop  }
0x90: {  	(tm) =	ssettm $0x1  }
0x91: {  	s17 =	sld [smem:$0x3FFB];
	_ =	sdelay $0x3  }
0x92: {  	_ =	strace s17  }
0x93: {  	s2 =	sld [smem:$0x3FFC];
	_ =	sdelay $0x3  }
0x94: {  	_ =	strace s2  }
0x95: {  	s2 =	sld [smem:$0x3FFD];
	_ =	sdelay $0x3  }
0x96: {  	_ =	strace s2  }
0x97: {  	_ =	strace $0x8FFFFFFF  }
0x98: {  	s18 =	sld [smem:$0x3FDB];
	_ =	sdelay $0x1  }
0x99: {  	s19 =	simm.s32 $_scs_section_size  }
0x9a: {  	s4 =	simm.s32 $_size__tile_overlayer_lowered;
	s5 =	simm.s32 $_tile_overlayer_lowered  }
0x9b: {  	s22 =	simm.s32 $0x1BFF;
	s21 =	sshll.u32 s5, $0x1;
	s2 =	sadd.s32 s19, s18  }
0x9c: {  	s6 =	simm.s32 $0x0;
	s20 =	sshll.u32 s4, $0x1;
	s4 =	sadd.s32 s21, s2  }
0x9d: {  	[timem:s6], [sflag:s22] =	dma.local [hbm:s4], s20  }
0x9e: {  	_ =	swait.ge [sflag:s22], s20  }
0x9f: {  	s3 =	ssub.s32 $0x0, s20;
	[sflag:s22] =	ssyncset.done $0x0  }
0xa0: {  	[sflag:s22] =	ssyncadd.s32 s3;
	_ =	sdelay $0x1  }
0xa1: {  	s23 =	simm.s32 $0x1B8B  }
0xa2: {  	_ =	swait.ge [sflag:s23], $0x1  }
0xa3: {  	[sflag:s23] =	ssyncset.done $0x0  }
0xa4: {  	s25 =	simm.s32 $0x1B8E;
	s24 =	sld [smem:$0x3FFE];
	[sflag:s23] =	ssyncadd.s32 $0xFFFFFFFF  }
0xa5: {  	s26 =	simm.s32 $execute0_lowered;
	[smem:$0x3FD2] =	sst s25  }
0xa6: {  	s4 =	sshll.u32 s26, $0x1;
	_ =	strace $0x8000004C;
	[dreg:$0x1] =	wrdreg $0xFFFFFFFF  }
0xa7: {  	s28 =	simm.s32 $_size_execute0_lowered;
	s2 =	sadd.s32 s2, s4;
	[dreg:$0x0] =	wrdreg $0x0  }
0xa8: {  	s4 =	sshll.u32 s28, $0x1;
	[dreg:$0x2] =	wrdreg s2  }
0xa9: {  	[dreg:$0x3] =	wrdreg s4  }
0xaa: {  	[dreg:$0x4] =	wrdreg $0xC0  }
0xab: {  	_ =	task [dreg:s6], $0x5FFFF  }
0xac: {  	[dreg:$0x1] =	wrdreg $0xFFFFFFFF  }
0xad: {  	[dreg:$0x0] =	wrdreg $0x60  }
0xae: {  	[dreg:$0x2] =	wrdreg s24  }
0xaf: {  	[dreg:$0x3] =	wrdreg $0xC0000  }
0xb0: {  	[dreg:$0x4] =	wrdreg $0x9  }
0xb1: {  	_ =	task.clear_ibuf [dreg:s6], $0x5FFFF;
	_ =	strace $0x9000004C  }
0xb2: {  	s29 =	simm.s32 $0x9;
	_ =	strace $0x8000004E  }
0xb3: {  	_ =	swait.ge [sflag:s29], $0x1  }
0xb4: {  	[sflag:s29] =	ssyncadd.s32 $0xFFFFFFFF  }
0xb5: {  	_ =	strace $0x9000004E  }
0xb6: {  	_ =	sfence  }
0xb7: {  	s30 =	sld [smem:$0x0];
	_ =	sdelay $0x2  }
0xb8: {  	s31 =	sshll.u32 s1, $0xD;
	s1 =	sshrl.u32 s1, $0x2  }
0xb9: {  	s3 =	sand.u32 $0x4000, s31;
	s1 =	sadd.s32 s1, s30  }
0xba: {  	s0 =	sor.u32 s3, s0;
	s1 =	sshll.u32 s1, $0x11  }
0xbb: {  	s0 =	sor.u32 s1, s0  }
0xbc: {  	s0 =	sadd.s32 $0x8F2B, s0  }
0xbd: {  	[sflag:s0] =	ssyncadd.remote.s32 $0x1  }
0xbe: {  	_ =	sfence.sel $0xFFFF  }
0xbf: {  	[dreg:$0x0] =	wrdreg $0xFFFFFFFF;
	(pc) =	sbr.abs _section_cstart, $3  }
0xc0: {  	[dreg:$0x1] =	wrdreg $0xFFFFFFFF  }
0xc1: {  	_ =	task.clear_ibuf [dreg:s6], $0x2FFFF;
	_ =	strace $0x9FFFFFFF  }
0xc2: {  	(tm) =	ssettm $0x7FFFFFFF  }
0xc3: {  	_ =	shalt  }
tec
execute0_lowered:
.L_overlay_start_1:
0x0: {  	(tag) =	ssettag $0x1  }
0x1: {  	s0 =	rddreg [dreg:$0x0];
	s1 =	srdreg.scid  }
0x2: {  	s9 =	stileid.u32;
	s2 =	rddreg [dreg:$0x1];
	s4 =	simm.s32 $0x0  }
0x3: {  	s30 =	simm.s32 $0x4F00;
	s31 =	simm.s32 $0x4F80;
	s1 =	sand.u32 $0x1, s1  }
0x4: {  	s3 =	smul.u32 $0x280, s9;
	[smem:$0x7FF] =	sst s4;
	s4 =	sadd.s32 $0x2600, s0  }
0x5: {  	s6 =	sadd.s32 $0x73800, s0;
	s8 =	sadd.s32 $0x5A800, s0;
	s5 =	smul.u32 $0x2710, s1  }
0x6: {  	_ =	strace $0x8000004D;
	s7 =	sshll.u32 s1, $0x4;
	s21 =	ssub.s32 $0x2, s1  }
0x7: {  	s3 =	smin.u32 s3, $0x2490;
	s7 =	sor.u32 s9, s7;
	s11 =	sshrl.u32 s21, $0x1  }
0x8: {  	s5 =	sadd.s32 s5, s3;
	s22 =	sshll.u32 s3, $0x7;
	s3 =	sshll.u32 s3, $0x4  }
0x9: {  	s10 =	smul.u32 $0xC80, s7;
	s9 =	ssub.s32 s21, s11;
	s3 =	sadd.s32 s4, s3  }
0xa: {  	s5 =	sshll.u32 s5, $0x4;
	s17 =	smax.u32 s9, $0x1;
	[dreg:$0x4] =	wrdreg s3  }
0xb: {  	s0 =	sadd.s32 s5, s0;
	s24 =	sadd.s32 s6, s10;
	[dreg:$0x10] =	wrdreg s17  }
0xc: {  	s5 =	sadd.s32 s22, s2;
	s26 =	sadd.s32 s8, s10;
	[dreg:$0x5] =	wrdreg s24  }
0xd: {  	p0 =	seq.s32 s1, $0x0;
	s23 =	sadd.s32 $0x12C00, s5;
	[dreg:$0x6] =	wrdreg s26  }
0xe: {  	s1 =	simm.s32 $0x1400;
	s0 =	sadd.s32 $0x8C800, s0;
	[dreg:$0x3] =	wrdreg s23  }
0xf: {  	s7 =	smul.u32 $0x6400, s7;
	s18 =	sadd.s32 $0x1900, s5;
	[dreg:$0xf] =	wrdreg s0  }
0x10: {  	s11 =	simm.s32 $0x100;
	s19 =	sadd.s32 $0x3200, s5;
	[dreg:$0x11] =	wrdreg s18  }
0x11: {  	s25 =	sshrl.u32 s7, $0x3;
	s20 =	sadd.s32 $0x4B00, s5;
	[dreg:$0x12] =	wrdreg s19  }
0x12: {  	s28 =	sadd.s32 $0x280, s25;
	s21 =	sadd.s32 $0x6400, s5;
	[dreg:$0x13] =	wrdreg s20  }
0x13: {  	s29 =	sadd.s32 $0x500, s25;
	s22 =	sadd.s32 $0x7D00, s5;
	[dreg:$0x14] =	wrdreg s21  }
0x14: {  	s15 =	sadd.s32 $0x780, s25;
	s24 =	sadd.s32 $0xAF00, s5;
	[dreg:$0x15] =	wrdreg s22  }
0x15: {  	s3 =	sadd.s32 $0xA00, s25;
	s25 =	sadd.s32 $0xC800, s5;
	[dreg:$0x17] =	wrdreg s24  }
0x16: {  	s9 =	simm.s32 $0x80;
	s26 =	sadd.s32 $0xE100, s5;
	[dreg:$0x18] =	wrdreg s25  }
0x17: {  	s10 =	simm.s32 $0x6C00;
	s12 =	sadd.s32 s6, s28;
	[dreg:$0x19] =	wrdreg s26  }
0x18: {  	s17 =	simm.s32 $0x5;
	s7 =	sadd.s32 s8, s28;
	[dreg:$0x7] =	wrdreg s12  }
0x19: {  	s13 =	sadd.s32 s6, s29;
	s14 =	sadd.s32 s8, s29;
	[dreg:$0x8] =	wrdreg s7  }
0x1a: {  	s16 =	sadd.s32 s6, s15;
	s6 =	sadd.s32 s6, s3;
	[dreg:$0x9] =	wrdreg s13  }
0x1b: {  	s3 =	sadd.s32 s8, s3;
	s23 =	sadd.s32 $0x9600, s5;
	[dreg:$0xa] =	wrdreg s14  }
0x1c: {  	s28 =	sadd.s32 $0xFA00, s5;
	s29 =	sadd.s32 $0x11300, s5;
	[dreg:$0xb] =	wrdreg s16  }
0x1d: {  	s18 =	simm.s32 $0x6;
	s19 =	simm.s32 $0x1380;
	[dreg:$0xd] =	wrdreg s6  }
0x1e: {  	s0 =	simm.s32 $0x2600;
	s20 =	simm.s32 $0x2680;
	[dreg:$0xe] =	wrdreg s3  }
0x1f: {  	s21 =	simm.s32 $0x2700;
	s22 =	simm.s32 $0x2780;
	[dreg:$0x16] =	wrdreg s23  }
0x20: {  	s24 =	simm.s32 $0x0;
	s7 =	sadd.s32 s8, s15;
	[dreg:$0x1a] =	wrdreg s28  }
0x21: {  	[dreg:$0x1b] =	wrdreg s29;
	s3 =	simm.s32 $0x1;
	s6 =	simm.s32 $0x2800  }
0x22: {  	s8 =	simm.s32 $0x5000;
	s12 =	simm.s32 $0x8800;
	s13 =	simm.s32 $0x3  }
0x23: {  	s14 =	simm.s32 $0xA400;
	s15 =	simm.s32 $0x7;
	s16 =	simm.s32 $0x4  }
0x24: {  	v0 =	vimm.f32 $0.0e+00;
	s23 =	simm.s32 $0x2;
	[dreg:$0xc] =	wrdreg s7;
	s7 =	simm.s32 $0x32  }
.LBB2_1:
0x25: {  	s26 =	simm.s32 $0x0  }
0x26: {  	s25 =	sand.u32 $0x7E00, s26  }
0x27: {  	s26 =	sand.u32 $0x70, s26;
	s28 =	sshrl.u32 s25, $0x2  }
0x28: {  	s25 =	simm.s32 $0x40;
	s28 =	sor.u32 s26, s28;
	s26 =	simm.s32 $0x0  }
.LBB2_2:
0x29: {  	p1 =	sne.s32 s25, $0x63C0  }
0x2a: {  	[tilespmem:s28+$0x5000] =	vst v0;
	s26 =	sadd.s32 $0x10, s26;
	s28 =	smov.u32 s25;
	s25 =	sadd.s32 $0x40, s25  }
.Ltmp0:
0x2b: {  	(pc) =	sbr.rel @p1 .LBB2_2-.Ltmp0, $4  }
0x2c: {  	_ = 	snop  }
0x2d: {  	s28 =	sand.u32 $0x7E00, s28  }
0x2e: {  	s29 =	sand.u32 $0x70, s26;
	s28 =	sshrl.u32 s28, $0x2  }
0x2f: {  	s28 =	sor.u32 s29, s28  }
0x30: {  	s29 =	stileid.u32  }
0x31: {  	s25 =	sshll.u32 @p0 s29, $0x6  }
0x32: {  	[tilespmem:s28+$0x5000] =	vst v0;
	s26 =	sshrl.u32 @p0 s5, $0x3;
	s28 =	rddreg [dreg:$0x4];
	s25 =	sor.u32 @p0 $0x1C07, s25  }
0x33: {  	[spmem:s26], [sflag:s25] =	dma.local @p0 [hbm:s28], $0x2800  }
0x34: {  	s25 =	simm.s32 @p0 $0x7  }
0x35: {  	_ =	swait.ge @p0 [sflag:s25], $0x2800  }
0x36: {  	[sflag:s25] =	ssyncset.done @p0 $0x0  }
0x37: {  	s26 =	simm.s32 @!p0 $0x7;
	[sflag:s25] =	ssyncadd.s32 @p0 $0xFFFFD800;
	s25 =	simm.s32 @!p0 $0x5000  }
0x38: {  	[spmem:s5] =	stream.linear.scatter @!p0 [tilespmem:s25], [sflag:$0x7], $0x1900, $0x38;
	[tilespmem:$0x1F880] =	vst v63  }
0x39: {  	_ =	swait.ge @!p0 [sflag:s26], $0x1900  }
0x3a: {  	[sflag:s26] =	ssyncset.done @!p0 $0x0  }
0x3b: {  	s28 =	rddreg [dreg:$0x11];
	[sflag:s26] =	ssyncadd.s32 @!p0 $0xFFFFE700  }
0x3c: {  	[spmem:s28] =	stream.linear.scatter @!p0 [tilespmem:s25], [sflag:$0x7], $0x1900, $0x38;
	[tilespmem:$0x1F880] =	vst v63  }
0x3d: {  	_ =	swait.ge @!p0 [sflag:s26], $0x1900  }
0x3e: {  	[sflag:s26] =	ssyncset.done @!p0 $0x0  }
0x3f: {  	s28 =	rddreg [dreg:$0x12];
	[sflag:s26] =	ssyncadd.s32 @!p0 $0xFFFFE700  }
0x40: {  	[spmem:s28] =	stream.linear.scatter @!p0 [tilespmem:s25], [sflag:$0x7], $0x1900, $0x38;
	[tilespmem:$0x1F880] =	vst v63  }
0x41: {  	_ =	swait.ge @!p0 [sflag:s26], $0x1900  }
0x42: {  	[sflag:s26] =	ssyncset.done @!p0 $0x0  }
0x43: {  	s28 =	rddreg [dreg:$0x13];
	[sflag:s26] =	ssyncadd.s32 @!p0 $0xFFFFE700  }
0x44: {  	[spmem:s28] =	stream.linear.scatter @!p0 [tilespmem:s25], [sflag:$0x7], $0x1900, $0x38;
	[tilespmem:$0x1F880] =	vst v63  }
0x45: {  	_ =	swait.ge @!p0 [sflag:s26], $0x1900  }
0x46: {  	[sflag:s26] =	ssyncset.done @!p0 $0x0  }
0x47: {  	s28 =	rddreg [dreg:$0x14];
	[sflag:s26] =	ssyncadd.s32 @!p0 $0xFFFFE700  }
0x48: {  	[spmem:s28] =	stream.linear.scatter @!p0 [tilespmem:s25], [sflag:$0x7], $0x1900, $0x38;
	[tilespmem:$0x1F880] =	vst v63  }
0x49: {  	_ =	swait.ge @!p0 [sflag:s26], $0x1900  }
0x4a: {  	[sflag:s26] =	ssyncset.done @!p0 $0x0  }
0x4b: {  	s28 =	rddreg [dreg:$0x15];
	[sflag:s26] =	ssyncadd.s32 @!p0 $0xFFFFE700  }
0x4c: {  	[spmem:s28] =	stream.linear.scatter @!p0 [tilespmem:s25], [sflag:$0x7], $0x1900, $0x38;
	[tilespmem:$0x1F880] =	vst v63  }
0x4d: {  	_ =	swait.ge @!p0 [sflag:s26], $0x1900  }
0x4e: {  	[sflag:s26] =	ssyncset.done @!p0 $0x0  }
0x4f: {  	s28 =	rddreg [dreg:$0x16];
	[sflag:s26] =	ssyncadd.s32 @!p0 $0xFFFFE700  }
0x50: {  	[spmem:s28] =	stream.linear.scatter @!p0 [tilespmem:s25], [sflag:$0x7], $0x1900, $0x38;
	[tilespmem:$0x1F880] =	vst v63  }
0x51: {  	_ =	swait.ge @!p0 [sflag:s26], $0x1900  }
0x52: {  	[sflag:s26] =	ssyncset.done @!p0 $0x0  }
0x53: {  	s28 =	rddreg [dreg:$0x17];
	[sflag:s26] =	ssyncadd.s32 @!p0 $0xFFFFE700  }
0x54: {  	[spmem:s28] =	stream.linear.scatter @!p0 [tilespmem:s25], [sflag:$0x7], $0x1900, $0x38;
	[tilespmem:$0x1F880] =	vst v63  }
0x55: {  	_ =	swait.ge @!p0 [sflag:s26], $0x1900  }
0x56: {  	[sflag:s26] =	ssyncset.done @!p0 $0x0  }
0x57: {  	s28 =	rddreg [dreg:$0x18];
	[sflag:s26] =	ssyncadd.s32 @!p0 $0xFFFFE700  }
0x58: {  	[spmem:s28] =	stream.linear.scatter @!p0 [tilespmem:s25], [sflag:$0x7], $0x1900, $0x38;
	[tilespmem:$0x1F880] =	vst v63  }
0x59: {  	_ =	swait.ge @!p0 [sflag:s26], $0x1900  }
0x5a: {  	[sflag:s26] =	ssyncset.done @!p0 $0x0  }
0x5b: {  	s28 =	rddreg [dreg:$0x19];
	[sflag:s26] =	ssyncadd.s32 @!p0 $0xFFFFE700  }
0x5c: {  	[spmem:s28] =	stream.linear.scatter @!p0 [tilespmem:s25], [sflag:$0x7], $0x1900, $0x38;
	[tilespmem:$0x1F880] =	vst v63  }
0x5d: {  	_ =	swait.ge @!p0 [sflag:s26], $0x1900  }
0x5e: {  	[sflag:s26] =	ssyncset.done @!p0 $0x0  }
0x5f: {  	s28 =	rddreg [dreg:$0x1a];
	[sflag:s26] =	ssyncadd.s32 @!p0 $0xFFFFE700  }
0x60: {  	[spmem:s28] =	stream.linear.scatter @!p0 [tilespmem:s25], [sflag:$0x7], $0x1900, $0x38;
	[tilespmem:$0x1F880] =	vst v63  }
0x61: {  	_ =	swait.ge @!p0 [sflag:s26], $0x1900  }
0x62: {  	[sflag:s26] =	ssyncset.done @!p0 $0x0  }
0x63: {  	s28 =	rddreg [dreg:$0x1b];
	[sflag:s26] =	ssyncadd.s32 @!p0 $0xFFFFE700  }
0x64: {  	[spmem:s28] =	stream.linear.scatter @!p0 [tilespmem:s25], [sflag:$0x7], $0x1900, $0x38;
	[tilespmem:$0x1F880] =	vst v63  }
0x65: {  	_ =	swait.ge @!p0 [sflag:s26], $0x1900  }
0x66: {  	[sflag:s26] =	ssyncset.done @!p0 $0x0  }
0x67: {  	s28 =	rddreg [dreg:$0x3];
	[sflag:s26] =	ssyncadd.s32 @!p0 $0xFFFFE700  }
0x68: {  	[spmem:s28] =	stream.linear.scatter @!p0 [tilespmem:s25], [sflag:$0x7], $0x1400, $0x38;
	[tilespmem:$0x1F880] =	vst v63  }
0x69: {  	_ =	swait.ge @!p0 [sflag:s26], $0x1400  }
0x6a: {  	[sflag:s26] =	ssyncset.done @!p0 $0x0  }
0x6b: {  	[sflag:s26] =	ssyncadd.s32 @!p0 $0xFFFFEC00  }
0x6c: {  	[bflag:$0x0] =	sbarrier.arrive $0xFFFF  }
0x6d: {  	s25 =	simm.s32 $0x0;
	s28 =	rddreg [dreg:$0x5]  }
0x6e: {  	[tilespmem:s25], [sflag:$0x1] =	stream.linear.gather [hbm4b:s28+s25], $0x1400, $0x38;
	[tilespmem:$0x1F880] =	vst v63  }
0x6f: {  	s28 =	rddreg [dreg:$0x6]  }
0x70: {  	[tilespmem:s1], [sflag:$0x1] =	stream.linear.gather [hbm4b:s28+s25], $0x1400, $0x38;
	[tilespmem:$0x1F880] =	vst v63  }
0x71: {  	_ =	swait.ge [sflag:s3], $0x1400  }
0x72: {  	[sflag:s3] =	ssyncset.done $0x0  }
0x73: {  	[sflag:s3] =	ssyncadd.s32 $0xFFFFEC00  }
0x74: {  	_ =	swait.ge [sflag:s3], $0x1400  }
0x75: {  	[sflag:s3] =	ssyncset.done $0x0  }
0x76: {  	s28 =	rddreg [dreg:$0x7];
	[sflag:s3] =	ssyncadd.s32 $0xFFFFEC00  }
0x77: {  	[tilespmem:s6], [sflag:$0x2] =	stream.linear.gather [hbm4b:s28+s25], $0x1400, $0x38;
	[tilespmem:$0x1F880] =	vst v63  }
0x78: {  	s26 =	rddreg [dreg:$0x8];
	s28 =	simm.s32 $0x3C00  }
0x79: {  	[tilespmem:s28], [sflag:$0x2] =	stream.linear.gather [hbm4b:s26+s25], $0x1400, $0x38;
	[tilespmem:$0x1F880] =	vst v63  }
0x7a: {  	_ = 	snop  }
0x7b: {  	[tilespmem:s8], [sflag:$0x3] =	stream.indirect.gather [hbm4b:s4+s7], $0x80, s25, s7, $0xb8;
	[tilespmem:$0x1F880] =	vst v63  }
0x7c: {  	_ = 	snop  }
0x7d: {  	[tilespmem:s10], [sflag:$0x4] =	stream.indirect.gather [hbm4b:s4+s7], $0x80, s9, s7, $0xb8;
	[tilespmem:$0x1F880] =	vst v63  }
0x7e: {  	_ = 	snop  }
0x7f: {  	[tilespmem:s12], [sflag:$0x5] =	stream.indirect.gather [hbm4b:s4+s7], $0x80, s11, s7, $0xb8;
	[tilespmem:$0x1F880] =	vst v63  }
0x80: {  	_ =	swait.ge [sflag:s13], $0x1900  }
0x81: {  	[sflag:s13] =	ssyncset.done $0x0  }
0x82: {  	s26 =	simm.s32 $0x180;
	[sflag:s13] =	ssyncadd.s32 $0xFFFFE700  }
0x83: {  	[tilespmem:s14], [sflag:$0x6] =	stream.indirect.gather [hbm4b:s4+s7], $0x80, s26, s7, $0xb8;
	[tilespmem:$0x1F880] =	vst v63  }
0x84: {  	s28 =	simm.s32 $0x1400  }
0x85: {  	[spmem:s2] =	stream.indirect.scatter.add.f32 [tilespmem:s8], [sflag:$0x7], $0x80, s28, s7, $0xb8;
	[tilespmem:$0x1F880] =	vst v63  }
0x86: {  	_ =	swait.ge [sflag:s15], $0x1900  }
0x87: {  	[sflag:s15] =	ssyncset.done $0x0  }
0x88: {  	[sflag:s15] =	ssyncadd.s32 $0xFFFFE700  }
0x89: {  	_ =	swait.ge [sflag:s16], $0x1900  }
0x8a: {  	[sflag:s16] =	ssyncset.done $0x0  }
0x8b: {  	s26 =	simm.s32 $0x200;
	[sflag:s16] =	ssyncadd.s32 $0xFFFFE700  }
0x8c: {  	[tilespmem:s8], [sflag:$0x3] =	stream.indirect.gather [hbm4b:s4+s7], $0x80, s26, s7, $0xb8;
	[tilespmem:$0x1F880] =	vst v63  }
0x8d: {  	s28 =	simm.s32 $0x1480  }
0x8e: {  	[spmem:s2] =	stream.indirect.scatter.add.f32 [tilespmem:s10], [sflag:$0x7], $0x80, s28, s7, $0xb8;
	[tilespmem:$0x1F880] =	vst v63  }
0x8f: {  	_ =	swait.ge [sflag:s15], $0x1900  }
0x90: {  	[sflag:s15] =	ssyncset.done $0x0  }
0x91: {  	[sflag:s15] =	ssyncadd.s32 $0xFFFFE700  }
0x92: {  	_ =	swait.ge [sflag:s17], $0x1900  }
0x93: {  	[sflag:s17] =	ssyncset.done $0x0  }
0x94: {  	s26 =	simm.s32 $0x280;
	[sflag:s17] =	ssyncadd.s32 $0xFFFFE700  }
0x95: {  	[tilespmem:s10], [sflag:$0x4] =	stream.indirect.gather [hbm4b:s4+s7], $0x80, s26, s7, $0xb8;
	[tilespmem:$0x1F880] =	vst v63  }
0x96: {  	s28 =	simm.s32 $0x1500  }
0x97: {  	[spmem:s2] =	stream.indirect.scatter.add.f32 [tilespmem:s12], [sflag:$0x7], $0x80, s28, s7, $0xb8;
	[tilespmem:$0x1F880] =	vst v63  }
0x98: {  	_ =	swait.ge [sflag:s15], $0x1900  }
0x99: {  	[sflag:s15] =	ssyncset.done $0x0  }
0x9a: {  	[sflag:s15] =	ssyncadd.s32 $0xFFFFE700  }
0x9b: {  	_ =	swait.ge [sflag:s18], $0x1900  }
0x9c: {  	[sflag:s18] =	ssyncset.done $0x0  }
0x9d: {  	s26 =	simm.s32 $0x300;
	[sflag:s18] =	ssyncadd.s32 $0xFFFFE700  }
0x9e: {  	[tilespmem:s12], [sflag:$0x5] =	stream.indirect.gather [hbm4b:s4+s7], $0x80, s26, s7, $0xb8;
	[tilespmem:$0x1F880] =	vst v63  }
0x9f: {  	s28 =	simm.s32 $0x1580  }
0xa0: {  	[spmem:s2] =	stream.indirect.scatter.add.f32 [tilespmem:s14], [sflag:$0x7], $0x80, s28, s7, $0xb8;
	[tilespmem:$0x1F880] =	vst v63  }
0xa1: {  	_ =	swait.ge [sflag:s15], $0x1900  }
0xa2: {  	s25 =	simm.s32 $0x800;
	[sflag:s15] =	ssyncset.done $0x0  }
.LBB2_4:
0xa3: {  	p1 =	sne.s32 s25, $0x4000  }
0xa4: {  	[sflag:s15] =	ssyncadd.s32 $0xFFFFE700;
	s26 =	smov.u32 s25;
	s25 =	sadd.s32 $0x800, s25  }
0xa5: {  	_ = 	snop  }
0xa6: {  	_ =	swait.ge [sflag:s13], $0x1900  }
0xa7: {  	s26 =	sshra.s32 s26, $0x2;
	[sflag:s13] =	ssyncset.done $0x0  }
0xa8: {  	s28 =	sadd.s32 $0x180, s26;
	[sflag:s13] =	ssyncadd.s32 $0xFFFFE700  }
0xa9: {  	[tilespmem:s14], [sflag:$0x6] =	stream.indirect.gather [hbm4b:s4+s7], $0x80, s28, s7, $0xb8;
	[tilespmem:$0x1F880] =	vst v63  }
0xaa: {  	s28 =	sadd.s32 $0x1400, s26  }
0xab: {  	[spmem:s2] =	stream.indirect.scatter.add.f32 [tilespmem:s8], [sflag:$0x7], $0x80, s28, s7, $0xb8;
	[tilespmem:$0x1F880] =	vst v63  }
0xac: {  	_ =	swait.ge [sflag:s15], $0x1900  }
0xad: {  	[sflag:s15] =	ssyncset.done $0x0  }
0xae: {  	[sflag:s15] =	ssyncadd.s32 $0xFFFFE700  }
0xaf: {  	_ =	swait.ge [sflag:s16], $0x1900  }
0xb0: {  	[sflag:s16] =	ssyncset.done $0x0  }
0xb1: {  	s28 =	sadd.s32 $0x200, s26;
	[sflag:s16] =	ssyncadd.s32 $0xFFFFE700  }
0xb2: {  	[tilespmem:s8], [sflag:$0x3] =	stream.indirect.gather [hbm4b:s4+s7], $0x80, s28, s7, $0xb8;
	[tilespmem:$0x1F880] =	vst v63  }
0xb3: {  	s28 =	sadd.s32 $0x1480, s26  }
0xb4: {  	[spmem:s2] =	stream.indirect.scatter.add.f32 [tilespmem:s10], [sflag:$0x7], $0x80, s28, s7, $0xb8;
	[tilespmem:$0x1F880] =	vst v63  }
0xb5: {  	_ =	swait.ge [sflag:s15], $0x1900  }
0xb6: {  	[sflag:s15] =	ssyncset.done $0x0  }
0xb7: {  	[sflag:s15] =	ssyncadd.s32 $0xFFFFE700  }
0xb8: {  	_ =	swait.ge [sflag:s17], $0x1900  }
0xb9: {  	[sflag:s17] =	ssyncset.done $0x0  }
0xba: {  	s28 =	sadd.s32 $0x280, s26;
	[sflag:s17] =	ssyncadd.s32 $0xFFFFE700  }
0xbb: {  	[tilespmem:s10], [sflag:$0x4] =	stream.indirect.gather [hbm4b:s4+s7], $0x80, s28, s7, $0xb8;
	[tilespmem:$0x1F880] =	vst v63  }
0xbc: {  	s28 =	sadd.s32 $0x1500, s26  }
0xbd: {  	[spmem:s2] =	stream.indirect.scatter.add.f32 [tilespmem:s12], [sflag:$0x7], $0x80, s28, s7, $0xb8;
	[tilespmem:$0x1F880] =	vst v63  }
0xbe: {  	_ =	swait.ge [sflag:s15], $0x1900  }
0xbf: {  	[sflag:s15] =	ssyncset.done $0x0  }
0xc0: {  	[sflag:s15] =	ssyncadd.s32 $0xFFFFE700  }
0xc1: {  	_ =	swait.ge [sflag:s18], $0x1900  }
0xc2: {  	[sflag:s18] =	ssyncset.done $0x0  }
0xc3: {  	s28 =	sadd.s32 $0x300, s26;
	[sflag:s18] =	ssyncadd.s32 $0xFFFFE700  }
0xc4: {  	[tilespmem:s12], [sflag:$0x5] =	stream.indirect.gather [hbm4b:s4+s7], $0x80, s28, s7, $0xb8;
	[tilespmem:$0x1F880] =	vst v63  }
.Ltmp1:
0xc5: {  	_ = 	snop;
	(pc) =	sbr.rel @p1 .LBB2_4-.Ltmp1, $4  }
0xc6: {  	s26 =	sadd.s32 $0x1580, s26  }
0xc7: {  	[spmem:s2] =	stream.indirect.scatter.add.f32 [tilespmem:s14], [sflag:$0x7], $0x80, s26, s7, $0xb8;
	[tilespmem:$0x1F880] =	vst v63  }
0xc8: {  	_ =	swait.ge [sflag:s15], $0x1900  }
0xc9: {  	[sflag:s15] =	ssyncset.done $0x0  }
0xca: {  	[sflag:s15] =	ssyncadd.s32 $0xFFFFE700  }
0xcb: {  	_ =	swait.ge [sflag:s13], $0x1900  }
0xcc: {  	[sflag:s13] =	ssyncset.done $0x0  }
0xcd: {  	[sflag:s13] =	ssyncadd.s32 $0xFFFFE700  }
0xce: {  	[tilespmem:s14], [sflag:$0x6] =	stream.indirect.gather [hbm4b:s4+s7], $0x80, s19, s7, $0xb8;
	[tilespmem:$0x1F880] =	vst v63  }
0xcf: {  	_ = 	snop  }
0xd0: {  	[spmem:s2] =	stream.indirect.scatter.add.f32 [tilespmem:s8], [sflag:$0x7], $0x80, s0, s7, $0xb8;
	[tilespmem:$0x1F880] =	vst v63  }
0xd1: {  	_ =	swait.ge [sflag:s15], $0x1900  }
0xd2: {  	[sflag:s15] =	ssyncset.done $0x0  }
0xd3: {  	[sflag:s15] =	ssyncadd.s32 $0xFFFFE700  }
0xd4: {  	_ =	swait.ge [sflag:s16], $0x1900  }
0xd5: {  	[sflag:s16] =	ssyncset.done $0x0  }
0xd6: {  	[sflag:s16] =	ssyncadd.s32 $0xFFFFE700  }
0xd7: {  	[spmem:s2] =	stream.indirect.scatter.add.f32 [tilespmem:s10], [sflag:$0x7], $0x80, s20, s7, $0xb8;
	[tilespmem:$0x1F880] =	vst v63  }
0xd8: {  	_ =	swait.ge [sflag:s15], $0x1900  }
0xd9: {  	[sflag:s15] =	ssyncset.done $0x0  }
0xda: {  	[sflag:s15] =	ssyncadd.s32 $0xFFFFE700  }
0xdb: {  	_ =	swait.ge [sflag:s17], $0x1900  }
0xdc: {  	[sflag:s17] =	ssyncset.done $0x0  }
0xdd: {  	[sflag:s17] =	ssyncadd.s32 $0xFFFFE700  }
0xde: {  	[spmem:s2] =	stream.indirect.scatter.add.f32 [tilespmem:s12], [sflag:$0x7], $0x80, s21, s7, $0xb8;
	[tilespmem:$0x1F880] =	vst v63  }
0xdf: {  	_ =	swait.ge [sflag:s15], $0x1900  }
0xe0: {  	[sflag:s15] =	ssyncset.done $0x0  }
0xe1: {  	[sflag:s15] =	ssyncadd.s32 $0xFFFFE700  }
0xe2: {  	_ =	swait.ge [sflag:s18], $0x1900  }
0xe3: {  	[sflag:s18] =	ssyncset.done $0x0  }
0xe4: {  	[sflag:s18] =	ssyncadd.s32 $0xFFFFE700  }
0xe5: {  	[spmem:s2] =	stream.indirect.scatter.add.f32 [tilespmem:s14], [sflag:$0x7], $0x80, s22, s7, $0xb8;
	[tilespmem:$0x1F880] =	vst v63  }
0xe6: {  	_ =	swait.ge [sflag:s15], $0x1900  }
0xe7: {  	[sflag:s15] =	ssyncset.done $0x0  }
0xe8: {  	[sflag:s15] =	ssyncadd.s32 $0xFFFFE700  }
0xe9: {  	_ =	swait.ge [sflag:s23], $0x1400  }
0xea: {  	[sflag:s23] =	ssyncset.done $0x0  }
0xeb: {  	[sflag:s23] =	ssyncadd.s32 $0xFFFFEC00  }
0xec: {  	_ =	swait.ge [sflag:s23], $0x1400  }
0xed: {  	[sflag:s23] =	ssyncset.done $0x0  }
0xee: {  	s25 =	simm.s32 $0x0;
	s26 =	rddreg [dreg:$0x9];
	[sflag:s23] =	ssyncadd.s32 $0xFFFFEC00  }
0xef: {  	[tilespmem:s25], [sflag:$0x1] =	stream.linear.gather [hbm4b:s26+s25], $0x1400, $0x38;
	[tilespmem:$0x1F880] =	vst v63  }
0xf0: {  	s28 =	rddreg [dreg:$0xa]  }
0xf1: {  	[tilespmem:s1], [sflag:$0x1] =	stream.linear.gather [hbm4b:s28+s25], $0x1400, $0x38;
	[tilespmem:$0x1F880] =	vst v63  }
0xf2: {  	_ = 	snop  }
0xf3: {  	[tilespmem:s8], [sflag:$0x3] =	stream.indirect.gather [hbm4b:s4+s7], $0x80, s6, s7, $0xb8;
	[tilespmem:$0x1F880] =	vst v63  }
0xf4: {  	s26 =	simm.s32 $0x2880  }
0xf5: {  	[tilespmem:s10], [sflag:$0x4] =	stream.indirect.gather [hbm4b:s4+s7], $0x80, s26, s7, $0xb8;
	[tilespmem:$0x1F880] =	vst v63  }
0xf6: {  	s28 =	simm.s32 $0x2900  }
0xf7: {  	[tilespmem:s12], [sflag:$0x5] =	stream.indirect.gather [hbm4b:s4+s7], $0x80, s28, s7, $0xb8;
	[tilespmem:$0x1F880] =	vst v63  }
0xf8: {  	_ =	swait.ge [sflag:s13], $0x1900  }
0xf9: {  	[sflag:s13] =	ssyncset.done $0x0  }
0xfa: {  	s26 =	simm.s32 $0x2980;
	[sflag:s13] =	ssyncadd.s32 $0xFFFFE700  }
0xfb: {  	[tilespmem:s14], [sflag:$0x6] =	stream.indirect.gather [hbm4b:s4+s7], $0x80, s26, s7, $0xb8;
	[tilespmem:$0x1F880] =	vst v63  }
0xfc: {  	s28 =	simm.s32 $0x3C00  }
0xfd: {  	[spmem:s2] =	stream.indirect.scatter.add.f32 [tilespmem:s8], [sflag:$0x7], $0x80, s28, s7, $0xb8;
	[tilespmem:$0x1F880] =	vst v63  }
0xfe: {  	_ =	swait.ge [sflag:s15], $0x1900  }
0xff: {  	[sflag:s15] =	ssyncset.done $0x0  }
0x100: {  	[sflag:s15] =	ssyncadd.s32 $0xFFFFE700  }
0x101: {  	_ =	swait.ge [sflag:s16], $0x1900  }
0x102: {  	[sflag:s16] =	ssyncset.done $0x0  }
0x103: {  	s26 =	simm.s32 $0x2A00;
	[sflag:s16] =	ssyncadd.s32 $0xFFFFE700  }
0x104: {  	[tilespmem:s8], [sflag:$0x3] =	stream.indirect.gather [hbm4b:s4+s7], $0x80, s26, s7, $0xb8;
	[tilespmem:$0x1F880] =	vst v63  }
0x105: {  	s28 =	simm.s32 $0x3C80  }
0x106: {  	[spmem:s2] =	stream.indirect.scatter.add.f32 [tilespmem:s10], [sflag:$0x7], $0x80, s28, s7, $0xb8;
	[tilespmem:$0x1F880] =	vst v63  }
0x107: {  	_ =	swait.ge [sflag:s15], $0x1900  }
0x108: {  	[sflag:s15] =	ssyncset.done $0x0  }
0x109: {  	[sflag:s15] =	ssyncadd.s32 $0xFFFFE700  }
0x10a: {  	_ =	swait.ge [sflag:s17], $0x1900  }
0x10b: {  	[sflag:s17] =	ssyncset.done $0x0  }
0x10c: {  	s26 =	simm.s32 $0x2A80;
	[sflag:s17] =	ssyncadd.s32 $0xFFFFE700  }
0x10d: {  	[tilespmem:s10], [sflag:$0x4] =	stream.indirect.gather [hbm4b:s4+s7], $0x80, s26, s7, $0xb8;
	[tilespmem:$0x1F880] =	vst v63  }
0x10e: {  	s28 =	simm.s32 $0x3D00  }
0x10f: {  	[spmem:s2] =	stream.indirect.scatter.add.f32 [tilespmem:s12], [sflag:$0x7], $0x80, s28, s7, $0xb8;
	[tilespmem:$0x1F880] =	vst v63  }
0x110: {  	_ =	swait.ge [sflag:s15], $0x1900  }
0x111: {  	[sflag:s15] =	ssyncset.done $0x0  }
0x112: {  	[sflag:s15] =	ssyncadd.s32 $0xFFFFE700  }
0x113: {  	_ =	swait.ge [sflag:s18], $0x1900  }
0x114: {  	[sflag:s18] =	ssyncset.done $0x0  }
0x115: {  	s26 =	simm.s32 $0x2B00;
	[sflag:s18] =	ssyncadd.s32 $0xFFFFE700  }
0x116: {  	[tilespmem:s12], [sflag:$0x5] =	stream.indirect.gather [hbm4b:s4+s7], $0x80, s26, s7, $0xb8;
	[tilespmem:$0x1F880] =	vst v63  }
0x117: {  	s28 =	simm.s32 $0x3D80  }
0x118: {  	[spmem:s2] =	stream.indirect.scatter.add.f32 [tilespmem:s14], [sflag:$0x7], $0x80, s28, s7, $0xb8;
	[tilespmem:$0x1F880] =	vst v63  }
0x119: {  	_ =	swait.ge [sflag:s15], $0x1900  }
0x11a: {  	s25 =	simm.s32 $0x800;
	[sflag:s15] =	ssyncset.done $0x0  }
.LBB2_6:
0x11b: {  	p1 =	sne.s32 s25, $0x4000  }
0x11c: {  	[sflag:s15] =	ssyncadd.s32 $0xFFFFE700;
	s26 =	smov.u32 s25;
	s25 =	sadd.s32 $0x800, s25  }
0x11d: {  	_ = 	snop  }
0x11e: {  	_ =	swait.ge [sflag:s13], $0x1900  }
0x11f: {  	s26 =	sshra.s32 s26, $0x2;
	[sflag:s13] =	ssyncset.done $0x0  }
0x120: {  	s28 =	sadd.s32 $0x2980, s26;
	[sflag:s13] =	ssyncadd.s32 $0xFFFFE700  }
0x121: {  	[tilespmem:s14], [sflag:$0x6] =	stream.indirect.gather [hbm4b:s4+s7], $0x80, s28, s7, $0xb8;
	[tilespmem:$0x1F880] =	vst v63  }
0x122: {  	s28 =	sadd.s32 $0x3C00, s26  }
0x123: {  	[spmem:s2] =	stream.indirect.scatter.add.f32 [tilespmem:s8], [sflag:$0x7], $0x80, s28, s7, $0xb8;
	[tilespmem:$0x1F880] =	vst v63  }
0x124: {  	_ =	swait.ge [sflag:s15], $0x1900  }
0x125: {  	[sflag:s15] =	ssyncset.done $0x0  }
0x126: {  	[sflag:s15] =	ssyncadd.s32 $0xFFFFE700  }
0x127: {  	_ =	swait.ge [sflag:s16], $0x1900  }
0x128: {  	[sflag:s16] =	ssyncset.done $0x0  }
0x129: {  	s28 =	sadd.s32 $0x2A00, s26;
	[sflag:s16] =	ssyncadd.s32 $0xFFFFE700  }
0x12a: {  	[tilespmem:s8], [sflag:$0x3] =	stream.indirect.gather [hbm4b:s4+s7], $0x80, s28, s7, $0xb8;
	[tilespmem:$0x1F880] =	vst v63  }
0x12b: {  	s28 =	sadd.s32 $0x3C80, s26  }
0x12c: {  	[spmem:s2] =	stream.indirect.scatter.add.f32 [tilespmem:s10], [sflag:$0x7], $0x80, s28, s7, $0xb8;
	[tilespmem:$0x1F880] =	vst v63  }
0x12d: {  	_ =	swait.ge [sflag:s15], $0x1900  }
0x12e: {  	[sflag:s15] =	ssyncset.done $0x0  }
0x12f: {  	[sflag:s15] =	ssyncadd.s32 $0xFFFFE700  }
0x130: {  	_ =	swait.ge [sflag:s17], $0x1900  }
0x131: {  	[sflag:s17] =	ssyncset.done $0x0  }
0x132: {  	s28 =	sadd.s32 $0x2A80, s26;
	[sflag:s17] =	ssyncadd.s32 $0xFFFFE700  }
0x133: {  	[tilespmem:s10], [sflag:$0x4] =	stream.indirect.gather [hbm4b:s4+s7], $0x80, s28, s7, $0xb8;
	[tilespmem:$0x1F880] =	vst v63  }
0x134: {  	s28 =	sadd.s32 $0x3D00, s26  }
0x135: {  	[spmem:s2] =	stream.indirect.scatter.add.f32 [tilespmem:s12], [sflag:$0x7], $0x80, s28, s7, $0xb8;
	[tilespmem:$0x1F880] =	vst v63  }
0x136: {  	_ =	swait.ge [sflag:s15], $0x1900  }
0x137: {  	[sflag:s15] =	ssyncset.done $0x0  }
0x138: {  	[sflag:s15] =	ssyncadd.s32 $0xFFFFE700  }
0x139: {  	_ =	swait.ge [sflag:s18], $0x1900  }
0x13a: {  	[sflag:s18] =	ssyncset.done $0x0  }
0x13b: {  	s28 =	sadd.s32 $0x2B00, s26;
	[sflag:s18] =	ssyncadd.s32 $0xFFFFE700  }
0x13c: {  	[tilespmem:s12], [sflag:$0x5] =	stream.indirect.gather [hbm4b:s4+s7], $0x80, s28, s7, $0xb8;
	[tilespmem:$0x1F880] =	vst v63  }
.Ltmp2:
0x13d: {  	_ = 	snop;
	(pc) =	sbr.rel @p1 .LBB2_6-.Ltmp2, $4  }
0x13e: {  	s26 =	sadd.s32 $0x3D80, s26  }
0x13f: {  	[spmem:s2] =	stream.indirect.scatter.add.f32 [tilespmem:s14], [sflag:$0x7], $0x80, s26, s7, $0xb8;
	[tilespmem:$0x1F880] =	vst v63  }
0x140: {  	_ =	swait.ge [sflag:s15], $0x1900  }
0x141: {  	[sflag:s15] =	ssyncset.done $0x0  }
0x142: {  	[sflag:s15] =	ssyncadd.s32 $0xFFFFE700  }
0x143: {  	_ =	swait.ge [sflag:s13], $0x1900  }
0x144: {  	[sflag:s13] =	ssyncset.done $0x0  }
0x145: {  	s25 =	simm.s32 $0x3B80;
	[sflag:s13] =	ssyncadd.s32 $0xFFFFE700  }
0x146: {  	[tilespmem:s14], [sflag:$0x6] =	stream.indirect.gather [hbm4b:s4+s7], $0x80, s25, s7, $0xb8;
	[tilespmem:$0x1F880] =	vst v63  }
0x147: {  	s26 =	simm.s32 $0x4E00  }
0x148: {  	[spmem:s2] =	stream.indirect.scatter.add.f32 [tilespmem:s8], [sflag:$0x7], $0x80, s26, s7, $0xb8;
	[tilespmem:$0x1F880] =	vst v63  }
0x149: {  	_ =	swait.ge [sflag:s15], $0x1900  }
0x14a: {  	[sflag:s15] =	ssyncset.done $0x0  }
0x14b: {  	[sflag:s15] =	ssyncadd.s32 $0xFFFFE700  }
0x14c: {  	_ =	swait.ge [sflag:s16], $0x1900  }
0x14d: {  	[sflag:s16] =	ssyncset.done $0x0  }
0x14e: {  	s28 =	simm.s32 $0x4E80;
	[sflag:s16] =	ssyncadd.s32 $0xFFFFE700  }
0x14f: {  	[spmem:s2] =	stream.indirect.scatter.add.f32 [tilespmem:s10], [sflag:$0x7], $0x80, s28, s7, $0xb8;
	[tilespmem:$0x1F880] =	vst v63  }
0x150: {  	_ =	swait.ge [sflag:s15], $0x1900  }
0x151: {  	[sflag:s15] =	ssyncset.done $0x0  }
0x152: {  	[sflag:s15] =	ssyncadd.s32 $0xFFFFE700  }
0x153: {  	_ =	swait.ge [sflag:s17], $0x1900  }
0x154: {  	[sflag:s17] =	ssyncset.done $0x0  }
0x155: {  	[sflag:s17] =	ssyncadd.s32 $0xFFFFE700  }
0x156: {  	[spmem:s2] =	stream.indirect.scatter.add.f32 [tilespmem:s12], [sflag:$0x7], $0x80, s30, s7, $0xb8;
	[tilespmem:$0x1F880] =	vst v63  }
0x157: {  	_ =	swait.ge [sflag:s15], $0x1900  }
0x158: {  	[sflag:s15] =	ssyncset.done $0x0  }
0x159: {  	[sflag:s15] =	ssyncadd.s32 $0xFFFFE700  }
0x15a: {  	_ =	swait.ge [sflag:s18], $0x1900  }
0x15b: {  	[sflag:s18] =	ssyncset.done $0x0  }
0x15c: {  	[sflag:s18] =	ssyncadd.s32 $0xFFFFE700  }
0x15d: {  	[spmem:s2] =	stream.indirect.scatter.add.f32 [tilespmem:s14], [sflag:$0x7], $0x80, s31, s7, $0xb8;
	[tilespmem:$0x1F880] =	vst v63  }
0x15e: {  	_ =	swait.ge [sflag:s15], $0x1900  }
0x15f: {  	[sflag:s15] =	ssyncset.done $0x0  }
0x160: {  	[sflag:s15] =	ssyncadd.s32 $0xFFFFE700  }
0x161: {  	_ =	swait.ge [sflag:s3], $0x1400  }
0x162: {  	[sflag:s3] =	ssyncset.done $0x0  }
0x163: {  	[sflag:s3] =	ssyncadd.s32 $0xFFFFEC00  }
0x164: {  	_ =	swait.ge [sflag:s3], $0x1400  }
0x165: {  	[sflag:s3] =	ssyncset.done $0x0  }
0x166: {  	s25 =	simm.s32 $0x0;
	s26 =	rddreg [dreg:$0xb];
	[sflag:s3] =	ssyncadd.s32 $0xFFFFEC00  }
0x167: {  	[tilespmem:s6], [sflag:$0x2] =	stream.linear.gather [hbm4b:s26+s25], $0x1400, $0x38;
	[tilespmem:$0x1F880] =	vst v63  }
0x168: {  	s28 =	simm.s32 $0x3C00;
	s26 =	rddreg [dreg:$0xc]  }
0x169: {  	[tilespmem:s28], [sflag:$0x2] =	stream.linear.gather [hbm4b:s26+s25], $0x1400, $0x38;
	[tilespmem:$0x1F880] =	vst v63  }
0x16a: {  	_ = 	snop  }
0x16b: {  	[tilespmem:s8], [sflag:$0x3] =	stream.indirect.gather [hbm4b:s4+s7], $0x80, s25, s7, $0xb8;
	[tilespmem:$0x1F880] =	vst v63  }
0x16c: {  	_ = 	snop  }
0x16d: {  	[tilespmem:s10], [sflag:$0x4] =	stream.indirect.gather [hbm4b:s4+s7], $0x80, s9, s7, $0xb8;
	[tilespmem:$0x1F880] =	vst v63  }
0x16e: {  	_ = 	snop  }
0x16f: {  	[tilespmem:s12], [sflag:$0x5] =	stream.indirect.gather [hbm4b:s4+s7], $0x80, s11, s7, $0xb8;
	[tilespmem:$0x1F880] =	vst v63  }
0x170: {  	_ =	swait.ge [sflag:s13], $0x1900  }
0x171: {  	[sflag:s13] =	ssyncset.done $0x0  }
0x172: {  	s26 =	simm.s32 $0x180;
	[sflag:s13] =	ssyncadd.s32 $0xFFFFE700  }
0x173: {  	[tilespmem:s14], [sflag:$0x6] =	stream.indirect.gather [hbm4b:s4+s7], $0x80, s26, s7, $0xb8;
	[tilespmem:$0x1F880] =	vst v63  }
0x174: {  	s28 =	simm.s32 $0x1400  }
0x175: {  	[spmem:s2] =	stream.indirect.scatter.add.f32 [tilespmem:s8], [sflag:$0x7], $0x80, s28, s7, $0xb8;
	[tilespmem:$0x1F880] =	vst v63  }
0x176: {  	_ =	swait.ge [sflag:s15], $0x1900  }
0x177: {  	[sflag:s15] =	ssyncset.done $0x0  }
0x178: {  	[sflag:s15] =	ssyncadd.s32 $0xFFFFE700  }
0x179: {  	_ =	swait.ge [sflag:s16], $0x1900  }
0x17a: {  	[sflag:s16] =	ssyncset.done $0x0  }
0x17b: {  	s26 =	simm.s32 $0x200;
	[sflag:s16] =	ssyncadd.s32 $0xFFFFE700  }
0x17c: {  	[tilespmem:s8], [sflag:$0x3] =	stream.indirect.gather [hbm4b:s4+s7], $0x80, s26, s7, $0xb8;
	[tilespmem:$0x1F880] =	vst v63  }
0x17d: {  	s28 =	simm.s32 $0x1480  }
0x17e: {  	[spmem:s2] =	stream.indirect.scatter.add.f32 [tilespmem:s10], [sflag:$0x7], $0x80, s28, s7, $0xb8;
	[tilespmem:$0x1F880] =	vst v63  }
0x17f: {  	_ =	swait.ge [sflag:s15], $0x1900  }
0x180: {  	[sflag:s15] =	ssyncset.done $0x0  }
0x181: {  	[sflag:s15] =	ssyncadd.s32 $0xFFFFE700  }
0x182: {  	_ =	swait.ge [sflag:s17], $0x1900  }
0x183: {  	[sflag:s17] =	ssyncset.done $0x0  }
0x184: {  	s26 =	simm.s32 $0x280;
	[sflag:s17] =	ssyncadd.s32 $0xFFFFE700  }
0x185: {  	[tilespmem:s10], [sflag:$0x4] =	stream.indirect.gather [hbm4b:s4+s7], $0x80, s26, s7, $0xb8;
	[tilespmem:$0x1F880] =	vst v63  }
0x186: {  	s28 =	simm.s32 $0x1500  }
0x187: {  	[spmem:s2] =	stream.indirect.scatter.add.f32 [tilespmem:s12], [sflag:$0x7], $0x80, s28, s7, $0xb8;
	[tilespmem:$0x1F880] =	vst v63  }
0x188: {  	_ =	swait.ge [sflag:s15], $0x1900  }
0x189: {  	[sflag:s15] =	ssyncset.done $0x0  }
0x18a: {  	[sflag:s15] =	ssyncadd.s32 $0xFFFFE700  }
0x18b: {  	_ =	swait.ge [sflag:s18], $0x1900  }
0x18c: {  	[sflag:s18] =	ssyncset.done $0x0  }
0x18d: {  	s26 =	simm.s32 $0x300;
	[sflag:s18] =	ssyncadd.s32 $0xFFFFE700  }
0x18e: {  	[tilespmem:s12], [sflag:$0x5] =	stream.indirect.gather [hbm4b:s4+s7], $0x80, s26, s7, $0xb8;
	[tilespmem:$0x1F880] =	vst v63  }
0x18f: {  	s28 =	simm.s32 $0x1580  }
0x190: {  	[spmem:s2] =	stream.indirect.scatter.add.f32 [tilespmem:s14], [sflag:$0x7], $0x80, s28, s7, $0xb8;
	[tilespmem:$0x1F880] =	vst v63  }
0x191: {  	_ =	swait.ge [sflag:s15], $0x1900  }
0x192: {  	s25 =	simm.s32 $0x800;
	[sflag:s15] =	ssyncset.done $0x0  }
.LBB2_8:
0x193: {  	p1 =	sne.s32 s25, $0x4000  }
0x194: {  	[sflag:s15] =	ssyncadd.s32 $0xFFFFE700;
	s26 =	smov.u32 s25;
	s25 =	sadd.s32 $0x800, s25  }
0x195: {  	_ = 	snop  }
0x196: {  	_ =	swait.ge [sflag:s13], $0x1900  }
0x197: {  	s26 =	sshra.s32 s26, $0x2;
	[sflag:s13] =	ssyncset.done $0x0  }
0x198: {  	s28 =	sadd.s32 $0x180, s26;
	[sflag:s13] =	ssyncadd.s32 $0xFFFFE700  }
0x199: {  	[tilespmem:s14], [sflag:$0x6] =	stream.indirect.gather [hbm4b:s4+s7], $0x80, s28, s7, $0xb8;
	[tilespmem:$0x1F880] =	vst v63  }
0x19a: {  	s28 =	sadd.s32 $0x1400, s26  }
0x19b: {  	[spmem:s2] =	stream.indirect.scatter.add.f32 [tilespmem:s8], [sflag:$0x7], $0x80, s28, s7, $0xb8;
	[tilespmem:$0x1F880] =	vst v63  }
0x19c: {  	_ =	swait.ge [sflag:s15], $0x1900  }
0x19d: {  	[sflag:s15] =	ssyncset.done $0x0  }
0x19e: {  	[sflag:s15] =	ssyncadd.s32 $0xFFFFE700  }
0x19f: {  	_ =	swait.ge [sflag:s16], $0x1900  }
0x1a0: {  	[sflag:s16] =	ssyncset.done $0x0  }
0x1a1: {  	s28 =	sadd.s32 $0x200, s26;
	[sflag:s16] =	ssyncadd.s32 $0xFFFFE700  }
0x1a2: {  	[tilespmem:s8], [sflag:$0x3] =	stream.indirect.gather [hbm4b:s4+s7], $0x80, s28, s7, $0xb8;
	[tilespmem:$0x1F880] =	vst v63  }
0x1a3: {  	s28 =	sadd.s32 $0x1480, s26  }
0x1a4: {  	[spmem:s2] =	stream.indirect.scatter.add.f32 [tilespmem:s10], [sflag:$0x7], $0x80, s28, s7, $0xb8;
	[tilespmem:$0x1F880] =	vst v63  }
0x1a5: {  	_ =	swait.ge [sflag:s15], $0x1900  }
0x1a6: {  	[sflag:s15] =	ssyncset.done $0x0  }
0x1a7: {  	[sflag:s15] =	ssyncadd.s32 $0xFFFFE700  }
0x1a8: {  	_ =	swait.ge [sflag:s17], $0x1900  }
0x1a9: {  	[sflag:s17] =	ssyncset.done $0x0  }
0x1aa: {  	s28 =	sadd.s32 $0x280, s26;
	[sflag:s17] =	ssyncadd.s32 $0xFFFFE700  }
0x1ab: {  	[tilespmem:s10], [sflag:$0x4] =	stream.indirect.gather [hbm4b:s4+s7], $0x80, s28, s7, $0xb8;
	[tilespmem:$0x1F880] =	vst v63  }
0x1ac: {  	s28 =	sadd.s32 $0x1500, s26  }
0x1ad: {  	[spmem:s2] =	stream.indirect.scatter.add.f32 [tilespmem:s12], [sflag:$0x7], $0x80, s28, s7, $0xb8;
	[tilespmem:$0x1F880] =	vst v63  }
0x1ae: {  	_ =	swait.ge [sflag:s15], $0x1900  }
0x1af: {  	[sflag:s15] =	ssyncset.done $0x0  }
0x1b0: {  	[sflag:s15] =	ssyncadd.s32 $0xFFFFE700  }
0x1b1: {  	_ =	swait.ge [sflag:s18], $0x1900  }
0x1b2: {  	[sflag:s18] =	ssyncset.done $0x0  }
0x1b3: {  	s28 =	sadd.s32 $0x300, s26;
	[sflag:s18] =	ssyncadd.s32 $0xFFFFE700  }
0x1b4: {  	[tilespmem:s12], [sflag:$0x5] =	stream.indirect.gather [hbm4b:s4+s7], $0x80, s28, s7, $0xb8;
	[tilespmem:$0x1F880] =	vst v63  }
.Ltmp3:
0x1b5: {  	_ = 	snop;
	(pc) =	sbr.rel @p1 .LBB2_8-.Ltmp3, $4  }
0x1b6: {  	s26 =	sadd.s32 $0x1580, s26  }
0x1b7: {  	[spmem:s2] =	stream.indirect.scatter.add.f32 [tilespmem:s14], [sflag:$0x7], $0x80, s26, s7, $0xb8;
	[tilespmem:$0x1F880] =	vst v63  }
0x1b8: {  	_ =	swait.ge [sflag:s15], $0x1900  }
0x1b9: {  	[sflag:s15] =	ssyncset.done $0x0  }
0x1ba: {  	[sflag:s15] =	ssyncadd.s32 $0xFFFFE700  }
0x1bb: {  	_ =	swait.ge [sflag:s13], $0x1900  }
0x1bc: {  	[sflag:s13] =	ssyncset.done $0x0  }
0x1bd: {  	[sflag:s13] =	ssyncadd.s32 $0xFFFFE700  }
0x1be: {  	[tilespmem:s14], [sflag:$0x6] =	stream.indirect.gather [hbm4b:s4+s7], $0x80, s19, s7, $0xb8;
	[tilespmem:$0x1F880] =	vst v63  }
0x1bf: {  	_ = 	snop  }
0x1c0: {  	[spmem:s2] =	stream.indirect.scatter.add.f32 [tilespmem:s8], [sflag:$0x7], $0x80, s0, s7, $0xb8;
	[tilespmem:$0x1F880] =	vst v63  }
0x1c1: {  	_ =	swait.ge [sflag:s15], $0x1900  }
0x1c2: {  	[sflag:s15] =	ssyncset.done $0x0  }
0x1c3: {  	[sflag:s15] =	ssyncadd.s32 $0xFFFFE700  }
0x1c4: {  	_ =	swait.ge [sflag:s16], $0x1900  }
0x1c5: {  	[sflag:s16] =	ssyncset.done $0x0  }
0x1c6: {  	[sflag:s16] =	ssyncadd.s32 $0xFFFFE700  }
0x1c7: {  	[spmem:s2] =	stream.indirect.scatter.add.f32 [tilespmem:s10], [sflag:$0x7], $0x80, s20, s7, $0xb8;
	[tilespmem:$0x1F880] =	vst v63  }
0x1c8: {  	_ =	swait.ge [sflag:s15], $0x1900  }
0x1c9: {  	[sflag:s15] =	ssyncset.done $0x0  }
0x1ca: {  	[sflag:s15] =	ssyncadd.s32 $0xFFFFE700  }
0x1cb: {  	_ =	swait.ge [sflag:s17], $0x1900  }
0x1cc: {  	[sflag:s17] =	ssyncset.done $0x0  }
0x1cd: {  	[sflag:s17] =	ssyncadd.s32 $0xFFFFE700  }
0x1ce: {  	[spmem:s2] =	stream.indirect.scatter.add.f32 [tilespmem:s12], [sflag:$0x7], $0x80, s21, s7, $0xb8;
	[tilespmem:$0x1F880] =	vst v63  }
0x1cf: {  	_ =	swait.ge [sflag:s15], $0x1900  }
0x1d0: {  	[sflag:s15] =	ssyncset.done $0x0  }
0x1d1: {  	[sflag:s15] =	ssyncadd.s32 $0xFFFFE700  }
0x1d2: {  	_ =	swait.ge [sflag:s18], $0x1900  }
0x1d3: {  	[sflag:s18] =	ssyncset.done $0x0  }
0x1d4: {  	[sflag:s18] =	ssyncadd.s32 $0xFFFFE700  }
0x1d5: {  	[spmem:s2] =	stream.indirect.scatter.add.f32 [tilespmem:s14], [sflag:$0x7], $0x80, s22, s7, $0xb8;
	[tilespmem:$0x1F880] =	vst v63  }
0x1d6: {  	_ =	swait.ge [sflag:s15], $0x1900  }
0x1d7: {  	[sflag:s15] =	ssyncset.done $0x0  }
0x1d8: {  	[sflag:s15] =	ssyncadd.s32 $0xFFFFE700  }
0x1d9: {  	_ =	swait.ge [sflag:s23], $0x1400  }
0x1da: {  	[sflag:s23] =	ssyncset.done $0x0  }
0x1db: {  	[sflag:s23] =	ssyncadd.s32 $0xFFFFEC00  }
0x1dc: {  	_ =	swait.ge [sflag:s23], $0x1400  }
0x1dd: {  	[sflag:s23] =	ssyncset.done $0x0  }
0x1de: {  	s25 =	simm.s32 $0x0;
	s26 =	rddreg [dreg:$0xd];
	[sflag:s23] =	ssyncadd.s32 $0xFFFFEC00  }
0x1df: {  	[tilespmem:s25], [sflag:$0x1] =	stream.linear.gather [hbm4b:s26+s25], $0x1400, $0x38;
	[tilespmem:$0x1F880] =	vst v63  }
0x1e0: {  	s28 =	rddreg [dreg:$0xe]  }
0x1e1: {  	[tilespmem:s1], [sflag:$0x1] =	stream.linear.gather [hbm4b:s28+s25], $0x1400, $0x38;
	[tilespmem:$0x1F880] =	vst v63  }
0x1e2: {  	_ = 	snop  }
0x1e3: {  	[tilespmem:s8], [sflag:$0x3] =	stream.indirect.gather [hbm4b:s4+s7], $0x80, s6, s7, $0xb8;
	[tilespmem:$0x1F880] =	vst v63  }
0x1e4: {  	s26 =	simm.s32 $0x2880  }
0x1e5: {  	[tilespmem:s10], [sflag:$0x4] =	stream.indirect.gather [hbm4b:s4+s7], $0x80, s26, s7, $0xb8;
	[tilespmem:$0x1F880] =	vst v63  }
0x1e6: {  	s28 =	simm.s32 $0x2900  }
0x1e7: {  	[tilespmem:s12], [sflag:$0x5] =	stream.indirect.gather [hbm4b:s4+s7], $0x80, s28, s7, $0xb8;
	[tilespmem:$0x1F880] =	vst v63  }
0x1e8: {  	_ =	swait.ge [sflag:s13], $0x1900  }
0x1e9: {  	[sflag:s13] =	ssyncset.done $0x0  }
0x1ea: {  	s26 =	simm.s32 $0x2980;
	[sflag:s13] =	ssyncadd.s32 $0xFFFFE700  }
0x1eb: {  	[tilespmem:s14], [sflag:$0x6] =	stream.indirect.gather [hbm4b:s4+s7], $0x80, s26, s7, $0xb8;
	[tilespmem:$0x1F880] =	vst v63  }
0x1ec: {  	s28 =	simm.s32 $0x3C00  }
0x1ed: {  	[spmem:s2] =	stream.indirect.scatter.add.f32 [tilespmem:s8], [sflag:$0x7], $0x80, s28, s7, $0xb8;
	[tilespmem:$0x1F880] =	vst v63  }
0x1ee: {  	_ =	swait.ge [sflag:s15], $0x1900  }
0x1ef: {  	[sflag:s15] =	ssyncset.done $0x0  }
0x1f0: {  	[sflag:s15] =	ssyncadd.s32 $0xFFFFE700  }
0x1f1: {  	_ =	swait.ge [sflag:s16], $0x1900  }
0x1f2: {  	[sflag:s16] =	ssyncset.done $0x0  }
0x1f3: {  	s26 =	simm.s32 $0x2A00;
	[sflag:s16] =	ssyncadd.s32 $0xFFFFE700  }
0x1f4: {  	[tilespmem:s8], [sflag:$0x3] =	stream.indirect.gather [hbm4b:s4+s7], $0x80, s26, s7, $0xb8;
	[tilespmem:$0x1F880] =	vst v63  }
0x1f5: {  	s28 =	simm.s32 $0x3C80  }
0x1f6: {  	[spmem:s2] =	stream.indirect.scatter.add.f32 [tilespmem:s10], [sflag:$0x7], $0x80, s28, s7, $0xb8;
	[tilespmem:$0x1F880] =	vst v63  }
0x1f7: {  	_ =	swait.ge [sflag:s15], $0x1900  }
0x1f8: {  	[sflag:s15] =	ssyncset.done $0x0  }
0x1f9: {  	[sflag:s15] =	ssyncadd.s32 $0xFFFFE700  }
0x1fa: {  	_ =	swait.ge [sflag:s17], $0x1900  }
0x1fb: {  	[sflag:s17] =	ssyncset.done $0x0  }
0x1fc: {  	s26 =	simm.s32 $0x2A80;
	[sflag:s17] =	ssyncadd.s32 $0xFFFFE700  }
0x1fd: {  	[tilespmem:s10], [sflag:$0x4] =	stream.indirect.gather [hbm4b:s4+s7], $0x80, s26, s7, $0xb8;
	[tilespmem:$0x1F880] =	vst v63  }
0x1fe: {  	s28 =	simm.s32 $0x3D00  }
0x1ff: {  	[spmem:s2] =	stream.indirect.scatter.add.f32 [tilespmem:s12], [sflag:$0x7], $0x80, s28, s7, $0xb8;
	[tilespmem:$0x1F880] =	vst v63  }
0x200: {  	_ =	swait.ge [sflag:s15], $0x1900  }
0x201: {  	[sflag:s15] =	ssyncset.done $0x0  }
0x202: {  	[sflag:s15] =	ssyncadd.s32 $0xFFFFE700  }
0x203: {  	_ =	swait.ge [sflag:s18], $0x1900  }
0x204: {  	[sflag:s18] =	ssyncset.done $0x0  }
0x205: {  	s26 =	simm.s32 $0x2B00;
	[sflag:s18] =	ssyncadd.s32 $0xFFFFE700  }
0x206: {  	[tilespmem:s12], [sflag:$0x5] =	stream.indirect.gather [hbm4b:s4+s7], $0x80, s26, s7, $0xb8;
	[tilespmem:$0x1F880] =	vst v63  }
0x207: {  	s28 =	simm.s32 $0x3D80  }
0x208: {  	[spmem:s2] =	stream.indirect.scatter.add.f32 [tilespmem:s14], [sflag:$0x7], $0x80, s28, s7, $0xb8;
	[tilespmem:$0x1F880] =	vst v63  }
0x209: {  	_ =	swait.ge [sflag:s15], $0x1900  }
0x20a: {  	s25 =	simm.s32 $0x800;
	[sflag:s15] =	ssyncset.done $0x0  }
.LBB2_10:
0x20b: {  	p1 =	sne.s32 s25, $0x4000  }
0x20c: {  	[sflag:s15] =	ssyncadd.s32 $0xFFFFE700;
	s26 =	smov.u32 s25;
	s25 =	sadd.s32 $0x800, s25  }
0x20d: {  	_ = 	snop  }
0x20e: {  	_ =	swait.ge [sflag:s13], $0x1900  }
0x20f: {  	s26 =	sshra.s32 s26, $0x2;
	[sflag:s13] =	ssyncset.done $0x0  }
0x210: {  	s28 =	sadd.s32 $0x2980, s26;
	[sflag:s13] =	ssyncadd.s32 $0xFFFFE700  }
0x211: {  	[tilespmem:s14], [sflag:$0x6] =	stream.indirect.gather [hbm4b:s4+s7], $0x80, s28, s7, $0xb8;
	[tilespmem:$0x1F880] =	vst v63  }
0x212: {  	s28 =	sadd.s32 $0x3C00, s26  }
0x213: {  	[spmem:s2] =	stream.indirect.scatter.add.f32 [tilespmem:s8], [sflag:$0x7], $0x80, s28, s7, $0xb8;
	[tilespmem:$0x1F880] =	vst v63  }
0x214: {  	_ =	swait.ge [sflag:s15], $0x1900  }
0x215: {  	[sflag:s15] =	ssyncset.done $0x0  }
0x216: {  	[sflag:s15] =	ssyncadd.s32 $0xFFFFE700  }
0x217: {  	_ =	swait.ge [sflag:s16], $0x1900  }
0x218: {  	[sflag:s16] =	ssyncset.done $0x0  }
0x219: {  	s28 =	sadd.s32 $0x2A00, s26;
	[sflag:s16] =	ssyncadd.s32 $0xFFFFE700  }
0x21a: {  	[tilespmem:s8], [sflag:$0x3] =	stream.indirect.gather [hbm4b:s4+s7], $0x80, s28, s7, $0xb8;
	[tilespmem:$0x1F880] =	vst v63  }
0x21b: {  	s28 =	sadd.s32 $0x3C80, s26  }
0x21c: {  	[spmem:s2] =	stream.indirect.scatter.add.f32 [tilespmem:s10], [sflag:$0x7], $0x80, s28, s7, $0xb8;
	[tilespmem:$0x1F880] =	vst v63  }
0x21d: {  	_ =	swait.ge [sflag:s15], $0x1900  }
0x21e: {  	[sflag:s15] =	ssyncset.done $0x0  }
0x21f: {  	[sflag:s15] =	ssyncadd.s32 $0xFFFFE700  }
0x220: {  	_ =	swait.ge [sflag:s17], $0x1900  }
0x221: {  	[sflag:s17] =	ssyncset.done $0x0  }
0x222: {  	s28 =	sadd.s32 $0x2A80, s26;
	[sflag:s17] =	ssyncadd.s32 $0xFFFFE700  }
0x223: {  	[tilespmem:s10], [sflag:$0x4] =	stream.indirect.gather [hbm4b:s4+s7], $0x80, s28, s7, $0xb8;
	[tilespmem:$0x1F880] =	vst v63  }
0x224: {  	s28 =	sadd.s32 $0x3D00, s26  }
0x225: {  	[spmem:s2] =	stream.indirect.scatter.add.f32 [tilespmem:s12], [sflag:$0x7], $0x80, s28, s7, $0xb8;
	[tilespmem:$0x1F880] =	vst v63  }
0x226: {  	_ =	swait.ge [sflag:s15], $0x1900  }
0x227: {  	[sflag:s15] =	ssyncset.done $0x0  }
0x228: {  	[sflag:s15] =	ssyncadd.s32 $0xFFFFE700  }
0x229: {  	_ =	swait.ge [sflag:s18], $0x1900  }
0x22a: {  	[sflag:s18] =	ssyncset.done $0x0  }
0x22b: {  	s28 =	sadd.s32 $0x2B00, s26;
	[sflag:s18] =	ssyncadd.s32 $0xFFFFE700  }
0x22c: {  	[tilespmem:s12], [sflag:$0x5] =	stream.indirect.gather [hbm4b:s4+s7], $0x80, s28, s7, $0xb8;
	[tilespmem:$0x1F880] =	vst v63  }
.Ltmp4:
0x22d: {  	_ = 	snop;
	(pc) =	sbr.rel @p1 .LBB2_10-.Ltmp4, $4  }
0x22e: {  	s26 =	sadd.s32 $0x3D80, s26  }
0x22f: {  	[spmem:s2] =	stream.indirect.scatter.add.f32 [tilespmem:s14], [sflag:$0x7], $0x80, s26, s7, $0xb8;
	[tilespmem:$0x1F880] =	vst v63  }
0x230: {  	_ =	swait.ge [sflag:s15], $0x1900  }
0x231: {  	[sflag:s15] =	ssyncset.done $0x0  }
0x232: {  	[sflag:s15] =	ssyncadd.s32 $0xFFFFE700  }
0x233: {  	_ =	swait.ge [sflag:s13], $0x1900  }
0x234: {  	[sflag:s13] =	ssyncset.done $0x0  }
0x235: {  	s25 =	simm.s32 $0x3B80;
	[sflag:s13] =	ssyncadd.s32 $0xFFFFE700  }
0x236: {  	[tilespmem:s14], [sflag:$0x6] =	stream.indirect.gather [hbm4b:s4+s7], $0x80, s25, s7, $0xb8;
	[tilespmem:$0x1F880] =	vst v63  }
0x237: {  	s28 =	simm.s32 $0x4E00  }
0x238: {  	[spmem:s2] =	stream.indirect.scatter.add.f32 [tilespmem:s8], [sflag:$0x7], $0x80, s28, s7, $0xb8;
	[tilespmem:$0x1F880] =	vst v63  }
0x239: {  	_ =	swait.ge [sflag:s15], $0x1900  }
0x23a: {  	[sflag:s15] =	ssyncset.done $0x0  }
0x23b: {  	[sflag:s15] =	ssyncadd.s32 $0xFFFFE700  }
0x23c: {  	_ =	swait.ge [sflag:s16], $0x1900  }
0x23d: {  	[sflag:s16] =	ssyncset.done $0x0  }
0x23e: {  	s26 =	simm.s32 $0x4E80;
	[sflag:s16] =	ssyncadd.s32 $0xFFFFE700  }
0x23f: {  	[spmem:s2] =	stream.indirect.scatter.add.f32 [tilespmem:s10], [sflag:$0x7], $0x80, s26, s7, $0xb8;
	[tilespmem:$0x1F880] =	vst v63  }
0x240: {  	_ =	swait.ge [sflag:s15], $0x1900  }
0x241: {  	[sflag:s15] =	ssyncset.done $0x0  }
0x242: {  	[sflag:s15] =	ssyncadd.s32 $0xFFFFE700  }
0x243: {  	_ =	swait.ge [sflag:s17], $0x1900  }
0x244: {  	[sflag:s17] =	ssyncset.done $0x0  }
0x245: {  	[sflag:s17] =	ssyncadd.s32 $0xFFFFE700  }
0x246: {  	[spmem:s2] =	stream.indirect.scatter.add.f32 [tilespmem:s12], [sflag:$0x7], $0x80, s30, s7, $0xb8;
	[tilespmem:$0x1F880] =	vst v63  }
0x247: {  	_ =	swait.ge [sflag:s15], $0x1900  }
0x248: {  	[sflag:s15] =	ssyncset.done $0x0  }
0x249: {  	[sflag:s15] =	ssyncadd.s32 $0xFFFFE700  }
0x24a: {  	_ =	swait.ge [sflag:s18], $0x1900  }
0x24b: {  	[sflag:s18] =	ssyncset.done $0x0  }
0x24c: {  	[sflag:s18] =	ssyncadd.s32 $0xFFFFE700  }
0x24d: {  	[spmem:s2] =	stream.indirect.scatter.add.f32 [tilespmem:s14], [sflag:$0x7], $0x80, s31, s7, $0xb8;
	[tilespmem:$0x1F880] =	vst v63  }
0x24e: {  	_ =	swait.ge [sflag:s15], $0x1900  }
0x24f: {  	[sflag:s15] =	ssyncset.done $0x0  }
0x250: {  	[sflag:s15] =	ssyncadd.s32 $0xFFFFE700  }
0x251: {  	_ =	swait.ge [sflag:s3], $0x1400  }
0x252: {  	[sflag:s3] =	ssyncset.done $0x0  }
0x253: {  	[sflag:s3] =	ssyncadd.s32 $0xFFFFEC00  }
0x254: {  	_ =	swait.ge [sflag:s3], $0x1400  }
0x255: {  	[sflag:s3] =	ssyncset.done $0x0  }
0x256: {  	s28 =	simm.s32 $0x0;
	[sflag:s3] =	ssyncadd.s32 $0xFFFFEC00  }
0x257: {  	[tilespmem:s8], [sflag:$0x3] =	stream.indirect.gather [hbm4b:s4+s7], $0x80, s28, s7, $0xb8;
	[tilespmem:$0x1F880] =	vst v63  }
0x258: {  	_ = 	snop  }
0x259: {  	[tilespmem:s10], [sflag:$0x4] =	stream.indirect.gather [hbm4b:s4+s7], $0x80, s9, s7, $0xb8;
	[tilespmem:$0x1F880] =	vst v63  }
0x25a: {  	_ = 	snop  }
0x25b: {  	[tilespmem:s12], [sflag:$0x5] =	stream.indirect.gather [hbm4b:s4+s7], $0x80, s11, s7, $0xb8;
	[tilespmem:$0x1F880] =	vst v63  }
0x25c: {  	_ =	swait.ge [sflag:s13], $0x1900  }
0x25d: {  	[sflag:s13] =	ssyncset.done $0x0  }
0x25e: {  	s26 =	simm.s32 $0x180;
	[sflag:s13] =	ssyncadd.s32 $0xFFFFE700  }
0x25f: {  	[tilespmem:s14], [sflag:$0x6] =	stream.indirect.gather [hbm4b:s4+s7], $0x80, s26, s7, $0xb8;
	[tilespmem:$0x1F880] =	vst v63  }
0x260: {  	s28 =	simm.s32 $0x1400  }
0x261: {  	[spmem:s2] =	stream.indirect.scatter.add.f32 [tilespmem:s8], [sflag:$0x7], $0x80, s28, s7, $0xb8;
	[tilespmem:$0x1F880] =	vst v63  }
0x262: {  	_ =	swait.ge [sflag:s15], $0x1900  }
0x263: {  	[sflag:s15] =	ssyncset.done $0x0  }
0x264: {  	[sflag:s15] =	ssyncadd.s32 $0xFFFFE700  }
0x265: {  	_ =	swait.ge [sflag:s16], $0x1900  }
0x266: {  	[sflag:s16] =	ssyncset.done $0x0  }
0x267: {  	s26 =	simm.s32 $0x200;
	[sflag:s16] =	ssyncadd.s32 $0xFFFFE700  }
0x268: {  	[tilespmem:s8], [sflag:$0x3] =	stream.indirect.gather [hbm4b:s4+s7], $0x80, s26, s7, $0xb8;
	[tilespmem:$0x1F880] =	vst v63  }
0x269: {  	s28 =	simm.s32 $0x1480  }
0x26a: {  	[spmem:s2] =	stream.indirect.scatter.add.f32 [tilespmem:s10], [sflag:$0x7], $0x80, s28, s7, $0xb8;
	[tilespmem:$0x1F880] =	vst v63  }
0x26b: {  	_ =	swait.ge [sflag:s15], $0x1900  }
0x26c: {  	[sflag:s15] =	ssyncset.done $0x0  }
0x26d: {  	[sflag:s15] =	ssyncadd.s32 $0xFFFFE700  }
0x26e: {  	_ =	swait.ge [sflag:s17], $0x1900  }
0x26f: {  	[sflag:s17] =	ssyncset.done $0x0  }
0x270: {  	s26 =	simm.s32 $0x280;
	[sflag:s17] =	ssyncadd.s32 $0xFFFFE700  }
0x271: {  	[tilespmem:s10], [sflag:$0x4] =	stream.indirect.gather [hbm4b:s4+s7], $0x80, s26, s7, $0xb8;
	[tilespmem:$0x1F880] =	vst v63  }
0x272: {  	s28 =	simm.s32 $0x1500  }
0x273: {  	[spmem:s2] =	stream.indirect.scatter.add.f32 [tilespmem:s12], [sflag:$0x7], $0x80, s28, s7, $0xb8;
	[tilespmem:$0x1F880] =	vst v63  }
0x274: {  	_ =	swait.ge [sflag:s15], $0x1900  }
0x275: {  	[sflag:s15] =	ssyncset.done $0x0  }
0x276: {  	[sflag:s15] =	ssyncadd.s32 $0xFFFFE700  }
0x277: {  	_ =	swait.ge [sflag:s18], $0x1900  }
0x278: {  	[sflag:s18] =	ssyncset.done $0x0  }
0x279: {  	s26 =	simm.s32 $0x300;
	[sflag:s18] =	ssyncadd.s32 $0xFFFFE700  }
0x27a: {  	[tilespmem:s12], [sflag:$0x5] =	stream.indirect.gather [hbm4b:s4+s7], $0x80, s26, s7, $0xb8;
	[tilespmem:$0x1F880] =	vst v63  }
0x27b: {  	s28 =	simm.s32 $0x1580  }
0x27c: {  	[spmem:s2] =	stream.indirect.scatter.add.f32 [tilespmem:s14], [sflag:$0x7], $0x80, s28, s7, $0xb8;
	[tilespmem:$0x1F880] =	vst v63  }
0x27d: {  	_ =	swait.ge [sflag:s15], $0x1900  }
0x27e: {  	s25 =	simm.s32 $0x800;
	[sflag:s15] =	ssyncset.done $0x0  }
.LBB2_12:
0x27f: {  	p1 =	sne.s32 s25, $0x4000  }
0x280: {  	[sflag:s15] =	ssyncadd.s32 $0xFFFFE700;
	s26 =	smov.u32 s25;
	s25 =	sadd.s32 $0x800, s25  }
0x281: {  	_ = 	snop  }
0x282: {  	_ =	swait.ge [sflag:s13], $0x1900  }
0x283: {  	s26 =	sshra.s32 s26, $0x2;
	[sflag:s13] =	ssyncset.done $0x0  }
0x284: {  	s28 =	sadd.s32 $0x180, s26;
	[sflag:s13] =	ssyncadd.s32 $0xFFFFE700  }
0x285: {  	[tilespmem:s14], [sflag:$0x6] =	stream.indirect.gather [hbm4b:s4+s7], $0x80, s28, s7, $0xb8;
	[tilespmem:$0x1F880] =	vst v63  }
0x286: {  	s28 =	sadd.s32 $0x1400, s26  }
0x287: {  	[spmem:s2] =	stream.indirect.scatter.add.f32 [tilespmem:s8], [sflag:$0x7], $0x80, s28, s7, $0xb8;
	[tilespmem:$0x1F880] =	vst v63  }
0x288: {  	_ =	swait.ge [sflag:s15], $0x1900  }
0x289: {  	[sflag:s15] =	ssyncset.done $0x0  }
0x28a: {  	[sflag:s15] =	ssyncadd.s32 $0xFFFFE700  }
0x28b: {  	_ =	swait.ge [sflag:s16], $0x1900  }
0x28c: {  	[sflag:s16] =	ssyncset.done $0x0  }
0x28d: {  	s28 =	sadd.s32 $0x200, s26;
	[sflag:s16] =	ssyncadd.s32 $0xFFFFE700  }
0x28e: {  	[tilespmem:s8], [sflag:$0x3] =	stream.indirect.gather [hbm4b:s4+s7], $0x80, s28, s7, $0xb8;
	[tilespmem:$0x1F880] =	vst v63  }
0x28f: {  	s28 =	sadd.s32 $0x1480, s26  }
0x290: {  	[spmem:s2] =	stream.indirect.scatter.add.f32 [tilespmem:s10], [sflag:$0x7], $0x80, s28, s7, $0xb8;
	[tilespmem:$0x1F880] =	vst v63  }
0x291: {  	_ =	swait.ge [sflag:s15], $0x1900  }
0x292: {  	[sflag:s15] =	ssyncset.done $0x0  }
0x293: {  	[sflag:s15] =	ssyncadd.s32 $0xFFFFE700  }
0x294: {  	_ =	swait.ge [sflag:s17], $0x1900  }
0x295: {  	[sflag:s17] =	ssyncset.done $0x0  }
0x296: {  	s28 =	sadd.s32 $0x280, s26;
	[sflag:s17] =	ssyncadd.s32 $0xFFFFE700  }
0x297: {  	[tilespmem:s10], [sflag:$0x4] =	stream.indirect.gather [hbm4b:s4+s7], $0x80, s28, s7, $0xb8;
	[tilespmem:$0x1F880] =	vst v63  }
0x298: {  	s28 =	sadd.s32 $0x1500, s26  }
0x299: {  	[spmem:s2] =	stream.indirect.scatter.add.f32 [tilespmem:s12], [sflag:$0x7], $0x80, s28, s7, $0xb8;
	[tilespmem:$0x1F880] =	vst v63  }
0x29a: {  	_ =	swait.ge [sflag:s15], $0x1900  }
0x29b: {  	[sflag:s15] =	ssyncset.done $0x0  }
0x29c: {  	[sflag:s15] =	ssyncadd.s32 $0xFFFFE700  }
0x29d: {  	_ =	swait.ge [sflag:s18], $0x1900  }
0x29e: {  	[sflag:s18] =	ssyncset.done $0x0  }
0x29f: {  	s28 =	sadd.s32 $0x300, s26;
	[sflag:s18] =	ssyncadd.s32 $0xFFFFE700  }
0x2a0: {  	[tilespmem:s12], [sflag:$0x5] =	stream.indirect.gather [hbm4b:s4+s7], $0x80, s28, s7, $0xb8;
	[tilespmem:$0x1F880] =	vst v63  }
.Ltmp5:
0x2a1: {  	_ = 	snop;
	(pc) =	sbr.rel @p1 .LBB2_12-.Ltmp5, $4  }
0x2a2: {  	s26 =	sadd.s32 $0x1580, s26  }
0x2a3: {  	[spmem:s2] =	stream.indirect.scatter.add.f32 [tilespmem:s14], [sflag:$0x7], $0x80, s26, s7, $0xb8;
	[tilespmem:$0x1F880] =	vst v63  }
0x2a4: {  	_ =	swait.ge [sflag:s15], $0x1900  }
0x2a5: {  	[sflag:s15] =	ssyncset.done $0x0  }
0x2a6: {  	[sflag:s15] =	ssyncadd.s32 $0xFFFFE700  }
0x2a7: {  	_ =	swait.ge [sflag:s13], $0x1900  }
0x2a8: {  	[sflag:s13] =	ssyncset.done $0x0  }
0x2a9: {  	[sflag:s13] =	ssyncadd.s32 $0xFFFFE700  }
0x2aa: {  	[tilespmem:s14], [sflag:$0x6] =	stream.indirect.gather [hbm4b:s4+s7], $0x80, s19, s7, $0xb8;
	[tilespmem:$0x1F880] =	vst v63  }
0x2ab: {  	_ = 	snop  }
0x2ac: {  	[spmem:s2] =	stream.indirect.scatter.add.f32 [tilespmem:s8], [sflag:$0x7], $0x80, s0, s7, $0xb8;
	[tilespmem:$0x1F880] =	vst v63  }
0x2ad: {  	_ =	swait.ge [sflag:s15], $0x1900  }
0x2ae: {  	[sflag:s15] =	ssyncset.done $0x0  }
0x2af: {  	[sflag:s15] =	ssyncadd.s32 $0xFFFFE700  }
0x2b0: {  	_ =	swait.ge [sflag:s16], $0x1900  }
0x2b1: {  	[sflag:s16] =	ssyncset.done $0x0  }
0x2b2: {  	[sflag:s16] =	ssyncadd.s32 $0xFFFFE700  }
0x2b3: {  	[spmem:s2] =	stream.indirect.scatter.add.f32 [tilespmem:s10], [sflag:$0x7], $0x80, s20, s7, $0xb8;
	[tilespmem:$0x1F880] =	vst v63  }
0x2b4: {  	_ =	swait.ge [sflag:s15], $0x1900  }
0x2b5: {  	[sflag:s15] =	ssyncset.done $0x0  }
0x2b6: {  	[sflag:s15] =	ssyncadd.s32 $0xFFFFE700  }
0x2b7: {  	_ =	swait.ge [sflag:s17], $0x1900  }
0x2b8: {  	[sflag:s17] =	ssyncset.done $0x0  }
0x2b9: {  	[sflag:s17] =	ssyncadd.s32 $0xFFFFE700  }
0x2ba: {  	[spmem:s2] =	stream.indirect.scatter.add.f32 [tilespmem:s12], [sflag:$0x7], $0x80, s21, s7, $0xb8;
	[tilespmem:$0x1F880] =	vst v63  }
0x2bb: {  	_ =	swait.ge [sflag:s15], $0x1900  }
0x2bc: {  	[sflag:s15] =	ssyncset.done $0x0  }
0x2bd: {  	[sflag:s15] =	ssyncadd.s32 $0xFFFFE700  }
0x2be: {  	_ =	swait.ge [sflag:s18], $0x1900  }
0x2bf: {  	[sflag:s18] =	ssyncset.done $0x0  }
0x2c0: {  	[sflag:s18] =	ssyncadd.s32 $0xFFFFE700  }
0x2c1: {  	[spmem:s2] =	stream.indirect.scatter.add.f32 [tilespmem:s14], [sflag:$0x7], $0x80, s22, s7, $0xb8;
	[tilespmem:$0x1F880] =	vst v63  }
0x2c2: {  	_ =	swait.ge [sflag:s15], $0x1900  }
0x2c3: {  	[sflag:s15] =	ssyncset.done $0x0  }
0x2c4: {  	[sflag:s15] =	ssyncadd.s32 $0xFFFFE700  }
0x2c5: {  	s25 =	sshll.u32 s29, $0x6;
	[bflag:$0x0] =	sbarrier.arrive $0xFFFF  }
0x2c6: {  	s26 =	sshrl.u32 s5, $0x3;
	s25 =	sor.u32 $0x1C07, s25;
	s28 =	rddreg [dreg:$0xf]  }
0x2c7: {  	[hbm:s28], [sflag:s25] =	dma.local [spmem:s26], $0x2800  }
0x2c8: {  	_ =	swait.ge [sflag:s15], $0x2800  }
0x2c9: {  	s24 =	sadd.s32 $0x1, s24;
	s28 =	rddreg [dreg:$0x10]  }
0x2ca: {  	p1 =	sne.s32 s24, s28  }
.Ltmp6:
0x2cb: {  	_ = 	snop;
	(pc) =	sbr.rel @p1 .LBB2_1-.Ltmp6, $3  }
0x2cc: {  	_ =	sdelay $0x1  }
0x2cd: {  	[sflag:s15] =	ssyncset.done $0x0  }
0x2ce: {  	[sflag:s15] =	ssyncadd.s32 $0xFFFFD800  }
0x2cf: {  	_ =	sfence.sel $0x180000  }
0x2d0: {  	[bflag:$0x0] =	sbarrier.arrive $0xFFFF  }
0x2d1: {  	_ =	strace $0x9000004D  }
0x2d2: {  	[bflag:$0x2] =	sbarrier.arrive $0xFFFF  }
0x2d3: {  	p0 =	sne.s32 s29, $0x0;
	s0 =	rddreg [dreg:$0x2]  }
0x2d4: {  	s0 =	sadd.s32 @!p0 $0x100000, s0  }
0x2d5: {  	[sflag:s0] =	ssyncadd.tile.s32 @!p0 $0x1;
	_ =	shalt  }
.Lfunc_end2:
_tile_overlayer_lowered:
.L_overlay_start_2:
0x2d6: {  	(tag) =	ssettag $0x2  }
0x2d7: {  	s0 =	rddreg [dreg:$0x0];
	s2 =	stileid.u32  }
0x2d8: {  	s1 =	rddreg [dreg:$0x1];
	p0 =	sne.s32 s2, $0x0  }
0x2d9: {  	s3 =	rddreg [dreg:$0x2];
	[bflag:$0x3] =	sbarrier.arrive $0xFFFF;
	s2 =	simm.s32 @!p0 $0x1C07  }
0x2da: {  	[timem:s3], [sflag:s2] =	dma.local @!p0 [hbm:s0], s1  }
0x2db: {  	s0 =	simm.s32 @!p0 $0x7  }
0x2dc: {  	_ =	swait.ge @!p0 [sflag:s0], s1  }
0x2dd: {  	s1 =	ssub.s32 @!p0 $0x0, s1;
	[sflag:s0] =	ssyncset.done @!p0 $0x0  }
0x2de: {  	[sflag:s0] =	ssyncadd.s32 @!p0 s1  }
0x2df: {  	[bflag:$0x3] =	sbarrier.arrive $0xFFFF  }
0x2e0: {  	_ =	shalt  }

// kernel: kernel.9.cloned.1.call-start
scs
__scs_entry_jumppad:
0x0: {  	(pc) =	sbr.rel $0x88, $3  }
0x1: {  	(tag) =	ssettag $0x0;
	lr =	simm.s32 $0x1  }
0x2: {  	[smem:$0x3F98] =	sst lr;
	_ =	strace $0xD0000000  }
0x3: {  	_ = 	snop  }
0x4: {  	_ = 	snop  }
0x5: {  	_ = 	snop  }
0x6: {  	_ = 	snop  }
0x7: {  	_ = 	snop  }
__scs_overlays_trampoline_lowered:
0x8: {  	[smem:$0x3FA7] =	sst s0  }
0x9: {  	[smem:$0x3FA8] =	sst s1  }
0xa: {  	[smem:$0x3FA9] =	sst s2  }
0xb: {  	[smem:$0x3FAA] =	sst s3  }
0xc: {  	[smem:$0x3FAB] =	sst s4  }
0xd: {  	[smem:$0x3FAC] =	sst s5  }
0xe: {  	[smem:$0x3FAD] =	sst s6  }
0xf: {  	[smem:$0x3FAE] =	sst s7  }
0x10: {  	[smem:$0x3FAF] =	sst s8  }
0x11: {  	[smem:$0x3FB0] =	sst s9;
	s0 =	simm.s32 @!p0 $0x0  }
0x12: {  	s1 =	sld [smem:$0x3F96];
	s0 =	simm.s32 @p0 $0x1  }
0x13: {  	[smem:$0x3FB1] =	sst s0;
	s0 =	simm.s32 @!p1 $0x0  }
0x14: {  	s2 =	sld [smem:$0x3F95];
	s0 =	simm.s32 @p1 $0x1  }
0x15: {  	[smem:$0x3FB2] =	sst s0;
	s0 =	simm.s32 @!p2 $0x0  }
0x16: {  	s3 =	sld [smem:$0x3FDB];
	s0 =	simm.s32 @p2 $0x1  }
0x17: {  	s4 =	simm.s32 $0x1BF5;
	[smem:$0x3FB4] =	sst s0  }
0x18: {  	s0 =	sld [smem:$0x3F97];
	_ =	swait.ge [sflag:s4], $0x0  }
0x19: {  	s7 =	sld [smem:$0x3F98]  }
0x1a: {  	s8 =	sadd.s32 $0xFFFFE003, lr  }
0x1b: {  	s9 =	sadd.s32 $0xFFFFFEF7, lr;
	s5 =	simm.s32 $0xFFFFFFFF;
	p2 =	slt.u32 s8, $0xFFFFF086  }
0x1c: {  	p1 =	slt.u32 s9, $0xF7A;
	s5 =	simm.s32 @!p2 $0x0  }
0x1d: {  	s5 =	simm.s32 @p1 $0x1;
	p0 =	seq.s32 s7, s2  }
0x1e: {  	s7 =	smul.u32 @!p0 $0xF7A, s2;
	p2 =	seq.s32 @!p0 s5, $0x0  }
0x1f: {  	s9 =	smul.u32 $0xF7A, s1;
	s8 =	simm.s32 @!p0 $0x1BF5;
	p2 =	por !p2, p0  }
0x20: {  	[sflag:s8] =	ssyncset.s32 @!p0 $0xFFFFF086;
	s6 =	sadd.s32 @!p0 s3, s7;
	s7 =	simm.s32 @!p0 $0x108  }
0x21: {  	s3 =	sadd.s32 s3, s9;
	s6 =	sadd.s32 @!p0 $0x88, s6;
	s7 =	simm.s32 @p2 $0x1082  }
0x22: {  	[simem:s7], [sflag:s8] =	dma.local @!p0 [hbm:s6], $0xF7A  }
0x23: {  	s9 =	sor.u32 $0xD0000000, s2;
	s6 =	simm.s32 $0x108;
	_ =	swait.ge @!p0 [sflag:s8], $0x0  }
0x24: {  	s3 =	sadd.s32 $0x88, s3;
	s6 =	simm.s32 @!p1 $0x1082;
	[sflag:s4] =	ssyncset.s32 $0xFFFFF086  }
0x25: {  	[simem:s6], [sflag:s4] =	dma.local [hbm:s3], $0xF7A  }
0x26: {  	[smem:$0x3F98] =	sst s1;
	(tag) =	ssettag s2;
	_ =	strace s9  }
0x27: {  	s1 =	sld [smem:$0x3FA8]  }
0x28: {  	s2 =	sld [smem:$0x3FA9]  }
0x29: {  	s4 =	sld [smem:$0x3FAB]  }
0x2a: {  	p0 =	seq.s32 s5, $0x0;
	s5 =	sld [smem:$0x3FAC]  }
0x2b: {  	s6 =	sld [smem:$0x3FAD]  }
0x2c: {  	s7 =	sld [smem:$0x3FAE]  }
0x2d: {  	s3 =	simm.s32 $0x108;
	s8 =	sld [smem:$0x3FAF]  }
0x2e: {  	s3 =	simm.s32 @!p0 $0x1082;
	s9 =	sld [smem:$0x3FB0]  }
0x2f: {  	lr =	sadd.s32 s0, s3;
	s0 =	sld [smem:$0x3FA7]  }
0x30: {  	s3 =	sld [smem:$0x3FAA]  }
0x31: {  	[smem:$0x3FB3] =	sst s10  }
0x32: {  	s10 =	sld [smem:$0x3FB1];
	_ =	sdelay $0x3  }
0x33: {  	p0 =	seq.s32 s10, $0x1;
	s10 =	sld [smem:$0x3FB3];
	_ =	sdelay $0x3  }
0x34: {  	[smem:$0x3FB3] =	sst s10  }
0x35: {  	s10 =	sld [smem:$0x3FB2];
	_ =	sdelay $0x3  }
0x36: {  	p1 =	seq.s32 s10, $0x1;
	s10 =	sld [smem:$0x3FB3];
	_ =	sdelay $0x3  }
0x37: {  	[smem:$0x3FB3] =	sst s10  }
0x38: {  	s10 =	sld [smem:$0x3FB4]  }
0x39: {  	_ = 	snop;
	(pc) =	sbr.ind lr, $3  }
0x3a: {  	_ = 	snop  }
0x3b: {  	_ = 	snop  }
0x3c: {  	p2 =	seq.s32 s10, $0x1;
	s10 =	sld [smem:$0x3FB3]  }
0x3d: {  	_ =	shalt  }
0x3e: {  	_ =	shalt  }
0x3f: {  	_ =	shalt  }
0x40: {  	_ =	shalt  }
0x41: {  	_ =	shalt  }
0x42: {  	_ =	shalt  }
0x43: {  	_ =	shalt  }
0x44: {  	_ =	shalt  }
0x45: {  	_ =	shalt  }
0x46: {  	_ =	shalt  }
0x47: {  	_ =	shalt  }
0x48: {  	_ =	shalt  }
0x49: {  	_ =	shalt  }
0x4a: {  	_ =	shalt  }
0x4b: {  	_ =	shalt  }
0x4c: {  	_ =	shalt  }
0x4d: {  	_ =	shalt  }
0x4e: {  	_ =	shalt  }
0x4f: {  	_ =	shalt  }
0x50: {  	_ =	shalt  }
0x51: {  	_ =	shalt  }
0x52: {  	_ =	shalt  }
0x53: {  	_ =	shalt  }
0x54: {  	_ =	shalt  }
0x55: {  	_ =	shalt  }
0x56: {  	_ =	shalt  }
0x57: {  	_ =	shalt  }
0x58: {  	_ =	shalt  }
0x59: {  	_ =	shalt  }
0x5a: {  	_ =	shalt  }
0x5b: {  	_ =	shalt  }
0x5c: {  	_ =	shalt  }
0x5d: {  	_ =	shalt  }
0x5e: {  	_ =	shalt  }
0x5f: {  	_ =	shalt  }
0x60: {  	_ =	shalt  }
0x61: {  	_ =	shalt  }
0x62: {  	_ =	shalt  }
0x63: {  	_ =	shalt  }
0x64: {  	_ =	shalt  }
0x65: {  	_ =	shalt  }
0x66: {  	_ =	shalt  }
0x67: {  	_ =	shalt  }
0x68: {  	_ =	shalt  }
0x69: {  	_ =	shalt  }
0x6a: {  	_ =	shalt  }
0x6b: {  	_ =	shalt  }
0x6c: {  	_ =	shalt  }
0x6d: {  	_ =	shalt  }
0x6e: {  	_ =	shalt  }
0x6f: {  	_ =	shalt  }
0x70: {  	_ =	shalt  }
0x71: {  	_ =	shalt  }
0x72: {  	_ =	shalt  }
0x73: {  	_ =	shalt  }
0x74: {  	_ =	shalt  }
0x75: {  	_ =	shalt  }
0x76: {  	_ =	shalt  }
0x77: {  	_ =	shalt  }
0x78: {  	_ =	shalt  }
0x79: {  	_ =	shalt  }
0x7a: {  	_ =	shalt  }
0x7b: {  	_ =	shalt  }
0x7c: {  	_ =	shalt  }
0x7d: {  	_ =	shalt  }
0x7e: {  	_ =	shalt  }
0x7f: {  	_ =	shalt  }
0x80: {  	_ =	shalt  }
0x81: {  	_ =	shalt  }
0x82: {  	_ =	shalt  }
0x83: {  	_ =	shalt  }
0x84: {  	_ =	shalt  }
0x85: {  	_ =	shalt  }
0x86: {  	_ =	shalt  }
0x87: {  	_ =	shalt  }
.Lfunc_end0:
.L_simem_size_0:
called_computation_lowered:
.L_overlay_start_0:
0x88: {  	s2 =	sld [smem:$0x3FD9]  }
0x89: {  	s3 =	sld [smem:$0x3FFE];
	_ =	sdelay $0x1  }
0x8a: {  	s1 =	srdreg.scid  }
0x8b: {  	s0 =	sand.u32 $0x1, s1  }
0x8c: {  	s16 =	sshll.u32 s0, $0xA;
	s2 =	sadd.s32 s3, s2  }
0x8d: {  	s2 =	sadd.s32 s2, s16  }
0x8e: {  	[smem:$0x3FBF] =	sst s2  }
0x8f: {  	_ = 	snop  }
0x90: {  	(tm) =	ssettm $0x1  }
0x91: {  	s17 =	sld [smem:$0x3FFB];
	_ =	sdelay $0x3  }
0x92: {  	_ =	strace s17  }
0x93: {  	s2 =	sld [smem:$0x3FFC];
	_ =	sdelay $0x3  }
0x94: {  	_ =	strace s2  }
0x95: {  	s2 =	sld [smem:$0x3FFD];
	_ =	sdelay $0x3  }
0x96: {  	_ =	strace s2  }
0x97: {  	_ =	strace $0x8FFFFFFF  }
0x98: {  	s18 =	sld [smem:$0x3FDB];
	_ =	sdelay $0x1  }
0x99: {  	s19 =	simm.s32 $_scs_section_size  }
0x9a: {  	s4 =	simm.s32 $_size__tile_overlayer_lowered;
	s5 =	simm.s32 $_tile_overlayer_lowered  }
0x9b: {  	s22 =	simm.s32 $0x1BFF;
	s21 =	sshll.u32 s5, $0x1;
	s2 =	sadd.s32 s19, s18  }
0x9c: {  	s6 =	simm.s32 $0x0;
	s20 =	sshll.u32 s4, $0x1;
	s4 =	sadd.s32 s21, s2  }
0x9d: {  	[timem:s6], [sflag:s22] =	dma.local [hbm:s4], s20  }
0x9e: {  	_ =	swait.ge [sflag:s22], s20  }
0x9f: {  	s3 =	ssub.s32 $0x0, s20;
	[sflag:s22] =	ssyncset.done $0x0  }
0xa0: {  	[sflag:s22] =	ssyncadd.s32 s3;
	_ =	sdelay $0x1  }
0xa1: {  	s23 =	simm.s32 $0x1B8B  }
0xa2: {  	_ =	swait.ge [sflag:s23], $0x1  }
0xa3: {  	[sflag:s23] =	ssyncset.done $0x0  }
0xa4: {  	s25 =	simm.s32 $0x1B8E;
	s24 =	sld [smem:$0x3FFE];
	[sflag:s23] =	ssyncadd.s32 $0xFFFFFFFF  }
0xa5: {  	s26 =	simm.s32 $execute0_lowered;
	[smem:$0x3FD2] =	sst s25  }
0xa6: {  	s4 =	sshll.u32 s26, $0x1;
	_ =	strace $0x80000046;
	[dreg:$0x1] =	wrdreg $0xFFFFFFFF  }
0xa7: {  	s28 =	simm.s32 $_size_execute0_lowered;
	s2 =	sadd.s32 s2, s4;
	[dreg:$0x0] =	wrdreg $0x0  }
0xa8: {  	s4 =	sshll.u32 s28, $0x1;
	[dreg:$0x2] =	wrdreg s2  }
0xa9: {  	[dreg:$0x3] =	wrdreg s4  }
0xaa: {  	[dreg:$0x4] =	wrdreg $0xC0  }
0xab: {  	_ =	task [dreg:s6], $0x5FFFF  }
0xac: {  	[dreg:$0x1] =	wrdreg $0xFFFFFFFF  }
0xad: {  	[dreg:$0x0] =	wrdreg $0x60  }
0xae: {  	[dreg:$0x2] =	wrdreg s24  }
0xaf: {  	[dreg:$0x3] =	wrdreg $0xA8000  }
0xb0: {  	[dreg:$0x4] =	wrdreg $0x9  }
0xb1: {  	_ =	task.clear_ibuf [dreg:s6], $0x5FFFF;
	_ =	strace $0x90000046  }
0xb2: {  	s29 =	simm.s32 $0x9;
	_ =	strace $0x80000048  }
0xb3: {  	_ =	swait.ge [sflag:s29], $0x1  }
0xb4: {  	[sflag:s29] =	ssyncadd.s32 $0xFFFFFFFF  }
0xb5: {  	_ =	strace $0x90000048  }
0xb6: {  	_ =	sfence  }
0xb7: {  	s30 =	sld [smem:$0x0];
	_ =	sdelay $0x2  }
0xb8: {  	s31 =	sshll.u32 s1, $0xD;
	s1 =	sshrl.u32 s1, $0x2  }
0xb9: {  	s3 =	sand.u32 $0x4000, s31;
	s1 =	sadd.s32 s1, s30  }
0xba: {  	s0 =	sor.u32 s3, s0;
	s1 =	sshll.u32 s1, $0x11  }
0xbb: {  	s0 =	sor.u32 s1, s0  }
0xbc: {  	s0 =	sadd.s32 $0x8F2B, s0  }
0xbd: {  	[sflag:s0] =	ssyncadd.remote.s32 $0x1  }
0xbe: {  	_ =	sfence.sel $0xFFFF  }
0xbf: {  	[dreg:$0x0] =	wrdreg $0xFFFFFFFF;
	(pc) =	sbr.abs _section_cstart, $3  }
0xc0: {  	[dreg:$0x1] =	wrdreg $0xFFFFFFFF  }
0xc1: {  	_ =	task.clear_ibuf [dreg:s6], $0x2FFFF;
	_ =	strace $0x9FFFFFFF  }
0xc2: {  	(tm) =	ssettm $0x7FFFFFFF  }
0xc3: {  	_ =	shalt  }
tec
execute0_lowered:
.L_overlay_start_1:
0x0: {  	(tag) =	ssettag $0x1  }
0x1: {  	s5 =	rddreg [dreg:$0x0]  }
0x2: {  	s0 =	srdreg.scid;
	s2 =	rddreg [dreg:$0x1]  }
0x3: {  	s3 =	simm.s32 $0x0;
	s13 =	simm.s32 $0x6800;
	s14 =	simm.s32 $0x1  }
0x4: {  	s15 =	simm.s32 $0x7D;
	s4 =	sand.u32 $0x1, s0;
	s0 =	stileid.u32  }
0x5: {  	s16 =	simm.s32 $0x2800;
	[smem:$0x7FF] =	sst s3;
	s7 =	smul.u32 $0x280, s0  }
0x6: {  	s1 =	sshll.u32 s4, $0x4;
	s8 =	smul.u32 $0x2710, s4;
	s4 =	ssub.s32 $0x2, s4  }
0x7: {  	s17 =	sshll.u32 s0, $0x6;
	s1 =	sor.u32 s0, s1;
	s9 =	sshrl.u32 s4, $0x1  }
0x8: {  	s17 =	sor.u32 $0x1C01, s17;
	s6 =	smul.u32 $0x500, s1;
	s7 =	smin.u32 s7, $0x2490  }
0x9: {  	s1 =	rddreg [dreg:$0x2];
	_ =	strace $0x80000047;
	s8 =	sadd.s32 s8, s7  }
0xa: {  	s9 =	ssub.s32 s4, s9;
	s7 =	sshll.u32 s7, $0x7;
	s8 =	sshll.u32 s8, $0x4  }
0xb: {  	s6 =	sadd.s32 s6, s5;
	s4 =	sadd.s32 s7, s2;
	s8 =	sadd.s32 s8, s5  }
0xc: {  	s5 =	sadd.s32 $0x13880, s4;
	s6 =	sadd.s32 $0x2600, s6;
	s10 =	sadd.s32 $0x7D00, s4  }
0xd: {  	s11 =	sadd.s32 $0xBB80, s4;
	s12 =	sadd.s32 $0xFA00, s4;
	s18 =	sshrl.u32 s4, $0x3  }
0xe: {  	v0 =	vimm.f32 $1.000000000e+00;
	v1 =	vimm.f32 $0.0e+00;
	s7 =	sadd.s32 $0xC600, s8;
	s8 =	smax.u32 s9, $0x1;
	s9 =	sadd.s32 $0x3E80, s4  }
.LBB2_1:
0xf: {  	s19 =	simm.s32 $0x40;
	s20 =	simm.s32 $0x0  }
.LBB2_2:
0x10: {  	p0 =	sne.s32 s19, $0xF9C0;
	[tilespmem:s20+$0x2800] =	vst v0;
	s21 =	smov.u32 s19;
	s19 =	sadd.s32 $0x40, s19  }
.Ltmp0:
0x11: {  	[tilespmem:s20+$0x6800] =	vst v1;
	(pc) =	sbr.rel @p0 .LBB2_2-.Ltmp0, $2  }
0x12: {  	_ =	sdelay $0x2  }
0x13: {  	s20 =	sshra.s32 s21, $0x2  }
0x14: {  	[tilespmem:s20+$0x2800] =	vst v0  }
0x15: {  	[tilespmem:s20+$0x6800] =	vst v1  }
0x16: {  	[spmem:s4] =	stream.linear.scatter [tilespmem:s13], [sflag:$0x1], $0x3E80, $0x38;
	[tilespmem:$0x1E080] =	vst v63  }
0x17: {  	_ =	swait.ge [sflag:s14], $0x3E80  }
0x18: {  	[sflag:s14] =	ssyncset.done $0x0  }
0x19: {  	[sflag:s14] =	ssyncadd.s32 $0xFFFFC180  }
0x1a: {  	[spmem:s9] =	stream.linear.scatter [tilespmem:s13], [sflag:$0x1], $0x3E80, $0x38;
	[tilespmem:$0x1E080] =	vst v63  }
0x1b: {  	_ =	swait.ge [sflag:s14], $0x3E80  }
0x1c: {  	[sflag:s14] =	ssyncset.done $0x0  }
0x1d: {  	[sflag:s14] =	ssyncadd.s32 $0xFFFFC180  }
0x1e: {  	[spmem:s10] =	stream.linear.scatter [tilespmem:s13], [sflag:$0x1], $0x3E80, $0x38;
	[tilespmem:$0x1E080] =	vst v63  }
0x1f: {  	_ =	swait.ge [sflag:s14], $0x3E80  }
0x20: {  	[sflag:s14] =	ssyncset.done $0x0  }
0x21: {  	[sflag:s14] =	ssyncadd.s32 $0xFFFFC180  }
0x22: {  	[spmem:s11] =	stream.linear.scatter [tilespmem:s13], [sflag:$0x1], $0x3E80, $0x38;
	[tilespmem:$0x1E080] =	vst v63  }
0x23: {  	_ =	swait.ge [sflag:s14], $0x3E80  }
0x24: {  	[sflag:s14] =	ssyncset.done $0x0  }
0x25: {  	[sflag:s14] =	ssyncadd.s32 $0xFFFFC180  }
0x26: {  	[spmem:s12] =	stream.linear.scatter [tilespmem:s13], [sflag:$0x1], $0x3E80, $0x38;
	[tilespmem:$0x1E080] =	vst v63  }
0x27: {  	_ =	swait.ge [sflag:s14], $0x3E80  }
0x28: {  	[sflag:s14] =	ssyncset.done $0x0  }
0x29: {  	[sflag:s14] =	ssyncadd.s32 $0xFFFFC180  }
0x2a: {  	[spmem:s5] =	stream.linear.scatter [tilespmem:s13], [sflag:$0x1], $0x780, $0x38;
	[tilespmem:$0x1E080] =	vst v63  }
0x2b: {  	_ =	swait.ge [sflag:s14], $0x780  }
0x2c: {  	[sflag:s14] =	ssyncset.done $0x0  }
0x2d: {  	[sflag:s14] =	ssyncadd.s32 $0xFFFFF880  }
0x2e: {  	s19 =	simm.s32 $0x0;
	[bflag:$0x0] =	sbarrier.arrive $0xFFFF  }
0x2f: {  	[tilespmem:s19], [sflag:$0x1] =	stream.linear.gather [hbm4b:s6+s19], $0x2800, $0x38;
	[tilespmem:$0x1E080] =	vst v63  }
0x30: {  	_ =	swait.ge [sflag:s14], $0x2800  }
0x31: {  	[sflag:s14] =	ssyncset.done $0x0  }
0x32: {  	s31 =	simm.s32 $0x0;
	[sflag:s14] =	ssyncadd.s32 $0xFFFFD800  }
0x33: {  	[spmem:s2] =	stream.indirect.scatter.add.f32 [tilespmem:s16], [sflag:$0x1], $0x80, s31, s15, $0xb8;
	[tilespmem:$0x1E080] =	vst v63  }
0x34: {  	_ =	swait.ge [sflag:s14], $0x3E80  }
0x35: {  	s19 =	simm.s32 $0x200;
	[sflag:s14] =	ssyncset.done $0x0  }
.LBB2_4:
0x36: {  	s20 =	sshra.s32 s19, $0x2;
	[sflag:s14] =	ssyncadd.s32 $0xFFFFC180;
	p0 =	sne.s32 s19, $0x9E00  }
0x37: {  	[spmem:s2] =	stream.indirect.scatter.add.f32 [tilespmem:s16], [sflag:$0x1], $0x80, s20, s15, $0xb8;
	[tilespmem:$0x1E080] =	vst v63  }
.Ltmp1:
0x38: {  	_ = 	snop;
	(pc) =	sbr.rel @p0 .LBB2_4-.Ltmp1, $4  }
0x39: {  	_ = 	snop  }
0x3a: {  	s19 =	sadd.s32 $0x200, s19  }
0x3b: {  	_ =	swait.ge [sflag:s14], $0x3E80  }
0x3c: {  	[sflag:s14] =	ssyncset.done $0x0  }
0x3d: {  	s3 =	sadd.s32 $0x1, s3  }
0x3e: {  	[sflag:s14] =	ssyncadd.s32 $0xFFFFC180;
	p0 =	sne.s32 s3, s8  }
.Ltmp2:
0x3f: {  	[bflag:$0x0] =	sbarrier.arrive $0xFFFF;
	(pc) =	sbr.rel @p0 .LBB2_1-.Ltmp2, $4  }
0x40: {  	[hbm:s7], [sflag:s17] =	dma.local [spmem:s18], $0x2800  }
0x41: {  	_ =	swait.ge [sflag:s14], $0x2800  }
0x42: {  	[sflag:s14] =	ssyncset.done $0x0  }
0x43: {  	[sflag:s14] =	ssyncadd.s32 $0xFFFFD800  }
0x44: {  	_ =	sfence.sel $0x180000  }
0x45: {  	[bflag:$0x0] =	sbarrier.arrive $0xFFFF  }
0x46: {  	p0 =	sne.s32 s0, $0x0;
	_ =	strace $0x90000047  }
0x47: {  	s0 =	sadd.s32 @!p0 $0x100000, s1;
	[bflag:$0x2] =	sbarrier.arrive $0xFFFF  }
0x48: {  	[sflag:s0] =	ssyncadd.tile.s32 @!p0 $0x1;
	_ =	shalt  }
.Lfunc_end2:
_tile_overlayer_lowered:
.L_overlay_start_2:
0x49: {  	(tag) =	ssettag $0x2  }
0x4a: {  	s0 =	rddreg [dreg:$0x0];
	s2 =	stileid.u32  }
0x4b: {  	s1 =	rddreg [dreg:$0x1];
	p0 =	sne.s32 s2, $0x0  }
0x4c: {  	s3 =	rddreg [dreg:$0x2];
	[bflag:$0x3] =	sbarrier.arrive $0xFFFF;
	s2 =	simm.s32 @!p0 $0x1C01  }
0x4d: {  	[timem:s3], [sflag:s2] =	dma.local @!p0 [hbm:s0], s1  }
0x4e: {  	s0 =	simm.s32 @!p0 $0x1  }
0x4f: {  	_ =	swait.ge @!p0 [sflag:s0], s1  }
0x50: {  	s1 =	ssub.s32 @!p0 $0x0, s1;
	[sflag:s0] =	ssyncset.done @!p0 $0x0  }
0x51: {  	[sflag:s0] =	ssyncadd.s32 @!p0 s1  }
0x52: {  	[bflag:$0x3] =	sbarrier.arrive $0xFFFF  }
0x53: {  	_ =	shalt  }

</sc_bundles>
